<compile_context>
chip_gen: v7x
topology: tpu7x:2x2x1
jax: 0.10.2.dev20260603
libtpu: 0.0.44.dev20260713+nightly
codegen_flags: <defaults>
</compile_context>

<pallas_src>
import functools

import jax
import jax.numpy as jnp
from jax import lax
from jax.experimental import pallas as pl
from jax.experimental.pallas import tpu as pltpu
from jax.experimental.pallas import tpu_sc as plsc

MDIM = 64
NV = MDIM // 16
CELLS_PER_CHUNK = 400
NSPLIT = 1


def _sc_lookup(ids_flat, table, Rs, C):
    ncells = Rs * C
    info = plsc.get_sparse_core_info()
    nc, ns = info.num_cores, info.num_subcores
    nsub = nc * ns
    cells_per_w = ncells // nsub
    n_chunks = cells_per_w // CELLS_PER_CHUNK
    assert ncells % nsub == 0 and cells_per_w % CELLS_PER_CHUNK == 0
    assert n_chunks % 2 == 0

    mesh = plsc.VectorSubcoreMesh(core_axis_name="c", subcore_axis_name="s")

    @functools.partial(
        pl.kernel,
        out_type=jax.ShapeDtypeStruct((Rs, C, MDIM), jnp.float32),
        mesh=mesh,
        scratch_types=[
            pltpu.VMEM((2, MDIM), jnp.float32),
            pltpu.VMEM((CELLS_PER_CHUNK,), jnp.int32),
            [pltpu.VMEM((CELLS_PER_CHUNK, MDIM), jnp.float32) for _ in range(2)],
            [pltpu.SemaphoreType.DMA for _ in range(2)],
        ],
    )
    def lookup(ids_hbm, table_hbm, out_hbm, table_v, ids_v, rows, ssem):
        wid = lax.axis_index("s") * nc + lax.axis_index("c")
        cbase = wid * cells_per_w

        out_flat = out_hbm.reshape(Rs * C, MDIM)

        pltpu.sync_copy(table_hbm, table_v)
        t0 = [table_v[0, pl.ds(m * 16, 16)] for m in range(NV)]
        t1 = [table_v[1, pl.ds(m * 16, 16)] for m in range(NV)]

        def expand(g, b):
            pltpu.sync_copy(
                ids_hbm.at[pl.ds(cbase + g * CELLS_PER_CHUNK, CELLS_PER_CHUNK)],
                ids_v,
            )

            def block_body(blk, carry):
                iv = ids_v[pl.ds(blk * 16, 16)]
                cell0 = blk * 16
                for lane in range(16):
                    sel = iv[lane] == 1
                    cell = cell0 + lane
                    for m in range(NV):
                        rows[b][cell, pl.ds(m * 16, 16)] = jnp.where(
                            sel, t1[m], t0[m]
                        )
                return carry

            lax.fori_loop(0, CELLS_PER_CHUNK // 16, block_body, 0)

        def store_descr(g, b):
            return pltpu.make_async_copy(
                rows[b],
                out_flat.at[pl.ds(cbase + g * CELLS_PER_CHUNK, CELLS_PER_CHUNK)],
                ssem[b],
            )

        expand(0, 0)
        store_descr(0, 0).start()
        expand(1, 1)
        store_descr(1, 1).start()

        def body(it, carry):
            g0 = 2 * it
            for b in range(2):
                g = g0 + b
                store_descr(g, b).wait()
                expand(g, b)
                store_descr(g, b).start()
            return carry

        lax.fori_loop(1, n_chunks // 2, body, 0)

        store_descr(0, 0).wait()
        store_descr(0, 1).wait()

    return lookup(ids_flat, table)


def kernel(speaker_id, table):
    R, C = speaker_id.shape
    ids = speaker_id.reshape(R * C).astype(jnp.int32)
    return _sc_lookup(ids, table, R, C)

# --- scband reference (transcript-rebuilt; emitter-appended) ---
"""Pipeline reference for scband-speaker-embedding-12275016532310 (READ-ONLY COPY).

The authoritative reference and input builder live on the scoring server;
editing this copy changes nothing except your own understanding.
"""

import jax, jax.numpy as jnp
import numpy as np

MODEL_DIM = 64

def setup_inputs(seed: int = 0) -> dict:
    key = jax.random.key(seed)
    k_idx, k_tab = jax.random.split(key)
    speaker_id = jax.random.randint(k_idx, (16384, 200), 0, 2, dtype=jnp.int64 if jax.config.jax_enable_x64 else jnp.int32)
    table = jax.random.normal(k_tab, (2, MODEL_DIM), dtype=jnp.float32)
    return {"speaker_id": speaker_id, "table": table}

def reference(speaker_id, table):
    # nn.Embedding lookup: gather rows of the table by speaker_id
    return jnp.take(table, speaker_id, axis=0)

if __name__ == "__main__":
    import jax
    _d = setup_inputs()
    print(jax.jit(kernel)(*tuple(_d.values())))

</pallas_src>

<mosaic_0001>
#map = affine_map<(d0, d1) -> (0)>
#map1 = affine_map<(d0, d1) -> (0, 0)>
#map2 = affine_map<(d0, d1) -> (0, 0, 0)>
module attributes {stable_mosaic.version = 14 : i64} {
  func.func @lookup(%arg0: i32, %arg1: i32, %arg2: memref<3276800xi32, #tpu.memory_space<hbm>>, %arg3: memref<2x64xf32, #tpu.memory_space<hbm>>, %arg4: memref<16384x200x64xf32, #tpu.memory_space<hbm>>, %arg5: memref<2x64xf32, #tpu.memory_space<vmem>>, %arg6: memref<400xi32, #tpu.memory_space<vmem>>, %arg7: memref<400x64xf32, #tpu.memory_space<vmem>>, %arg8: memref<400x64xf32, #tpu.memory_space<vmem>>, %arg9: memref<!tpu.dma_semaphore, #tpu.memory_space<semaphore_mem>>, %arg10: memref<!tpu.dma_semaphore, #tpu.memory_space<semaphore_mem>>) attributes {dimension_semantics = [#tpu.dimension_semantics<core_parallel>, #tpu.dimension_semantics<subcore_parallel>], iteration_bounds = array<i64: 2, 16>, scalar_prefetch = 0 : i64, scratch_operands = 6 : i64, tpu.core_type = #tpu.core_type<sc_vector_subcore>, window_params = [{transform_indices = #map}, {transform_indices = #map1}, {transform_indices = #map2}]} {
    %mul3A = arith.constant 2 : i32
    %mul3A_0 = arith.muli %arg1, %mul3A : i32
    %add3A = arith.addi %mul3A_0, %arg0 : i32
    %mul3A_1 = arith.constant 102400 : i32
    %mul3A_2 = arith.muli %add3A, %mul3A_1 : i32
    "tpu.region"() ({
      %run_scoped3A = tpu.sem_alloc : memref<!tpu.dma_semaphore, #tpu.memory_space<semaphore_mem>>
      tpu.enqueue_dma source(%arg3 : memref<2x64xf32, #tpu.memory_space<hbm>>) target(%arg5 : memref<2x64xf32, #tpu.memory_space<vmem>>) target_semaphore(%run_scoped3A : memref<!tpu.dma_semaphore, #tpu.memory_space<semaphore_mem>>)
      tpu.wait_dma2 semaphore(%run_scoped3A : memref<!tpu.dma_semaphore, #tpu.memory_space<semaphore_mem>>) src(%arg3 : memref<2x64xf32, #tpu.memory_space<hbm>>) dst(%arg5 : memref<2x64xf32, #tpu.memory_space<vmem>>)
      tpu.yield
    }) : () -> ()
    %get3A = arith.constant 0 : i32
    %get3A_3 = arith.index_cast %get3A : i32 to index
    %get3A_4 = arith.constant 0 : index
    %get3A_5 = tpu.vector_load %arg5[%get3A_3, %get3A_4] {strides = array<i32>} : memref<2x64xf32, #tpu.memory_space<vmem>>, vector<1x16xf32>,
    %get3A_6 = vector.shape_cast %get3A_5 : vector<1x16xf32> to vector<16xf32>
    %get3A_7 = arith.constant 0 : i32
    %get3A_8 = arith.index_cast %get3A_7 : i32 to index
    %get3A_9 = arith.constant 16 : index
    %get3A_10 = tpu.vector_load %arg5[%get3A_8, %get3A_9] {strides = array<i32>} : memref<2x64xf32, #tpu.memory_space<vmem>>, vector<1x16xf32>,
    %get3A_11 = vector.shape_cast %get3A_10 : vector<1x16xf32> to vector<16xf32>
    %get3A_12 = arith.constant 0 : i32
    %get3A_13 = arith.index_cast %get3A_12 : i32 to index
    %get3A_14 = arith.constant 32 : index
    %get3A_15 = tpu.vector_load %arg5[%get3A_13, %get3A_14] {strides = array<i32>} : memref<2x64xf32, #tpu.memory_space<vmem>>, vector<1x16xf32>,
    %get3A_16 = vector.shape_cast %get3A_15 : vector<1x16xf32> to vector<16xf32>
    %get3A_17 = arith.constant 0 : i32
    %get3A_18 = arith.index_cast %get3A_17 : i32 to index
    %get3A_19 = arith.constant 48 : index
    %get3A_20 = tpu.vector_load %arg5[%get3A_18, %get3A_19] {strides = array<i32>} : memref<2x64xf32, #tpu.memory_space<vmem>>, vector<1x16xf32>,
    %get3A_21 = vector.shape_cast %get3A_20 : vector<1x16xf32> to vector<16xf32>
    %get3A_22 = arith.constant 1 : i32
    %get3A_23 = arith.index_cast %get3A_22 : i32 to index
    %get3A_24 = arith.constant 0 : index
    %get3A_25 = tpu.vector_load %arg5[%get3A_23, %get3A_24] {strides = array<i32>} : memref<2x64xf32, #tpu.memory_space<vmem>>, vector<1x16xf32>,
    %get3A_26 = vector.shape_cast %get3A_25 : vector<1x16xf32> to vector<16xf32>
    %get3A_27 = arith.constant 1 : i32
    %get3A_28 = arith.index_cast %get3A_27 : i32 to index
    %get3A_29 = arith.constant 16 : index
    %get3A_30 = tpu.vector_load %arg5[%get3A_28, %get3A_29] {strides = array<i32>} : memref<2x64xf32, #tpu.memory_space<vmem>>, vector<1x16xf32>,
    %get3A_31 = vector.shape_cast %get3A_30 : vector<1x16xf32> to vector<16xf32>
    %get3A_32 = arith.constant 1 : i32
    %get3A_33 = arith.index_cast %get3A_32 : i32 to index
    %get3A_34 = arith.constant 32 : index
    %get3A_35 = tpu.vector_load %arg5[%get3A_33, %get3A_34] {strides = array<i32>} : memref<2x64xf32, #tpu.memory_space<vmem>>, vector<1x16xf32>,
    %get3A_36 = vector.shape_cast %get3A_35 : vector<1x16xf32> to vector<16xf32>
    %get3A_37 = arith.constant 1 : i32
    %get3A_38 = arith.index_cast %get3A_37 : i32 to index
    %get3A_39 = arith.constant 48 : index
    %get3A_40 = tpu.vector_load %arg5[%get3A_38, %get3A_39] {strides = array<i32>} : memref<2x64xf32, #tpu.memory_space<vmem>>, vector<1x16xf32>,
    %get3A_41 = vector.shape_cast %get3A_40 : vector<1x16xf32> to vector<16xf32>
    %add3A_42 = arith.constant 0 : i32
    %add3A_43 = arith.addi %mul3A_2, %add3A_42 : i32
    "tpu.region"() ({
      %run_scoped3A = tpu.sem_alloc : memref<!tpu.dma_semaphore, #tpu.memory_space<semaphore_mem>>
      %dma_start3A_93 = tpu.memref_slice %arg2[%add3A_43] : memref<3276800xi32, #tpu.memory_space<hbm>> -> memref<400xi32, #tpu.memory_space<hbm>>
      %dma_start3A_94 = tpu.memref_slice %arg2[%add3A_43] : memref<3276800xi32, #tpu.memory_space<hbm>> -> memref<400xi32, #tpu.memory_space<hbm>>
      tpu.enqueue_dma source(%dma_start3A_94 : memref<400xi32, #tpu.memory_space<hbm>>) target(%arg6 : memref<400xi32, #tpu.memory_space<vmem>>) target_semaphore(%run_scoped3A : memref<!tpu.dma_semaphore, #tpu.memory_space<semaphore_mem>>)
      %dma_wait3A_95 = tpu.memref_slice %arg2[%add3A_43] : memref<3276800xi32, #tpu.memory_space<hbm>> -> memref<400xi32, #tpu.memory_space<hbm>>
      %dma_wait3A_96 = tpu.memref_slice %arg2[%add3A_43] : memref<3276800xi32, #tpu.memory_space<hbm>> -> memref<400xi32, #tpu.memory_space<hbm>>
      tpu.wait_dma2 semaphore(%run_scoped3A : memref<!tpu.dma_semaphore, #tpu.memory_space<semaphore_mem>>) src(%dma_wait3A_96 : memref<400xi32, #tpu.memory_space<hbm>>) dst(%arg6 : memref<400xi32, #tpu.memory_space<vmem>>)
      tpu.yield
    }) : () -> ()
    %scan3A = arith.constant 0 : i32
    %scan3A_44 = arith.constant 0 : i32
    %scan3A_45 = arith.constant 25 : i32
    %scan3A_46 = arith.addi %scan3A_44, %scan3A_45 : i32
    %scan3A_47 = arith.constant 1 : i32
    scf.for %scan3A_93 = %scan3A_44 to %scan3A_46 step %scan3A_47  : i32 {
      %mul3A_94 = arith.constant 16 : i32
      %mul3A_95 = arith.muli %scan3A_93, %mul3A_94 : i32
      %get3A_96 = arith.index_cast %mul3A_95 : i32 to index
      %get3A_97 = tpu.vector_load %arg6[%get3A_96] {strides = array<i32>} : memref<400xi32, #tpu.memory_space<vmem>>, vector<16xi32>,
      %get3A_98 = vector.shape_cast %get3A_97 : vector<16xi32> to vector<16xi32>
      %mul3A_99 = arith.constant 16 : i32
      %mul3A_100 = arith.muli %scan3A_93, %mul3A_99 : i32
      %slice3A = vector.extract_strided_slice %get3A_98 {offsets = [0], sizes = [1], strides = [1]} : vector<16xi32> to vector<1xi32>
      %squeeze3A = vector.extract %slice3A[0] : i32 from vector<1xi32>
      %eq3A = arith.constant 1 : i32
      %eq3A_101 = arith.cmpi eq, %squeeze3A, %eq3A : i32
      %add3A_102 = arith.constant 0 : i32
      %add3A_103 = arith.addi %mul3A_100, %add3A_102 : i32
      %select_n3A = arith.select %eq3A_101, %get3A_26, %get3A_6 : vector<16xf32>
      %swap3A = arith.index_cast %add3A_103 : i32 to index
      %swap3A_104 = arith.constant 0 : index
      %swap3A_105 = tpu.vector_load %arg7[%swap3A, %swap3A_104] {strides = array<i32>} : memref<400x64xf32, #tpu.memory_space<vmem>>, vector<1x16xf32>,
      %swap3A_106 = vector.shape_cast %swap3A_105 : vector<1x16xf32> to vector<16xf32>
      %swap3A_107 = vector.shape_cast %select_n3A : vector<16xf32> to vector<1x16xf32>
      tpu.vector_store %arg7[%swap3A, %swap3A_104], %swap3A_107 {strides = array<i32>} : memref<400x64xf32, #tpu.memory_space<vmem>>, vector<1x16xf32>,
      %select_n3A_108 = arith.select %eq3A_101, %get3A_31, %get3A_11 : vector<16xf32>
      %swap3A_109 = arith.index_cast %add3A_103 : i32 to index
      %swap3A_110 = arith.constant 16 : index
      %swap3A_111 = tpu.vector_load %arg7[%swap3A_109, %swap3A_110] {strides = array<i32>} : memref<400x64xf32, #tpu.memory_space<vmem>>, vector<1x16xf32>,
      %swap3A_112 = vector.shape_cast %swap3A_111 : vector<1x16xf32> to vector<16xf32>
      %swap3A_113 = vector.shape_cast %select_n3A_108 : vector<16xf32> to vector<1x16xf32>
      tpu.vector_store %arg7[%swap3A_109, %swap3A_110], %swap3A_113 {strides = array<i32>} : memref<400x64xf32, #tpu.memory_space<vmem>>, vector<1x16xf32>,
      %select_n3A_114 = arith.select %eq3A_101, %get3A_36, %get3A_16 : vector<16xf32>
      %swap3A_115 = arith.index_cast %add3A_103 : i32 to index
      %swap3A_116 = arith.constant 32 : index
      %swap3A_117 = tpu.vector_load %arg7[%swap3A_115, %swap3A_116] {strides = array<i32>} : memref<400x64xf32, #tpu.memory_space<vmem>>, vector<1x16xf32>,
      %swap3A_118 = vector.shape_cast %swap3A_117 : vector<1x16xf32> to vector<16xf32>
      %swap3A_119 = vector.shape_cast %select_n3A_114 : vector<16xf32> to vector<1x16xf32>
      tpu.vector_store %arg7[%swap3A_115, %swap3A_116], %swap3A_119 {strides = array<i32>} : memref<400x64xf32, #tpu.memory_space<vmem>>, vector<1x16xf32>,
      %select_n3A_120 = arith.select %eq3A_101, %get3A_41, %get3A_21 : vector<16xf32>
      %swap3A_121 = arith.index_cast %add3A_103 : i32 to index
      %swap3A_122 = arith.constant 48 : index
      %swap3A_123 = tpu.vector_load %arg7[%swap3A_121, %swap3A_122] {strides = array<i32>} : memref<400x64xf32, #tpu.memory_space<vmem>>, vector<1x16xf32>,
      %swap3A_124 = vector.shape_cast %swap3A_123 : vector<1x16xf32> to vector<16xf32>
      %swap3A_125 = vector.shape_cast %select_n3A_120 : vector<16xf32> to vector<1x16xf32>
      tpu.vector_store %arg7[%swap3A_121, %swap3A_122], %swap3A_125 {strides = array<i32>} : memref<400x64xf32, #tpu.memory_space<vmem>>, vector<1x16xf32>,
      %slice3A_126 = vector.extract_strided_slice %get3A_98 {offsets = [1], sizes = [1], strides = [1]} : vector<16xi32> to vector<1xi32>
      %squeeze3A_127 = vector.extract %slice3A_126[0] : i32 from vector<1xi32>
      %eq3A_128 = arith.constant 1 : i32
      %eq3A_129 = arith.cmpi eq, %squeeze3A_127, %eq3A_128 : i32
      %add3A_130 = arith.constant 1 : i32
      %add3A_131 = arith.addi %mul3A_100, %add3A_130 : i32
      %select_n3A_132 = arith.select %eq3A_129, %get3A_26, %get3A_6 : vector<16xf32>
      %swap3A_133 = arith.index_cast %add3A_131 : i32 to index
      %swap3A_134 = arith.constant 0 : index
      %swap3A_135 = tpu.vector_load %arg7[%swap3A_133, %swap3A_134] {strides = array<i32>} : memref<400x64xf32, #tpu.memory_space<vmem>>, vector<1x16xf32>,
      %swap3A_136 = vector.shape_cast %swap3A_135 : vector<1x16xf32> to vector<16xf32>
      %swap3A_137 = vector.shape_cast %select_n3A_132 : vector<16xf32> to vector<1x16xf32>
      tpu.vector_store %arg7[%swap3A_133, %swap3A_134], %swap3A_137 {strides = array<i32>} : memref<400x64xf32, #tpu.memory_space<vmem>>, vector<1x16xf32>,
      %select_n3A_138 = arith.select %eq3A_129, %get3A_31, %get3A_11 : vector<16xf32>
      %swap3A_139 = arith.index_cast %add3A_131 : i32 to index
      %swap3A_140 = arith.constant 16 : index
      %swap3A_141 = tpu.vector_load %arg7[%swap3A_139, %swap3A_140] {strides = array<i32>} : memref<400x64xf32, #tpu.memory_space<vmem>>, vector<1x16xf32>,
      %swap3A_142 = vector.shape_cast %swap3A_141 : vector<1x16xf32> to vector<16xf32>
      %swap3A_143 = vector.shape_cast %select_n3A_138 : vector<16xf32> to vector<1x16xf32>
      tpu.vector_store %arg7[%swap3A_139, %swap3A_140], %swap3A_143 {strides = array<i32>} : memref<400x64xf32, #tpu.memory_space<vmem>>, vector<1x16xf32>,
      %select_n3A_144 = arith.select %eq3A_129, %get3A_36, %get3A_16 : vector<16xf32>
      %swap3A_145 = arith.index_cast %add3A_131 : i32 to index
      %swap3A_146 = arith.constant 32 : index
      %swap3A_147 = tpu.vector_load %arg7[%swap3A_145, %swap3A_146] {strides = array<i32>} : memref<400x64xf32, #tpu.memory_space<vmem>>, vector<1x16xf32>,
      %swap3A_148 = vector.shape_cast %swap3A_147 : vector<1x16xf32> to vector<16xf32>
      %swap3A_149 = vector.shape_cast %select_n3A_144 : vector<16xf32> to vector<1x16xf32>
      tpu.vector_store %arg7[%swap3A_145, %swap3A_146], %swap3A_149 {strides = array<i32>} : memref<400x64xf32, #tpu.memory_space<vmem>>, vector<1x16xf32>,
      %select_n3A_150 = arith.select %eq3A_129, %get3A_41, %get3A_21 : vector<16xf32>
      %swap3A_151 = arith.index_cast %add3A_131 : i32 to index
      %swap3A_152 = arith.constant 48 : index
      %swap3A_153 = tpu.vector_load %arg7[%swap3A_151, %swap3A_152] {strides = array<i32>} : memref<400x64xf32, #tpu.memory_space<vmem>>, vector<1x16xf32>,
      %swap3A_154 = vector.shape_cast %swap3A_153 : vector<1x16xf32> to vector<16xf32>
      %swap3A_155 = vector.shape_cast %select_n3A_150 : vector<16xf32> to vector<1x16xf32>
      tpu.vector_store %arg7[%swap3A_151, %swap3A_152], %swap3A_155 {strides = array<i32>} : memref<400x64xf32, #tpu.memory_space<vmem>>, vector<1x16xf32>,
      %slice3A_156 = vector.extract_strided_slice %get3A_98 {offsets = [2], sizes = [1], strides = [1]} : vector<16xi32> to vector<1xi32>
      %squeeze3A_157 = vector.extract %slice3A_156[0] : i32 from vector<1xi32>
      %eq3A_158 = arith.constant 1 : i32
      %eq3A_159 = arith.cmpi eq, %squeeze3A_157, %eq3A_158 : i32
      %add3A_160 = arith.constant 2 : i32
      %add3A_161 = arith.addi %mul3A_100, %add3A_160 : i32
      %select_n3A_162 = arith.select %eq3A_159, %get3A_26, %get3A_6 : vector<16xf32>
      %swap3A_163 = arith.index_cast %add3A_161 : i32 to index
      %swap3A_164 = arith.constant 0 : index
      %swap3A_165 = tpu.vector_load %arg7[%swap3A_163, %swap3A_164] {strides = array<i32>} : memref<400x64xf32, #tpu.memory_space<vmem>>, vector<1x16xf32>,
      %swap3A_166 = vector.shape_cast %swap3A_165 : vector<1x16xf32> to vector<16xf32>
      %swap3A_167 = vector.shape_cast %select_n3A_162 : vector<16xf32> to vector<1x16xf32>
      tpu.vector_store %arg7[%swap3A_163, %swap3A_164], %swap3A_167 {strides = array<i32>} : memref<400x64xf32, #tpu.memory_space<vmem>>, vector<1x16xf32>,
      %select_n3A_168 = arith.select %eq3A_159, %get3A_31, %get3A_11 : vector<16xf32>
      %swap3A_169 = arith.index_cast %add3A_161 : i32 to index
      %swap3A_170 = arith.constant 16 : index
      %swap3A_171 = tpu.vector_load %arg7[%swap3A_169, %swap3A_170] {strides = array<i32>} : memref<400x64xf32, #tpu.memory_space<vmem>>, vector<1x16xf32>,
      %swap3A_172 = vector.shape_cast %swap3A_171 : vector<1x16xf32> to vector<16xf32>
      %swap3A_173 = vector.shape_cast %select_n3A_168 : vector<16xf32> to vector<1x16xf32>
      tpu.vector_store %arg7[%swap3A_169, %swap3A_170], %swap3A_173 {strides = array<i32>} : memref<400x64xf32, #tpu.memory_space<vmem>>, vector<1x16xf32>,
      %select_n3A_174 = arith.select %eq3A_159, %get3A_36, %get3A_16 : vector<16xf32>
      %swap3A_175 = arith.index_cast %add3A_161 : i32 to index
      %swap3A_176 = arith.constant 32 : index
      %swap3A_177 = tpu.vector_load %arg7[%swap3A_175, %swap3A_176] {strides = array<i32>} : memref<400x64xf32, #tpu.memory_space<vmem>>, vector<1x16xf32>,
      %swap3A_178 = vector.shape_cast %swap3A_177 : vector<1x16xf32> to vector<16xf32>
      %swap3A_179 = vector.shape_cast %select_n3A_174 : vector<16xf32> to vector<1x16xf32>
      tpu.vector_store %arg7[%swap3A_175, %swap3A_176], %swap3A_179 {strides = array<i32>} : memref<400x64xf32, #tpu.memory_space<vmem>>, vector<1x16xf32>,
      %select_n3A_180 = arith.select %eq3A_159, %get3A_41, %get3A_21 : vector<16xf32>
      %swap3A_181 = arith.index_cast %add3A_161 : i32 to index
      %swap3A_182 = arith.constant 48 : index
      %swap3A_183 = tpu.vector_load %arg7[%swap3A_181, %swap3A_182] {strides = array<i32>} : memref<400x64xf32, #tpu.memory_space<vmem>>, vector<1x16xf32>,
      %swap3A_184 = vector.shape_cast %swap3A_183 : vector<1x16xf32> to vector<16xf32>
      %swap3A_185 = vector.shape_cast %select_n3A_180 : vector<16xf32> to vector<1x16xf32>
      tpu.vector_store %arg7[%swap3A_181, %swap3A_182], %swap3A_185 {strides = array<i32>} : memref<400x64xf32, #tpu.memory_space<vmem>>, vector<1x16xf32>,
      %slice3A_186 = vector.extract_strided_slice %get3A_98 {offsets = [3], sizes = [1], strides = [1]} : vector<16xi32> to vector<1xi32>
      %squeeze3A_187 = vector.extract %slice3A_186[0] : i32 from vector<1xi32>
      %eq3A_188 = arith.constant 1 : i32
      %eq3A_189 = arith.cmpi eq, %squeeze3A_187, %eq3A_188 : i32
      %add3A_190 = arith.constant 3 : i32
      %add3A_191 = arith.addi %mul3A_100, %add3A_190 : i32
      %select_n3A_192 = arith.select %eq3A_189, %get3A_26, %get3A_6 : vector<16xf32>
      %swap3A_193 = arith.index_cast %add3A_191 : i32 to index
      %swap3A_194 = arith.constant 0 : index
      %swap3A_195 = tpu.vector_load %arg7[%swap3A_193, %swap3A_194] {strides = array<i32>} : memref<400x64xf32, #tpu.memory_space<vmem>>, vector<1x16xf32>,
      %swap3A_196 = vector.shape_cast %swap3A_195 : vector<1x16xf32> to vector<16xf32>
      %swap3A_197 = vector.shape_cast %select_n3A_192 : vector<16xf32> to vector<1x16xf32>
      tpu.vector_store %arg7[%swap3A_193, %swap3A_194], %swap3A_197 {strides = array<i32>} : memref<400x64xf32, #tpu.memory_space<vmem>>, vector<1x16xf32>,
      %select_n3A_198 = arith.select %eq3A_189, %get3A_31, %get3A_11 : vector<16xf32>
      %swap3A_199 = arith.index_cast %add3A_191 : i32 to index
      %swap3A_200 = arith.constant 16 : index
      %swap3A_201 = tpu.vector_load %arg7[%swap3A_199, %swap3A_200] {strides = array<i32>} : memref<400x64xf32, #tpu.memory_space<vmem>>, vector<1x16xf32>,
      %swap3A_202 = vector.shape_cast %swap3A_201 : vector<1x16xf32> to vector<16xf32>
      %swap3A_203 = vector.shape_cast %select_n3A_198 : vector<16xf32> to vector<1x16xf32>
      tpu.vector_store %arg7[%swap3A_199, %swap3A_200], %swap3A_203 {strides = array<i32>} : memref<400x64xf32, #tpu.memory_space<vmem>>, vector<1x16xf32>,
      %select_n3A_204 = arith.select %eq3A_189, %get3A_36, %get3A_16 : vector<16xf32>
      %swap3A_205 = arith.index_cast %add3A_191 : i32 to index
      %swap3A_206 = arith.constant 32 : index
      %swap3A_207 = tpu.vector_load %arg7[%swap3A_205, %swap3A_206] {strides = array<i32>} : memref<400x64xf32, #tpu.memory_space<vmem>>, vector<1x16xf32>,
      %swap3A_208 = vector.shape_cast %swap3A_207 : vector<1x16xf32> to vector<16xf32>
      %swap3A_209 = vector.shape_cast %select_n3A_204 : vector<16xf32> to vector<1x16xf32>
      tpu.vector_store %arg7[%swap3A_205, %swap3A_206], %swap3A_209 {strides = array<i32>} : memref<400x64xf32, #tpu.memory_space<vmem>>, vector<1x16xf32>,
      %select_n3A_210 = arith.select %eq3A_189, %get3A_41, %get3A_21 : vector<16xf32>
      %swap3A_211 = arith.index_cast %add3A_191 : i32 to index
      %swap3A_212 = arith.constant 48 : index
      %swap3A_213 = tpu.vector_load %arg7[%swap3A_211, %swap3A_212] {strides = array<i32>} : memref<400x64xf32, #tpu.memory_space<vmem>>, vector<1x16xf32>,
      %swap3A_214 = vector.shape_cast %swap3A_213 : vector<1x16xf32> to vector<16xf32>
      %swap3A_215 = vector.shape_cast %select_n3A_210 : vector<16xf32> to vector<1x16xf32>
      tpu.vector_store %arg7[%swap3A_211, %swap3A_212], %swap3A_215 {strides = array<i32>} : memref<400x64xf32, #tpu.memory_space<vmem>>, vector<1x16xf32>,
      %slice3A_216 = vector.extract_strided_slice %get3A_98 {offsets = [4], sizes = [1], strides = [1]} : vector<16xi32> to vector<1xi32>
      %squeeze3A_217 = vector.extract %slice3A_216[0] : i32 from vector<1xi32>
      %eq3A_218 = arith.constant 1 : i32
      %eq3A_219 = arith.cmpi eq, %squeeze3A_217, %eq3A_218 : i32
      %add3A_220 = arith.constant 4 : i32
      %add3A_221 = arith.addi %mul3A_100, %add3A_220 : i32
      %select_n3A_222 = arith.select %eq3A_219, %get3A_26, %get3A_6 : vector<16xf32>
      %swap3A_223 = arith.index_cast %add3A_221 : i32 to index
      %swap3A_224 = arith.constant 0 : index
      %swap3A_225 = tpu.vector_load %arg7[%swap3A_223, %swap3A_224] {strides = array<i32>} : memref<400x64xf32, #tpu.memory_space<vmem>>, vector<1x16xf32>,
      %swap3A_226 = vector.shape_cast %swap3A_225 : vector<1x16xf32> to vector<16xf32>
      %swap3A_227 = vector.shape_cast %select_n3A_222 : vector<16xf32> to vector<1x16xf32>
      tpu.vector_store %arg7[%swap3A_223, %swap3A_224], %swap3A_227 {strides = array<i32>} : memref<400x64xf32, #tpu.memory_space<vmem>>, vector<1x16xf32>,
      %select_n3A_228 = arith.select %eq3A_219, %get3A_31, %get3A_11 : vector<16xf32>
      %swap3A_229 = arith.index_cast %add3A_221 : i32 to index
      %swap3A_230 = arith.constant 16 : index
      %swap3A_231 = tpu.vector_load %arg7[%swap3A_229, %swap3A_230] {strides = array<i32>} : memref<400x64xf32, #tpu.memory_space<vmem>>, vector<1x16xf32>,
      %swap3A_232 = vector.shape_cast %swap3A_231 : vector<1x16xf32> to vector<16xf32>
      %swap3A_233 = vector.shape_cast %select_n3A_228 : vector<16xf32> to vector<1x16xf32>
      tpu.vector_store %arg7[%swap3A_229, %swap3A_230], %swap3A_233 {strides = array<i32>} : memref<400x64xf32, #tpu.memory_space<vmem>>, vector<1x16xf32>,
      %select_n3A_234 = arith.select %eq3A_219, %get3A_36, %get3A_16 : vector<16xf32>
      %swap3A_235 = arith.index_cast %add3A_221 : i32 to index
      %swap3A_236 = arith.constant 32 : index
      %swap3A_237 = tpu.vector_load %arg7[%swap3A_235, %swap3A_236] {strides = array<i32>} : memref<400x64xf32, #tpu.memory_space<vmem>>, vector<1x16xf32>,
      %swap3A_238 = vector.shape_cast %swap3A_237 : vector<1x16xf32> to vector<16xf32>
      %swap3A_239 = vector.shape_cast %select_n3A_234 : vector<16xf32> to vector<1x16xf32>
      tpu.vector_store %arg7[%swap3A_235, %swap3A_236], %swap3A_239 {strides = array<i32>} : memref<400x64xf32, #tpu.memory_space<vmem>>, vector<1x16xf32>,
      %select_n3A_240 = arith.select %eq3A_219, %get3A_41, %get3A_21 : vector<16xf32>
      %swap3A_241 = arith.index_cast %add3A_221 : i32 to index
      %swap3A_242 = arith.constant 48 : index
      %swap3A_243 = tpu.vector_load %arg7[%swap3A_241, %swap3A_242] {strides = array<i32>} : memref<400x64xf32, #tpu.memory_space<vmem>>, vector<1x16xf32>,
      %swap3A_244 = vector.shape_cast %swap3A_243 : vector<1x16xf32> to vector<16xf32>
      %swap3A_245 = vector.shape_cast %select_n3A_240 : vector<16xf32> to vector<1x16xf32>
      tpu.vector_store %arg7[%swap3A_241, %swap3A_242], %swap3A_245 {strides = array<i32>} : memref<400x64xf32, #tpu.memory_space<vmem>>, vector<1x16xf32>,
      %slice3A_246 = vector.extract_strided_slice %get3A_98 {offsets = [5], sizes = [1], strides = [1]} : vector<16xi32> to vector<1xi32>
      %squeeze3A_247 = vector.extract %slice3A_246[0] : i32 from vector<1xi32>
      %eq3A_248 = arith.constant 1 : i32
      %eq3A_249 = arith.cmpi eq, %squeeze3A_247, %eq3A_248 : i32
      %add3A_250 = arith.constant 5 : i32
      %add3A_251 = arith.addi %mul3A_100, %add3A_250 : i32
      %select_n3A_252 = arith.select %eq3A_249, %get3A_26, %get3A_6 : vector<16xf32>
      %swap3A_253 = arith.index_cast %add3A_251 : i32 to index
      %swap3A_254 = arith.constant 0 : index
      %swap3A_255 = tpu.vector_load %arg7[%swap3A_253, %swap3A_254] {strides = array<i32>} : memref<400x64xf32, #tpu.memory_space<vmem>>, vector<1x16xf32>,
      %swap3A_256 = vector.shape_cast %swap3A_255 : vector<1x16xf32> to vector<16xf32>
      %swap3A_257 = vector.shape_cast %select_n3A_252 : vector<16xf32> to vector<1x16xf32>
      tpu.vector_store %arg7[%swap3A_253, %swap3A_254], %swap3A_257 {strides = array<i32>} : memref<400x64xf32, #tpu.memory_space<vmem>>, vector<1x16xf32>,
      %select_n3A_258 = arith.select %eq3A_249, %get3A_31, %get3A_11 : vector<16xf32>
      %swap3A_259 = arith.index_cast %add3A_251 : i32 to index
      %swap3A_260 = arith.constant 16 : index
      %swap3A_261 = tpu.vector_load %arg7[%swap3A_259, %swap3A_260] {strides = array<i32>} : memref<400x64xf32, #tpu.memory_space<vmem>>, vector<1x16xf32>,
      %swap3A_262 = vector.shape_cast %swap3A_261 : vector<1x16xf32> to vector<16xf32>
      %swap3A_263 = vector.shape_cast %select_n3A_258 : vector<16xf32> to vector<1x16xf32>
      tpu.vector_store %arg7[%swap3A_259, %swap3A_260], %swap3A_263 {strides = array<i32>} : memref<400x64xf32, #tpu.memory_space<vmem>>, vector<1x16xf32>,
      %select_n3A_264 = arith.select %eq3A_249, %get3A_36, %get3A_16 : vector<16xf32>
      %swap3A_265 = arith.index_cast %add3A_251 : i32 to index
      %swap3A_266 = arith.constant 32 : index
      %swap3A_267 = tpu.vector_load %arg7[%swap3A_265, %swap3A_266] {strides = array<i32>} : memref<400x64xf32, #tpu.memory_space<vmem>>, vector<1x16xf32>,
      %swap3A_268 = vector.shape_cast %swap3A_267 : vector<1x16xf32> to vector<16xf32>
      %swap3A_269 = vector.shape_cast %select_n3A_264 : vector<16xf32> to vector<1x16xf32>
      tpu.vector_store %arg7[%swap3A_265, %swap3A_266], %swap3A_269 {strides = array<i32>} : memref<400x64xf32, #tpu.memory_space<vmem>>, vector<1x16xf32>,
      %select_n3A_270 = arith.select %eq3A_249, %get3A_41, %get3A_21 : vector<16xf32>
      %swap3A_271 = arith.index_cast %add3A_251 : i32 to index
      %swap3A_272 = arith.constant 48 : index
      %swap3A_273 = tpu.vector_load %arg7[%swap3A_271, %swap3A_272] {strides = array<i32>} : memref<400x64xf32, #tpu.memory_space<vmem>>, vector<1x16xf32>,
      %swap3A_274 = vector.shape_cast %swap3A_273 : vector<1x16xf32> to vector<16xf32>
      %swap3A_275 = vector.shape_cast %select_n3A_270 : vector<16xf32> to vector<1x16xf32>
      tpu.vector_store %arg7[%swap3A_271, %swap3A_272], %swap3A_275 {strides = array<i32>} : memref<400x64xf32, #tpu.memory_space<vmem>>, vector<1x16xf32>,
      %slice3A_276 = vector.extract_strided_slice %get3A_98 {offsets = [6], sizes = [1], strides = [1]} : vector<16xi32> to vector<1xi32>
      %squeeze3A_277 = vector.extract %slice3A_276[0] : i32 from vector<1xi32>
      %eq3A_278 = arith.constant 1 : i32
      %eq3A_279 = arith.cmpi eq, %squeeze3A_277, %eq3A_278 : i32
      %add3A_280 = arith.constant 6 : i32
      %add3A_281 = arith.addi %mul3A_100, %add3A_280 : i32
      %select_n3A_282 = arith.select %eq3A_279, %get3A_26, %get3A_6 : vector<16xf32>
      %swap3A_283 = arith.index_cast %add3A_281 : i32 to index
      %swap3A_284 = arith.constant 0 : index
      %swap3A_285 = tpu.vector_load %arg7[%swap3A_283, %swap3A_284] {strides = array<i32>} : memref<400x64xf32, #tpu.memory_space<vmem>>, vector<1x16xf32>,
      %swap3A_286 = vector.shape_cast %swap3A_285 : vector<1x16xf32> to vector<16xf32>
      %swap3A_287 = vector.shape_cast %select_n3A_282 : vector<16xf32> to vector<1x16xf32>
      tpu.vector_store %arg7[%swap3A_283, %swap3A_284], %swap3A_287 {strides = array<i32>} : memref<400x64xf32, #tpu.memory_space<vmem>>, vector<1x16xf32>,
      %select_n3A_288 = arith.select %eq3A_279, %get3A_31, %get3A_11 : vector<16xf32>
      %swap3A_289 = arith.index_cast %add3A_281 : i32 to index
      %swap3A_290 = arith.constant 16 : index
      %swap3A_291 = tpu.vector_load %arg7[%swap3A_289, %swap3A_290] {strides = array<i32>} : memref<400x64xf32, #tpu.memory_space<vmem>>, vector<1x16xf32>,
      %swap3A_292 = vector.shape_cast %swap3A_291 : vector<1x16xf32> to vector<16xf32>
      %swap3A_293 = vector.shape_cast %select_n3A_288 : vector<16xf32> to vector<1x16xf32>
      tpu.vector_store %arg7[%swap3A_289, %swap3A_290], %swap3A_293 {strides = array<i32>} : memref<400x64xf32, #tpu.memory_space<vmem>>, vector<1x16xf32>,
      %select_n3A_294 = arith.select %eq3A_279, %get3A_36, %get3A_16 : vector<16xf32>
      %swap3A_295 = arith.index_cast %add3A_281 : i32 to index
      %swap3A_296 = arith.constant 32 : index
      %swap3A_297 = tpu.vector_load %arg7[%swap3A_295, %swap3A_296] {strides = array<i32>} : memref<400x64xf32, #tpu.memory_space<vmem>>, vector<1x16xf32>,
      %swap3A_298 = vector.shape_cast %swap3A_297 : vector<1x16xf32> to vector<16xf32>
      %swap3A_299 = vector.shape_cast %select_n3A_294 : vector<16xf32> to vector<1x16xf32>
      tpu.vector_store %arg7[%swap3A_295, %swap3A_296], %swap3A_299 {strides = array<i32>} : memref<400x64xf32, #tpu.memory_space<vmem>>, vector<1x16xf32>,
      %select_n3A_300 = arith.select %eq3A_279, %get3A_41, %get3A_21 : vector<16xf32>
      %swap3A_301 = arith.index_cast %add3A_281 : i32 to index
      %swap3A_302 = arith.constant 48 : index
      %swap3A_303 = tpu.vector_load %arg7[%swap3A_301, %swap3A_302] {strides = array<i32>} : memref<400x64xf32, #tpu.memory_space<vmem>>, vector<1x16xf32>,
      %swap3A_304 = vector.shape_cast %swap3A_303 : vector<1x16xf32> to vector<16xf32>
      %swap3A_305 = vector.shape_cast %select_n3A_300 : vector<16xf32> to vector<1x16xf32>
      tpu.vector_store %arg7[%swap3A_301, %swap3A_302], %swap3A_305 {strides = array<i32>} : memref<400x64xf32, #tpu.memory_space<vmem>>, vector<1x16xf32>,
      %slice3A_306 = vector.extract_strided_slice %get3A_98 {offsets = [7], sizes = [1], strides = [1]} : vector<16xi32> to vector<1xi32>
      %squeeze3A_307 = vector.extract %slice3A_306[0] : i32 from vector<1xi32>
      %eq3A_308 = arith.constant 1 : i32
      %eq3A_309 = arith.cmpi eq, %squeeze3A_307, %eq3A_308 : i32
      %add3A_310 = arith.constant 7 : i32
      %add3A_311 = arith.addi %mul3A_100, %add3A_310 : i32
      %select_n3A_312 = arith.select %eq3A_309, %get3A_26, %get3A_6 : vector<16xf32>
      %swap3A_313 = arith.index_cast %add3A_311 : i32 to index
      %swap3A_314 = arith.constant 0 : index
      %swap3A_315 = tpu.vector_load %arg7[%swap3A_313, %swap3A_314] {strides = array<i32>} : memref<400x64xf32, #tpu.memory_space<vmem>>, vector<1x16xf32>,
      %swap3A_316 = vector.shape_cast %swap3A_315 : vector<1x16xf32> to vector<16xf32>
      %swap3A_317 = vector.shape_cast %select_n3A_312 : vector<16xf32> to vector<1x16xf32>
      tpu.vector_store %arg7[%swap3A_313, %swap3A_314], %swap3A_317 {strides = array<i32>} : memref<400x64xf32, #tpu.memory_space<vmem>>, vector<1x16xf32>,
      %select_n3A_318 = arith.select %eq3A_309, %get3A_31, %get3A_11 : vector<16xf32>
      %swap3A_319 = arith.index_cast %add3A_311 : i32 to index
      %swap3A_320 = arith.constant 16 : index
      %swap3A_321 = tpu.vector_load %arg7[%swap3A_319, %swap3A_320] {strides = array<i32>} : memref<400x64xf32, #tpu.memory_space<vmem>>, vector<1x16xf32>,
      %swap3A_322 = vector.shape_cast %swap3A_321 : vector<1x16xf32> to vector<16xf32>
      %swap3A_323 = vector.shape_cast %select_n3A_318 : vector<16xf32> to vector<1x16xf32>
      tpu.vector_store %arg7[%swap3A_319, %swap3A_320], %swap3A_323 {strides = array<i32>} : memref<400x64xf32, #tpu.memory_space<vmem>>, vector<1x16xf32>,
      %select_n3A_324 = arith.select %eq3A_309, %get3A_36, %get3A_16 : vector<16xf32>
      %swap3A_325 = arith.index_cast %add3A_311 : i32 to index
      %swap3A_326 = arith.constant 32 : index
      %swap3A_327 = tpu.vector_load %arg7[%swap3A_325, %swap3A_326] {strides = array<i32>} : memref<400x64xf32, #tpu.memory_space<vmem>>, vector<1x16xf32>,
      %swap3A_328 = vector.shape_cast %swap3A_327 : vector<1x16xf32> to vector<16xf32>
      %swap3A_329 = vector.shape_cast %select_n3A_324 : vector<16xf32> to vector<1x16xf32>
      tpu.vector_store %arg7[%swap3A_325, %swap3A_326], %swap3A_329 {strides = array<i32>} : memref<400x64xf32, #tpu.memory_space<vmem>>, vector<1x16xf32>,
      %select_n3A_330 = arith.select %eq3A_309, %get3A_41, %get3A_21 : vector<16xf32>
      %swap3A_331 = arith.index_cast %add3A_311 : i32 to index
      %swap3A_332 = arith.constant 48 : index
      %swap3A_333 = tpu.vector_load %arg7[%swap3A_331, %swap3A_332] {strides = array<i32>} : memref<400x64xf32, #tpu.memory_space<vmem>>, vector<1x16xf32>,
      %swap3A_334 = vector.shape_cast %swap3A_333 : vector<1x16xf32> to vector<16xf32>
      %swap3A_335 = vector.shape_cast %select_n3A_330 : vector<16xf32> to vector<1x16xf32>
      tpu.vector_store %arg7[%swap3A_331, %swap3A_332], %swap3A_335 {strides = array<i32>} : memref<400x64xf32, #tpu.memory_space<vmem>>, vector<1x16xf32>,
      %slice3A_336 = vector.extract_strided_slice %get3A_98 {offsets = [8], sizes = [1], strides = [1]} : vector<16xi32> to vector<1xi32>
      %squeeze3A_337 = vector.extract %slice3A_336[0] : i32 from vector<1xi32>
      %eq3A_338 = arith.constant 1 : i32
      %eq3A_339 = arith.cmpi eq, %squeeze3A_337, %eq3A_338 : i32
      %add3A_340 = arith.constant 8 : i32
      %add3A_341 = arith.addi %mul3A_100, %add3A_340 : i32
      %select_n3A_342 = arith.select %eq3A_339, %get3A_26, %get3A_6 : vector<16xf32>
      %swap3A_343 = arith.index_cast %add3A_341 : i32 to index
      %swap3A_344 = arith.constant 0 : index
      %swap3A_345 = tpu.vector_load %arg7[%swap3A_343, %swap3A_344] {strides = array<i32>} : memref<400x64xf32, #tpu.memory_space<vmem>>, vector<1x16xf32>,
      %swap3A_346 = vector.shape_cast %swap3A_345 : vector<1x16xf32> to vector<16xf32>
      %swap3A_347 = vector.shape_cast %select_n3A_342 : vector<16xf32> to vector<1x16xf32>
      tpu.vector_store %arg7[%swap3A_343, %swap3A_344], %swap3A_347 {strides = array<i32>} : memref<400x64xf32, #tpu.memory_space<vmem>>, vector<1x16xf32>,
      %select_n3A_348 = arith.select %eq3A_339, %get3A_31, %get3A_11 : vector<16xf32>
      %swap3A_349 = arith.index_cast %add3A_341 : i32 to index
      %swap3A_350 = arith.constant 16 : index
      %swap3A_351 = tpu.vector_load %arg7[%swap3A_349, %swap3A_350] {strides = array<i32>} : memref<400x64xf32, #tpu.memory_space<vmem>>, vector<1x16xf32>,
      %swap3A_352 = vector.shape_cast %swap3A_351 : vector<1x16xf32> to vector<16xf32>
      %swap3A_353 = vector.shape_cast %select_n3A_348 : vector<16xf32> to vector<1x16xf32>
      tpu.vector_store %arg7[%swap3A_349, %swap3A_350], %swap3A_353 {strides = array<i32>} : memref<400x64xf32, #tpu.memory_space<vmem>>, vector<1x16xf32>,
      %select_n3A_354 = arith.select %eq3A_339, %get3A_36, %get3A_16 : vector<16xf32>
      %swap3A_355 = arith.index_cast %add3A_341 : i32 to index
      %swap3A_356 = arith.constant 32 : index
      %swap3A_357 = tpu.vector_load %arg7[%swap3A_355, %swap3A_356] {strides = array<i32>} : memref<400x64xf32, #tpu.memory_space<vmem>>, vector<1x16xf32>,
      %swap3A_358 = vector.shape_cast %swap3A_357 : vector<1x16xf32> to vector<16xf32>
      %swap3A_359 = vector.shape_cast %select_n3A_354 : vector<16xf32> to vector<1x16xf32>
      tpu.vector_store %arg7[%swap3A_355, %swap3A_356], %swap3A_359 {strides = array<i32>} : memref<400x64xf32, #tpu.memory_space<vmem>>, vector<1x16xf32>,
      %select_n3A_360 = arith.select %eq3A_339, %get3A_41, %get3A_21 : vector<16xf32>
      %swap3A_361 = arith.index_cast %add3A_341 : i32 to index
      %swap3A_362 = arith.constant 48 : index
      %swap3A_363 = tpu.vector_load %arg7[%swap3A_361, %swap3A_362] {strides = array<i32>} : memref<400x64xf32, #tpu.memory_space<vmem>>, vector<1x16xf32>,
      %swap3A_364 = vector.shape_cast %swap3A_363 : vector<1x16xf32> to vector<16xf32>
      %swap3A_365 = vector.shape_cast %select_n3A_360 : vector<16xf32> to vector<1x16xf32>
      tpu.vector_store %arg7[%swap3A_361, %swap3A_362], %swap3A_365 {strides = array<i32>} : memref<400x64xf32, #tpu.memory_space<vmem>>, vector<1x16xf32>,
      %slice3A_366 = vector.extract_strided_slice %get3A_98 {offsets = [9], sizes = [1], strides = [1]} : vector<16xi32> to vector<1xi32>
      %squeeze3A_367 = vector.extract %slice3A_366[0] : i32 from vector<1xi32>
      %eq3A_368 = arith.constant 1 : i32
      %eq3A_369 = arith.cmpi eq, %squeeze3A_367, %eq3A_368 : i32
      %add3A_370 = arith.constant 9 : i32
      %add3A_371 = arith.addi %mul3A_100, %add3A_370 : i32
      %select_n3A_372 = arith.select %eq3A_369, %get3A_26, %get3A_6 : vector<16xf32>
      %swap3A_373 = arith.index_cast %add3A_371 : i32 to index
      %swap3A_374 = arith.constant 0 : index
      %swap3A_375 = tpu.vector_load %arg7[%swap3A_373, %swap3A_374] {strides = array<i32>} : memref<400x64xf32, #tpu.memory_space<vmem>>, vector<1x16xf32>,
      %swap3A_376 = vector.shape_cast %swap3A_375 : vector<1x16xf32> to vector<16xf32>
      %swap3A_377 = vector.shape_cast %select_n3A_372 : vector<16xf32> to vector<1x16xf32>
      tpu.vector_store %arg7[%swap3A_373, %swap3A_374], %swap3A_377 {strides = array<i32>} : memref<400x64xf32, #tpu.memory_space<vmem>>, vector<1x16xf32>,
      %select_n3A_378 = arith.select %eq3A_369, %get3A_31, %get3A_11 : vector<16xf32>
      %swap3A_379 = arith.index_cast %add3A_371 : i32 to index
      %swap3A_380 = arith.constant 16 : index
      %swap3A_381 = tpu.vector_load %arg7[%swap3A_379, %swap3A_380] {strides = array<i32>} : memref<400x64xf32, #tpu.memory_space<vmem>>, vector<1x16xf32>,
      %swap3A_382 = vector.shape_cast %swap3A_381 : vector<1x16xf32> to vector<16xf32>
      %swap3A_383 = vector.shape_cast %select_n3A_378 : vector<16xf32> to vector<1x16xf32>
      tpu.vector_store %arg7[%swap3A_379, %swap3A_380], %swap3A_383 {strides = array<i32>} : memref<400x64xf32, #tpu.memory_space<vmem>>, vector<1x16xf32>,
      %select_n3A_384 = arith.select %eq3A_369, %get3A_36, %get3A_16 : vector<16xf32>
      %swap3A_385 = arith.index_cast %add3A_371 : i32 to index
      %swap3A_386 = arith.constant 32 : index
      %swap3A_387 = tpu.vector_load %arg7[%swap3A_385, %swap3A_386] {strides = array<i32>} : memref<400x64xf32, #tpu.memory_space<vmem>>, vector<1x16xf32>,
      %swap3A_388 = vector.shape_cast %swap3A_387 : vector<1x16xf32> to vector<16xf32>
      %swap3A_389 = vector.shape_cast %select_n3A_384 : vector<16xf32> to vector<1x16xf32>
      tpu.vector_store %arg7[%swap3A_385, %swap3A_386], %swap3A_389 {strides = array<i32>} : memref<400x64xf32, #tpu.memory_space<vmem>>, vector<1x16xf32>,
      %select_n3A_390 = arith.select %eq3A_369, %get3A_41, %get3A_21 : vector<16xf32>
      %swap3A_391 = arith.index_cast %add3A_371 : i32 to index
      %swap3A_392 = arith.constant 48 : index
      %swap3A_393 = tpu.vector_load %arg7[%swap3A_391, %swap3A_392] {strides = array<i32>} : memref<400x64xf32, #tpu.memory_space<vmem>>, vector<1x16xf32>,
      %swap3A_394 = vector.shape_cast %swap3A_393 : vector<1x16xf32> to vector<16xf32>
      %swap3A_395 = vector.shape_cast %select_n3A_390 : vector<16xf32> to vector<1x16xf32>
      tpu.vector_store %arg7[%swap3A_391, %swap3A_392], %swap3A_395 {strides = array<i32>} : memref<400x64xf32, #tpu.memory_space<vmem>>, vector<1x16xf32>,
      %slice3A_396 = vector.extract_strided_slice %get3A_98 {offsets = [10], sizes = [1], strides = [1]} : vector<16xi32> to vector<1xi32>
      %squeeze3A_397 = vector.extract %slice3A_396[0] : i32 from vector<1xi32>
      %eq3A_398 = arith.constant 1 : i32
      %eq3A_399 = arith.cmpi eq, %squeeze3A_397, %eq3A_398 : i32
      %add3A_400 = arith.constant 10 : i32
      %add3A_401 = arith.addi %mul3A_100, %add3A_400 : i32
      %select_n3A_402 = arith.select %eq3A_399, %get3A_26, %get3A_6 : vector<16xf32>
      %swap3A_403 = arith.index_cast %add3A_401 : i32 to index
      %swap3A_404 = arith.constant 0 : index
      %swap3A_405 = tpu.vector_load %arg7[%swap3A_403, %swap3A_404] {strides = array<i32>} : memref<400x64xf32, #tpu.memory_space<vmem>>, vector<1x16xf32>,
      %swap3A_406 = vector.shape_cast %swap3A_405 : vector<1x16xf32> to vector<16xf32>
      %swap3A_407 = vector.shape_cast %select_n3A_402 : vector<16xf32> to vector<1x16xf32>
      tpu.vector_store %arg7[%swap3A_403, %swap3A_404], %swap3A_407 {strides = array<i32>} : memref<400x64xf32, #tpu.memory_space<vmem>>, vector<1x16xf32>,
      %select_n3A_408 = arith.select %eq3A_399, %get3A_31, %get3A_11 : vector<16xf32>
      %swap3A_409 = arith.index_cast %add3A_401 : i32 to index
      %swap3A_410 = arith.constant 16 : index
      %swap3A_411 = tpu.vector_load %arg7[%swap3A_409, %swap3A_410] {strides = array<i32>} : memref<400x64xf32, #tpu.memory_space<vmem>>, vector<1x16xf32>,
      %swap3A_412 = vector.shape_cast %swap3A_411 : vector<1x16xf32> to vector<16xf32>
      %swap3A_413 = vector.shape_cast %select_n3A_408 : vector<16xf32> to vector<1x16xf32>
      tpu.vector_store %arg7[%swap3A_409, %swap3A_410], %swap3A_413 {strides = array<i32>} : memref<400x64xf32, #tpu.memory_space<vmem>>, vector<1x16xf32>,
      %select_n3A_414 = arith.select %eq3A_399, %get3A_36, %get3A_16 : vector<16xf32>
      %swap3A_415 = arith.index_cast %add3A_401 : i32 to index
      %swap3A_416 = arith.constant 32 : index
      %swap3A_417 = tpu.vector_load %arg7[%swap3A_415, %swap3A_416] {strides = array<i32>} : memref<400x64xf32, #tpu.memory_space<vmem>>, vector<1x16xf32>,
      %swap3A_418 = vector.shape_cast %swap3A_417 : vector<1x16xf32> to vector<16xf32>
      %swap3A_419 = vector.shape_cast %select_n3A_414 : vector<16xf32> to vector<1x16xf32>
      tpu.vector_store %arg7[%swap3A_415, %swap3A_416], %swap3A_419 {strides = array<i32>} : memref<400x64xf32, #tpu.memory_space<vmem>>, vector<1x16xf32>,
      %select_n3A_420 = arith.select %eq3A_399, %get3A_41, %get3A_21 : vector<16xf32>
      %swap3A_421 = arith.index_cast %add3A_401 : i32 to index
      %swap3A_422 = arith.constant 48 : index
      %swap3A_423 = tpu.vector_load %arg7[%swap3A_421, %swap3A_422] {strides = array<i32>} : memref<400x64xf32, #tpu.memory_space<vmem>>, vector<1x16xf32>,
      %swap3A_424 = vector.shape_cast %swap3A_423 : vector<1x16xf32> to vector<16xf32>
      %swap3A_425 = vector.shape_cast %select_n3A_420 : vector<16xf32> to vector<1x16xf32>
      tpu.vector_store %arg7[%swap3A_421, %swap3A_422], %swap3A_425 {strides = array<i32>} : memref<400x64xf32, #tpu.memory_space<vmem>>, vector<1x16xf32>,
      %slice3A_426 = vector.extract_strided_slice %get3A_98 {offsets = [11], sizes = [1], strides = [1]} : vector<16xi32> to vector<1xi32>
      %squeeze3A_427 = vector.extract %slice3A_426[0] : i32 from vector<1xi32>
      %eq3A_428 = arith.constant 1 : i32
      %eq3A_429 = arith.cmpi eq, %squeeze3A_427, %eq3A_428 : i32
      %add3A_430 = arith.constant 11 : i32
      %add3A_431 = arith.addi %mul3A_100, %add3A_430 : i32
      %select_n3A_432 = arith.select %eq3A_429, %get3A_26, %get3A_6 : vector<16xf32>
      %swap3A_433 = arith.index_cast %add3A_431 : i32 to index
      %swap3A_434 = arith.constant 0 : index
      %swap3A_435 = tpu.vector_load %arg7[%swap3A_433, %swap3A_434] {strides = array<i32>} : memref<400x64xf32, #tpu.memory_space<vmem>>, vector<1x16xf32>,
      %swap3A_436 = vector.shape_cast %swap3A_435 : vector<1x16xf32> to vector<16xf32>
      %swap3A_437 = vector.shape_cast %select_n3A_432 : vector<16xf32> to vector<1x16xf32>
      tpu.vector_store %arg7[%swap3A_433, %swap3A_434], %swap3A_437 {strides = array<i32>} : memref<400x64xf32, #tpu.memory_space<vmem>>, vector<1x16xf32>,
      %select_n3A_438 = arith.select %eq3A_429, %get3A_31, %get3A_11 : vector<16xf32>
      %swap3A_439 = arith.index_cast %add3A_431 : i32 to index
      %swap3A_440 = arith.constant 16 : index
      %swap3A_441 = tpu.vector_load %arg7[%swap3A_439, %swap3A_440] {strides = array<i32>} : memref<400x64xf32, #tpu.memory_space<vmem>>, vector<1x16xf32>,
      %swap3A_442 = vector.shape_cast %swap3A_441 : vector<1x16xf32> to vector<16xf32>
      %swap3A_443 = vector.shape_cast %select_n3A_438 : vector<16xf32> to vector<1x16xf32>
      tpu.vector_store %arg7[%swap3A_439, %swap3A_440], %swap3A_443 {strides = array<i32>} : memref<400x64xf32, #tpu.memory_space<vmem>>, vector<1x16xf32>,
      %select_n3A_444 = arith.select %eq3A_429, %get3A_36, %get3A_16 : vector<16xf32>
      %swap3A_445 = arith.index_cast %add3A_431 : i32 to index
      %swap3A_446 = arith.constant 32 : index
      %swap3A_447 = tpu.vector_load %arg7[%swap3A_445, %swap3A_446] {strides = array<i32>} : memref<400x64xf32, #tpu.memory_space<vmem>>, vector<1x16xf32>,
      %swap3A_448 = vector.shape_cast %swap3A_447 : vector<1x16xf32> to vector<16xf32>
      %swap3A_449 = vector.shape_cast %select_n3A_444 : vector<16xf32> to vector<1x16xf32>
      tpu.vector_store %arg7[%swap3A_445, %swap3A_446], %swap3A_449 {strides = array<i32>} : memref<400x64xf32, #tpu.memory_space<vmem>>, vector<1x16xf32>,
      %select_n3A_450 = arith.select %eq3A_429, %get3A_41, %get3A_21 : vector<16xf32>
      %swap3A_451 = arith.index_cast %add3A_431 : i32 to index
      %swap3A_452 = arith.constant 48 : index
      %swap3A_453 = tpu.vector_load %arg7[%swap3A_451, %swap3A_452] {strides = array<i32>} : memref<400x64xf32, #tpu.memory_space<vmem>>, vector<1x16xf32>,
      %swap3A_454 = vector.shape_cast %swap3A_453 : vector<1x16xf32> to vector<16xf32>
      %swap3A_455 = vector.shape_cast %select_n3A_450 : vector<16xf32> to vector<1x16xf32>
      tpu.vector_store %arg7[%swap3A_451, %swap3A_452], %swap3A_455 {strides = array<i32>} : memref<400x64xf32, #tpu.memory_space<vmem>>, vector<1x16xf32>,
      %slice3A_456 = vector.extract_strided_slice %get3A_98 {offsets = [12], sizes = [1], strides = [1]} : vector<16xi32> to vector<1xi32>
      %squeeze3A_457 = vector.extract %slice3A_456[0] : i32 from vector<1xi32>
      %eq3A_458 = arith.constant 1 : i32
      %eq3A_459 = arith.cmpi eq, %squeeze3A_457, %eq3A_458 : i32
      %add3A_460 = arith.constant 12 : i32
      %add3A_461 = arith.addi %mul3A_100, %add3A_460 : i32
      %select_n3A_462 = arith.select %eq3A_459, %get3A_26, %get3A_6 : vector<16xf32>
      %swap3A_463 = arith.index_cast %add3A_461 : i32 to index
      %swap3A_464 = arith.constant 0 : index
      %swap3A_465 = tpu.vector_load %arg7[%swap3A_463, %swap3A_464] {strides = array<i32>} : memref<400x64xf32, #tpu.memory_space<vmem>>, vector<1x16xf32>,
      %swap3A_466 = vector.shape_cast %swap3A_465 : vector<1x16xf32> to vector<16xf32>
      %swap3A_467 = vector.shape_cast %select_n3A_462 : vector<16xf32> to vector<1x16xf32>
      tpu.vector_store %arg7[%swap3A_463, %swap3A_464], %swap3A_467 {strides = array<i32>} : memref<400x64xf32, #tpu.memory_space<vmem>>, vector<1x16xf32>,
      %select_n3A_468 = arith.select %eq3A_459, %get3A_31, %get3A_11 : vector<16xf32>
      %swap3A_469 = arith.index_cast %add3A_461 : i32 to index
      %swap3A_470 = arith.constant 16 : index
      %swap3A_471 = tpu.vector_load %arg7[%swap3A_469, %swap3A_470] {strides = array<i32>} : memref<400x64xf32, #tpu.memory_space<vmem>>, vector<1x16xf32>,
      %swap3A_472 = vector.shape_cast %swap3A_471 : vector<1x16xf32> to vector<16xf32>
      %swap3A_473 = vector.shape_cast %select_n3A_468 : vector<16xf32> to vector<1x16xf32>
      tpu.vector_store %arg7[%swap3A_469, %swap3A_470], %swap3A_473 {strides = array<i32>} : memref<400x64xf32, #tpu.memory_space<vmem>>, vector<1x16xf32>,
      %select_n3A_474 = arith.select %eq3A_459, %get3A_36, %get3A_16 : vector<16xf32>
      %swap3A_475 = arith.index_cast %add3A_461 : i32 to index
      %swap3A_476 = arith.constant 32 : index
      %swap3A_477 = tpu.vector_load %arg7[%swap3A_475, %swap3A_476] {strides = array<i32>} : memref<400x64xf32, #tpu.memory_space<vmem>>, vector<1x16xf32>,
      %swap3A_478 = vector.shape_cast %swap3A_477 : vector<1x16xf32> to vector<16xf32>
      %swap3A_479 = vector.shape_cast %select_n3A_474 : vector<16xf32> to vector<1x16xf32>
      tpu.vector_store %arg7[%swap3A_475, %swap3A_476], %swap3A_479 {strides = array<i32>} : memref<400x64xf32, #tpu.memory_space<vmem>>, vector<1x16xf32>,
      %select_n3A_480 = arith.select %eq3A_459, %get3A_41, %get3A_21 : vector<16xf32>
      %swap3A_481 = arith.index_cast %add3A_461 : i32 to index
      %swap3A_482 = arith.constant 48 : index
      %swap3A_483 = tpu.vector_load %arg7[%swap3A_481, %swap3A_482] {strides = array<i32>} : memref<400x64xf32, #tpu.memory_space<vmem>>, vector<1x16xf32>,
      %swap3A_484 = vector.shape_cast %swap3A_483 : vector<1x16xf32> to vector<16xf32>
      %swap3A_485 = vector.shape_cast %select_n3A_480 : vector<16xf32> to vector<1x16xf32>
      tpu.vector_store %arg7[%swap3A_481, %swap3A_482], %swap3A_485 {strides = array<i32>} : memref<400x64xf32, #tpu.memory_space<vmem>>, vector<1x16xf32>,
      %slice3A_486 = vector.extract_strided_slice %get3A_98 {offsets = [13], sizes = [1], strides = [1]} : vector<16xi32> to vector<1xi32>
      %squeeze3A_487 = vector.extract %slice3A_486[0] : i32 from vector<1xi32>
      %eq3A_488 = arith.constant 1 : i32
      %eq3A_489 = arith.cmpi eq, %squeeze3A_487, %eq3A_488 : i32
      %add3A_490 = arith.constant 13 : i32
      %add3A_491 = arith.addi %mul3A_100, %add3A_490 : i32
      %select_n3A_492 = arith.select %eq3A_489, %get3A_26, %get3A_6 : vector<16xf32>
      %swap3A_493 = arith.index_cast %add3A_491 : i32 to index
      %swap3A_494 = arith.constant 0 : index
      %swap3A_495 = tpu.vector_load %arg7[%swap3A_493, %swap3A_494] {strides = array<i32>} : memref<400x64xf32, #tpu.memory_space<vmem>>, vector<1x16xf32>,
      %swap3A_496 = vector.shape_cast %swap3A_495 : vector<1x16xf32> to vector<16xf32>
      %swap3A_497 = vector.shape_cast %select_n3A_492 : vector<16xf32> to vector<1x16xf32>
      tpu.vector_store %arg7[%swap3A_493, %swap3A_494], %swap3A_497 {strides = array<i32>} : memref<400x64xf32, #tpu.memory_space<vmem>>, vector<1x16xf32>,
      %select_n3A_498 = arith.select %eq3A_489, %get3A_31, %get3A_11 : vector<16xf32>
      %swap3A_499 = arith.index_cast %add3A_491 : i32 to index
      %swap3A_500 = arith.constant 16 : index
      %swap3A_501 = tpu.vector_load %arg7[%swap3A_499, %swap3A_500] {strides = array<i32>} : memref<400x64xf32, #tpu.memory_space<vmem>>, vector<1x16xf32>,
      %swap3A_502 = vector.shape_cast %swap3A_501 : vector<1x16xf32> to vector<16xf32>
      %swap3A_503 = vector.shape_cast %select_n3A_498 : vector<16xf32> to vector<1x16xf32>
      tpu.vector_store %arg7[%swap3A_499, %swap3A_500], %swap3A_503 {strides = array<i32>} : memref<400x64xf32, #tpu.memory_space<vmem>>, vector<1x16xf32>,
      %select_n3A_504 = arith.select %eq3A_489, %get3A_36, %get3A_16 : vector<16xf32>
      %swap3A_505 = arith.index_cast %add3A_491 : i32 to index
      %swap3A_506 = arith.constant 32 : index
      %swap3A_507 = tpu.vector_load %arg7[%swap3A_505, %swap3A_506] {strides = array<i32>} : memref<400x64xf32, #tpu.memory_space<vmem>>, vector<1x16xf32>,
      %swap3A_508 = vector.shape_cast %swap3A_507 : vector<1x16xf32> to vector<16xf32>
      %swap3A_509 = vector.shape_cast %select_n3A_504 : vector<16xf32> to vector<1x16xf32>
      tpu.vector_store %arg7[%swap3A_505, %swap3A_506], %swap3A_509 {strides = array<i32>} : memref<400x64xf32, #tpu.memory_space<vmem>>, vector<1x16xf32>,
      %select_n3A_510 = arith.select %eq3A_489, %get3A_41, %get3A_21 : vector<16xf32>
      %swap3A_511 = arith.index_cast %add3A_491 : i32 to index
      %swap3A_512 = arith.constant 48 : index
      %swap3A_513 = tpu.vector_load %arg7[%swap3A_511, %swap3A_512] {strides = array<i32>} : memref<400x64xf32, #tpu.memory_space<vmem>>, vector<1x16xf32>,
      %swap3A_514 = vector.shape_cast %swap3A_513 : vector<1x16xf32> to vector<16xf32>
      %swap3A_515 = vector.shape_cast %select_n3A_510 : vector<16xf32> to vector<1x16xf32>
      tpu.vector_store %arg7[%swap3A_511, %swap3A_512], %swap3A_515 {strides = array<i32>} : memref<400x64xf32, #tpu.memory_space<vmem>>, vector<1x16xf32>,
      %slice3A_516 = vector.extract_strided_slice %get3A_98 {offsets = [14], sizes = [1], strides = [1]} : vector<16xi32> to vector<1xi32>
      %squeeze3A_517 = vector.extract %slice3A_516[0] : i32 from vector<1xi32>
      %eq3A_518 = arith.constant 1 : i32
      %eq3A_519 = arith.cmpi eq, %squeeze3A_517, %eq3A_518 : i32
      %add3A_520 = arith.constant 14 : i32
      %add3A_521 = arith.addi %mul3A_100, %add3A_520 : i32
      %select_n3A_522 = arith.select %eq3A_519, %get3A_26, %get3A_6 : vector<16xf32>
      %swap3A_523 = arith.index_cast %add3A_521 : i32 to index
      %swap3A_524 = arith.constant 0 : index
      %swap3A_525 = tpu.vector_load %arg7[%swap3A_523, %swap3A_524] {strides = array<i32>} : memref<400x64xf32, #tpu.memory_space<vmem>>, vector<1x16xf32>,
      %swap3A_526 = vector.shape_cast %swap3A_525 : vector<1x16xf32> to vector<16xf32>
      %swap3A_527 = vector.shape_cast %select_n3A_522 : vector<16xf32> to vector<1x16xf32>
      tpu.vector_store %arg7[%swap3A_523, %swap3A_524], %swap3A_527 {strides = array<i32>} : memref<400x64xf32, #tpu.memory_space<vmem>>, vector<1x16xf32>,
      %select_n3A_528 = arith.select %eq3A_519, %get3A_31, %get3A_11 : vector<16xf32>
      %swap3A_529 = arith.index_cast %add3A_521 : i32 to index
      %swap3A_530 = arith.constant 16 : index
      %swap3A_531 = tpu.vector_load %arg7[%swap3A_529, %swap3A_530] {strides = array<i32>} : memref<400x64xf32, #tpu.memory_space<vmem>>, vector<1x16xf32>,
      %swap3A_532 = vector.shape_cast %swap3A_531 : vector<1x16xf32> to vector<16xf32>
      %swap3A_533 = vector.shape_cast %select_n3A_528 : vector<16xf32> to vector<1x16xf32>
      tpu.vector_store %arg7[%swap3A_529, %swap3A_530], %swap3A_533 {strides = array<i32>} : memref<400x64xf32, #tpu.memory_space<vmem>>, vector<1x16xf32>,
      %select_n3A_534 = arith.select %eq3A_519, %get3A_36, %get3A_16 : vector<16xf32>
      %swap3A_535 = arith.index_cast %add3A_521 : i32 to index
      %swap3A_536 = arith.constant 32 : index
      %swap3A_537 = tpu.vector_load %arg7[%swap3A_535, %swap3A_536] {strides = array<i32>} : memref<400x64xf32, #tpu.memory_space<vmem>>, vector<1x16xf32>,
      %swap3A_538 = vector.shape_cast %swap3A_537 : vector<1x16xf32> to vector<16xf32>
      %swap3A_539 = vector.shape_cast %select_n3A_534 : vector<16xf32> to vector<1x16xf32>
      tpu.vector_store %arg7[%swap3A_535, %swap3A_536], %swap3A_539 {strides = array<i32>} : memref<400x64xf32, #tpu.memory_space<vmem>>, vector<1x16xf32>,
      %select_n3A_540 = arith.select %eq3A_519, %get3A_41, %get3A_21 : vector<16xf32>
      %swap3A_541 = arith.index_cast %add3A_521 : i32 to index
      %swap3A_542 = arith.constant 48 : index
      %swap3A_543 = tpu.vector_load %arg7[%swap3A_541, %swap3A_542] {strides = array<i32>} : memref<400x64xf32, #tpu.memory_space<vmem>>, vector<1x16xf32>,
      %swap3A_544 = vector.shape_cast %swap3A_543 : vector<1x16xf32> to vector<16xf32>
      %swap3A_545 = vector.shape_cast %select_n3A_540 : vector<16xf32> to vector<1x16xf32>
      tpu.vector_store %arg7[%swap3A_541, %swap3A_542], %swap3A_545 {strides = array<i32>} : memref<400x64xf32, #tpu.memory_space<vmem>>, vector<1x16xf32>,
      %slice3A_546 = vector.extract_strided_slice %get3A_98 {offsets = [15], sizes = [1], strides = [1]} : vector<16xi32> to vector<1xi32>
      %squeeze3A_547 = vector.extract %slice3A_546[0] : i32 from vector<1xi32>
      %eq3A_548 = arith.constant 1 : i32
      %eq3A_549 = arith.cmpi eq, %squeeze3A_547, %eq3A_548 : i32
      %add3A_550 = arith.constant 15 : i32
      %add3A_551 = arith.addi %mul3A_100, %add3A_550 : i32
      %select_n3A_552 = arith.select %eq3A_549, %get3A_26, %get3A_6 : vector<16xf32>
      %swap3A_553 = arith.index_cast %add3A_551 : i32 to index
      %swap3A_554 = arith.constant 0 : index
      %swap3A_555 = tpu.vector_load %arg7[%swap3A_553, %swap3A_554] {strides = array<i32>} : memref<400x64xf32, #tpu.memory_space<vmem>>, vector<1x16xf32>,
      %swap3A_556 = vector.shape_cast %swap3A_555 : vector<1x16xf32> to vector<16xf32>
      %swap3A_557 = vector.shape_cast %select_n3A_552 : vector<16xf32> to vector<1x16xf32>
      tpu.vector_store %arg7[%swap3A_553, %swap3A_554], %swap3A_557 {strides = array<i32>} : memref<400x64xf32, #tpu.memory_space<vmem>>, vector<1x16xf32>,
      %select_n3A_558 = arith.select %eq3A_549, %get3A_31, %get3A_11 : vector<16xf32>
      %swap3A_559 = arith.index_cast %add3A_551 : i32 to index
      %swap3A_560 = arith.constant 16 : index
      %swap3A_561 = tpu.vector_load %arg7[%swap3A_559, %swap3A_560] {strides = array<i32>} : memref<400x64xf32, #tpu.memory_space<vmem>>, vector<1x16xf32>,
      %swap3A_562 = vector.shape_cast %swap3A_561 : vector<1x16xf32> to vector<16xf32>
      %swap3A_563 = vector.shape_cast %select_n3A_558 : vector<16xf32> to vector<1x16xf32>
      tpu.vector_store %arg7[%swap3A_559, %swap3A_560], %swap3A_563 {strides = array<i32>} : memref<400x64xf32, #tpu.memory_space<vmem>>, vector<1x16xf32>,
      %select_n3A_564 = arith.select %eq3A_549, %get3A_36, %get3A_16 : vector<16xf32>
      %swap3A_565 = arith.index_cast %add3A_551 : i32 to index
      %swap3A_566 = arith.constant 32 : index
      %swap3A_567 = tpu.vector_load %arg7[%swap3A_565, %swap3A_566] {strides = array<i32>} : memref<400x64xf32, #tpu.memory_space<vmem>>, vector<1x16xf32>,
      %swap3A_568 = vector.shape_cast %swap3A_567 : vector<1x16xf32> to vector<16xf32>
      %swap3A_569 = vector.shape_cast %select_n3A_564 : vector<16xf32> to vector<1x16xf32>
      tpu.vector_store %arg7[%swap3A_565, %swap3A_566], %swap3A_569 {strides = array<i32>} : memref<400x64xf32, #tpu.memory_space<vmem>>, vector<1x16xf32>,
      %select_n3A_570 = arith.select %eq3A_549, %get3A_41, %get3A_21 : vector<16xf32>
      %swap3A_571 = arith.index_cast %add3A_551 : i32 to index
      %swap3A_572 = arith.constant 48 : index
      %swap3A_573 = tpu.vector_load %arg7[%swap3A_571, %swap3A_572] {strides = array<i32>} : memref<400x64xf32, #tpu.memory_space<vmem>>, vector<1x16xf32>,
      %swap3A_574 = vector.shape_cast %swap3A_573 : vector<1x16xf32> to vector<16xf32>
      %swap3A_575 = vector.shape_cast %select_n3A_570 : vector<16xf32> to vector<1x16xf32>
      tpu.vector_store %arg7[%swap3A_571, %swap3A_572], %swap3A_575 {strides = array<i32>} : memref<400x64xf32, #tpu.memory_space<vmem>>, vector<1x16xf32>,
    }
    %scan3A_48 = arith.constant 25 : i32
    %add3A_49 = arith.constant 0 : i32
    %add3A_50 = arith.addi %mul3A_2, %add3A_49 : i32
    %dma_start3A = tpu.memref_reshape %arg4 : memref<16384x200x64xf32, #tpu.memory_space<hbm>> -> memref<3276800x64xf32, #tpu.memory_space<hbm>>
    %dma_start3A_51 = arith.constant 0 : i32
    %dma_start3A_52 = tpu.memref_slice %dma_start3A[%add3A_50, %dma_start3A_51] : memref<3276800x64xf32, #tpu.memory_space<hbm>> -> memref<400x64xf32, #tpu.memory_space<hbm>>
    %dma_start3A_53 = tpu.memref_reshape %arg4 : memref<16384x200x64xf32, #tpu.memory_space<hbm>> -> memref<3276800x64xf32, #tpu.memory_space<hbm>>
    %dma_start3A_54 = arith.constant 0 : i32
    %dma_start3A_55 = tpu.memref_slice %dma_start3A_53[%add3A_50, %dma_start3A_54] : memref<3276800x64xf32, #tpu.memory_space<hbm>> -> memref<400x64xf32, #tpu.memory_space<hbm>>
    tpu.enqueue_dma source(%arg7 : memref<400x64xf32, #tpu.memory_space<vmem>>) target(%dma_start3A_55 : memref<400x64xf32, #tpu.memory_space<hbm>>) target_semaphore(%arg9 : memref<!tpu.dma_semaphore, #tpu.memory_space<semaphore_mem>>)
    %add3A_56 = arith.constant 400 : i32
    %add3A_57 = arith.addi %mul3A_2, %add3A_56 : i32
    "tpu.region"() ({
      %run_scoped3A = tpu.sem_alloc : memref<!tpu.dma_semaphore, #tpu.memory_space<semaphore_mem>>
      %dma_start3A_93 = tpu.memref_slice %arg2[%add3A_57] : memref<3276800xi32, #tpu.memory_space<hbm>> -> memref<400xi32, #tpu.memory_space<hbm>>
      %dma_start3A_94 = tpu.memref_slice %arg2[%add3A_57] : memref<3276800xi32, #tpu.memory_space<hbm>> -> memref<400xi32, #tpu.memory_space<hbm>>
      tpu.enqueue_dma source(%dma_start3A_94 : memref<400xi32, #tpu.memory_space<hbm>>) target(%arg6 : memref<400xi32, #tpu.memory_space<vmem>>) target_semaphore(%run_scoped3A : memref<!tpu.dma_semaphore, #tpu.memory_space<semaphore_mem>>)
      %dma_wait3A_95 = tpu.memref_slice %arg2[%add3A_57] : memref<3276800xi32, #tpu.memory_space<hbm>> -> memref<400xi32, #tpu.memory_space<hbm>>
      %dma_wait3A_96 = tpu.memref_slice %arg2[%add3A_57] : memref<3276800xi32, #tpu.memory_space<hbm>> -> memref<400xi32, #tpu.memory_space<hbm>>
      tpu.wait_dma2 semaphore(%run_scoped3A : memref<!tpu.dma_semaphore, #tpu.memory_space<semaphore_mem>>) src(%dma_wait3A_96 : memref<400xi32, #tpu.memory_space<hbm>>) dst(%arg6 : memref<400xi32, #tpu.memory_space<vmem>>)
      tpu.yield
    }) : () -> ()
    %scan3A_58 = arith.constant 0 : i32
    %scan3A_59 = arith.constant 0 : i32
    %scan3A_60 = arith.constant 25 : i32
    %scan3A_61 = arith.addi %scan3A_59, %scan3A_60 : i32
    %scan3A_62 = arith.constant 1 : i32
    scf.for %scan3A_93 = %scan3A_59 to %scan3A_61 step %scan3A_62  : i32 {
      %mul3A_94 = arith.constant 16 : i32
      %mul3A_95 = arith.muli %scan3A_93, %mul3A_94 : i32
      %get3A_96 = arith.index_cast %mul3A_95 : i32 to index
      %get3A_97 = tpu.vector_load %arg6[%get3A_96] {strides = array<i32>} : memref<400xi32, #tpu.memory_space<vmem>>, vector<16xi32>,
      %get3A_98 = vector.shape_cast %get3A_97 : vector<16xi32> to vector<16xi32>
      %mul3A_99 = arith.constant 16 : i32
      %mul3A_100 = arith.muli %scan3A_93, %mul3A_99 : i32
      %slice3A = vector.extract_strided_slice %get3A_98 {offsets = [0], sizes = [1], strides = [1]} : vector<16xi32> to vector<1xi32>
      %squeeze3A = vector.extract %slice3A[0] : i32 from vector<1xi32>
      %eq3A = arith.constant 1 : i32
      %eq3A_101 = arith.cmpi eq, %squeeze3A, %eq3A : i32
      %add3A_102 = arith.constant 0 : i32
      %add3A_103 = arith.addi %mul3A_100, %add3A_102 : i32
      %select_n3A = arith.select %eq3A_101, %get3A_26, %get3A_6 : vector<16xf32>
      %swap3A = arith.index_cast %add3A_103 : i32 to index
      %swap3A_104 = arith.constant 0 : index
      %swap3A_105 = tpu.vector_load %arg8[%swap3A, %swap3A_104] {strides = array<i32>} : memref<400x64xf32, #tpu.memory_space<vmem>>, vector<1x16xf32>,
      %swap3A_106 = vector.shape_cast %swap3A_105 : vector<1x16xf32> to vector<16xf32>
      %swap3A_107 = vector.shape_cast %select_n3A : vector<16xf32> to vector<1x16xf32>
      tpu.vector_store %arg8[%swap3A, %swap3A_104], %swap3A_107 {strides = array<i32>} : memref<400x64xf32, #tpu.memory_space<vmem>>, vector<1x16xf32>,
      %select_n3A_108 = arith.select %eq3A_101, %get3A_31, %get3A_11 : vector<16xf32>
      %swap3A_109 = arith.index_cast %add3A_103 : i32 to index
      %swap3A_110 = arith.constant 16 : index
      %swap3A_111 = tpu.vector_load %arg8[%swap3A_109, %swap3A_110] {strides = array<i32>} : memref<400x64xf32, #tpu.memory_space<vmem>>, vector<1x16xf32>,
      %swap3A_112 = vector.shape_cast %swap3A_111 : vector<1x16xf32> to vector<16xf32>
      %swap3A_113 = vector.shape_cast %select_n3A_108 : vector<16xf32> to vector<1x16xf32>
      tpu.vector_store %arg8[%swap3A_109, %swap3A_110], %swap3A_113 {strides = array<i32>} : memref<400x64xf32, #tpu.memory_space<vmem>>, vector<1x16xf32>,
      %select_n3A_114 = arith.select %eq3A_101, %get3A_36, %get3A_16 : vector<16xf32>
      %swap3A_115 = arith.index_cast %add3A_103 : i32 to index
      %swap3A_116 = arith.constant 32 : index
      %swap3A_117 = tpu.vector_load %arg8[%swap3A_115, %swap3A_116] {strides = array<i32>} : memref<400x64xf32, #tpu.memory_space<vmem>>, vector<1x16xf32>,
      %swap3A_118 = vector.shape_cast %swap3A_117 : vector<1x16xf32> to vector<16xf32>
      %swap3A_119 = vector.shape_cast %select_n3A_114 : vector<16xf32> to vector<1x16xf32>
      tpu.vector_store %arg8[%swap3A_115, %swap3A_116], %swap3A_119 {strides = array<i32>} : memref<400x64xf32, #tpu.memory_space<vmem>>, vector<1x16xf32>,
      %select_n3A_120 = arith.select %eq3A_101, %get3A_41, %get3A_21 : vector<16xf32>
      %swap3A_121 = arith.index_cast %add3A_103 : i32 to index
      %swap3A_122 = arith.constant 48 : index
      %swap3A_123 = tpu.vector_load %arg8[%swap3A_121, %swap3A_122] {strides = array<i32>} : memref<400x64xf32, #tpu.memory_space<vmem>>, vector<1x16xf32>,
      %swap3A_124 = vector.shape_cast %swap3A_123 : vector<1x16xf32> to vector<16xf32>
      %swap3A_125 = vector.shape_cast %select_n3A_120 : vector<16xf32> to vector<1x16xf32>
      tpu.vector_store %arg8[%swap3A_121, %swap3A_122], %swap3A_125 {strides = array<i32>} : memref<400x64xf32, #tpu.memory_space<vmem>>, vector<1x16xf32>,
      %slice3A_126 = vector.extract_strided_slice %get3A_98 {offsets = [1], sizes = [1], strides = [1]} : vector<16xi32> to vector<1xi32>
      %squeeze3A_127 = vector.extract %slice3A_126[0] : i32 from vector<1xi32>
      %eq3A_128 = arith.constant 1 : i32
      %eq3A_129 = arith.cmpi eq, %squeeze3A_127, %eq3A_128 : i32
      %add3A_130 = arith.constant 1 : i32
      %add3A_131 = arith.addi %mul3A_100, %add3A_130 : i32
      %select_n3A_132 = arith.select %eq3A_129, %get3A_26, %get3A_6 : vector<16xf32>
      %swap3A_133 = arith.index_cast %add3A_131 : i32 to index
      %swap3A_134 = arith.constant 0 : index
      %swap3A_135 = tpu.vector_load %arg8[%swap3A_133, %swap3A_134] {strides = array<i32>} : memref<400x64xf32, #tpu.memory_space<vmem>>, vector<1x16xf32>,
      %swap3A_136 = vector.shape_cast %swap3A_135 : vector<1x16xf32> to vector<16xf32>
      %swap3A_137 = vector.shape_cast %select_n3A_132 : vector<16xf32> to vector<1x16xf32>
      tpu.vector_store %arg8[%swap3A_133, %swap3A_134], %swap3A_137 {strides = array<i32>} : memref<400x64xf32, #tpu.memory_space<vmem>>, vector<1x16xf32>,
      %select_n3A_138 = arith.select %eq3A_129, %get3A_31, %get3A_11 : vector<16xf32>
      %swap3A_139 = arith.index_cast %add3A_131 : i32 to index
      %swap3A_140 = arith.constant 16 : index
      %swap3A_141 = tpu.vector_load %arg8[%swap3A_139, %swap3A_140] {strides = array<i32>} : memref<400x64xf32, #tpu.memory_space<vmem>>, vector<1x16xf32>,
      %swap3A_142 = vector.shape_cast %swap3A_141 : vector<1x16xf32> to vector<16xf32>
      %swap3A_143 = vector.shape_cast %select_n3A_138 : vector<16xf32> to vector<1x16xf32>
      tpu.vector_store %arg8[%swap3A_139, %swap3A_140], %swap3A_143 {strides = array<i32>} : memref<400x64xf32, #tpu.memory_space<vmem>>, vector<1x16xf32>,
      %select_n3A_144 = arith.select %eq3A_129, %get3A_36, %get3A_16 : vector<16xf32>
      %swap3A_145 = arith.index_cast %add3A_131 : i32 to index
      %swap3A_146 = arith.constant 32 : index
      %swap3A_147 = tpu.vector_load %arg8[%swap3A_145, %swap3A_146] {strides = array<i32>} : memref<400x64xf32, #tpu.memory_space<vmem>>, vector<1x16xf32>,
      %swap3A_148 = vector.shape_cast %swap3A_147 : vector<1x16xf32> to vector<16xf32>
      %swap3A_149 = vector.shape_cast %select_n3A_144 : vector<16xf32> to vector<1x16xf32>
      tpu.vector_store %arg8[%swap3A_145, %swap3A_146], %swap3A_149 {strides = array<i32>} : memref<400x64xf32, #tpu.memory_space<vmem>>, vector<1x16xf32>,
      %select_n3A_150 = arith.select %eq3A_129, %get3A_41, %get3A_21 : vector<16xf32>
      %swap3A_151 = arith.index_cast %add3A_131 : i32 to index
      %swap3A_152 = arith.constant 48 : index
      %swap3A_153 = tpu.vector_load %arg8[%swap3A_151, %swap3A_152] {strides = array<i32>} : memref<400x64xf32, #tpu.memory_space<vmem>>, vector<1x16xf32>,
      %swap3A_154 = vector.shape_cast %swap3A_153 : vector<1x16xf32> to vector<16xf32>
      %swap3A_155 = vector.shape_cast %select_n3A_150 : vector<16xf32> to vector<1x16xf32>
      tpu.vector_store %arg8[%swap3A_151, %swap3A_152], %swap3A_155 {strides = array<i32>} : memref<400x64xf32, #tpu.memory_space<vmem>>, vector<1x16xf32>,
      %slice3A_156 = vector.extract_strided_slice %get3A_98 {offsets = [2], sizes = [1], strides = [1]} : vector<16xi32> to vector<1xi32>
      %squeeze3A_157 = vector.extract %slice3A_156[0] : i32 from vector<1xi32>
      %eq3A_158 = arith.constant 1 : i32
      %eq3A_159 = arith.cmpi eq, %squeeze3A_157, %eq3A_158 : i32
      %add3A_160 = arith.constant 2 : i32
      %add3A_161 = arith.addi %mul3A_100, %add3A_160 : i32
      %select_n3A_162 = arith.select %eq3A_159, %get3A_26, %get3A_6 : vector<16xf32>
      %swap3A_163 = arith.index_cast %add3A_161 : i32 to index
      %swap3A_164 = arith.constant 0 : index
      %swap3A_165 = tpu.vector_load %arg8[%swap3A_163, %swap3A_164] {strides = array<i32>} : memref<400x64xf32, #tpu.memory_space<vmem>>, vector<1x16xf32>,
      %swap3A_166 = vector.shape_cast %swap3A_165 : vector<1x16xf32> to vector<16xf32>
      %swap3A_167 = vector.shape_cast %select_n3A_162 : vector<16xf32> to vector<1x16xf32>
      tpu.vector_store %arg8[%swap3A_163, %swap3A_164], %swap3A_167 {strides = array<i32>} : memref<400x64xf32, #tpu.memory_space<vmem>>, vector<1x16xf32>,
      %select_n3A_168 = arith.select %eq3A_159, %get3A_31, %get3A_11 : vector<16xf32>
      %swap3A_169 = arith.index_cast %add3A_161 : i32 to index
      %swap3A_170 = arith.constant 16 : index
      %swap3A_171 = tpu.vector_load %arg8[%swap3A_169, %swap3A_170] {strides = array<i32>} : memref<400x64xf32, #tpu.memory_space<vmem>>, vector<1x16xf32>,
      %swap3A_172 = vector.shape_cast %swap3A_171 : vector<1x16xf32> to vector<16xf32>
      %swap3A_173 = vector.shape_cast %select_n3A_168 : vector<16xf32> to vector<1x16xf32>
      tpu.vector_store %arg8[%swap3A_169, %swap3A_170], %swap3A_173 {strides = array<i32>} : memref<400x64xf32, #tpu.memory_space<vmem>>, vector<1x16xf32>,
      %select_n3A_174 = arith.select %eq3A_159, %get3A_36, %get3A_16 : vector<16xf32>
      %swap3A_175 = arith.index_cast %add3A_161 : i32 to index
      %swap3A_176 = arith.constant 32 : index
      %swap3A_177 = tpu.vector_load %arg8[%swap3A_175, %swap3A_176] {strides = array<i32>} : memref<400x64xf32, #tpu.memory_space<vmem>>, vector<1x16xf32>,
      %swap3A_178 = vector.shape_cast %swap3A_177 : vector<1x16xf32> to vector<16xf32>
      %swap3A_179 = vector.shape_cast %select_n3A_174 : vector<16xf32> to vector<1x16xf32>
      tpu.vector_store %arg8[%swap3A_175, %swap3A_176], %swap3A_179 {strides = array<i32>} : memref<400x64xf32, #tpu.memory_space<vmem>>, vector<1x16xf32>,
      %select_n3A_180 = arith.select %eq3A_159, %get3A_41, %get3A_21 : vector<16xf32>
      %swap3A_181 = arith.index_cast %add3A_161 : i32 to index
      %swap3A_182 = arith.constant 48 : index
      %swap3A_183 = tpu.vector_load %arg8[%swap3A_181, %swap3A_182] {strides = array<i32>} : memref<400x64xf32, #tpu.memory_space<vmem>>, vector<1x16xf32>,
      %swap3A_184 = vector.shape_cast %swap3A_183 : vector<1x16xf32> to vector<16xf32>
      %swap3A_185 = vector.shape_cast %select_n3A_180 : vector<16xf32> to vector<1x16xf32>
      tpu.vector_store %arg8[%swap3A_181, %swap3A_182], %swap3A_185 {strides = array<i32>} : memref<400x64xf32, #tpu.memory_space<vmem>>, vector<1x16xf32>,
      %slice3A_186 = vector.extract_strided_slice %get3A_98 {offsets = [3], sizes = [1], strides = [1]} : vector<16xi32> to vector<1xi32>
      %squeeze3A_187 = vector.extract %slice3A_186[0] : i32 from vector<1xi32>
      %eq3A_188 = arith.constant 1 : i32
      %eq3A_189 = arith.cmpi eq, %squeeze3A_187, %eq3A_188 : i32
      %add3A_190 = arith.constant 3 : i32
      %add3A_191 = arith.addi %mul3A_100, %add3A_190 : i32
      %select_n3A_192 = arith.select %eq3A_189, %get3A_26, %get3A_6 : vector<16xf32>
      %swap3A_193 = arith.index_cast %add3A_191 : i32 to index
      %swap3A_194 = arith.constant 0 : index
      %swap3A_195 = tpu.vector_load %arg8[%swap3A_193, %swap3A_194] {strides = array<i32>} : memref<400x64xf32, #tpu.memory_space<vmem>>, vector<1x16xf32>,
      %swap3A_196 = vector.shape_cast %swap3A_195 : vector<1x16xf32> to vector<16xf32>
      %swap3A_197 = vector.shape_cast %select_n3A_192 : vector<16xf32> to vector<1x16xf32>
      tpu.vector_store %arg8[%swap3A_193, %swap3A_194], %swap3A_197 {strides = array<i32>} : memref<400x64xf32, #tpu.memory_space<vmem>>, vector<1x16xf32>,
      %select_n3A_198 = arith.select %eq3A_189, %get3A_31, %get3A_11 : vector<16xf32>
      %swap3A_199 = arith.index_cast %add3A_191 : i32 to index
      %swap3A_200 = arith.constant 16 : index
      %swap3A_201 = tpu.vector_load %arg8[%swap3A_199, %swap3A_200] {strides = array<i32>} : memref<400x64xf32, #tpu.memory_space<vmem>>, vector<1x16xf32>,
      %swap3A_202 = vector.shape_cast %swap3A_201 : vector<1x16xf32> to vector<16xf32>
      %swap3A_203 = vector.shape_cast %select_n3A_198 : vector<16xf32> to vector<1x16xf32>
      tpu.vector_store %arg8[%swap3A_199, %swap3A_200], %swap3A_203 {strides = array<i32>} : memref<400x64xf32, #tpu.memory_space<vmem>>, vector<1x16xf32>,
      %select_n3A_204 = arith.select %eq3A_189, %get3A_36, %get3A_16 : vector<16xf32>
      %swap3A_205 = arith.index_cast %add3A_191 : i32 to index
      %swap3A_206 = arith.constant 32 : index
      %swap3A_207 = tpu.vector_load %arg8[%swap3A_205, %swap3A_206] {strides = array<i32>} : memref<400x64xf32, #tpu.memory_space<vmem>>, vector<1x16xf32>,
      %swap3A_208 = vector.shape_cast %swap3A_207 : vector<1x16xf32> to vector<16xf32>
      %swap3A_209 = vector.shape_cast %select_n3A_204 : vector<16xf32> to vector<1x16xf32>
      tpu.vector_store %arg8[%swap3A_205, %swap3A_206], %swap3A_209 {strides = array<i32>} : memref<400x64xf32, #tpu.memory_space<vmem>>, vector<1x16xf32>,
      %select_n3A_210 = arith.select %eq3A_189, %get3A_41, %get3A_21 : vector<16xf32>
      %swap3A_211 = arith.index_cast %add3A_191 : i32 to index
      %swap3A_212 = arith.constant 48 : index
      %swap3A_213 = tpu.vector_load %arg8[%swap3A_211, %swap3A_212] {strides = array<i32>} : memref<400x64xf32, #tpu.memory_space<vmem>>, vector<1x16xf32>,
      %swap3A_214 = vector.shape_cast %swap3A_213 : vector<1x16xf32> to vector<16xf32>
      %swap3A_215 = vector.shape_cast %select_n3A_210 : vector<16xf32> to vector<1x16xf32>
      tpu.vector_store %arg8[%swap3A_211, %swap3A_212], %swap3A_215 {strides = array<i32>} : memref<400x64xf32, #tpu.memory_space<vmem>>, vector<1x16xf32>,
      %slice3A_216 = vector.extract_strided_slice %get3A_98 {offsets = [4], sizes = [1], strides = [1]} : vector<16xi32> to vector<1xi32>
      %squeeze3A_217 = vector.extract %slice3A_216[0] : i32 from vector<1xi32>
      %eq3A_218 = arith.constant 1 : i32
      %eq3A_219 = arith.cmpi eq, %squeeze3A_217, %eq3A_218 : i32
      %add3A_220 = arith.constant 4 : i32
      %add3A_221 = arith.addi %mul3A_100, %add3A_220 : i32
      %select_n3A_222 = arith.select %eq3A_219, %get3A_26, %get3A_6 : vector<16xf32>
      %swap3A_223 = arith.index_cast %add3A_221 : i32 to index
      %swap3A_224 = arith.constant 0 : index
      %swap3A_225 = tpu.vector_load %arg8[%swap3A_223, %swap3A_224] {strides = array<i32>} : memref<400x64xf32, #tpu.memory_space<vmem>>, vector<1x16xf32>,
      %swap3A_226 = vector.shape_cast %swap3A_225 : vector<1x16xf32> to vector<16xf32>
      %swap3A_227 = vector.shape_cast %select_n3A_222 : vector<16xf32> to vector<1x16xf32>
      tpu.vector_store %arg8[%swap3A_223, %swap3A_224], %swap3A_227 {strides = array<i32>} : memref<400x64xf32, #tpu.memory_space<vmem>>, vector<1x16xf32>,
      %select_n3A_228 = arith.select %eq3A_219, %get3A_31, %get3A_11 : vector<16xf32>
      %swap3A_229 = arith.index_cast %add3A_221 : i32 to index
      %swap3A_230 = arith.constant 16 : index
      %swap3A_231 = tpu.vector_load %arg8[%swap3A_229, %swap3A_230] {strides = array<i32>} : memref<400x64xf32, #tpu.memory_space<vmem>>, vector<1x16xf32>,
      %swap3A_232 = vector.shape_cast %swap3A_231 : vector<1x16xf32> to vector<16xf32>
      %swap3A_233 = vector.shape_cast %select_n3A_228 : vector<16xf32> to vector<1x16xf32>
      tpu.vector_store %arg8[%swap3A_229, %swap3A_230], %swap3A_233 {strides = array<i32>} : memref<400x64xf32, #tpu.memory_space<vmem>>, vector<1x16xf32>,
      %select_n3A_234 = arith.select %eq3A_219, %get3A_36, %get3A_16 : vector<16xf32>
      %swap3A_235 = arith.index_cast %add3A_221 : i32 to index
      %swap3A_236 = arith.constant 32 : index
      %swap3A_237 = tpu.vector_load %arg8[%swap3A_235, %swap3A_236] {strides = array<i32>} : memref<400x64xf32, #tpu.memory_space<vmem>>, vector<1x16xf32>,
      %swap3A_238 = vector.shape_cast %swap3A_237 : vector<1x16xf32> to vector<16xf32>
      %swap3A_239 = vector.shape_cast %select_n3A_234 : vector<16xf32> to vector<1x16xf32>
      tpu.vector_store %arg8[%swap3A_235, %swap3A_236], %swap3A_239 {strides = array<i32>} : memref<400x64xf32, #tpu.memory_space<vmem>>, vector<1x16xf32>,
      %select_n3A_240 = arith.select %eq3A_219, %get3A_41, %get3A_21 : vector<16xf32>
      %swap3A_241 = arith.index_cast %add3A_221 : i32 to index
      %swap3A_242 = arith.constant 48 : index
      %swap3A_243 = tpu.vector_load %arg8[%swap3A_241, %swap3A_242] {strides = array<i32>} : memref<400x64xf32, #tpu.memory_space<vmem>>, vector<1x16xf32>,
      %swap3A_244 = vector.shape_cast %swap3A_243 : vector<1x16xf32> to vector<16xf32>
      %swap3A_245 = vector.shape_cast %select_n3A_240 : vector<16xf32> to vector<1x16xf32>
      tpu.vector_store %arg8[%swap3A_241, %swap3A_242], %swap3A_245 {strides = array<i32>} : memref<400x64xf32, #tpu.memory_space<vmem>>, vector<1x16xf32>,
      %slice3A_246 = vector.extract_strided_slice %get3A_98 {offsets = [5], sizes = [1], strides = [1]} : vector<16xi32> to vector<1xi32>
      %squeeze3A_247 = vector.extract %slice3A_246[0] : i32 from vector<1xi32>
      %eq3A_248 = arith.constant 1 : i32
      %eq3A_249 = arith.cmpi eq, %squeeze3A_247, %eq3A_248 : i32
      %add3A_250 = arith.constant 5 : i32
      %add3A_251 = arith.addi %mul3A_100, %add3A_250 : i32
      %select_n3A_252 = arith.select %eq3A_249, %get3A_26, %get3A_6 : vector<16xf32>
      %swap3A_253 = arith.index_cast %add3A_251 : i32 to index
      %swap3A_254 = arith.constant 0 : index
      %swap3A_255 = tpu.vector_load %arg8[%swap3A_253, %swap3A_254] {strides = array<i32>} : memref<400x64xf32, #tpu.memory_space<vmem>>, vector<1x16xf32>,
      %swap3A_256 = vector.shape_cast %swap3A_255 : vector<1x16xf32> to vector<16xf32>
      %swap3A_257 = vector.shape_cast %select_n3A_252 : vector<16xf32> to vector<1x16xf32>
      tpu.vector_store %arg8[%swap3A_253, %swap3A_254], %swap3A_257 {strides = array<i32>} : memref<400x64xf32, #tpu.memory_space<vmem>>, vector<1x16xf32>,
      %select_n3A_258 = arith.select %eq3A_249, %get3A_31, %get3A_11 : vector<16xf32>
      %swap3A_259 = arith.index_cast %add3A_251 : i32 to index
      %swap3A_260 = arith.constant 16 : index
      %swap3A_261 = tpu.vector_load %arg8[%swap3A_259, %swap3A_260] {strides = array<i32>} : memref<400x64xf32, #tpu.memory_space<vmem>>, vector<1x16xf32>,
      %swap3A_262 = vector.shape_cast %swap3A_261 : vector<1x16xf32> to vector<16xf32>
      %swap3A_263 = vector.shape_cast %select_n3A_258 : vector<16xf32> to vector<1x16xf32>
      tpu.vector_store %arg8[%swap3A_259, %swap3A_260], %swap3A_263 {strides = array<i32>} : memref<400x64xf32, #tpu.memory_space<vmem>>, vector<1x16xf32>,
      %select_n3A_264 = arith.select %eq3A_249, %get3A_36, %get3A_16 : vector<16xf32>
      %swap3A_265 = arith.index_cast %add3A_251 : i32 to index
      %swap3A_266 = arith.constant 32 : index
      %swap3A_267 = tpu.vector_load %arg8[%swap3A_265, %swap3A_266] {strides = array<i32>} : memref<400x64xf32, #tpu.memory_space<vmem>>, vector<1x16xf32>,
      %swap3A_268 = vector.shape_cast %swap3A_267 : vector<1x16xf32> to vector<16xf32>
      %swap3A_269 = vector.shape_cast %select_n3A_264 : vector<16xf32> to vector<1x16xf32>
      tpu.vector_store %arg8[%swap3A_265, %swap3A_266], %swap3A_269 {strides = array<i32>} : memref<400x64xf32, #tpu.memory_space<vmem>>, vector<1x16xf32>,
      %select_n3A_270 = arith.select %eq3A_249, %get3A_41, %get3A_21 : vector<16xf32>
      %swap3A_271 = arith.index_cast %add3A_251 : i32 to index
      %swap3A_272 = arith.constant 48 : index
      %swap3A_273 = tpu.vector_load %arg8[%swap3A_271, %swap3A_272] {strides = array<i32>} : memref<400x64xf32, #tpu.memory_space<vmem>>, vector<1x16xf32>,
      %swap3A_274 = vector.shape_cast %swap3A_273 : vector<1x16xf32> to vector<16xf32>
      %swap3A_275 = vector.shape_cast %select_n3A_270 : vector<16xf32> to vector<1x16xf32>
      tpu.vector_store %arg8[%swap3A_271, %swap3A_272], %swap3A_275 {strides = array<i32>} : memref<400x64xf32, #tpu.memory_space<vmem>>, vector<1x16xf32>,
      %slice3A_276 = vector.extract_strided_slice %get3A_98 {offsets = [6], sizes = [1], strides = [1]} : vector<16xi32> to vector<1xi32>
      %squeeze3A_277 = vector.extract %slice3A_276[0] : i32 from vector<1xi32>
      %eq3A_278 = arith.constant 1 : i32
      %eq3A_279 = arith.cmpi eq, %squeeze3A_277, %eq3A_278 : i32
      %add3A_280 = arith.constant 6 : i32
      %add3A_281 = arith.addi %mul3A_100, %add3A_280 : i32
      %select_n3A_282 = arith.select %eq3A_279, %get3A_26, %get3A_6 : vector<16xf32>
      %swap3A_283 = arith.index_cast %add3A_281 : i32 to index
      %swap3A_284 = arith.constant 0 : index
      %swap3A_285 = tpu.vector_load %arg8[%swap3A_283, %swap3A_284] {strides = array<i32>} : memref<400x64xf32, #tpu.memory_space<vmem>>, vector<1x16xf32>,
      %swap3A_286 = vector.shape_cast %swap3A_285 : vector<1x16xf32> to vector<16xf32>
      %swap3A_287 = vector.shape_cast %select_n3A_282 : vector<16xf32> to vector<1x16xf32>
      tpu.vector_store %arg8[%swap3A_283, %swap3A_284], %swap3A_287 {strides = array<i32>} : memref<400x64xf32, #tpu.memory_space<vmem>>, vector<1x16xf32>,
      %select_n3A_288 = arith.select %eq3A_279, %get3A_31, %get3A_11 : vector<16xf32>
      %swap3A_289 = arith.index_cast %add3A_281 : i32 to index
      %swap3A_290 = arith.constant 16 : index
      %swap3A_291 = tpu.vector_load %arg8[%swap3A_289, %swap3A_290] {strides = array<i32>} : memref<400x64xf32, #tpu.memory_space<vmem>>, vector<1x16xf32>,
      %swap3A_292 = vector.shape_cast %swap3A_291 : vector<1x16xf32> to vector<16xf32>
      %swap3A_293 = vector.shape_cast %select_n3A_288 : vector<16xf32> to vector<1x16xf32>
      tpu.vector_store %arg8[%swap3A_289, %swap3A_290], %swap3A_293 {strides = array<i32>} : memref<400x64xf32, #tpu.memory_space<vmem>>, vector<1x16xf32>,
      %select_n3A_294 = arith.select %eq3A_279, %get3A_36, %get3A_16 : vector<16xf32>
      %swap3A_295 = arith.index_cast %add3A_281 : i32 to index
      %swap3A_296 = arith.constant 32 : index
      %swap3A_297 = tpu.vector_load %arg8[%swap3A_295, %swap3A_296] {strides = array<i32>} : memref<400x64xf32, #tpu.memory_space<vmem>>, vector<1x16xf32>,
      %swap3A_298 = vector.shape_cast %swap3A_297 : vector<1x16xf32> to vector<16xf32>
      %swap3A_299 = vector.shape_cast %select_n3A_294 : vector<16xf32> to vector<1x16xf32>
      tpu.vector_store %arg8[%swap3A_295, %swap3A_296], %swap3A_299 {strides = array<i32>} : memref<400x64xf32, #tpu.memory_space<vmem>>, vector<1x16xf32>,
      %select_n3A_300 = arith.select %eq3A_279, %get3A_41, %get3A_21 : vector<16xf32>
      %swap3A_301 = arith.index_cast %add3A_281 : i32 to index
      %swap3A_302 = arith.constant 48 : index
      %swap3A_303 = tpu.vector_load %arg8[%swap3A_301, %swap3A_302] {strides = array<i32>} : memref<400x64xf32, #tpu.memory_space<vmem>>, vector<1x16xf32>,
      %swap3A_304 = vector.shape_cast %swap3A_303 : vector<1x16xf32> to vector<16xf32>
      %swap3A_305 = vector.shape_cast %select_n3A_300 : vector<16xf32> to vector<1x16xf32>
      tpu.vector_store %arg8[%swap3A_301, %swap3A_302], %swap3A_305 {strides = array<i32>} : memref<400x64xf32, #tpu.memory_space<vmem>>, vector<1x16xf32>,
      %slice3A_306 = vector.extract_strided_slice %get3A_98 {offsets = [7], sizes = [1], strides = [1]} : vector<16xi32> to vector<1xi32>
      %squeeze3A_307 = vector.extract %slice3A_306[0] : i32 from vector<1xi32>
      %eq3A_308 = arith.constant 1 : i32
      %eq3A_309 = arith.cmpi eq, %squeeze3A_307, %eq3A_308 : i32
      %add3A_310 = arith.constant 7 : i32
      %add3A_311 = arith.addi %mul3A_100, %add3A_310 : i32
      %select_n3A_312 = arith.select %eq3A_309, %get3A_26, %get3A_6 : vector<16xf32>
      %swap3A_313 = arith.index_cast %add3A_311 : i32 to index
      %swap3A_314 = arith.constant 0 : index
      %swap3A_315 = tpu.vector_load %arg8[%swap3A_313, %swap3A_314] {strides = array<i32>} : memref<400x64xf32, #tpu.memory_space<vmem>>, vector<1x16xf32>,
      %swap3A_316 = vector.shape_cast %swap3A_315 : vector<1x16xf32> to vector<16xf32>
      %swap3A_317 = vector.shape_cast %select_n3A_312 : vector<16xf32> to vector<1x16xf32>
      tpu.vector_store %arg8[%swap3A_313, %swap3A_314], %swap3A_317 {strides = array<i32>} : memref<400x64xf32, #tpu.memory_space<vmem>>, vector<1x16xf32>,
      %select_n3A_318 = arith.select %eq3A_309, %get3A_31, %get3A_11 : vector<16xf32>
      %swap3A_319 = arith.index_cast %add3A_311 : i32 to index
      %swap3A_320 = arith.constant 16 : index
      %swap3A_321 = tpu.vector_load %arg8[%swap3A_319, %swap3A_320] {strides = array<i32>} : memref<400x64xf32, #tpu.memory_space<vmem>>, vector<1x16xf32>,
      %swap3A_322 = vector.shape_cast %swap3A_321 : vector<1x16xf32> to vector<16xf32>
      %swap3A_323 = vector.shape_cast %select_n3A_318 : vector<16xf32> to vector<1x16xf32>
      tpu.vector_store %arg8[%swap3A_319, %swap3A_320], %swap3A_323 {strides = array<i32>} : memref<400x64xf32, #tpu.memory_space<vmem>>, vector<1x16xf32>,
      %select_n3A_324 = arith.select %eq3A_309, %get3A_36, %get3A_16 : vector<16xf32>
      %swap3A_325 = arith.index_cast %add3A_311 : i32 to index
      %swap3A_326 = arith.constant 32 : index
      %swap3A_327 = tpu.vector_load %arg8[%swap3A_325, %swap3A_326] {strides = array<i32>} : memref<400x64xf32, #tpu.memory_space<vmem>>, vector<1x16xf32>,
      %swap3A_328 = vector.shape_cast %swap3A_327 : vector<1x16xf32> to vector<16xf32>
      %swap3A_329 = vector.shape_cast %select_n3A_324 : vector<16xf32> to vector<1x16xf32>
      tpu.vector_store %arg8[%swap3A_325, %swap3A_326], %swap3A_329 {strides = array<i32>} : memref<400x64xf32, #tpu.memory_space<vmem>>, vector<1x16xf32>,
      %select_n3A_330 = arith.select %eq3A_309, %get3A_41, %get3A_21 : vector<16xf32>
      %swap3A_331 = arith.index_cast %add3A_311 : i32 to index
      %swap3A_332 = arith.constant 48 : index
      %swap3A_333 = tpu.vector_load %arg8[%swap3A_331, %swap3A_332] {strides = array<i32>} : memref<400x64xf32, #tpu.memory_space<vmem>>, vector<1x16xf32>,
      %swap3A_334 = vector.shape_cast %swap3A_333 : vector<1x16xf32> to vector<16xf32>
      %swap3A_335 = vector.shape_cast %select_n3A_330 : vector<16xf32> to vector<1x16xf32>
      tpu.vector_store %arg8[%swap3A_331, %swap3A_332], %swap3A_335 {strides = array<i32>} : memref<400x64xf32, #tpu.memory_space<vmem>>, vector<1x16xf32>,
      %slice3A_336 = vector.extract_strided_slice %get3A_98 {offsets = [8], sizes = [1], strides = [1]} : vector<16xi32> to vector<1xi32>
      %squeeze3A_337 = vector.extract %slice3A_336[0] : i32 from vector<1xi32>
      %eq3A_338 = arith.constant 1 : i32
      %eq3A_339 = arith.cmpi eq, %squeeze3A_337, %eq3A_338 : i32
      %add3A_340 = arith.constant 8 : i32
      %add3A_341 = arith.addi %mul3A_100, %add3A_340 : i32
      %select_n3A_342 = arith.select %eq3A_339, %get3A_26, %get3A_6 : vector<16xf32>
      %swap3A_343 = arith.index_cast %add3A_341 : i32 to index
      %swap3A_344 = arith.constant 0 : index
      %swap3A_345 = tpu.vector_load %arg8[%swap3A_343, %swap3A_344] {strides = array<i32>} : memref<400x64xf32, #tpu.memory_space<vmem>>, vector<1x16xf32>,
      %swap3A_346 = vector.shape_cast %swap3A_345 : vector<1x16xf32> to vector<16xf32>
      %swap3A_347 = vector.shape_cast %select_n3A_342 : vector<16xf32> to vector<1x16xf32>
      tpu.vector_store %arg8[%swap3A_343, %swap3A_344], %swap3A_347 {strides = array<i32>} : memref<400x64xf32, #tpu.memory_space<vmem>>, vector<1x16xf32>,
      %select_n3A_348 = arith.select %eq3A_339, %get3A_31, %get3A_11 : vector<16xf32>
      %swap3A_349 = arith.index_cast %add3A_341 : i32 to index
      %swap3A_350 = arith.constant 16 : index
      %swap3A_351 = tpu.vector_load %arg8[%swap3A_349, %swap3A_350] {strides = array<i32>} : memref<400x64xf32, #tpu.memory_space<vmem>>, vector<1x16xf32>,
      %swap3A_352 = vector.shape_cast %swap3A_351 : vector<1x16xf32> to vector<16xf32>
      %swap3A_353 = vector.shape_cast %select_n3A_348 : vector<16xf32> to vector<1x16xf32>
      tpu.vector_store %arg8[%swap3A_349, %swap3A_350], %swap3A_353 {strides = array<i32>} : memref<400x64xf32, #tpu.memory_space<vmem>>, vector<1x16xf32>,
      %select_n3A_354 = arith.select %eq3A_339, %get3A_36, %get3A_16 : vector<16xf32>
      %swap3A_355 = arith.index_cast %add3A_341 : i32 to index
      %swap3A_356 = arith.constant 32 : index
      %swap3A_357 = tpu.vector_load %arg8[%swap3A_355, %swap3A_356] {strides = array<i32>} : memref<400x64xf32, #tpu.memory_space<vmem>>, vector<1x16xf32>,
      %swap3A_358 = vector.shape_cast %swap3A_357 : vector<1x16xf32> to vector<16xf32>
      %swap3A_359 = vector.shape_cast %select_n3A_354 : vector<16xf32> to vector<1x16xf32>
      tpu.vector_store %arg8[%swap3A_355, %swap3A_356], %swap3A_359 {strides = array<i32>} : memref<400x64xf32, #tpu.memory_space<vmem>>, vector<1x16xf32>,
      %select_n3A_360 = arith.select %eq3A_339, %get3A_41, %get3A_21 : vector<16xf32>
      %swap3A_361 = arith.index_cast %add3A_341 : i32 to index
      %swap3A_362 = arith.constant 48 : index
      %swap3A_363 = tpu.vector_load %arg8[%swap3A_361, %swap3A_362] {strides = array<i32>} : memref<400x64xf32, #tpu.memory_space<vmem>>, vector<1x16xf32>,
      %swap3A_364 = vector.shape_cast %swap3A_363 : vector<1x16xf32> to vector<16xf32>
      %swap3A_365 = vector.shape_cast %select_n3A_360 : vector<16xf32> to vector<1x16xf32>
      tpu.vector_store %arg8[%swap3A_361, %swap3A_362], %swap3A_365 {strides = array<i32>} : memref<400x64xf32, #tpu.memory_space<vmem>>, vector<1x16xf32>,
      %slice3A_366 = vector.extract_strided_slice %get3A_98 {offsets = [9], sizes = [1], strides = [1]} : vector<16xi32> to vector<1xi32>
      %squeeze3A_367 = vector.extract %slice3A_366[0] : i32 from vector<1xi32>
      %eq3A_368 = arith.constant 1 : i32
      %eq3A_369 = arith.cmpi eq, %squeeze3A_367, %eq3A_368 : i32
      %add3A_370 = arith.constant 9 : i32
      %add3A_371 = arith.addi %mul3A_100, %add3A_370 : i32
      %select_n3A_372 = arith.select %eq3A_369, %get3A_26, %get3A_6 : vector<16xf32>
      %swap3A_373 = arith.index_cast %add3A_371 : i32 to index
      %swap3A_374 = arith.constant 0 : index
      %swap3A_375 = tpu.vector_load %arg8[%swap3A_373, %swap3A_374] {strides = array<i32>} : memref<400x64xf32, #tpu.memory_space<vmem>>, vector<1x16xf32>,
      %swap3A_376 = vector.shape_cast %swap3A_375 : vector<1x16xf32> to vector<16xf32>
      %swap3A_377 = vector.shape_cast %select_n3A_372 : vector<16xf32> to vector<1x16xf32>
      tpu.vector_store %arg8[%swap3A_373, %swap3A_374], %swap3A_377 {strides = array<i32>} : memref<400x64xf32, #tpu.memory_space<vmem>>, vector<1x16xf32>,
      %select_n3A_378 = arith.select %eq3A_369, %get3A_31, %get3A_11 : vector<16xf32>
      %swap3A_379 = arith.index_cast %add3A_371 : i32 to index
      %swap3A_380 = arith.constant 16 : index
      %swap3A_381 = tpu.vector_load %arg8[%swap3A_379, %swap3A_380] {strides = array<i32>} : memref<400x64xf32, #tpu.memory_space<vmem>>, vector<1x16xf32>,
      %swap3A_382 = vector.shape_cast %swap3A_381 : vector<1x16xf32> to vector<16xf32>
      %swap3A_383 = vector.shape_cast %select_n3A_378 : vector<16xf32> to vector<1x16xf32>
      tpu.vector_store %arg8[%swap3A_379, %swap3A_380], %swap3A_383 {strides = array<i32>} : memref<400x64xf32, #tpu.memory_space<vmem>>, vector<1x16xf32>,
      %select_n3A_384 = arith.select %eq3A_369, %get3A_36, %get3A_16 : vector<16xf32>
      %swap3A_385 = arith.index_cast %add3A_371 : i32 to index
      %swap3A_386 = arith.constant 32 : index
      %swap3A_387 = tpu.vector_load %arg8[%swap3A_385, %swap3A_386] {strides = array<i32>} : memref<400x64xf32, #tpu.memory_space<vmem>>, vector<1x16xf32>,
      %swap3A_388 = vector.shape_cast %swap3A_387 : vector<1x16xf32> to vector<16xf32>
      %swap3A_389 = vector.shape_cast %select_n3A_384 : vector<16xf32> to vector<1x16xf32>
      tpu.vector_store %arg8[%swap3A_385, %swap3A_386], %swap3A_389 {strides = array<i32>} : memref<400x64xf32, #tpu.memory_space<vmem>>, vector<1x16xf32>,
      %select_n3A_390 = arith.select %eq3A_369, %get3A_41, %get3A_21 : vector<16xf32>
      %swap3A_391 = arith.index_cast %add3A_371 : i32 to index
      %swap3A_392 = arith.constant 48 : index
      %swap3A_393 = tpu.vector_load %arg8[%swap3A_391, %swap3A_392] {strides = array<i32>} : memref<400x64xf32, #tpu.memory_space<vmem>>, vector<1x16xf32>,
      %swap3A_394 = vector.shape_cast %swap3A_393 : vector<1x16xf32> to vector<16xf32>
      %swap3A_395 = vector.shape_cast %select_n3A_390 : vector<16xf32> to vector<1x16xf32>
      tpu.vector_store %arg8[%swap3A_391, %swap3A_392], %swap3A_395 {strides = array<i32>} : memref<400x64xf32, #tpu.memory_space<vmem>>, vector<1x16xf32>,
      %slice3A_396 = vector.extract_strided_slice %get3A_98 {offsets = [10], sizes = [1], strides = [1]} : vector<16xi32> to vector<1xi32>
      %squeeze3A_397 = vector.extract %slice3A_396[0] : i32 from vector<1xi32>
      %eq3A_398 = arith.constant 1 : i32
      %eq3A_399 = arith.cmpi eq, %squeeze3A_397, %eq3A_398 : i32
      %add3A_400 = arith.constant 10 : i32
      %add3A_401 = arith.addi %mul3A_100, %add3A_400 : i32
      %select_n3A_402 = arith.select %eq3A_399, %get3A_26, %get3A_6 : vector<16xf32>
      %swap3A_403 = arith.index_cast %add3A_401 : i32 to index
      %swap3A_404 = arith.constant 0 : index
      %swap3A_405 = tpu.vector_load %arg8[%swap3A_403, %swap3A_404] {strides = array<i32>} : memref<400x64xf32, #tpu.memory_space<vmem>>, vector<1x16xf32>,
      %swap3A_406 = vector.shape_cast %swap3A_405 : vector<1x16xf32> to vector<16xf32>
      %swap3A_407 = vector.shape_cast %select_n3A_402 : vector<16xf32> to vector<1x16xf32>
      tpu.vector_store %arg8[%swap3A_403, %swap3A_404], %swap3A_407 {strides = array<i32>} : memref<400x64xf32, #tpu.memory_space<vmem>>, vector<1x16xf32>,
      %select_n3A_408 = arith.select %eq3A_399, %get3A_31, %get3A_11 : vector<16xf32>
      %swap3A_409 = arith.index_cast %add3A_401 : i32 to index
      %swap3A_410 = arith.constant 16 : index
      %swap3A_411 = tpu.vector_load %arg8[%swap3A_409, %swap3A_410] {strides = array<i32>} : memref<400x64xf32, #tpu.memory_space<vmem>>, vector<1x16xf32>,
      %swap3A_412 = vector.shape_cast %swap3A_411 : vector<1x16xf32> to vector<16xf32>
      %swap3A_413 = vector.shape_cast %select_n3A_408 : vector<16xf32> to vector<1x16xf32>
      tpu.vector_store %arg8[%swap3A_409, %swap3A_410], %swap3A_413 {strides = array<i32>} : memref<400x64xf32, #tpu.memory_space<vmem>>, vector<1x16xf32>,
      %select_n3A_414 = arith.select %eq3A_399, %get3A_36, %get3A_16 : vector<16xf32>
      %swap3A_415 = arith.index_cast %add3A_401 : i32 to index
      %swap3A_416 = arith.constant 32 : index
      %swap3A_417 = tpu.vector_load %arg8[%swap3A_415, %swap3A_416] {strides = array<i32>} : memref<400x64xf32, #tpu.memory_space<vmem>>, vector<1x16xf32>,
      %swap3A_418 = vector.shape_cast %swap3A_417 : vector<1x16xf32> to vector<16xf32>
      %swap3A_419 = vector.shape_cast %select_n3A_414 : vector<16xf32> to vector<1x16xf32>
      tpu.vector_store %arg8[%swap3A_415, %swap3A_416], %swap3A_419 {strides = array<i32>} : memref<400x64xf32, #tpu.memory_space<vmem>>, vector<1x16xf32>,
      %select_n3A_420 = arith.select %eq3A_399, %get3A_41, %get3A_21 : vector<16xf32>
      %swap3A_421 = arith.index_cast %add3A_401 : i32 to index
      %swap3A_422 = arith.constant 48 : index
      %swap3A_423 = tpu.vector_load %arg8[%swap3A_421, %swap3A_422] {strides = array<i32>} : memref<400x64xf32, #tpu.memory_space<vmem>>, vector<1x16xf32>,
      %swap3A_424 = vector.shape_cast %swap3A_423 : vector<1x16xf32> to vector<16xf32>
      %swap3A_425 = vector.shape_cast %select_n3A_420 : vector<16xf32> to vector<1x16xf32>
      tpu.vector_store %arg8[%swap3A_421, %swap3A_422], %swap3A_425 {strides = array<i32>} : memref<400x64xf32, #tpu.memory_space<vmem>>, vector<1x16xf32>,
      %slice3A_426 = vector.extract_strided_slice %get3A_98 {offsets = [11], sizes = [1], strides = [1]} : vector<16xi32> to vector<1xi32>
      %squeeze3A_427 = vector.extract %slice3A_426[0] : i32 from vector<1xi32>
      %eq3A_428 = arith.constant 1 : i32
      %eq3A_429 = arith.cmpi eq, %squeeze3A_427, %eq3A_428 : i32
      %add3A_430 = arith.constant 11 : i32
      %add3A_431 = arith.addi %mul3A_100, %add3A_430 : i32
      %select_n3A_432 = arith.select %eq3A_429, %get3A_26, %get3A_6 : vector<16xf32>
      %swap3A_433 = arith.index_cast %add3A_431 : i32 to index
      %swap3A_434 = arith.constant 0 : index
      %swap3A_435 = tpu.vector_load %arg8[%swap3A_433, %swap3A_434] {strides = array<i32>} : memref<400x64xf32, #tpu.memory_space<vmem>>, vector<1x16xf32>,
      %swap3A_436 = vector.shape_cast %swap3A_435 : vector<1x16xf32> to vector<16xf32>
      %swap3A_437 = vector.shape_cast %select_n3A_432 : vector<16xf32> to vector<1x16xf32>
      tpu.vector_store %arg8[%swap3A_433, %swap3A_434], %swap3A_437 {strides = array<i32>} : memref<400x64xf32, #tpu.memory_space<vmem>>, vector<1x16xf32>,
      %select_n3A_438 = arith.select %eq3A_429, %get3A_31, %get3A_11 : vector<16xf32>
      %swap3A_439 = arith.index_cast %add3A_431 : i32 to index
      %swap3A_440 = arith.constant 16 : index
      %swap3A_441 = tpu.vector_load %arg8[%swap3A_439, %swap3A_440] {strides = array<i32>} : memref<400x64xf32, #tpu.memory_space<vmem>>, vector<1x16xf32>,
      %swap3A_442 = vector.shape_cast %swap3A_441 : vector<1x16xf32> to vector<16xf32>
      %swap3A_443 = vector.shape_cast %select_n3A_438 : vector<16xf32> to vector<1x16xf32>
      tpu.vector_store %arg8[%swap3A_439, %swap3A_440], %swap3A_443 {strides = array<i32>} : memref<400x64xf32, #tpu.memory_space<vmem>>, vector<1x16xf32>,
      %select_n3A_444 = arith.select %eq3A_429, %get3A_36, %get3A_16 : vector<16xf32>
      %swap3A_445 = arith.index_cast %add3A_431 : i32 to index
      %swap3A_446 = arith.constant 32 : index
      %swap3A_447 = tpu.vector_load %arg8[%swap3A_445, %swap3A_446] {strides = array<i32>} : memref<400x64xf32, #tpu.memory_space<vmem>>, vector<1x16xf32>,
      %swap3A_448 = vector.shape_cast %swap3A_447 : vector<1x16xf32> to vector<16xf32>
      %swap3A_449 = vector.shape_cast %select_n3A_444 : vector<16xf32> to vector<1x16xf32>
      tpu.vector_store %arg8[%swap3A_445, %swap3A_446], %swap3A_449 {strides = array<i32>} : memref<400x64xf32, #tpu.memory_space<vmem>>, vector<1x16xf32>,
      %select_n3A_450 = arith.select %eq3A_429, %get3A_41, %get3A_21 : vector<16xf32>
      %swap3A_451 = arith.index_cast %add3A_431 : i32 to index
      %swap3A_452 = arith.constant 48 : index
      %swap3A_453 = tpu.vector_load %arg8[%swap3A_451, %swap3A_452] {strides = array<i32>} : memref<400x64xf32, #tpu.memory_space<vmem>>, vector<1x16xf32>,
      %swap3A_454 = vector.shape_cast %swap3A_453 : vector<1x16xf32> to vector<16xf32>
      %swap3A_455 = vector.shape_cast %select_n3A_450 : vector<16xf32> to vector<1x16xf32>
      tpu.vector_store %arg8[%swap3A_451, %swap3A_452], %swap3A_455 {strides = array<i32>} : memref<400x64xf32, #tpu.memory_space<vmem>>, vector<1x16xf32>,
      %slice3A_456 = vector.extract_strided_slice %get3A_98 {offsets = [12], sizes = [1], strides = [1]} : vector<16xi32> to vector<1xi32>
      %squeeze3A_457 = vector.extract %slice3A_456[0] : i32 from vector<1xi32>
      %eq3A_458 = arith.constant 1 : i32
      %eq3A_459 = arith.cmpi eq, %squeeze3A_457, %eq3A_458 : i32
      %add3A_460 = arith.constant 12 : i32
      %add3A_461 = arith.addi %mul3A_100, %add3A_460 : i32
      %select_n3A_462 = arith.select %eq3A_459, %get3A_26, %get3A_6 : vector<16xf32>
      %swap3A_463 = arith.index_cast %add3A_461 : i32 to index
      %swap3A_464 = arith.constant 0 : index
      %swap3A_465 = tpu.vector_load %arg8[%swap3A_463, %swap3A_464] {strides = array<i32>} : memref<400x64xf32, #tpu.memory_space<vmem>>, vector<1x16xf32>,
      %swap3A_466 = vector.shape_cast %swap3A_465 : vector<1x16xf32> to vector<16xf32>
      %swap3A_467 = vector.shape_cast %select_n3A_462 : vector<16xf32> to vector<1x16xf32>
      tpu.vector_store %arg8[%swap3A_463, %swap3A_464], %swap3A_467 {strides = array<i32>} : memref<400x64xf32, #tpu.memory_space<vmem>>, vector<1x16xf32>,
      %select_n3A_468 = arith.select %eq3A_459, %get3A_31, %get3A_11 : vector<16xf32>
      %swap3A_469 = arith.index_cast %add3A_461 : i32 to index
      %swap3A_470 = arith.constant 16 : index
      %swap3A_471 = tpu.vector_load %arg8[%swap3A_469, %swap3A_470] {strides = array<i32>} : memref<400x64xf32, #tpu.memory_space<vmem>>, vector<1x16xf32>,
      %swap3A_472 = vector.shape_cast %swap3A_471 : vector<1x16xf32> to vector<16xf32>
      %swap3A_473 = vector.shape_cast %select_n3A_468 : vector<16xf32> to vector<1x16xf32>
      tpu.vector_store %arg8[%swap3A_469, %swap3A_470], %swap3A_473 {strides = array<i32>} : memref<400x64xf32, #tpu.memory_space<vmem>>, vector<1x16xf32>,
      %select_n3A_474 = arith.select %eq3A_459, %get3A_36, %get3A_16 : vector<16xf32>
      %swap3A_475 = arith.index_cast %add3A_461 : i32 to index
      %swap3A_476 = arith.constant 32 : index
      %swap3A_477 = tpu.vector_load %arg8[%swap3A_475, %swap3A_476] {strides = array<i32>} : memref<400x64xf32, #tpu.memory_space<vmem>>, vector<1x16xf32>,
      %swap3A_478 = vector.shape_cast %swap3A_477 : vector<1x16xf32> to vector<16xf32>
      %swap3A_479 = vector.shape_cast %select_n3A_474 : vector<16xf32> to vector<1x16xf32>
      tpu.vector_store %arg8[%swap3A_475, %swap3A_476], %swap3A_479 {strides = array<i32>} : memref<400x64xf32, #tpu.memory_space<vmem>>, vector<1x16xf32>,
      %select_n3A_480 = arith.select %eq3A_459, %get3A_41, %get3A_21 : vector<16xf32>
      %swap3A_481 = arith.index_cast %add3A_461 : i32 to index
      %swap3A_482 = arith.constant 48 : index
      %swap3A_483 = tpu.vector_load %arg8[%swap3A_481, %swap3A_482] {strides = array<i32>} : memref<400x64xf32, #tpu.memory_space<vmem>>, vector<1x16xf32>,
      %swap3A_484 = vector.shape_cast %swap3A_483 : vector<1x16xf32> to vector<16xf32>
      %swap3A_485 = vector.shape_cast %select_n3A_480 : vector<16xf32> to vector<1x16xf32>
      tpu.vector_store %arg8[%swap3A_481, %swap3A_482], %swap3A_485 {strides = array<i32>} : memref<400x64xf32, #tpu.memory_space<vmem>>, vector<1x16xf32>,
      %slice3A_486 = vector.extract_strided_slice %get3A_98 {offsets = [13], sizes = [1], strides = [1]} : vector<16xi32> to vector<1xi32>
      %squeeze3A_487 = vector.extract %slice3A_486[0] : i32 from vector<1xi32>
      %eq3A_488 = arith.constant 1 : i32
      %eq3A_489 = arith.cmpi eq, %squeeze3A_487, %eq3A_488 : i32
      %add3A_490 = arith.constant 13 : i32
      %add3A_491 = arith.addi %mul3A_100, %add3A_490 : i32
      %select_n3A_492 = arith.select %eq3A_489, %get3A_26, %get3A_6 : vector<16xf32>
      %swap3A_493 = arith.index_cast %add3A_491 : i32 to index
      %swap3A_494 = arith.constant 0 : index
      %swap3A_495 = tpu.vector_load %arg8[%swap3A_493, %swap3A_494] {strides = array<i32>} : memref<400x64xf32, #tpu.memory_space<vmem>>, vector<1x16xf32>,
      %swap3A_496 = vector.shape_cast %swap3A_495 : vector<1x16xf32> to vector<16xf32>
      %swap3A_497 = vector.shape_cast %select_n3A_492 : vector<16xf32> to vector<1x16xf32>
      tpu.vector_store %arg8[%swap3A_493, %swap3A_494], %swap3A_497 {strides = array<i32>} : memref<400x64xf32, #tpu.memory_space<vmem>>, vector<1x16xf32>,
      %select_n3A_498 = arith.select %eq3A_489, %get3A_31, %get3A_11 : vector<16xf32>
      %swap3A_499 = arith.index_cast %add3A_491 : i32 to index
      %swap3A_500 = arith.constant 16 : index
      %swap3A_501 = tpu.vector_load %arg8[%swap3A_499, %swap3A_500] {strides = array<i32>} : memref<400x64xf32, #tpu.memory_space<vmem>>, vector<1x16xf32>,
      %swap3A_502 = vector.shape_cast %swap3A_501 : vector<1x16xf32> to vector<16xf32>
      %swap3A_503 = vector.shape_cast %select_n3A_498 : vector<16xf32> to vector<1x16xf32>
      tpu.vector_store %arg8[%swap3A_499, %swap3A_500], %swap3A_503 {strides = array<i32>} : memref<400x64xf32, #tpu.memory_space<vmem>>, vector<1x16xf32>,
      %select_n3A_504 = arith.select %eq3A_489, %get3A_36, %get3A_16 : vector<16xf32>
      %swap3A_505 = arith.index_cast %add3A_491 : i32 to index
      %swap3A_506 = arith.constant 32 : index
      %swap3A_507 = tpu.vector_load %arg8[%swap3A_505, %swap3A_506] {strides = array<i32>} : memref<400x64xf32, #tpu.memory_space<vmem>>, vector<1x16xf32>,
      %swap3A_508 = vector.shape_cast %swap3A_507 : vector<1x16xf32> to vector<16xf32>
      %swap3A_509 = vector.shape_cast %select_n3A_504 : vector<16xf32> to vector<1x16xf32>
      tpu.vector_store %arg8[%swap3A_505, %swap3A_506], %swap3A_509 {strides = array<i32>} : memref<400x64xf32, #tpu.memory_space<vmem>>, vector<1x16xf32>,
      %select_n3A_510 = arith.select %eq3A_489, %get3A_41, %get3A_21 : vector<16xf32>
      %swap3A_511 = arith.index_cast %add3A_491 : i32 to index
      %swap3A_512 = arith.constant 48 : index
      %swap3A_513 = tpu.vector_load %arg8[%swap3A_511, %swap3A_512] {strides = array<i32>} : memref<400x64xf32, #tpu.memory_space<vmem>>, vector<1x16xf32>,
      %swap3A_514 = vector.shape_cast %swap3A_513 : vector<1x16xf32> to vector<16xf32>
      %swap3A_515 = vector.shape_cast %select_n3A_510 : vector<16xf32> to vector<1x16xf32>
      tpu.vector_store %arg8[%swap3A_511, %swap3A_512], %swap3A_515 {strides = array<i32>} : memref<400x64xf32, #tpu.memory_space<vmem>>, vector<1x16xf32>,
      %slice3A_516 = vector.extract_strided_slice %get3A_98 {offsets = [14], sizes = [1], strides = [1]} : vector<16xi32> to vector<1xi32>
      %squeeze3A_517 = vector.extract %slice3A_516[0] : i32 from vector<1xi32>
      %eq3A_518 = arith.constant 1 : i32
      %eq3A_519 = arith.cmpi eq, %squeeze3A_517, %eq3A_518 : i32
      %add3A_520 = arith.constant 14 : i32
      %add3A_521 = arith.addi %mul3A_100, %add3A_520 : i32
      %select_n3A_522 = arith.select %eq3A_519, %get3A_26, %get3A_6 : vector<16xf32>
      %swap3A_523 = arith.index_cast %add3A_521 : i32 to index
      %swap3A_524 = arith.constant 0 : index
      %swap3A_525 = tpu.vector_load %arg8[%swap3A_523, %swap3A_524] {strides = array<i32>} : memref<400x64xf32, #tpu.memory_space<vmem>>, vector<1x16xf32>,
      %swap3A_526 = vector.shape_cast %swap3A_525 : vector<1x16xf32> to vector<16xf32>
      %swap3A_527 = vector.shape_cast %select_n3A_522 : vector<16xf32> to vector<1x16xf32>
      tpu.vector_store %arg8[%swap3A_523, %swap3A_524], %swap3A_527 {strides = array<i32>} : memref<400x64xf32, #tpu.memory_space<vmem>>, vector<1x16xf32>,
      %select_n3A_528 = arith.select %eq3A_519, %get3A_31, %get3A_11 : vector<16xf32>
      %swap3A_529 = arith.index_cast %add3A_521 : i32 to index
      %swap3A_530 = arith.constant 16 : index
      %swap3A_531 = tpu.vector_load %arg8[%swap3A_529, %swap3A_530] {strides = array<i32>} : memref<400x64xf32, #tpu.memory_space<vmem>>, vector<1x16xf32>,
      %swap3A_532 = vector.shape_cast %swap3A_531 : vector<1x16xf32> to vector<16xf32>
      %swap3A_533 = vector.shape_cast %select_n3A_528 : vector<16xf32> to vector<1x16xf32>
      tpu.vector_store %arg8[%swap3A_529, %swap3A_530], %swap3A_533 {strides = array<i32>} : memref<400x64xf32, #tpu.memory_space<vmem>>, vector<1x16xf32>,
      %select_n3A_534 = arith.select %eq3A_519, %get3A_36, %get3A_16 : vector<16xf32>
      %swap3A_535 = arith.index_cast %add3A_521 : i32 to index
      %swap3A_536 = arith.constant 32 : index
      %swap3A_537 = tpu.vector_load %arg8[%swap3A_535, %swap3A_536] {strides = array<i32>} : memref<400x64xf32, #tpu.memory_space<vmem>>, vector<1x16xf32>,
      %swap3A_538 = vector.shape_cast %swap3A_537 : vector<1x16xf32> to vector<16xf32>
      %swap3A_539 = vector.shape_cast %select_n3A_534 : vector<16xf32> to vector<1x16xf32>
      tpu.vector_store %arg8[%swap3A_535, %swap3A_536], %swap3A_539 {strides = array<i32>} : memref<400x64xf32, #tpu.memory_space<vmem>>, vector<1x16xf32>,
      %select_n3A_540 = arith.select %eq3A_519, %get3A_41, %get3A_21 : vector<16xf32>
      %swap3A_541 = arith.index_cast %add3A_521 : i32 to index
      %swap3A_542 = arith.constant 48 : index
      %swap3A_543 = tpu.vector_load %arg8[%swap3A_541, %swap3A_542] {strides = array<i32>} : memref<400x64xf32, #tpu.memory_space<vmem>>, vector<1x16xf32>,
      %swap3A_544 = vector.shape_cast %swap3A_543 : vector<1x16xf32> to vector<16xf32>
      %swap3A_545 = vector.shape_cast %select_n3A_540 : vector<16xf32> to vector<1x16xf32>
      tpu.vector_store %arg8[%swap3A_541, %swap3A_542], %swap3A_545 {strides = array<i32>} : memref<400x64xf32, #tpu.memory_space<vmem>>, vector<1x16xf32>,
      %slice3A_546 = vector.extract_strided_slice %get3A_98 {offsets = [15], sizes = [1], strides = [1]} : vector<16xi32> to vector<1xi32>
      %squeeze3A_547 = vector.extract %slice3A_546[0] : i32 from vector<1xi32>
      %eq3A_548 = arith.constant 1 : i32
      %eq3A_549 = arith.cmpi eq, %squeeze3A_547, %eq3A_548 : i32
      %add3A_550 = arith.constant 15 : i32
      %add3A_551 = arith.addi %mul3A_100, %add3A_550 : i32
      %select_n3A_552 = arith.select %eq3A_549, %get3A_26, %get3A_6 : vector<16xf32>
      %swap3A_553 = arith.index_cast %add3A_551 : i32 to index
      %swap3A_554 = arith.constant 0 : index
      %swap3A_555 = tpu.vector_load %arg8[%swap3A_553, %swap3A_554] {strides = array<i32>} : memref<400x64xf32, #tpu.memory_space<vmem>>, vector<1x16xf32>,
      %swap3A_556 = vector.shape_cast %swap3A_555 : vector<1x16xf32> to vector<16xf32>
      %swap3A_557 = vector.shape_cast %select_n3A_552 : vector<16xf32> to vector<1x16xf32>
      tpu.vector_store %arg8[%swap3A_553, %swap3A_554], %swap3A_557 {strides = array<i32>} : memref<400x64xf32, #tpu.memory_space<vmem>>, vector<1x16xf32>,
      %select_n3A_558 = arith.select %eq3A_549, %get3A_31, %get3A_11 : vector<16xf32>
      %swap3A_559 = arith.index_cast %add3A_551 : i32 to index
      %swap3A_560 = arith.constant 16 : index
      %swap3A_561 = tpu.vector_load %arg8[%swap3A_559, %swap3A_560] {strides = array<i32>} : memref<400x64xf32, #tpu.memory_space<vmem>>, vector<1x16xf32>,
      %swap3A_562 = vector.shape_cast %swap3A_561 : vector<1x16xf32> to vector<16xf32>
      %swap3A_563 = vector.shape_cast %select_n3A_558 : vector<16xf32> to vector<1x16xf32>
      tpu.vector_store %arg8[%swap3A_559, %swap3A_560], %swap3A_563 {strides = array<i32>} : memref<400x64xf32, #tpu.memory_space<vmem>>, vector<1x16xf32>,
      %select_n3A_564 = arith.select %eq3A_549, %get3A_36, %get3A_16 : vector<16xf32>
      %swap3A_565 = arith.index_cast %add3A_551 : i32 to index
      %swap3A_566 = arith.constant 32 : index
      %swap3A_567 = tpu.vector_load %arg8[%swap3A_565, %swap3A_566] {strides = array<i32>} : memref<400x64xf32, #tpu.memory_space<vmem>>, vector<1x16xf32>,
      %swap3A_568 = vector.shape_cast %swap3A_567 : vector<1x16xf32> to vector<16xf32>
      %swap3A_569 = vector.shape_cast %select_n3A_564 : vector<16xf32> to vector<1x16xf32>
      tpu.vector_store %arg8[%swap3A_565, %swap3A_566], %swap3A_569 {strides = array<i32>} : memref<400x64xf32, #tpu.memory_space<vmem>>, vector<1x16xf32>,
      %select_n3A_570 = arith.select %eq3A_549, %get3A_41, %get3A_21 : vector<16xf32>
      %swap3A_571 = arith.index_cast %add3A_551 : i32 to index
      %swap3A_572 = arith.constant 48 : index
      %swap3A_573 = tpu.vector_load %arg8[%swap3A_571, %swap3A_572] {strides = array<i32>} : memref<400x64xf32, #tpu.memory_space<vmem>>, vector<1x16xf32>,
      %swap3A_574 = vector.shape_cast %swap3A_573 : vector<1x16xf32> to vector<16xf32>
      %swap3A_575 = vector.shape_cast %select_n3A_570 : vector<16xf32> to vector<1x16xf32>
      tpu.vector_store %arg8[%swap3A_571, %swap3A_572], %swap3A_575 {strides = array<i32>} : memref<400x64xf32, #tpu.memory_space<vmem>>, vector<1x16xf32>,
    }
    %scan3A_63 = arith.constant 25 : i32
    %add3A_64 = arith.constant 400 : i32
    %add3A_65 = arith.addi %mul3A_2, %add3A_64 : i32
    %dma_start3A_66 = tpu.memref_reshape %arg4 : memref<16384x200x64xf32, #tpu.memory_space<hbm>> -> memref<3276800x64xf32, #tpu.memory_space<hbm>>
    %dma_start3A_67 = arith.constant 0 : i32
    %dma_start3A_68 = tpu.memref_slice %dma_start3A_66[%add3A_65, %dma_start3A_67] : memref<3276800x64xf32, #tpu.memory_space<hbm>> -> memref<400x64xf32, #tpu.memory_space<hbm>>
    %dma_start3A_69 = tpu.memref_reshape %arg4 : memref<16384x200x64xf32, #tpu.memory_space<hbm>> -> memref<3276800x64xf32, #tpu.memory_space<hbm>>
    %dma_start3A_70 = arith.constant 0 : i32
    %dma_start3A_71 = tpu.memref_slice %dma_start3A_69[%add3A_65, %dma_start3A_70] : memref<3276800x64xf32, #tpu.memory_space<hbm>> -> memref<400x64xf32, #tpu.memory_space<hbm>>
    tpu.enqueue_dma source(%arg8 : memref<400x64xf32, #tpu.memory_space<vmem>>) target(%dma_start3A_71 : memref<400x64xf32, #tpu.memory_space<hbm>>) target_semaphore(%arg10 : memref<!tpu.dma_semaphore, #tpu.memory_space<semaphore_mem>>)
    %scan3A_72 = arith.constant 0 : i32
    %scan3A_73 = arith.constant 1 : i32
    %scan3A_74 = arith.constant 127 : i32
    %scan3A_75 = arith.addi %scan3A_73, %scan3A_74 : i32
    %scan3A_76 = arith.constant 1 : i32
    scf.for %scan3A_93 = %scan3A_73 to %scan3A_75 step %scan3A_76  : i32 {
      %mul3A_94 = arith.constant 2 : i32
      %mul3A_95 = arith.muli %mul3A_94, %scan3A_93 : i32
      %add3A_96 = arith.constant 0 : i32
      %add3A_97 = arith.addi %mul3A_95, %add3A_96 : i32
      %mul3A_98 = arith.constant 400 : i32
      %mul3A_99 = arith.muli %add3A_97, %mul3A_98 : i32
      %add3A_100 = arith.addi %mul3A_2, %mul3A_99 : i32
      %dma_wait3A_101 = tpu.memref_reshape %arg4 : memref<16384x200x64xf32, #tpu.memory_space<hbm>> -> memref<3276800x64xf32, #tpu.memory_space<hbm>>
      %dma_wait3A_102 = arith.constant 0 : i32
      %dma_wait3A_103 = tpu.memref_slice %dma_wait3A_101[%add3A_100, %dma_wait3A_102] : memref<3276800x64xf32, #tpu.memory_space<hbm>> -> memref<400x64xf32, #tpu.memory_space<hbm>>
      %dma_wait3A_104 = tpu.memref_reshape %arg4 : memref<16384x200x64xf32, #tpu.memory_space<hbm>> -> memref<3276800x64xf32, #tpu.memory_space<hbm>>
      %dma_wait3A_105 = arith.constant 0 : i32
      %dma_wait3A_106 = tpu.memref_slice %dma_wait3A_104[%add3A_100, %dma_wait3A_105] : memref<3276800x64xf32, #tpu.memory_space<hbm>> -> memref<400x64xf32, #tpu.memory_space<hbm>>
      tpu.wait_dma2 semaphore(%arg9 : memref<!tpu.dma_semaphore, #tpu.memory_space<semaphore_mem>>) src(%arg7 : memref<400x64xf32, #tpu.memory_space<vmem>>) dst(%dma_wait3A_106 : memref<400x64xf32, #tpu.memory_space<hbm>>)
      %mul3A_107 = arith.constant 400 : i32
      %mul3A_108 = arith.muli %add3A_97, %mul3A_107 : i32
      %add3A_109 = arith.addi %mul3A_2, %mul3A_108 : i32
      "tpu.region"() ({
        %run_scoped3A = tpu.sem_alloc : memref<!tpu.dma_semaphore, #tpu.memory_space<semaphore_mem>>
        %dma_start3A_154 = tpu.memref_slice %arg2[%add3A_109] : memref<3276800xi32, #tpu.memory_space<hbm>> -> memref<400xi32, #tpu.memory_space<hbm>>
        %dma_start3A_155 = tpu.memref_slice %arg2[%add3A_109] : memref<3276800xi32, #tpu.memory_space<hbm>> -> memref<400xi32, #tpu.memory_space<hbm>>
        tpu.enqueue_dma source(%dma_start3A_155 : memref<400xi32, #tpu.memory_space<hbm>>) target(%arg6 : memref<400xi32, #tpu.memory_space<vmem>>) target_semaphore(%run_scoped3A : memref<!tpu.dma_semaphore, #tpu.memory_space<semaphore_mem>>)
        %dma_wait3A_156 = tpu.memref_slice %arg2[%add3A_109] : memref<3276800xi32, #tpu.memory_space<hbm>> -> memref<400xi32, #tpu.memory_space<hbm>>
        %dma_wait3A_157 = tpu.memref_slice %arg2[%add3A_109] : memref<3276800xi32, #tpu.memory_space<hbm>> -> memref<400xi32, #tpu.memory_space<hbm>>
        tpu.wait_dma2 semaphore(%run_scoped3A : memref<!tpu.dma_semaphore, #tpu.memory_space<semaphore_mem>>) src(%dma_wait3A_157 : memref<400xi32, #tpu.memory_space<hbm>>) dst(%arg6 : memref<400xi32, #tpu.memory_space<vmem>>)
        tpu.yield
      }) : () -> ()
      %scan3A_110 = arith.constant 0 : i32
      %scan3A_111 = arith.constant 0 : i32
      %scan3A_112 = arith.constant 25 : i32
      %scan3A_113 = arith.addi %scan3A_111, %scan3A_112 : i32
      %scan3A_114 = arith.constant 1 : i32
      scf.for %scan3A_154 = %scan3A_111 to %scan3A_113 step %scan3A_114  : i32 {
        %mul3A_155 = arith.constant 16 : i32
        %mul3A_156 = arith.muli %scan3A_154, %mul3A_155 : i32
        %get3A_157 = arith.index_cast %mul3A_156 : i32 to index
        %get3A_158 = tpu.vector_load %arg6[%get3A_157] {strides = array<i32>} : memref<400xi32, #tpu.memory_space<vmem>>, vector<16xi32>,
        %get3A_159 = vector.shape_cast %get3A_158 : vector<16xi32> to vector<16xi32>
        %mul3A_160 = arith.constant 16 : i32
        %mul3A_161 = arith.muli %scan3A_154, %mul3A_160 : i32
        %slice3A = vector.extract_strided_slice %get3A_159 {offsets = [0], sizes = [1], strides = [1]} : vector<16xi32> to vector<1xi32>
        %squeeze3A = vector.extract %slice3A[0] : i32 from vector<1xi32>
        %eq3A = arith.constant 1 : i32
        %eq3A_162 = arith.cmpi eq, %squeeze3A, %eq3A : i32
        %add3A_163 = arith.constant 0 : i32
        %add3A_164 = arith.addi %mul3A_161, %add3A_163 : i32
        %select_n3A = arith.select %eq3A_162, %get3A_26, %get3A_6 : vector<16xf32>
        %swap3A = arith.index_cast %add3A_164 : i32 to index
        %swap3A_165 = arith.constant 0 : index
        %swap3A_166 = tpu.vector_load %arg7[%swap3A, %swap3A_165] {strides = array<i32>} : memref<400x64xf32, #tpu.memory_space<vmem>>, vector<1x16xf32>,
        %swap3A_167 = vector.shape_cast %swap3A_166 : vector<1x16xf32> to vector<16xf32>
        %swap3A_168 = vector.shape_cast %select_n3A : vector<16xf32> to vector<1x16xf32>
        tpu.vector_store %arg7[%swap3A, %swap3A_165], %swap3A_168 {strides = array<i32>} : memref<400x64xf32, #tpu.memory_space<vmem>>, vector<1x16xf32>,
        %select_n3A_169 = arith.select %eq3A_162, %get3A_31, %get3A_11 : vector<16xf32>
        %swap3A_170 = arith.index_cast %add3A_164 : i32 to index
        %swap3A_171 = arith.constant 16 : index
        %swap3A_172 = tpu.vector_load %arg7[%swap3A_170, %swap3A_171] {strides = array<i32>} : memref<400x64xf32, #tpu.memory_space<vmem>>, vector<1x16xf32>,
        %swap3A_173 = vector.shape_cast %swap3A_172 : vector<1x16xf32> to vector<16xf32>
        %swap3A_174 = vector.shape_cast %select_n3A_169 : vector<16xf32> to vector<1x16xf32>
        tpu.vector_store %arg7[%swap3A_170, %swap3A_171], %swap3A_174 {strides = array<i32>} : memref<400x64xf32, #tpu.memory_space<vmem>>, vector<1x16xf32>,
        %select_n3A_175 = arith.select %eq3A_162, %get3A_36, %get3A_16 : vector<16xf32>
        %swap3A_176 = arith.index_cast %add3A_164 : i32 to index
        %swap3A_177 = arith.constant 32 : index
        %swap3A_178 = tpu.vector_load %arg7[%swap3A_176, %swap3A_177] {strides = array<i32>} : memref<400x64xf32, #tpu.memory_space<vmem>>, vector<1x16xf32>,
        %swap3A_179 = vector.shape_cast %swap3A_178 : vector<1x16xf32> to vector<16xf32>
        %swap3A_180 = vector.shape_cast %select_n3A_175 : vector<16xf32> to vector<1x16xf32>
        tpu.vector_store %arg7[%swap3A_176, %swap3A_177], %swap3A_180 {strides = array<i32>} : memref<400x64xf32, #tpu.memory_space<vmem>>, vector<1x16xf32>,
        %select_n3A_181 = arith.select %eq3A_162, %get3A_41, %get3A_21 : vector<16xf32>
        %swap3A_182 = arith.index_cast %add3A_164 : i32 to index
        %swap3A_183 = arith.constant 48 : index
        %swap3A_184 = tpu.vector_load %arg7[%swap3A_182, %swap3A_183] {strides = array<i32>} : memref<400x64xf32, #tpu.memory_space<vmem>>, vector<1x16xf32>,
        %swap3A_185 = vector.shape_cast %swap3A_184 : vector<1x16xf32> to vector<16xf32>
        %swap3A_186 = vector.shape_cast %select_n3A_181 : vector<16xf32> to vector<1x16xf32>
        tpu.vector_store %arg7[%swap3A_182, %swap3A_183], %swap3A_186 {strides = array<i32>} : memref<400x64xf32, #tpu.memory_space<vmem>>, vector<1x16xf32>,
        %slice3A_187 = vector.extract_strided_slice %get3A_159 {offsets = [1], sizes = [1], strides = [1]} : vector<16xi32> to vector<1xi32>
        %squeeze3A_188 = vector.extract %slice3A_187[0] : i32 from vector<1xi32>
        %eq3A_189 = arith.constant 1 : i32
        %eq3A_190 = arith.cmpi eq, %squeeze3A_188, %eq3A_189 : i32
        %add3A_191 = arith.constant 1 : i32
        %add3A_192 = arith.addi %mul3A_161, %add3A_191 : i32
        %select_n3A_193 = arith.select %eq3A_190, %get3A_26, %get3A_6 : vector<16xf32>
        %swap3A_194 = arith.index_cast %add3A_192 : i32 to index
        %swap3A_195 = arith.constant 0 : index
        %swap3A_196 = tpu.vector_load %arg7[%swap3A_194, %swap3A_195] {strides = array<i32>} : memref<400x64xf32, #tpu.memory_space<vmem>>, vector<1x16xf32>,
        %swap3A_197 = vector.shape_cast %swap3A_196 : vector<1x16xf32> to vector<16xf32>
        %swap3A_198 = vector.shape_cast %select_n3A_193 : vector<16xf32> to vector<1x16xf32>
        tpu.vector_store %arg7[%swap3A_194, %swap3A_195], %swap3A_198 {strides = array<i32>} : memref<400x64xf32, #tpu.memory_space<vmem>>, vector<1x16xf32>,
        %select_n3A_199 = arith.select %eq3A_190, %get3A_31, %get3A_11 : vector<16xf32>
        %swap3A_200 = arith.index_cast %add3A_192 : i32 to index
        %swap3A_201 = arith.constant 16 : index
        %swap3A_202 = tpu.vector_load %arg7[%swap3A_200, %swap3A_201] {strides = array<i32>} : memref<400x64xf32, #tpu.memory_space<vmem>>, vector<1x16xf32>,
        %swap3A_203 = vector.shape_cast %swap3A_202 : vector<1x16xf32> to vector<16xf32>
        %swap3A_204 = vector.shape_cast %select_n3A_199 : vector<16xf32> to vector<1x16xf32>
        tpu.vector_store %arg7[%swap3A_200, %swap3A_201], %swap3A_204 {strides = array<i32>} : memref<400x64xf32, #tpu.memory_space<vmem>>, vector<1x16xf32>,
        %select_n3A_205 = arith.select %eq3A_190, %get3A_36, %get3A_16 : vector<16xf32>
        %swap3A_206 = arith.index_cast %add3A_192 : i32 to index
        %swap3A_207 = arith.constant 32 : index
        %swap3A_208 = tpu.vector_load %arg7[%swap3A_206, %swap3A_207] {strides = array<i32>} : memref<400x64xf32, #tpu.memory_space<vmem>>, vector<1x16xf32>,
        %swap3A_209 = vector.shape_cast %swap3A_208 : vector<1x16xf32> to vector<16xf32>
        %swap3A_210 = vector.shape_cast %select_n3A_205 : vector<16xf32> to vector<1x16xf32>
        tpu.vector_store %arg7[%swap3A_206, %swap3A_207], %swap3A_210 {strides = array<i32>} : memref<400x64xf32, #tpu.memory_space<vmem>>, vector<1x16xf32>,
        %select_n3A_211 = arith.select %eq3A_190, %get3A_41, %get3A_21 : vector<16xf32>
        %swap3A_212 = arith.index_cast %add3A_192 : i32 to index
        %swap3A_213 = arith.constant 48 : index
        %swap3A_214 = tpu.vector_load %arg7[%swap3A_212, %swap3A_213] {strides = array<i32>} : memref<400x64xf32, #tpu.memory_space<vmem>>, vector<1x16xf32>,
        %swap3A_215 = vector.shape_cast %swap3A_214 : vector<1x16xf32> to vector<16xf32>
        %swap3A_216 = vector.shape_cast %select_n3A_211 : vector<16xf32> to vector<1x16xf32>
        tpu.vector_store %arg7[%swap3A_212, %swap3A_213], %swap3A_216 {strides = array<i32>} : memref<400x64xf32, #tpu.memory_space<vmem>>, vector<1x16xf32>,
        %slice3A_217 = vector.extract_strided_slice %get3A_159 {offsets = [2], sizes = [1], strides = [1]} : vector<16xi32> to vector<1xi32>
        %squeeze3A_218 = vector.extract %slice3A_217[0] : i32 from vector<1xi32>
        %eq3A_219 = arith.constant 1 : i32
        %eq3A_220 = arith.cmpi eq, %squeeze3A_218, %eq3A_219 : i32
        %add3A_221 = arith.constant 2 : i32
        %add3A_222 = arith.addi %mul3A_161, %add3A_221 : i32
        %select_n3A_223 = arith.select %eq3A_220, %get3A_26, %get3A_6 : vector<16xf32>
        %swap3A_224 = arith.index_cast %add3A_222 : i32 to index
        %swap3A_225 = arith.constant 0 : index
        %swap3A_226 = tpu.vector_load %arg7[%swap3A_224, %swap3A_225] {strides = array<i32>} : memref<400x64xf32, #tpu.memory_space<vmem>>, vector<1x16xf32>,
        %swap3A_227 = vector.shape_cast %swap3A_226 : vector<1x16xf32> to vector<16xf32>
        %swap3A_228 = vector.shape_cast %select_n3A_223 : vector<16xf32> to vector<1x16xf32>
        tpu.vector_store %arg7[%swap3A_224, %swap3A_225], %swap3A_228 {strides = array<i32>} : memref<400x64xf32, #tpu.memory_space<vmem>>, vector<1x16xf32>,
        %select_n3A_229 = arith.select %eq3A_220, %get3A_31, %get3A_11 : vector<16xf32>
        %swap3A_230 = arith.index_cast %add3A_222 : i32 to index
        %swap3A_231 = arith.constant 16 : index
        %swap3A_232 = tpu.vector_load %arg7[%swap3A_230, %swap3A_231] {strides = array<i32>} : memref<400x64xf32, #tpu.memory_space<vmem>>, vector<1x16xf32>,
        %swap3A_233 = vector.shape_cast %swap3A_232 : vector<1x16xf32> to vector<16xf32>
        %swap3A_234 = vector.shape_cast %select_n3A_229 : vector<16xf32> to vector<1x16xf32>
        tpu.vector_store %arg7[%swap3A_230, %swap3A_231], %swap3A_234 {strides = array<i32>} : memref<400x64xf32, #tpu.memory_space<vmem>>, vector<1x16xf32>,
        %select_n3A_235 = arith.select %eq3A_220, %get3A_36, %get3A_16 : vector<16xf32>
        %swap3A_236 = arith.index_cast %add3A_222 : i32 to index
        %swap3A_237 = arith.constant 32 : index
        %swap3A_238 = tpu.vector_load %arg7[%swap3A_236, %swap3A_237] {strides = array<i32>} : memref<400x64xf32, #tpu.memory_space<vmem>>, vector<1x16xf32>,
        %swap3A_239 = vector.shape_cast %swap3A_238 : vector<1x16xf32> to vector<16xf32>
        %swap3A_240 = vector.shape_cast %select_n3A_235 : vector<16xf32> to vector<1x16xf32>
        tpu.vector_store %arg7[%swap3A_236, %swap3A_237], %swap3A_240 {strides = array<i32>} : memref<400x64xf32, #tpu.memory_space<vmem>>, vector<1x16xf32>,
        %select_n3A_241 = arith.select %eq3A_220, %get3A_41, %get3A_21 : vector<16xf32>
        %swap3A_242 = arith.index_cast %add3A_222 : i32 to index
        %swap3A_243 = arith.constant 48 : index
        %swap3A_244 = tpu.vector_load %arg7[%swap3A_242, %swap3A_243] {strides = array<i32>} : memref<400x64xf32, #tpu.memory_space<vmem>>, vector<1x16xf32>,
        %swap3A_245 = vector.shape_cast %swap3A_244 : vector<1x16xf32> to vector<16xf32>
        %swap3A_246 = vector.shape_cast %select_n3A_241 : vector<16xf32> to vector<1x16xf32>
        tpu.vector_store %arg7[%swap3A_242, %swap3A_243], %swap3A_246 {strides = array<i32>} : memref<400x64xf32, #tpu.memory_space<vmem>>, vector<1x16xf32>,
        %slice3A_247 = vector.extract_strided_slice %get3A_159 {offsets = [3], sizes = [1], strides = [1]} : vector<16xi32> to vector<1xi32>
        %squeeze3A_248 = vector.extract %slice3A_247[0] : i32 from vector<1xi32>
        %eq3A_249 = arith.constant 1 : i32
        %eq3A_250 = arith.cmpi eq, %squeeze3A_248, %eq3A_249 : i32
        %add3A_251 = arith.constant 3 : i32
        %add3A_252 = arith.addi %mul3A_161, %add3A_251 : i32
        %select_n3A_253 = arith.select %eq3A_250, %get3A_26, %get3A_6 : vector<16xf32>
        %swap3A_254 = arith.index_cast %add3A_252 : i32 to index
        %swap3A_255 = arith.constant 0 : index
        %swap3A_256 = tpu.vector_load %arg7[%swap3A_254, %swap3A_255] {strides = array<i32>} : memref<400x64xf32, #tpu.memory_space<vmem>>, vector<1x16xf32>,
        %swap3A_257 = vector.shape_cast %swap3A_256 : vector<1x16xf32> to vector<16xf32>
        %swap3A_258 = vector.shape_cast %select_n3A_253 : vector<16xf32> to vector<1x16xf32>
        tpu.vector_store %arg7[%swap3A_254, %swap3A_255], %swap3A_258 {strides = array<i32>} : memref<400x64xf32, #tpu.memory_space<vmem>>, vector<1x16xf32>,
        %select_n3A_259 = arith.select %eq3A_250, %get3A_31, %get3A_11 : vector<16xf32>
        %swap3A_260 = arith.index_cast %add3A_252 : i32 to index
        %swap3A_261 = arith.constant 16 : index
        %swap3A_262 = tpu.vector_load %arg7[%swap3A_260, %swap3A_261] {strides = array<i32>} : memref<400x64xf32, #tpu.memory_space<vmem>>, vector<1x16xf32>,
        %swap3A_263 = vector.shape_cast %swap3A_262 : vector<1x16xf32> to vector<16xf32>
        %swap3A_264 = vector.shape_cast %select_n3A_259 : vector<16xf32> to vector<1x16xf32>
        tpu.vector_store %arg7[%swap3A_260, %swap3A_261], %swap3A_264 {strides = array<i32>} : memref<400x64xf32, #tpu.memory_space<vmem>>, vector<1x16xf32>,
        %select_n3A_265 = arith.select %eq3A_250, %get3A_36, %get3A_16 : vector<16xf32>
        %swap3A_266 = arith.index_cast %add3A_252 : i32 to index
        %swap3A_267 = arith.constant 32 : index
        %swap3A_268 = tpu.vector_load %arg7[%swap3A_266, %swap3A_267] {strides = array<i32>} : memref<400x64xf32, #tpu.memory_space<vmem>>, vector<1x16xf32>,
        %swap3A_269 = vector.shape_cast %swap3A_268 : vector<1x16xf32> to vector<16xf32>
        %swap3A_270 = vector.shape_cast %select_n3A_265 : vector<16xf32> to vector<1x16xf32>
        tpu.vector_store %arg7[%swap3A_266, %swap3A_267], %swap3A_270 {strides = array<i32>} : memref<400x64xf32, #tpu.memory_space<vmem>>, vector<1x16xf32>,
        %select_n3A_271 = arith.select %eq3A_250, %get3A_41, %get3A_21 : vector<16xf32>
        %swap3A_272 = arith.index_cast %add3A_252 : i32 to index
        %swap3A_273 = arith.constant 48 : index
        %swap3A_274 = tpu.vector_load %arg7[%swap3A_272, %swap3A_273] {strides = array<i32>} : memref<400x64xf32, #tpu.memory_space<vmem>>, vector<1x16xf32>,
        %swap3A_275 = vector.shape_cast %swap3A_274 : vector<1x16xf32> to vector<16xf32>
        %swap3A_276 = vector.shape_cast %select_n3A_271 : vector<16xf32> to vector<1x16xf32>
        tpu.vector_store %arg7[%swap3A_272, %swap3A_273], %swap3A_276 {strides = array<i32>} : memref<400x64xf32, #tpu.memory_space<vmem>>, vector<1x16xf32>,
        %slice3A_277 = vector.extract_strided_slice %get3A_159 {offsets = [4], sizes = [1], strides = [1]} : vector<16xi32> to vector<1xi32>
        %squeeze3A_278 = vector.extract %slice3A_277[0] : i32 from vector<1xi32>
        %eq3A_279 = arith.constant 1 : i32
        %eq3A_280 = arith.cmpi eq, %squeeze3A_278, %eq3A_279 : i32
        %add3A_281 = arith.constant 4 : i32
        %add3A_282 = arith.addi %mul3A_161, %add3A_281 : i32
        %select_n3A_283 = arith.select %eq3A_280, %get3A_26, %get3A_6 : vector<16xf32>
        %swap3A_284 = arith.index_cast %add3A_282 : i32 to index
        %swap3A_285 = arith.constant 0 : index
        %swap3A_286 = tpu.vector_load %arg7[%swap3A_284, %swap3A_285] {strides = array<i32>} : memref<400x64xf32, #tpu.memory_space<vmem>>, vector<1x16xf32>,
        %swap3A_287 = vector.shape_cast %swap3A_286 : vector<1x16xf32> to vector<16xf32>
        %swap3A_288 = vector.shape_cast %select_n3A_283 : vector<16xf32> to vector<1x16xf32>
        tpu.vector_store %arg7[%swap3A_284, %swap3A_285], %swap3A_288 {strides = array<i32>} : memref<400x64xf32, #tpu.memory_space<vmem>>, vector<1x16xf32>,
        %select_n3A_289 = arith.select %eq3A_280, %get3A_31, %get3A_11 : vector<16xf32>
        %swap3A_290 = arith.index_cast %add3A_282 : i32 to index
        %swap3A_291 = arith.constant 16 : index
        %swap3A_292 = tpu.vector_load %arg7[%swap3A_290, %swap3A_291] {strides = array<i32>} : memref<400x64xf32, #tpu.memory_space<vmem>>, vector<1x16xf32>,
        %swap3A_293 = vector.shape_cast %swap3A_292 : vector<1x16xf32> to vector<16xf32>
        %swap3A_294 = vector.shape_cast %select_n3A_289 : vector<16xf32> to vector<1x16xf32>
        tpu.vector_store %arg7[%swap3A_290, %swap3A_291], %swap3A_294 {strides = array<i32>} : memref<400x64xf32, #tpu.memory_space<vmem>>, vector<1x16xf32>,
        %select_n3A_295 = arith.select %eq3A_280, %get3A_36, %get3A_16 : vector<16xf32>
        %swap3A_296 = arith.index_cast %add3A_282 : i32 to index
        %swap3A_297 = arith.constant 32 : index
        %swap3A_298 = tpu.vector_load %arg7[%swap3A_296, %swap3A_297] {strides = array<i32>} : memref<400x64xf32, #tpu.memory_space<vmem>>, vector<1x16xf32>,
        %swap3A_299 = vector.shape_cast %swap3A_298 : vector<1x16xf32> to vector<16xf32>
        %swap3A_300 = vector.shape_cast %select_n3A_295 : vector<16xf32> to vector<1x16xf32>
        tpu.vector_store %arg7[%swap3A_296, %swap3A_297], %swap3A_300 {strides = array<i32>} : memref<400x64xf32, #tpu.memory_space<vmem>>, vector<1x16xf32>,
        %select_n3A_301 = arith.select %eq3A_280, %get3A_41, %get3A_21 : vector<16xf32>
        %swap3A_302 = arith.index_cast %add3A_282 : i32 to index
        %swap3A_303 = arith.constant 48 : index
        %swap3A_304 = tpu.vector_load %arg7[%swap3A_302, %swap3A_303] {strides = array<i32>} : memref<400x64xf32, #tpu.memory_space<vmem>>, vector<1x16xf32>,
        %swap3A_305 = vector.shape_cast %swap3A_304 : vector<1x16xf32> to vector<16xf32>
        %swap3A_306 = vector.shape_cast %select_n3A_301 : vector<16xf32> to vector<1x16xf32>
        tpu.vector_store %arg7[%swap3A_302, %swap3A_303], %swap3A_306 {strides = array<i32>} : memref<400x64xf32, #tpu.memory_space<vmem>>, vector<1x16xf32>,
        %slice3A_307 = vector.extract_strided_slice %get3A_159 {offsets = [5], sizes = [1], strides = [1]} : vector<16xi32> to vector<1xi32>
        %squeeze3A_308 = vector.extract %slice3A_307[0] : i32 from vector<1xi32>
        %eq3A_309 = arith.constant 1 : i32
        %eq3A_310 = arith.cmpi eq, %squeeze3A_308, %eq3A_309 : i32
        %add3A_311 = arith.constant 5 : i32
        %add3A_312 = arith.addi %mul3A_161, %add3A_311 : i32
        %select_n3A_313 = arith.select %eq3A_310, %get3A_26, %get3A_6 : vector<16xf32>
        %swap3A_314 = arith.index_cast %add3A_312 : i32 to index
        %swap3A_315 = arith.constant 0 : index
        %swap3A_316 = tpu.vector_load %arg7[%swap3A_314, %swap3A_315] {strides = array<i32>} : memref<400x64xf32, #tpu.memory_space<vmem>>, vector<1x16xf32>,
        %swap3A_317 = vector.shape_cast %swap3A_316 : vector<1x16xf32> to vector<16xf32>
        %swap3A_318 = vector.shape_cast %select_n3A_313 : vector<16xf32> to vector<1x16xf32>
        tpu.vector_store %arg7[%swap3A_314, %swap3A_315], %swap3A_318 {strides = array<i32>} : memref<400x64xf32, #tpu.memory_space<vmem>>, vector<1x16xf32>,
        %select_n3A_319 = arith.select %eq3A_310, %get3A_31, %get3A_11 : vector<16xf32>
        %swap3A_320 = arith.index_cast %add3A_312 : i32 to index
        %swap3A_321 = arith.constant 16 : index
        %swap3A_322 = tpu.vector_load %arg7[%swap3A_320, %swap3A_321] {strides = array<i32>} : memref<400x64xf32, #tpu.memory_space<vmem>>, vector<1x16xf32>,
        %swap3A_323 = vector.shape_cast %swap3A_322 : vector<1x16xf32> to vector<16xf32>
        %swap3A_324 = vector.shape_cast %select_n3A_319 : vector<16xf32> to vector<1x16xf32>
        tpu.vector_store %arg7[%swap3A_320, %swap3A_321], %swap3A_324 {strides = array<i32>} : memref<400x64xf32, #tpu.memory_space<vmem>>, vector<1x16xf32>,
        %select_n3A_325 = arith.select %eq3A_310, %get3A_36, %get3A_16 : vector<16xf32>
        %swap3A_326 = arith.index_cast %add3A_312 : i32 to index
        %swap3A_327 = arith.constant 32 : index
        %swap3A_328 = tpu.vector_load %arg7[%swap3A_326, %swap3A_327] {strides = array<i32>} : memref<400x64xf32, #tpu.memory_space<vmem>>, vector<1x16xf32>,
        %swap3A_329 = vector.shape_cast %swap3A_328 : vector<1x16xf32> to vector<16xf32>
        %swap3A_330 = vector.shape_cast %select_n3A_325 : vector<16xf32> to vector<1x16xf32>
        tpu.vector_store %arg7[%swap3A_326, %swap3A_327], %swap3A_330 {strides = array<i32>} : memref<400x64xf32, #tpu.memory_space<vmem>>, vector<1x16xf32>,
        %select_n3A_331 = arith.select %eq3A_310, %get3A_41, %get3A_21 : vector<16xf32>
        %swap3A_332 = arith.index_cast %add3A_312 : i32 to index
        %swap3A_333 = arith.constant 48 : index
        %swap3A_334 = tpu.vector_load %arg7[%swap3A_332, %swap3A_333] {strides = array<i32>} : memref<400x64xf32, #tpu.memory_space<vmem>>, vector<1x16xf32>,
        %swap3A_335 = vector.shape_cast %swap3A_334 : vector<1x16xf32> to vector<16xf32>
        %swap3A_336 = vector.shape_cast %select_n3A_331 : vector<16xf32> to vector<1x16xf32>
        tpu.vector_store %arg7[%swap3A_332, %swap3A_333], %swap3A_336 {strides = array<i32>} : memref<400x64xf32, #tpu.memory_space<vmem>>, vector<1x16xf32>,
        %slice3A_337 = vector.extract_strided_slice %get3A_159 {offsets = [6], sizes = [1], strides = [1]} : vector<16xi32> to vector<1xi32>
        %squeeze3A_338 = vector.extract %slice3A_337[0] : i32 from vector<1xi32>
        %eq3A_339 = arith.constant 1 : i32
        %eq3A_340 = arith.cmpi eq, %squeeze3A_338, %eq3A_339 : i32
        %add3A_341 = arith.constant 6 : i32
        %add3A_342 = arith.addi %mul3A_161, %add3A_341 : i32
        %select_n3A_343 = arith.select %eq3A_340, %get3A_26, %get3A_6 : vector<16xf32>
        %swap3A_344 = arith.index_cast %add3A_342 : i32 to index
        %swap3A_345 = arith.constant 0 : index
        %swap3A_346 = tpu.vector_load %arg7[%swap3A_344, %swap3A_345] {strides = array<i32>} : memref<400x64xf32, #tpu.memory_space<vmem>>, vector<1x16xf32>,
        %swap3A_347 = vector.shape_cast %swap3A_346 : vector<1x16xf32> to vector<16xf32>
        %swap3A_348 = vector.shape_cast %select_n3A_343 : vector<16xf32> to vector<1x16xf32>
        tpu.vector_store %arg7[%swap3A_344, %swap3A_345], %swap3A_348 {strides = array<i32>} : memref<400x64xf32, #tpu.memory_space<vmem>>, vector<1x16xf32>,
        %select_n3A_349 = arith.select %eq3A_340, %get3A_31, %get3A_11 : vector<16xf32>
        %swap3A_350 = arith.index_cast %add3A_342 : i32 to index
        %swap3A_351 = arith.constant 16 : index
        %swap3A_352 = tpu.vector_load %arg7[%swap3A_350, %swap3A_351] {strides = array<i32>} : memref<400x64xf32, #tpu.memory_space<vmem>>, vector<1x16xf32>,
        %swap3A_353 = vector.shape_cast %swap3A_352 : vector<1x16xf32> to vector<16xf32>
        %swap3A_354 = vector.shape_cast %select_n3A_349 : vector<16xf32> to vector<1x16xf32>
        tpu.vector_store %arg7[%swap3A_350, %swap3A_351], %swap3A_354 {strides = array<i32>} : memref<400x64xf32, #tpu.memory_space<vmem>>, vector<1x16xf32>,
        %select_n3A_355 = arith.select %eq3A_340, %get3A_36, %get3A_16 : vector<16xf32>
        %swap3A_356 = arith.index_cast %add3A_342 : i32 to index
        %swap3A_357 = arith.constant 32 : index
        %swap3A_358 = tpu.vector_load %arg7[%swap3A_356, %swap3A_357] {strides = array<i32>} : memref<400x64xf32, #tpu.memory_space<vmem>>, vector<1x16xf32>,
        %swap3A_359 = vector.shape_cast %swap3A_358 : vector<1x16xf32> to vector<16xf32>
        %swap3A_360 = vector.shape_cast %select_n3A_355 : vector<16xf32> to vector<1x16xf32>
        tpu.vector_store %arg7[%swap3A_356, %swap3A_357], %swap3A_360 {strides = array<i32>} : memref<400x64xf32, #tpu.memory_space<vmem>>, vector<1x16xf32>,
        %select_n3A_361 = arith.select %eq3A_340, %get3A_41, %get3A_21 : vector<16xf32>
        %swap3A_362 = arith.index_cast %add3A_342 : i32 to index
        %swap3A_363 = arith.constant 48 : index
        %swap3A_364 = tpu.vector_load %arg7[%swap3A_362, %swap3A_363] {strides = array<i32>} : memref<400x64xf32, #tpu.memory_space<vmem>>, vector<1x16xf32>,
        %swap3A_365 = vector.shape_cast %swap3A_364 : vector<1x16xf32> to vector<16xf32>
        %swap3A_366 = vector.shape_cast %select_n3A_361 : vector<16xf32> to vector<1x16xf32>
        tpu.vector_store %arg7[%swap3A_362, %swap3A_363], %swap3A_366 {strides = array<i32>} : memref<400x64xf32, #tpu.memory_space<vmem>>, vector<1x16xf32>,
        %slice3A_367 = vector.extract_strided_slice %get3A_159 {offsets = [7], sizes = [1], strides = [1]} : vector<16xi32> to vector<1xi32>
        %squeeze3A_368 = vector.extract %slice3A_367[0] : i32 from vector<1xi32>
        %eq3A_369 = arith.constant 1 : i32
        %eq3A_370 = arith.cmpi eq, %squeeze3A_368, %eq3A_369 : i32
        %add3A_371 = arith.constant 7 : i32
        %add3A_372 = arith.addi %mul3A_161, %add3A_371 : i32
        %select_n3A_373 = arith.select %eq3A_370, %get3A_26, %get3A_6 : vector<16xf32>
        %swap3A_374 = arith.index_cast %add3A_372 : i32 to index
        %swap3A_375 = arith.constant 0 : index
        %swap3A_376 = tpu.vector_load %arg7[%swap3A_374, %swap3A_375] {strides = array<i32>} : memref<400x64xf32, #tpu.memory_space<vmem>>, vector<1x16xf32>,
        %swap3A_377 = vector.shape_cast %swap3A_376 : vector<1x16xf32> to vector<16xf32>
        %swap3A_378 = vector.shape_cast %select_n3A_373 : vector<16xf32> to vector<1x16xf32>
        tpu.vector_store %arg7[%swap3A_374, %swap3A_375], %swap3A_378 {strides = array<i32>} : memref<400x64xf32, #tpu.memory_space<vmem>>, vector<1x16xf32>,
        %select_n3A_379 = arith.select %eq3A_370, %get3A_31, %get3A_11 : vector<16xf32>
        %swap3A_380 = arith.index_cast %add3A_372 : i32 to index
        %swap3A_381 = arith.constant 16 : index
        %swap3A_382 = tpu.vector_load %arg7[%swap3A_380, %swap3A_381] {strides = array<i32>} : memref<400x64xf32, #tpu.memory_space<vmem>>, vector<1x16xf32>,
        %swap3A_383 = vector.shape_cast %swap3A_382 : vector<1x16xf32> to vector<16xf32>
        %swap3A_384 = vector.shape_cast %select_n3A_379 : vector<16xf32> to vector<1x16xf32>
        tpu.vector_store %arg7[%swap3A_380, %swap3A_381], %swap3A_384 {strides = array<i32>} : memref<400x64xf32, #tpu.memory_space<vmem>>, vector<1x16xf32>,
        %select_n3A_385 = arith.select %eq3A_370, %get3A_36, %get3A_16 : vector<16xf32>
        %swap3A_386 = arith.index_cast %add3A_372 : i32 to index
        %swap3A_387 = arith.constant 32 : index
        %swap3A_388 = tpu.vector_load %arg7[%swap3A_386, %swap3A_387] {strides = array<i32>} : memref<400x64xf32, #tpu.memory_space<vmem>>, vector<1x16xf32>,
        %swap3A_389 = vector.shape_cast %swap3A_388 : vector<1x16xf32> to vector<16xf32>
        %swap3A_390 = vector.shape_cast %select_n3A_385 : vector<16xf32> to vector<1x16xf32>
        tpu.vector_store %arg7[%swap3A_386, %swap3A_387], %swap3A_390 {strides = array<i32>} : memref<400x64xf32, #tpu.memory_space<vmem>>, vector<1x16xf32>,
        %select_n3A_391 = arith.select %eq3A_370, %get3A_41, %get3A_21 : vector<16xf32>
        %swap3A_392 = arith.index_cast %add3A_372 : i32 to index
        %swap3A_393 = arith.constant 48 : index
        %swap3A_394 = tpu.vector_load %arg7[%swap3A_392, %swap3A_393] {strides = array<i32>} : memref<400x64xf32, #tpu.memory_space<vmem>>, vector<1x16xf32>,
        %swap3A_395 = vector.shape_cast %swap3A_394 : vector<1x16xf32> to vector<16xf32>
        %swap3A_396 = vector.shape_cast %select_n3A_391 : vector<16xf32> to vector<1x16xf32>
        tpu.vector_store %arg7[%swap3A_392, %swap3A_393], %swap3A_396 {strides = array<i32>} : memref<400x64xf32, #tpu.memory_space<vmem>>, vector<1x16xf32>,
        %slice3A_397 = vector.extract_strided_slice %get3A_159 {offsets = [8], sizes = [1], strides = [1]} : vector<16xi32> to vector<1xi32>
        %squeeze3A_398 = vector.extract %slice3A_397[0] : i32 from vector<1xi32>
        %eq3A_399 = arith.constant 1 : i32
        %eq3A_400 = arith.cmpi eq, %squeeze3A_398, %eq3A_399 : i32
        %add3A_401 = arith.constant 8 : i32
        %add3A_402 = arith.addi %mul3A_161, %add3A_401 : i32
        %select_n3A_403 = arith.select %eq3A_400, %get3A_26, %get3A_6 : vector<16xf32>
        %swap3A_404 = arith.index_cast %add3A_402 : i32 to index
        %swap3A_405 = arith.constant 0 : index
        %swap3A_406 = tpu.vector_load %arg7[%swap3A_404, %swap3A_405] {strides = array<i32>} : memref<400x64xf32, #tpu.memory_space<vmem>>, vector<1x16xf32>,
        %swap3A_407 = vector.shape_cast %swap3A_406 : vector<1x16xf32> to vector<16xf32>
        %swap3A_408 = vector.shape_cast %select_n3A_403 : vector<16xf32> to vector<1x16xf32>
        tpu.vector_store %arg7[%swap3A_404, %swap3A_405], %swap3A_408 {strides = array<i32>} : memref<400x64xf32, #tpu.memory_space<vmem>>, vector<1x16xf32>,
        %select_n3A_409 = arith.select %eq3A_400, %get3A_31, %get3A_11 : vector<16xf32>
        %swap3A_410 = arith.index_cast %add3A_402 : i32 to index
        %swap3A_411 = arith.constant 16 : index
        %swap3A_412 = tpu.vector_load %arg7[%swap3A_410, %swap3A_411] {strides = array<i32>} : memref<400x64xf32, #tpu.memory_space<vmem>>, vector<1x16xf32>,
        %swap3A_413 = vector.shape_cast %swap3A_412 : vector<1x16xf32> to vector<16xf32>
        %swap3A_414 = vector.shape_cast %select_n3A_409 : vector<16xf32> to vector<1x16xf32>
        tpu.vector_store %arg7[%swap3A_410, %swap3A_411], %swap3A_414 {strides = array<i32>} : memref<400x64xf32, #tpu.memory_space<vmem>>, vector<1x16xf32>,
        %select_n3A_415 = arith.select %eq3A_400, %get3A_36, %get3A_16 : vector<16xf32>
        %swap3A_416 = arith.index_cast %add3A_402 : i32 to index
        %swap3A_417 = arith.constant 32 : index
        %swap3A_418 = tpu.vector_load %arg7[%swap3A_416, %swap3A_417] {strides = array<i32>} : memref<400x64xf32, #tpu.memory_space<vmem>>, vector<1x16xf32>,
        %swap3A_419 = vector.shape_cast %swap3A_418 : vector<1x16xf32> to vector<16xf32>
        %swap3A_420 = vector.shape_cast %select_n3A_415 : vector<16xf32> to vector<1x16xf32>
        tpu.vector_store %arg7[%swap3A_416, %swap3A_417], %swap3A_420 {strides = array<i32>} : memref<400x64xf32, #tpu.memory_space<vmem>>, vector<1x16xf32>,
        %select_n3A_421 = arith.select %eq3A_400, %get3A_41, %get3A_21 : vector<16xf32>
        %swap3A_422 = arith.index_cast %add3A_402 : i32 to index
        %swap3A_423 = arith.constant 48 : index
        %swap3A_424 = tpu.vector_load %arg7[%swap3A_422, %swap3A_423] {strides = array<i32>} : memref<400x64xf32, #tpu.memory_space<vmem>>, vector<1x16xf32>,
        %swap3A_425 = vector.shape_cast %swap3A_424 : vector<1x16xf32> to vector<16xf32>
        %swap3A_426 = vector.shape_cast %select_n3A_421 : vector<16xf32> to vector<1x16xf32>
        tpu.vector_store %arg7[%swap3A_422, %swap3A_423], %swap3A_426 {strides = array<i32>} : memref<400x64xf32, #tpu.memory_space<vmem>>, vector<1x16xf32>,
        %slice3A_427 = vector.extract_strided_slice %get3A_159 {offsets = [9], sizes = [1], strides = [1]} : vector<16xi32> to vector<1xi32>
        %squeeze3A_428 = vector.extract %slice3A_427[0] : i32 from vector<1xi32>
        %eq3A_429 = arith.constant 1 : i32
        %eq3A_430 = arith.cmpi eq, %squeeze3A_428, %eq3A_429 : i32
        %add3A_431 = arith.constant 9 : i32
        %add3A_432 = arith.addi %mul3A_161, %add3A_431 : i32
        %select_n3A_433 = arith.select %eq3A_430, %get3A_26, %get3A_6 : vector<16xf32>
        %swap3A_434 = arith.index_cast %add3A_432 : i32 to index
        %swap3A_435 = arith.constant 0 : index
        %swap3A_436 = tpu.vector_load %arg7[%swap3A_434, %swap3A_435] {strides = array<i32>} : memref<400x64xf32, #tpu.memory_space<vmem>>, vector<1x16xf32>,
        %swap3A_437 = vector.shape_cast %swap3A_436 : vector<1x16xf32> to vector<16xf32>
        %swap3A_438 = vector.shape_cast %select_n3A_433 : vector<16xf32> to vector<1x16xf32>
        tpu.vector_store %arg7[%swap3A_434, %swap3A_435], %swap3A_438 {strides = array<i32>} : memref<400x64xf32, #tpu.memory_space<vmem>>, vector<1x16xf32>,
        %select_n3A_439 = arith.select %eq3A_430, %get3A_31, %get3A_11 : vector<16xf32>
        %swap3A_440 = arith.index_cast %add3A_432 : i32 to index
        %swap3A_441 = arith.constant 16 : index
        %swap3A_442 = tpu.vector_load %arg7[%swap3A_440, %swap3A_441] {strides = array<i32>} : memref<400x64xf32, #tpu.memory_space<vmem>>, vector<1x16xf32>,
        %swap3A_443 = vector.shape_cast %swap3A_442 : vector<1x16xf32> to vector<16xf32>
        %swap3A_444 = vector.shape_cast %select_n3A_439 : vector<16xf32> to vector<1x16xf32>
        tpu.vector_store %arg7[%swap3A_440, %swap3A_441], %swap3A_444 {strides = array<i32>} : memref<400x64xf32, #tpu.memory_space<vmem>>, vector<1x16xf32>,
        %select_n3A_445 = arith.select %eq3A_430, %get3A_36, %get3A_16 : vector<16xf32>
        %swap3A_446 = arith.index_cast %add3A_432 : i32 to index
        %swap3A_447 = arith.constant 32 : index
        %swap3A_448 = tpu.vector_load %arg7[%swap3A_446, %swap3A_447] {strides = array<i32>} : memref<400x64xf32, #tpu.memory_space<vmem>>, vector<1x16xf32>,
        %swap3A_449 = vector.shape_cast %swap3A_448 : vector<1x16xf32> to vector<16xf32>
        %swap3A_450 = vector.shape_cast %select_n3A_445 : vector<16xf32> to vector<1x16xf32>
        tpu.vector_store %arg7[%swap3A_446, %swap3A_447], %swap3A_450 {strides = array<i32>} : memref<400x64xf32, #tpu.memory_space<vmem>>, vector<1x16xf32>,
        %select_n3A_451 = arith.select %eq3A_430, %get3A_41, %get3A_21 : vector<16xf32>
        %swap3A_452 = arith.index_cast %add3A_432 : i32 to index
        %swap3A_453 = arith.constant 48 : index
        %swap3A_454 = tpu.vector_load %arg7[%swap3A_452, %swap3A_453] {strides = array<i32>} : memref<400x64xf32, #tpu.memory_space<vmem>>, vector<1x16xf32>,
        %swap3A_455 = vector.shape_cast %swap3A_454 : vector<1x16xf32> to vector<16xf32>
        %swap3A_456 = vector.shape_cast %select_n3A_451 : vector<16xf32> to vector<1x16xf32>
        tpu.vector_store %arg7[%swap3A_452, %swap3A_453], %swap3A_456 {strides = array<i32>} : memref<400x64xf32, #tpu.memory_space<vmem>>, vector<1x16xf32>,
        %slice3A_457 = vector.extract_strided_slice %get3A_159 {offsets = [10], sizes = [1], strides = [1]} : vector<16xi32> to vector<1xi32>
        %squeeze3A_458 = vector.extract %slice3A_457[0] : i32 from vector<1xi32>
        %eq3A_459 = arith.constant 1 : i32
        %eq3A_460 = arith.cmpi eq, %squeeze3A_458, %eq3A_459 : i32
        %add3A_461 = arith.constant 10 : i32
        %add3A_462 = arith.addi %mul3A_161, %add3A_461 : i32
        %select_n3A_463 = arith.select %eq3A_460, %get3A_26, %get3A_6 : vector<16xf32>
        %swap3A_464 = arith.index_cast %add3A_462 : i32 to index
        %swap3A_465 = arith.constant 0 : index
        %swap3A_466 = tpu.vector_load %arg7[%swap3A_464, %swap3A_465] {strides = array<i32>} : memref<400x64xf32, #tpu.memory_space<vmem>>, vector<1x16xf32>,
        %swap3A_467 = vector.shape_cast %swap3A_466 : vector<1x16xf32> to vector<16xf32>
        %swap3A_468 = vector.shape_cast %select_n3A_463 : vector<16xf32> to vector<1x16xf32>
        tpu.vector_store %arg7[%swap3A_464, %swap3A_465], %swap3A_468 {strides = array<i32>} : memref<400x64xf32, #tpu.memory_space<vmem>>, vector<1x16xf32>,
        %select_n3A_469 = arith.select %eq3A_460, %get3A_31, %get3A_11 : vector<16xf32>
        %swap3A_470 = arith.index_cast %add3A_462 : i32 to index
        %swap3A_471 = arith.constant 16 : index
        %swap3A_472 = tpu.vector_load %arg7[%swap3A_470, %swap3A_471] {strides = array<i32>} : memref<400x64xf32, #tpu.memory_space<vmem>>, vector<1x16xf32>,
        %swap3A_473 = vector.shape_cast %swap3A_472 : vector<1x16xf32> to vector<16xf32>
        %swap3A_474 = vector.shape_cast %select_n3A_469 : vector<16xf32> to vector<1x16xf32>
        tpu.vector_store %arg7[%swap3A_470, %swap3A_471], %swap3A_474 {strides = array<i32>} : memref<400x64xf32, #tpu.memory_space<vmem>>, vector<1x16xf32>,
        %select_n3A_475 = arith.select %eq3A_460, %get3A_36, %get3A_16 : vector<16xf32>
        %swap3A_476 = arith.index_cast %add3A_462 : i32 to index
        %swap3A_477 = arith.constant 32 : index
        %swap3A_478 = tpu.vector_load %arg7[%swap3A_476, %swap3A_477] {strides = array<i32>} : memref<400x64xf32, #tpu.memory_space<vmem>>, vector<1x16xf32>,
        %swap3A_479 = vector.shape_cast %swap3A_478 : vector<1x16xf32> to vector<16xf32>
        %swap3A_480 = vector.shape_cast %select_n3A_475 : vector<16xf32> to vector<1x16xf32>
        tpu.vector_store %arg7[%swap3A_476, %swap3A_477], %swap3A_480 {strides = array<i32>} : memref<400x64xf32, #tpu.memory_space<vmem>>, vector<1x16xf32>,
        %select_n3A_481 = arith.select %eq3A_460, %get3A_41, %get3A_21 : vector<16xf32>
        %swap3A_482 = arith.index_cast %add3A_462 : i32 to index
        %swap3A_483 = arith.constant 48 : index
        %swap3A_484 = tpu.vector_load %arg7[%swap3A_482, %swap3A_483] {strides = array<i32>} : memref<400x64xf32, #tpu.memory_space<vmem>>, vector<1x16xf32>,
        %swap3A_485 = vector.shape_cast %swap3A_484 : vector<1x16xf32> to vector<16xf32>
        %swap3A_486 = vector.shape_cast %select_n3A_481 : vector<16xf32> to vector<1x16xf32>
        tpu.vector_store %arg7[%swap3A_482, %swap3A_483], %swap3A_486 {strides = array<i32>} : memref<400x64xf32, #tpu.memory_space<vmem>>, vector<1x16xf32>,
        %slice3A_487 = vector.extract_strided_slice %get3A_159 {offsets = [11], sizes = [1], strides = [1]} : vector<16xi32> to vector<1xi32>
        %squeeze3A_488 = vector.extract %slice3A_487[0] : i32 from vector<1xi32>
        %eq3A_489 = arith.constant 1 : i32
        %eq3A_490 = arith.cmpi eq, %squeeze3A_488, %eq3A_489 : i32
        %add3A_491 = arith.constant 11 : i32
        %add3A_492 = arith.addi %mul3A_161, %add3A_491 : i32
        %select_n3A_493 = arith.select %eq3A_490, %get3A_26, %get3A_6 : vector<16xf32>
        %swap3A_494 = arith.index_cast %add3A_492 : i32 to index
        %swap3A_495 = arith.constant 0 : index
        %swap3A_496 = tpu.vector_load %arg7[%swap3A_494, %swap3A_495] {strides = array<i32>} : memref<400x64xf32, #tpu.memory_space<vmem>>, vector<1x16xf32>,
        %swap3A_497 = vector.shape_cast %swap3A_496 : vector<1x16xf32> to vector<16xf32>
        %swap3A_498 = vector.shape_cast %select_n3A_493 : vector<16xf32> to vector<1x16xf32>
        tpu.vector_store %arg7[%swap3A_494, %swap3A_495], %swap3A_498 {strides = array<i32>} : memref<400x64xf32, #tpu.memory_space<vmem>>, vector<1x16xf32>,
        %select_n3A_499 = arith.select %eq3A_490, %get3A_31, %get3A_11 : vector<16xf32>
        %swap3A_500 = arith.index_cast %add3A_492 : i32 to index
        %swap3A_501 = arith.constant 16 : index
        %swap3A_502 = tpu.vector_load %arg7[%swap3A_500, %swap3A_501] {strides = array<i32>} : memref<400x64xf32, #tpu.memory_space<vmem>>, vector<1x16xf32>,
        %swap3A_503 = vector.shape_cast %swap3A_502 : vector<1x16xf32> to vector<16xf32>
        %swap3A_504 = vector.shape_cast %select_n3A_499 : vector<16xf32> to vector<1x16xf32>
        tpu.vector_store %arg7[%swap3A_500, %swap3A_501], %swap3A_504 {strides = array<i32>} : memref<400x64xf32, #tpu.memory_space<vmem>>, vector<1x16xf32>,
        %select_n3A_505 = arith.select %eq3A_490, %get3A_36, %get3A_16 : vector<16xf32>
        %swap3A_506 = arith.index_cast %add3A_492 : i32 to index
        %swap3A_507 = arith.constant 32 : index
        %swap3A_508 = tpu.vector_load %arg7[%swap3A_506, %swap3A_507] {strides = array<i32>} : memref<400x64xf32, #tpu.memory_space<vmem>>, vector<1x16xf32>,
        %swap3A_509 = vector.shape_cast %swap3A_508 : vector<1x16xf32> to vector<16xf32>
        %swap3A_510 = vector.shape_cast %select_n3A_505 : vector<16xf32> to vector<1x16xf32>
        tpu.vector_store %arg7[%swap3A_506, %swap3A_507], %swap3A_510 {strides = array<i32>} : memref<400x64xf32, #tpu.memory_space<vmem>>, vector<1x16xf32>,
        %select_n3A_511 = arith.select %eq3A_490, %get3A_41, %get3A_21 : vector<16xf32>
        %swap3A_512 = arith.index_cast %add3A_492 : i32 to index
        %swap3A_513 = arith.constant 48 : index
        %swap3A_514 = tpu.vector_load %arg7[%swap3A_512, %swap3A_513] {strides = array<i32>} : memref<400x64xf32, #tpu.memory_space<vmem>>, vector<1x16xf32>,
        %swap3A_515 = vector.shape_cast %swap3A_514 : vector<1x16xf32> to vector<16xf32>
        %swap3A_516 = vector.shape_cast %select_n3A_511 : vector<16xf32> to vector<1x16xf32>
        tpu.vector_store %arg7[%swap3A_512, %swap3A_513], %swap3A_516 {strides = array<i32>} : memref<400x64xf32, #tpu.memory_space<vmem>>, vector<1x16xf32>,
        %slice3A_517 = vector.extract_strided_slice %get3A_159 {offsets = [12], sizes = [1], strides = [1]} : vector<16xi32> to vector<1xi32>
        %squeeze3A_518 = vector.extract %slice3A_517[0] : i32 from vector<1xi32>
        %eq3A_519 = arith.constant 1 : i32
        %eq3A_520 = arith.cmpi eq, %squeeze3A_518, %eq3A_519 : i32
        %add3A_521 = arith.constant 12 : i32
        %add3A_522 = arith.addi %mul3A_161, %add3A_521 : i32
        %select_n3A_523 = arith.select %eq3A_520, %get3A_26, %get3A_6 : vector<16xf32>
        %swap3A_524 = arith.index_cast %add3A_522 : i32 to index
        %swap3A_525 = arith.constant 0 : index
        %swap3A_526 = tpu.vector_load %arg7[%swap3A_524, %swap3A_525] {strides = array<i32>} : memref<400x64xf32, #tpu.memory_space<vmem>>, vector<1x16xf32>,
        %swap3A_527 = vector.shape_cast %swap3A_526 : vector<1x16xf32> to vector<16xf32>
        %swap3A_528 = vector.shape_cast %select_n3A_523 : vector<16xf32> to vector<1x16xf32>
        tpu.vector_store %arg7[%swap3A_524, %swap3A_525], %swap3A_528 {strides = array<i32>} : memref<400x64xf32, #tpu.memory_space<vmem>>, vector<1x16xf32>,
        %select_n3A_529 = arith.select %eq3A_520, %get3A_31, %get3A_11 : vector<16xf32>
        %swap3A_530 = arith.index_cast %add3A_522 : i32 to index
        %swap3A_531 = arith.constant 16 : index
        %swap3A_532 = tpu.vector_load %arg7[%swap3A_530, %swap3A_531] {strides = array<i32>} : memref<400x64xf32, #tpu.memory_space<vmem>>, vector<1x16xf32>,
        %swap3A_533 = vector.shape_cast %swap3A_532 : vector<1x16xf32> to vector<16xf32>
        %swap3A_534 = vector.shape_cast %select_n3A_529 : vector<16xf32> to vector<1x16xf32>
        tpu.vector_store %arg7[%swap3A_530, %swap3A_531], %swap3A_534 {strides = array<i32>} : memref<400x64xf32, #tpu.memory_space<vmem>>, vector<1x16xf32>,
        %select_n3A_535 = arith.select %eq3A_520, %get3A_36, %get3A_16 : vector<16xf32>
        %swap3A_536 = arith.index_cast %add3A_522 : i32 to index
        %swap3A_537 = arith.constant 32 : index
        %swap3A_538 = tpu.vector_load %arg7[%swap3A_536, %swap3A_537] {strides = array<i32>} : memref<400x64xf32, #tpu.memory_space<vmem>>, vector<1x16xf32>,
        %swap3A_539 = vector.shape_cast %swap3A_538 : vector<1x16xf32> to vector<16xf32>
        %swap3A_540 = vector.shape_cast %select_n3A_535 : vector<16xf32> to vector<1x16xf32>
        tpu.vector_store %arg7[%swap3A_536, %swap3A_537], %swap3A_540 {strides = array<i32>} : memref<400x64xf32, #tpu.memory_space<vmem>>, vector<1x16xf32>,
        %select_n3A_541 = arith.select %eq3A_520, %get3A_41, %get3A_21 : vector<16xf32>
        %swap3A_542 = arith.index_cast %add3A_522 : i32 to index
        %swap3A_543 = arith.constant 48 : index
        %swap3A_544 = tpu.vector_load %arg7[%swap3A_542, %swap3A_543] {strides = array<i32>} : memref<400x64xf32, #tpu.memory_space<vmem>>, vector<1x16xf32>,
        %swap3A_545 = vector.shape_cast %swap3A_544 : vector<1x16xf32> to vector<16xf32>
        %swap3A_546 = vector.shape_cast %select_n3A_541 : vector<16xf32> to vector<1x16xf32>
        tpu.vector_store %arg7[%swap3A_542, %swap3A_543], %swap3A_546 {strides = array<i32>} : memref<400x64xf32, #tpu.memory_space<vmem>>, vector<1x16xf32>,
        %slice3A_547 = vector.extract_strided_slice %get3A_159 {offsets = [13], sizes = [1], strides = [1]} : vector<16xi32> to vector<1xi32>
        %squeeze3A_548 = vector.extract %slice3A_547[0] : i32 from vector<1xi32>
        %eq3A_549 = arith.constant 1 : i32
        %eq3A_550 = arith.cmpi eq, %squeeze3A_548, %eq3A_549 : i32
        %add3A_551 = arith.constant 13 : i32
        %add3A_552 = arith.addi %mul3A_161, %add3A_551 : i32
        %select_n3A_553 = arith.select %eq3A_550, %get3A_26, %get3A_6 : vector<16xf32>
        %swap3A_554 = arith.index_cast %add3A_552 : i32 to index
        %swap3A_555 = arith.constant 0 : index
        %swap3A_556 = tpu.vector_load %arg7[%swap3A_554, %swap3A_555] {strides = array<i32>} : memref<400x64xf32, #tpu.memory_space<vmem>>, vector<1x16xf32>,
        %swap3A_557 = vector.shape_cast %swap3A_556 : vector<1x16xf32> to vector<16xf32>
        %swap3A_558 = vector.shape_cast %select_n3A_553 : vector<16xf32> to vector<1x16xf32>
        tpu.vector_store %arg7[%swap3A_554, %swap3A_555], %swap3A_558 {strides = array<i32>} : memref<400x64xf32, #tpu.memory_space<vmem>>, vector<1x16xf32>,
        %select_n3A_559 = arith.select %eq3A_550, %get3A_31, %get3A_11 : vector<16xf32>
        %swap3A_560 = arith.index_cast %add3A_552 : i32 to index
        %swap3A_561 = arith.constant 16 : index
        %swap3A_562 = tpu.vector_load %arg7[%swap3A_560, %swap3A_561] {strides = array<i32>} : memref<400x64xf32, #tpu.memory_space<vmem>>, vector<1x16xf32>,
        %swap3A_563 = vector.shape_cast %swap3A_562 : vector<1x16xf32> to vector<16xf32>
        %swap3A_564 = vector.shape_cast %select_n3A_559 : vector<16xf32> to vector<1x16xf32>
        tpu.vector_store %arg7[%swap3A_560, %swap3A_561], %swap3A_564 {strides = array<i32>} : memref<400x64xf32, #tpu.memory_space<vmem>>, vector<1x16xf32>,
        %select_n3A_565 = arith.select %eq3A_550, %get3A_36, %get3A_16 : vector<16xf32>
        %swap3A_566 = arith.index_cast %add3A_552 : i32 to index
        %swap3A_567 = arith.constant 32 : index
        %swap3A_568 = tpu.vector_load %arg7[%swap3A_566, %swap3A_567] {strides = array<i32>} : memref<400x64xf32, #tpu.memory_space<vmem>>, vector<1x16xf32>,
        %swap3A_569 = vector.shape_cast %swap3A_568 : vector<1x16xf32> to vector<16xf32>
        %swap3A_570 = vector.shape_cast %select_n3A_565 : vector<16xf32> to vector<1x16xf32>
        tpu.vector_store %arg7[%swap3A_566, %swap3A_567], %swap3A_570 {strides = array<i32>} : memref<400x64xf32, #tpu.memory_space<vmem>>, vector<1x16xf32>,
        %select_n3A_571 = arith.select %eq3A_550, %get3A_41, %get3A_21 : vector<16xf32>
        %swap3A_572 = arith.index_cast %add3A_552 : i32 to index
        %swap3A_573 = arith.constant 48 : index
        %swap3A_574 = tpu.vector_load %arg7[%swap3A_572, %swap3A_573] {strides = array<i32>} : memref<400x64xf32, #tpu.memory_space<vmem>>, vector<1x16xf32>,
        %swap3A_575 = vector.shape_cast %swap3A_574 : vector<1x16xf32> to vector<16xf32>
        %swap3A_576 = vector.shape_cast %select_n3A_571 : vector<16xf32> to vector<1x16xf32>
        tpu.vector_store %arg7[%swap3A_572, %swap3A_573], %swap3A_576 {strides = array<i32>} : memref<400x64xf32, #tpu.memory_space<vmem>>, vector<1x16xf32>,
        %slice3A_577 = vector.extract_strided_slice %get3A_159 {offsets = [14], sizes = [1], strides = [1]} : vector<16xi32> to vector<1xi32>
        %squeeze3A_578 = vector.extract %slice3A_577[0] : i32 from vector<1xi32>
        %eq3A_579 = arith.constant 1 : i32
        %eq3A_580 = arith.cmpi eq, %squeeze3A_578, %eq3A_579 : i32
        %add3A_581 = arith.constant 14 : i32
        %add3A_582 = arith.addi %mul3A_161, %add3A_581 : i32
        %select_n3A_583 = arith.select %eq3A_580, %get3A_26, %get3A_6 : vector<16xf32>
        %swap3A_584 = arith.index_cast %add3A_582 : i32 to index
        %swap3A_585 = arith.constant 0 : index
        %swap3A_586 = tpu.vector_load %arg7[%swap3A_584, %swap3A_585] {strides = array<i32>} : memref<400x64xf32, #tpu.memory_space<vmem>>, vector<1x16xf32>,
        %swap3A_587 = vector.shape_cast %swap3A_586 : vector<1x16xf32> to vector<16xf32>
        %swap3A_588 = vector.shape_cast %select_n3A_583 : vector<16xf32> to vector<1x16xf32>
        tpu.vector_store %arg7[%swap3A_584, %swap3A_585], %swap3A_588 {strides = array<i32>} : memref<400x64xf32, #tpu.memory_space<vmem>>, vector<1x16xf32>,
        %select_n3A_589 = arith.select %eq3A_580, %get3A_31, %get3A_11 : vector<16xf32>
        %swap3A_590 = arith.index_cast %add3A_582 : i32 to index
        %swap3A_591 = arith.constant 16 : index
        %swap3A_592 = tpu.vector_load %arg7[%swap3A_590, %swap3A_591] {strides = array<i32>} : memref<400x64xf32, #tpu.memory_space<vmem>>, vector<1x16xf32>,
        %swap3A_593 = vector.shape_cast %swap3A_592 : vector<1x16xf32> to vector<16xf32>
        %swap3A_594 = vector.shape_cast %select_n3A_589 : vector<16xf32> to vector<1x16xf32>
        tpu.vector_store %arg7[%swap3A_590, %swap3A_591], %swap3A_594 {strides = array<i32>} : memref<400x64xf32, #tpu.memory_space<vmem>>, vector<1x16xf32>,
        %select_n3A_595 = arith.select %eq3A_580, %get3A_36, %get3A_16 : vector<16xf32>
        %swap3A_596 = arith.index_cast %add3A_582 : i32 to index
        %swap3A_597 = arith.constant 32 : index
        %swap3A_598 = tpu.vector_load %arg7[%swap3A_596, %swap3A_597] {strides = array<i32>} : memref<400x64xf32, #tpu.memory_space<vmem>>, vector<1x16xf32>,
        %swap3A_599 = vector.shape_cast %swap3A_598 : vector<1x16xf32> to vector<16xf32>
        %swap3A_600 = vector.shape_cast %select_n3A_595 : vector<16xf32> to vector<1x16xf32>
        tpu.vector_store %arg7[%swap3A_596, %swap3A_597], %swap3A_600 {strides = array<i32>} : memref<400x64xf32, #tpu.memory_space<vmem>>, vector<1x16xf32>,
        %select_n3A_601 = arith.select %eq3A_580, %get3A_41, %get3A_21 : vector<16xf32>
        %swap3A_602 = arith.index_cast %add3A_582 : i32 to index
        %swap3A_603 = arith.constant 48 : index
        %swap3A_604 = tpu.vector_load %arg7[%swap3A_602, %swap3A_603] {strides = array<i32>} : memref<400x64xf32, #tpu.memory_space<vmem>>, vector<1x16xf32>,
        %swap3A_605 = vector.shape_cast %swap3A_604 : vector<1x16xf32> to vector<16xf32>
        %swap3A_606 = vector.shape_cast %select_n3A_601 : vector<16xf32> to vector<1x16xf32>
        tpu.vector_store %arg7[%swap3A_602, %swap3A_603], %swap3A_606 {strides = array<i32>} : memref<400x64xf32, #tpu.memory_space<vmem>>, vector<1x16xf32>,
        %slice3A_607 = vector.extract_strided_slice %get3A_159 {offsets = [15], sizes = [1], strides = [1]} : vector<16xi32> to vector<1xi32>
        %squeeze3A_608 = vector.extract %slice3A_607[0] : i32 from vector<1xi32>
        %eq3A_609 = arith.constant 1 : i32
        %eq3A_610 = arith.cmpi eq, %squeeze3A_608, %eq3A_609 : i32
        %add3A_611 = arith.constant 15 : i32
        %add3A_612 = arith.addi %mul3A_161, %add3A_611 : i32
        %select_n3A_613 = arith.select %eq3A_610, %get3A_26, %get3A_6 : vector<16xf32>
        %swap3A_614 = arith.index_cast %add3A_612 : i32 to index
        %swap3A_615 = arith.constant 0 : index
        %swap3A_616 = tpu.vector_load %arg7[%swap3A_614, %swap3A_615] {strides = array<i32>} : memref<400x64xf32, #tpu.memory_space<vmem>>, vector<1x16xf32>,
        %swap3A_617 = vector.shape_cast %swap3A_616 : vector<1x16xf32> to vector<16xf32>
        %swap3A_618 = vector.shape_cast %select_n3A_613 : vector<16xf32> to vector<1x16xf32>
        tpu.vector_store %arg7[%swap3A_614, %swap3A_615], %swap3A_618 {strides = array<i32>} : memref<400x64xf32, #tpu.memory_space<vmem>>, vector<1x16xf32>,
        %select_n3A_619 = arith.select %eq3A_610, %get3A_31, %get3A_11 : vector<16xf32>
        %swap3A_620 = arith.index_cast %add3A_612 : i32 to index
        %swap3A_621 = arith.constant 16 : index
        %swap3A_622 = tpu.vector_load %arg7[%swap3A_620, %swap3A_621] {strides = array<i32>} : memref<400x64xf32, #tpu.memory_space<vmem>>, vector<1x16xf32>,
        %swap3A_623 = vector.shape_cast %swap3A_622 : vector<1x16xf32> to vector<16xf32>
        %swap3A_624 = vector.shape_cast %select_n3A_619 : vector<16xf32> to vector<1x16xf32>
        tpu.vector_store %arg7[%swap3A_620, %swap3A_621], %swap3A_624 {strides = array<i32>} : memref<400x64xf32, #tpu.memory_space<vmem>>, vector<1x16xf32>,
        %select_n3A_625 = arith.select %eq3A_610, %get3A_36, %get3A_16 : vector<16xf32>
        %swap3A_626 = arith.index_cast %add3A_612 : i32 to index
        %swap3A_627 = arith.constant 32 : index
        %swap3A_628 = tpu.vector_load %arg7[%swap3A_626, %swap3A_627] {strides = array<i32>} : memref<400x64xf32, #tpu.memory_space<vmem>>, vector<1x16xf32>,
        %swap3A_629 = vector.shape_cast %swap3A_628 : vector<1x16xf32> to vector<16xf32>
        %swap3A_630 = vector.shape_cast %select_n3A_625 : vector<16xf32> to vector<1x16xf32>
        tpu.vector_store %arg7[%swap3A_626, %swap3A_627], %swap3A_630 {strides = array<i32>} : memref<400x64xf32, #tpu.memory_space<vmem>>, vector<1x16xf32>,
        %select_n3A_631 = arith.select %eq3A_610, %get3A_41, %get3A_21 : vector<16xf32>
        %swap3A_632 = arith.index_cast %add3A_612 : i32 to index
        %swap3A_633 = arith.constant 48 : index
        %swap3A_634 = tpu.vector_load %arg7[%swap3A_632, %swap3A_633] {strides = array<i32>} : memref<400x64xf32, #tpu.memory_space<vmem>>, vector<1x16xf32>,
        %swap3A_635 = vector.shape_cast %swap3A_634 : vector<1x16xf32> to vector<16xf32>
        %swap3A_636 = vector.shape_cast %select_n3A_631 : vector<16xf32> to vector<1x16xf32>
        tpu.vector_store %arg7[%swap3A_632, %swap3A_633], %swap3A_636 {strides = array<i32>} : memref<400x64xf32, #tpu.memory_space<vmem>>, vector<1x16xf32>,
      }
      %scan3A_115 = arith.constant 25 : i32
      %mul3A_116 = arith.constant 400 : i32
      %mul3A_117 = arith.muli %add3A_97, %mul3A_116 : i32
      %add3A_118 = arith.addi %mul3A_2, %mul3A_117 : i32
      %dma_start3A_119 = tpu.memref_reshape %arg4 : memref<16384x200x64xf32, #tpu.memory_space<hbm>> -> memref<3276800x64xf32, #tpu.memory_space<hbm>>
      %dma_start3A_120 = arith.constant 0 : i32
      %dma_start3A_121 = tpu.memref_slice %dma_start3A_119[%add3A_118, %dma_start3A_120] : memref<3276800x64xf32, #tpu.memory_space<hbm>> -> memref<400x64xf32, #tpu.memory_space<hbm>>
      %dma_start3A_122 = tpu.memref_reshape %arg4 : memref<16384x200x64xf32, #tpu.memory_space<hbm>> -> memref<3276800x64xf32, #tpu.memory_space<hbm>>
      %dma_start3A_123 = arith.constant 0 : i32
      %dma_start3A_124 = tpu.memref_slice %dma_start3A_122[%add3A_118, %dma_start3A_123] : memref<3276800x64xf32, #tpu.memory_space<hbm>> -> memref<400x64xf32, #tpu.memory_space<hbm>>
      tpu.enqueue_dma source(%arg7 : memref<400x64xf32, #tpu.memory_space<vmem>>) target(%dma_start3A_124 : memref<400x64xf32, #tpu.memory_space<hbm>>) target_semaphore(%arg9 : memref<!tpu.dma_semaphore, #tpu.memory_space<semaphore_mem>>)
      %add3A_125 = arith.constant 1 : i32
      %add3A_126 = arith.addi %mul3A_95, %add3A_125 : i32
      %mul3A_127 = arith.constant 400 : i32
      %mul3A_128 = arith.muli %add3A_126, %mul3A_127 : i32
      %add3A_129 = arith.addi %mul3A_2, %mul3A_128 : i32
      %dma_wait3A_130 = tpu.memref_reshape %arg4 : memref<16384x200x64xf32, #tpu.memory_space<hbm>> -> memref<3276800x64xf32, #tpu.memory_space<hbm>>
      %dma_wait3A_131 = arith.constant 0 : i32
      %dma_wait3A_132 = tpu.memref_slice %dma_wait3A_130[%add3A_129, %dma_wait3A_131] : memref<3276800x64xf32, #tpu.memory_space<hbm>> -> memref<400x64xf32, #tpu.memory_space<hbm>>
      %dma_wait3A_133 = tpu.memref_reshape %arg4 : memref<16384x200x64xf32, #tpu.memory_space<hbm>> -> memref<3276800x64xf32, #tpu.memory_space<hbm>>
      %dma_wait3A_134 = arith.constant 0 : i32
      %dma_wait3A_135 = tpu.memref_slice %dma_wait3A_133[%add3A_129, %dma_wait3A_134] : memref<3276800x64xf32, #tpu.memory_space<hbm>> -> memref<400x64xf32, #tpu.memory_space<hbm>>
      tpu.wait_dma2 semaphore(%arg10 : memref<!tpu.dma_semaphore, #tpu.memory_space<semaphore_mem>>) src(%arg8 : memref<400x64xf32, #tpu.memory_space<vmem>>) dst(%dma_wait3A_135 : memref<400x64xf32, #tpu.memory_space<hbm>>)
      %mul3A_136 = arith.constant 400 : i32
      %mul3A_137 = arith.muli %add3A_126, %mul3A_136 : i32
      %add3A_138 = arith.addi %mul3A_2, %mul3A_137 : i32
      "tpu.region"() ({
        %run_scoped3A = tpu.sem_alloc : memref<!tpu.dma_semaphore, #tpu.memory_space<semaphore_mem>>
        %dma_start3A_154 = tpu.memref_slice %arg2[%add3A_138] : memref<3276800xi32, #tpu.memory_space<hbm>> -> memref<400xi32, #tpu.memory_space<hbm>>
        %dma_start3A_155 = tpu.memref_slice %arg2[%add3A_138] : memref<3276800xi32, #tpu.memory_space<hbm>> -> memref<400xi32, #tpu.memory_space<hbm>>
        tpu.enqueue_dma source(%dma_start3A_155 : memref<400xi32, #tpu.memory_space<hbm>>) target(%arg6 : memref<400xi32, #tpu.memory_space<vmem>>) target_semaphore(%run_scoped3A : memref<!tpu.dma_semaphore, #tpu.memory_space<semaphore_mem>>)
        %dma_wait3A_156 = tpu.memref_slice %arg2[%add3A_138] : memref<3276800xi32, #tpu.memory_space<hbm>> -> memref<400xi32, #tpu.memory_space<hbm>>
        %dma_wait3A_157 = tpu.memref_slice %arg2[%add3A_138] : memref<3276800xi32, #tpu.memory_space<hbm>> -> memref<400xi32, #tpu.memory_space<hbm>>
        tpu.wait_dma2 semaphore(%run_scoped3A : memref<!tpu.dma_semaphore, #tpu.memory_space<semaphore_mem>>) src(%dma_wait3A_157 : memref<400xi32, #tpu.memory_space<hbm>>) dst(%arg6 : memref<400xi32, #tpu.memory_space<vmem>>)
        tpu.yield
      }) : () -> ()
      %scan3A_139 = arith.constant 0 : i32
      %scan3A_140 = arith.constant 0 : i32
      %scan3A_141 = arith.constant 25 : i32
      %scan3A_142 = arith.addi %scan3A_140, %scan3A_141 : i32
      %scan3A_143 = arith.constant 1 : i32
      scf.for %scan3A_154 = %scan3A_140 to %scan3A_142 step %scan3A_143  : i32 {
        %mul3A_155 = arith.constant 16 : i32
        %mul3A_156 = arith.muli %scan3A_154, %mul3A_155 : i32
        %get3A_157 = arith.index_cast %mul3A_156 : i32 to index
        %get3A_158 = tpu.vector_load %arg6[%get3A_157] {strides = array<i32>} : memref<400xi32, #tpu.memory_space<vmem>>, vector<16xi32>,
        %get3A_159 = vector.shape_cast %get3A_158 : vector<16xi32> to vector<16xi32>
        %mul3A_160 = arith.constant 16 : i32
        %mul3A_161 = arith.muli %scan3A_154, %mul3A_160 : i32
        %slice3A = vector.extract_strided_slice %get3A_159 {offsets = [0], sizes = [1], strides = [1]} : vector<16xi32> to vector<1xi32>
        %squeeze3A = vector.extract %slice3A[0] : i32 from vector<1xi32>
        %eq3A = arith.constant 1 : i32
        %eq3A_162 = arith.cmpi eq, %squeeze3A, %eq3A : i32
        %add3A_163 = arith.constant 0 : i32
        %add3A_164 = arith.addi %mul3A_161, %add3A_163 : i32
        %select_n3A = arith.select %eq3A_162, %get3A_26, %get3A_6 : vector<16xf32>
        %swap3A = arith.index_cast %add3A_164 : i32 to index
        %swap3A_165 = arith.constant 0 : index
        %swap3A_166 = tpu.vector_load %arg8[%swap3A, %swap3A_165] {strides = array<i32>} : memref<400x64xf32, #tpu.memory_space<vmem>>, vector<1x16xf32>,
        %swap3A_167 = vector.shape_cast %swap3A_166 : vector<1x16xf32> to vector<16xf32>
        %swap3A_168 = vector.shape_cast %select_n3A : vector<16xf32> to vector<1x16xf32>
        tpu.vector_store %arg8[%swap3A, %swap3A_165], %swap3A_168 {strides = array<i32>} : memref<400x64xf32, #tpu.memory_space<vmem>>, vector<1x16xf32>,
        %select_n3A_169 = arith.select %eq3A_162, %get3A_31, %get3A_11 : vector<16xf32>
        %swap3A_170 = arith.index_cast %add3A_164 : i32 to index
        %swap3A_171 = arith.constant 16 : index
        %swap3A_172 = tpu.vector_load %arg8[%swap3A_170, %swap3A_171] {strides = array<i32>} : memref<400x64xf32, #tpu.memory_space<vmem>>, vector<1x16xf32>,
        %swap3A_173 = vector.shape_cast %swap3A_172 : vector<1x16xf32> to vector<16xf32>
        %swap3A_174 = vector.shape_cast %select_n3A_169 : vector<16xf32> to vector<1x16xf32>
        tpu.vector_store %arg8[%swap3A_170, %swap3A_171], %swap3A_174 {strides = array<i32>} : memref<400x64xf32, #tpu.memory_space<vmem>>, vector<1x16xf32>,
        %select_n3A_175 = arith.select %eq3A_162, %get3A_36, %get3A_16 : vector<16xf32>
        %swap3A_176 = arith.index_cast %add3A_164 : i32 to index
        %swap3A_177 = arith.constant 32 : index
        %swap3A_178 = tpu.vector_load %arg8[%swap3A_176, %swap3A_177] {strides = array<i32>} : memref<400x64xf32, #tpu.memory_space<vmem>>, vector<1x16xf32>,
        %swap3A_179 = vector.shape_cast %swap3A_178 : vector<1x16xf32> to vector<16xf32>
        %swap3A_180 = vector.shape_cast %select_n3A_175 : vector<16xf32> to vector<1x16xf32>
        tpu.vector_store %arg8[%swap3A_176, %swap3A_177], %swap3A_180 {strides = array<i32>} : memref<400x64xf32, #tpu.memory_space<vmem>>, vector<1x16xf32>,
        %select_n3A_181 = arith.select %eq3A_162, %get3A_41, %get3A_21 : vector<16xf32>
        %swap3A_182 = arith.index_cast %add3A_164 : i32 to index
        %swap3A_183 = arith.constant 48 : index
        %swap3A_184 = tpu.vector_load %arg8[%swap3A_182, %swap3A_183] {strides = array<i32>} : memref<400x64xf32, #tpu.memory_space<vmem>>, vector<1x16xf32>,
        %swap3A_185 = vector.shape_cast %swap3A_184 : vector<1x16xf32> to vector<16xf32>
        %swap3A_186 = vector.shape_cast %select_n3A_181 : vector<16xf32> to vector<1x16xf32>
        tpu.vector_store %arg8[%swap3A_182, %swap3A_183], %swap3A_186 {strides = array<i32>} : memref<400x64xf32, #tpu.memory_space<vmem>>, vector<1x16xf32>,
        %slice3A_187 = vector.extract_strided_slice %get3A_159 {offsets = [1], sizes = [1], strides = [1]} : vector<16xi32> to vector<1xi32>
        %squeeze3A_188 = vector.extract %slice3A_187[0] : i32 from vector<1xi32>
        %eq3A_189 = arith.constant 1 : i32
        %eq3A_190 = arith.cmpi eq, %squeeze3A_188, %eq3A_189 : i32
        %add3A_191 = arith.constant 1 : i32
        %add3A_192 = arith.addi %mul3A_161, %add3A_191 : i32
        %select_n3A_193 = arith.select %eq3A_190, %get3A_26, %get3A_6 : vector<16xf32>
        %swap3A_194 = arith.index_cast %add3A_192 : i32 to index
        %swap3A_195 = arith.constant 0 : index
        %swap3A_196 = tpu.vector_load %arg8[%swap3A_194, %swap3A_195] {strides = array<i32>} : memref<400x64xf32, #tpu.memory_space<vmem>>, vector<1x16xf32>,
        %swap3A_197 = vector.shape_cast %swap3A_196 : vector<1x16xf32> to vector<16xf32>
        %swap3A_198 = vector.shape_cast %select_n3A_193 : vector<16xf32> to vector<1x16xf32>
        tpu.vector_store %arg8[%swap3A_194, %swap3A_195], %swap3A_198 {strides = array<i32>} : memref<400x64xf32, #tpu.memory_space<vmem>>, vector<1x16xf32>,
        %select_n3A_199 = arith.select %eq3A_190, %get3A_31, %get3A_11 : vector<16xf32>
        %swap3A_200 = arith.index_cast %add3A_192 : i32 to index
        %swap3A_201 = arith.constant 16 : index
        %swap3A_202 = tpu.vector_load %arg8[%swap3A_200, %swap3A_201] {strides = array<i32>} : memref<400x64xf32, #tpu.memory_space<vmem>>, vector<1x16xf32>,
        %swap3A_203 = vector.shape_cast %swap3A_202 : vector<1x16xf32> to vector<16xf32>
        %swap3A_204 = vector.shape_cast %select_n3A_199 : vector<16xf32> to vector<1x16xf32>
        tpu.vector_store %arg8[%swap3A_200, %swap3A_201], %swap3A_204 {strides = array<i32>} : memref<400x64xf32, #tpu.memory_space<vmem>>, vector<1x16xf32>,
        %select_n3A_205 = arith.select %eq3A_190, %get3A_36, %get3A_16 : vector<16xf32>
        %swap3A_206 = arith.index_cast %add3A_192 : i32 to index
        %swap3A_207 = arith.constant 32 : index
        %swap3A_208 = tpu.vector_load %arg8[%swap3A_206, %swap3A_207] {strides = array<i32>} : memref<400x64xf32, #tpu.memory_space<vmem>>, vector<1x16xf32>,
        %swap3A_209 = vector.shape_cast %swap3A_208 : vector<1x16xf32> to vector<16xf32>
        %swap3A_210 = vector.shape_cast %select_n3A_205 : vector<16xf32> to vector<1x16xf32>
        tpu.vector_store %arg8[%swap3A_206, %swap3A_207], %swap3A_210 {strides = array<i32>} : memref<400x64xf32, #tpu.memory_space<vmem>>, vector<1x16xf32>,
        %select_n3A_211 = arith.select %eq3A_190, %get3A_41, %get3A_21 : vector<16xf32>
        %swap3A_212 = arith.index_cast %add3A_192 : i32 to index
        %swap3A_213 = arith.constant 48 : index
        %swap3A_214 = tpu.vector_load %arg8[%swap3A_212, %swap3A_213] {strides = array<i32>} : memref<400x64xf32, #tpu.memory_space<vmem>>, vector<1x16xf32>,
        %swap3A_215 = vector.shape_cast %swap3A_214 : vector<1x16xf32> to vector<16xf32>
        %swap3A_216 = vector.shape_cast %select_n3A_211 : vector<16xf32> to vector<1x16xf32>
        tpu.vector_store %arg8[%swap3A_212, %swap3A_213], %swap3A_216 {strides = array<i32>} : memref<400x64xf32, #tpu.memory_space<vmem>>, vector<1x16xf32>,
        %slice3A_217 = vector.extract_strided_slice %get3A_159 {offsets = [2], sizes = [1], strides = [1]} : vector<16xi32> to vector<1xi32>
        %squeeze3A_218 = vector.extract %slice3A_217[0] : i32 from vector<1xi32>
        %eq3A_219 = arith.constant 1 : i32
        %eq3A_220 = arith.cmpi eq, %squeeze3A_218, %eq3A_219 : i32
        %add3A_221 = arith.constant 2 : i32
        %add3A_222 = arith.addi %mul3A_161, %add3A_221 : i32
        %select_n3A_223 = arith.select %eq3A_220, %get3A_26, %get3A_6 : vector<16xf32>
        %swap3A_224 = arith.index_cast %add3A_222 : i32 to index
        %swap3A_225 = arith.constant 0 : index
        %swap3A_226 = tpu.vector_load %arg8[%swap3A_224, %swap3A_225] {strides = array<i32>} : memref<400x64xf32, #tpu.memory_space<vmem>>, vector<1x16xf32>,
        %swap3A_227 = vector.shape_cast %swap3A_226 : vector<1x16xf32> to vector<16xf32>
        %swap3A_228 = vector.shape_cast %select_n3A_223 : vector<16xf32> to vector<1x16xf32>
        tpu.vector_store %arg8[%swap3A_224, %swap3A_225], %swap3A_228 {strides = array<i32>} : memref<400x64xf32, #tpu.memory_space<vmem>>, vector<1x16xf32>,
        %select_n3A_229 = arith.select %eq3A_220, %get3A_31, %get3A_11 : vector<16xf32>
        %swap3A_230 = arith.index_cast %add3A_222 : i32 to index
        %swap3A_231 = arith.constant 16 : index
        %swap3A_232 = tpu.vector_load %arg8[%swap3A_230, %swap3A_231] {strides = array<i32>} : memref<400x64xf32, #tpu.memory_space<vmem>>, vector<1x16xf32>,
        %swap3A_233 = vector.shape_cast %swap3A_232 : vector<1x16xf32> to vector<16xf32>
        %swap3A_234 = vector.shape_cast %select_n3A_229 : vector<16xf32> to vector<1x16xf32>
        tpu.vector_store %arg8[%swap3A_230, %swap3A_231], %swap3A_234 {strides = array<i32>} : memref<400x64xf32, #tpu.memory_space<vmem>>, vector<1x16xf32>,
        %select_n3A_235 = arith.select %eq3A_220, %get3A_36, %get3A_16 : vector<16xf32>
        %swap3A_236 = arith.index_cast %add3A_222 : i32 to index
        %swap3A_237 = arith.constant 32 : index
        %swap3A_238 = tpu.vector_load %arg8[%swap3A_236, %swap3A_237] {strides = array<i32>} : memref<400x64xf32, #tpu.memory_space<vmem>>, vector<1x16xf32>,
        %swap3A_239 = vector.shape_cast %swap3A_238 : vector<1x16xf32> to vector<16xf32>
        %swap3A_240 = vector.shape_cast %select_n3A_235 : vector<16xf32> to vector<1x16xf32>
        tpu.vector_store %arg8[%swap3A_236, %swap3A_237], %swap3A_240 {strides = array<i32>} : memref<400x64xf32, #tpu.memory_space<vmem>>, vector<1x16xf32>,
        %select_n3A_241 = arith.select %eq3A_220, %get3A_41, %get3A_21 : vector<16xf32>
        %swap3A_242 = arith.index_cast %add3A_222 : i32 to index
        %swap3A_243 = arith.constant 48 : index
        %swap3A_244 = tpu.vector_load %arg8[%swap3A_242, %swap3A_243] {strides = array<i32>} : memref<400x64xf32, #tpu.memory_space<vmem>>, vector<1x16xf32>,
        %swap3A_245 = vector.shape_cast %swap3A_244 : vector<1x16xf32> to vector<16xf32>
        %swap3A_246 = vector.shape_cast %select_n3A_241 : vector<16xf32> to vector<1x16xf32>
        tpu.vector_store %arg8[%swap3A_242, %swap3A_243], %swap3A_246 {strides = array<i32>} : memref<400x64xf32, #tpu.memory_space<vmem>>, vector<1x16xf32>,
        %slice3A_247 = vector.extract_strided_slice %get3A_159 {offsets = [3], sizes = [1], strides = [1]} : vector<16xi32> to vector<1xi32>
        %squeeze3A_248 = vector.extract %slice3A_247[0] : i32 from vector<1xi32>
        %eq3A_249 = arith.constant 1 : i32
        %eq3A_250 = arith.cmpi eq, %squeeze3A_248, %eq3A_249 : i32
        %add3A_251 = arith.constant 3 : i32
        %add3A_252 = arith.addi %mul3A_161, %add3A_251 : i32
        %select_n3A_253 = arith.select %eq3A_250, %get3A_26, %get3A_6 : vector<16xf32>
        %swap3A_254 = arith.index_cast %add3A_252 : i32 to index
        %swap3A_255 = arith.constant 0 : index
        %swap3A_256 = tpu.vector_load %arg8[%swap3A_254, %swap3A_255] {strides = array<i32>} : memref<400x64xf32, #tpu.memory_space<vmem>>, vector<1x16xf32>,
        %swap3A_257 = vector.shape_cast %swap3A_256 : vector<1x16xf32> to vector<16xf32>
        %swap3A_258 = vector.shape_cast %select_n3A_253 : vector<16xf32> to vector<1x16xf32>
        tpu.vector_store %arg8[%swap3A_254, %swap3A_255], %swap3A_258 {strides = array<i32>} : memref<400x64xf32, #tpu.memory_space<vmem>>, vector<1x16xf32>,
        %select_n3A_259 = arith.select %eq3A_250, %get3A_31, %get3A_11 : vector<16xf32>
        %swap3A_260 = arith.index_cast %add3A_252 : i32 to index
        %swap3A_261 = arith.constant 16 : index
        %swap3A_262 = tpu.vector_load %arg8[%swap3A_260, %swap3A_261] {strides = array<i32>} : memref<400x64xf32, #tpu.memory_space<vmem>>, vector<1x16xf32>,
        %swap3A_263 = vector.shape_cast %swap3A_262 : vector<1x16xf32> to vector<16xf32>
        %swap3A_264 = vector.shape_cast %select_n3A_259 : vector<16xf32> to vector<1x16xf32>
        tpu.vector_store %arg8[%swap3A_260, %swap3A_261], %swap3A_264 {strides = array<i32>} : memref<400x64xf32, #tpu.memory_space<vmem>>, vector<1x16xf32>,
        %select_n3A_265 = arith.select %eq3A_250, %get3A_36, %get3A_16 : vector<16xf32>
        %swap3A_266 = arith.index_cast %add3A_252 : i32 to index
        %swap3A_267 = arith.constant 32 : index
        %swap3A_268 = tpu.vector_load %arg8[%swap3A_266, %swap3A_267] {strides = array<i32>} : memref<400x64xf32, #tpu.memory_space<vmem>>, vector<1x16xf32>,
        %swap3A_269 = vector.shape_cast %swap3A_268 : vector<1x16xf32> to vector<16xf32>
        %swap3A_270 = vector.shape_cast %select_n3A_265 : vector<16xf32> to vector<1x16xf32>
        tpu.vector_store %arg8[%swap3A_266, %swap3A_267], %swap3A_270 {strides = array<i32>} : memref<400x64xf32, #tpu.memory_space<vmem>>, vector<1x16xf32>,
        %select_n3A_271 = arith.select %eq3A_250, %get3A_41, %get3A_21 : vector<16xf32>
        %swap3A_272 = arith.index_cast %add3A_252 : i32 to index
        %swap3A_273 = arith.constant 48 : index
        %swap3A_274 = tpu.vector_load %arg8[%swap3A_272, %swap3A_273] {strides = array<i32>} : memref<400x64xf32, #tpu.memory_space<vmem>>, vector<1x16xf32>,
        %swap3A_275 = vector.shape_cast %swap3A_274 : vector<1x16xf32> to vector<16xf32>
        %swap3A_276 = vector.shape_cast %select_n3A_271 : vector<16xf32> to vector<1x16xf32>
        tpu.vector_store %arg8[%swap3A_272, %swap3A_273], %swap3A_276 {strides = array<i32>} : memref<400x64xf32, #tpu.memory_space<vmem>>, vector<1x16xf32>,
        %slice3A_277 = vector.extract_strided_slice %get3A_159 {offsets = [4], sizes = [1], strides = [1]} : vector<16xi32> to vector<1xi32>
        %squeeze3A_278 = vector.extract %slice3A_277[0] : i32 from vector<1xi32>
        %eq3A_279 = arith.constant 1 : i32
        %eq3A_280 = arith.cmpi eq, %squeeze3A_278, %eq3A_279 : i32
        %add3A_281 = arith.constant 4 : i32
        %add3A_282 = arith.addi %mul3A_161, %add3A_281 : i32
        %select_n3A_283 = arith.select %eq3A_280, %get3A_26, %get3A_6 : vector<16xf32>
        %swap3A_284 = arith.index_cast %add3A_282 : i32 to index
        %swap3A_285 = arith.constant 0 : index
        %swap3A_286 = tpu.vector_load %arg8[%swap3A_284, %swap3A_285] {strides = array<i32>} : memref<400x64xf32, #tpu.memory_space<vmem>>, vector<1x16xf32>,
        %swap3A_287 = vector.shape_cast %swap3A_286 : vector<1x16xf32> to vector<16xf32>
        %swap3A_288 = vector.shape_cast %select_n3A_283 : vector<16xf32> to vector<1x16xf32>
        tpu.vector_store %arg8[%swap3A_284, %swap3A_285], %swap3A_288 {strides = array<i32>} : memref<400x64xf32, #tpu.memory_space<vmem>>, vector<1x16xf32>,
        %select_n3A_289 = arith.select %eq3A_280, %get3A_31, %get3A_11 : vector<16xf32>
        %swap3A_290 = arith.index_cast %add3A_282 : i32 to index
        %swap3A_291 = arith.constant 16 : index
        %swap3A_292 = tpu.vector_load %arg8[%swap3A_290, %swap3A_291] {strides = array<i32>} : memref<400x64xf32, #tpu.memory_space<vmem>>, vector<1x16xf32>,
        %swap3A_293 = vector.shape_cast %swap3A_292 : vector<1x16xf32> to vector<16xf32>
        %swap3A_294 = vector.shape_cast %select_n3A_289 : vector<16xf32> to vector<1x16xf32>
        tpu.vector_store %arg8[%swap3A_290, %swap3A_291], %swap3A_294 {strides = array<i32>} : memref<400x64xf32, #tpu.memory_space<vmem>>, vector<1x16xf32>,
        %select_n3A_295 = arith.select %eq3A_280, %get3A_36, %get3A_16 : vector<16xf32>
        %swap3A_296 = arith.index_cast %add3A_282 : i32 to index
        %swap3A_297 = arith.constant 32 : index
        %swap3A_298 = tpu.vector_load %arg8[%swap3A_296, %swap3A_297] {strides = array<i32>} : memref<400x64xf32, #tpu.memory_space<vmem>>, vector<1x16xf32>,
        %swap3A_299 = vector.shape_cast %swap3A_298 : vector<1x16xf32> to vector<16xf32>
        %swap3A_300 = vector.shape_cast %select_n3A_295 : vector<16xf32> to vector<1x16xf32>
        tpu.vector_store %arg8[%swap3A_296, %swap3A_297], %swap3A_300 {strides = array<i32>} : memref<400x64xf32, #tpu.memory_space<vmem>>, vector<1x16xf32>,
        %select_n3A_301 = arith.select %eq3A_280, %get3A_41, %get3A_21 : vector<16xf32>
        %swap3A_302 = arith.index_cast %add3A_282 : i32 to index
        %swap3A_303 = arith.constant 48 : index
        %swap3A_304 = tpu.vector_load %arg8[%swap3A_302, %swap3A_303] {strides = array<i32>} : memref<400x64xf32, #tpu.memory_space<vmem>>, vector<1x16xf32>,
        %swap3A_305 = vector.shape_cast %swap3A_304 : vector<1x16xf32> to vector<16xf32>
        %swap3A_306 = vector.shape_cast %select_n3A_301 : vector<16xf32> to vector<1x16xf32>
        tpu.vector_store %arg8[%swap3A_302, %swap3A_303], %swap3A_306 {strides = array<i32>} : memref<400x64xf32, #tpu.memory_space<vmem>>, vector<1x16xf32>,
        %slice3A_307 = vector.extract_strided_slice %get3A_159 {offsets = [5], sizes = [1], strides = [1]} : vector<16xi32> to vector<1xi32>
        %squeeze3A_308 = vector.extract %slice3A_307[0] : i32 from vector<1xi32>
        %eq3A_309 = arith.constant 1 : i32
        %eq3A_310 = arith.cmpi eq, %squeeze3A_308, %eq3A_309 : i32
        %add3A_311 = arith.constant 5 : i32
        %add3A_312 = arith.addi %mul3A_161, %add3A_311 : i32
        %select_n3A_313 = arith.select %eq3A_310, %get3A_26, %get3A_6 : vector<16xf32>
        %swap3A_314 = arith.index_cast %add3A_312 : i32 to index
        %swap3A_315 = arith.constant 0 : index
        %swap3A_316 = tpu.vector_load %arg8[%swap3A_314, %swap3A_315] {strides = array<i32>} : memref<400x64xf32, #tpu.memory_space<vmem>>, vector<1x16xf32>,
        %swap3A_317 = vector.shape_cast %swap3A_316 : vector<1x16xf32> to vector<16xf32>
        %swap3A_318 = vector.shape_cast %select_n3A_313 : vector<16xf32> to vector<1x16xf32>
        tpu.vector_store %arg8[%swap3A_314, %swap3A_315], %swap3A_318 {strides = array<i32>} : memref<400x64xf32, #tpu.memory_space<vmem>>, vector<1x16xf32>,
        %select_n3A_319 = arith.select %eq3A_310, %get3A_31, %get3A_11 : vector<16xf32>
        %swap3A_320 = arith.index_cast %add3A_312 : i32 to index
        %swap3A_321 = arith.constant 16 : index
        %swap3A_322 = tpu.vector_load %arg8[%swap3A_320, %swap3A_321] {strides = array<i32>} : memref<400x64xf32, #tpu.memory_space<vmem>>, vector<1x16xf32>,
        %swap3A_323 = vector.shape_cast %swap3A_322 : vector<1x16xf32> to vector<16xf32>
        %swap3A_324 = vector.shape_cast %select_n3A_319 : vector<16xf32> to vector<1x16xf32>
        tpu.vector_store %arg8[%swap3A_320, %swap3A_321], %swap3A_324 {strides = array<i32>} : memref<400x64xf32, #tpu.memory_space<vmem>>, vector<1x16xf32>,
        %select_n3A_325 = arith.select %eq3A_310, %get3A_36, %get3A_16 : vector<16xf32>
        %swap3A_326 = arith.index_cast %add3A_312 : i32 to index
        %swap3A_327 = arith.constant 32 : index
        %swap3A_328 = tpu.vector_load %arg8[%swap3A_326, %swap3A_327] {strides = array<i32>} : memref<400x64xf32, #tpu.memory_space<vmem>>, vector<1x16xf32>,
        %swap3A_329 = vector.shape_cast %swap3A_328 : vector<1x16xf32> to vector<16xf32>
        %swap3A_330 = vector.shape_cast %select_n3A_325 : vector<16xf32> to vector<1x16xf32>
        tpu.vector_store %arg8[%swap3A_326, %swap3A_327], %swap3A_330 {strides = array<i32>} : memref<400x64xf32, #tpu.memory_space<vmem>>, vector<1x16xf32>,
        %select_n3A_331 = arith.select %eq3A_310, %get3A_41, %get3A_21 : vector<16xf32>
        %swap3A_332 = arith.index_cast %add3A_312 : i32 to index
        %swap3A_333 = arith.constant 48 : index
        %swap3A_334 = tpu.vector_load %arg8[%swap3A_332, %swap3A_333] {strides = array<i32>} : memref<400x64xf32, #tpu.memory_space<vmem>>, vector<1x16xf32>,
        %swap3A_335 = vector.shape_cast %swap3A_334 : vector<1x16xf32> to vector<16xf32>
        %swap3A_336 = vector.shape_cast %select_n3A_331 : vector<16xf32> to vector<1x16xf32>
        tpu.vector_store %arg8[%swap3A_332, %swap3A_333], %swap3A_336 {strides = array<i32>} : memref<400x64xf32, #tpu.memory_space<vmem>>, vector<1x16xf32>,
        %slice3A_337 = vector.extract_strided_slice %get3A_159 {offsets = [6], sizes = [1], strides = [1]} : vector<16xi32> to vector<1xi32>
        %squeeze3A_338 = vector.extract %slice3A_337[0] : i32 from vector<1xi32>
        %eq3A_339 = arith.constant 1 : i32
        %eq3A_340 = arith.cmpi eq, %squeeze3A_338, %eq3A_339 : i32
        %add3A_341 = arith.constant 6 : i32
        %add3A_342 = arith.addi %mul3A_161, %add3A_341 : i32
        %select_n3A_343 = arith.select %eq3A_340, %get3A_26, %get3A_6 : vector<16xf32>
        %swap3A_344 = arith.index_cast %add3A_342 : i32 to index
        %swap3A_345 = arith.constant 0 : index
        %swap3A_346 = tpu.vector_load %arg8[%swap3A_344, %swap3A_345] {strides = array<i32>} : memref<400x64xf32, #tpu.memory_space<vmem>>, vector<1x16xf32>,
        %swap3A_347 = vector.shape_cast %swap3A_346 : vector<1x16xf32> to vector<16xf32>
        %swap3A_348 = vector.shape_cast %select_n3A_343 : vector<16xf32> to vector<1x16xf32>
        tpu.vector_store %arg8[%swap3A_344, %swap3A_345], %swap3A_348 {strides = array<i32>} : memref<400x64xf32, #tpu.memory_space<vmem>>, vector<1x16xf32>,
        %select_n3A_349 = arith.select %eq3A_340, %get3A_31, %get3A_11 : vector<16xf32>
        %swap3A_350 = arith.index_cast %add3A_342 : i32 to index
        %swap3A_351 = arith.constant 16 : index
        %swap3A_352 = tpu.vector_load %arg8[%swap3A_350, %swap3A_351] {strides = array<i32>} : memref<400x64xf32, #tpu.memory_space<vmem>>, vector<1x16xf32>,
        %swap3A_353 = vector.shape_cast %swap3A_352 : vector<1x16xf32> to vector<16xf32>
        %swap3A_354 = vector.shape_cast %select_n3A_349 : vector<16xf32> to vector<1x16xf32>
        tpu.vector_store %arg8[%swap3A_350, %swap3A_351], %swap3A_354 {strides = array<i32>} : memref<400x64xf32, #tpu.memory_space<vmem>>, vector<1x16xf32>,
        %select_n3A_355 = arith.select %eq3A_340, %get3A_36, %get3A_16 : vector<16xf32>
        %swap3A_356 = arith.index_cast %add3A_342 : i32 to index
        %swap3A_357 = arith.constant 32 : index
        %swap3A_358 = tpu.vector_load %arg8[%swap3A_356, %swap3A_357] {strides = array<i32>} : memref<400x64xf32, #tpu.memory_space<vmem>>, vector<1x16xf32>,
        %swap3A_359 = vector.shape_cast %swap3A_358 : vector<1x16xf32> to vector<16xf32>
        %swap3A_360 = vector.shape_cast %select_n3A_355 : vector<16xf32> to vector<1x16xf32>
        tpu.vector_store %arg8[%swap3A_356, %swap3A_357], %swap3A_360 {strides = array<i32>} : memref<400x64xf32, #tpu.memory_space<vmem>>, vector<1x16xf32>,
        %select_n3A_361 = arith.select %eq3A_340, %get3A_41, %get3A_21 : vector<16xf32>
        %swap3A_362 = arith.index_cast %add3A_342 : i32 to index
        %swap3A_363 = arith.constant 48 : index
        %swap3A_364 = tpu.vector_load %arg8[%swap3A_362, %swap3A_363] {strides = array<i32>} : memref<400x64xf32, #tpu.memory_space<vmem>>, vector<1x16xf32>,
        %swap3A_365 = vector.shape_cast %swap3A_364 : vector<1x16xf32> to vector<16xf32>
        %swap3A_366 = vector.shape_cast %select_n3A_361 : vector<16xf32> to vector<1x16xf32>
        tpu.vector_store %arg8[%swap3A_362, %swap3A_363], %swap3A_366 {strides = array<i32>} : memref<400x64xf32, #tpu.memory_space<vmem>>, vector<1x16xf32>,
        %slice3A_367 = vector.extract_strided_slice %get3A_159 {offsets = [7], sizes = [1], strides = [1]} : vector<16xi32> to vector<1xi32>
        %squeeze3A_368 = vector.extract %slice3A_367[0] : i32 from vector<1xi32>
        %eq3A_369 = arith.constant 1 : i32
        %eq3A_370 = arith.cmpi eq, %squeeze3A_368, %eq3A_369 : i32
        %add3A_371 = arith.constant 7 : i32
        %add3A_372 = arith.addi %mul3A_161, %add3A_371 : i32
        %select_n3A_373 = arith.select %eq3A_370, %get3A_26, %get3A_6 : vector<16xf32>
        %swap3A_374 = arith.index_cast %add3A_372 : i32 to index
        %swap3A_375 = arith.constant 0 : index
        %swap3A_376 = tpu.vector_load %arg8[%swap3A_374, %swap3A_375] {strides = array<i32>} : memref<400x64xf32, #tpu.memory_space<vmem>>, vector<1x16xf32>,
        %swap3A_377 = vector.shape_cast %swap3A_376 : vector<1x16xf32> to vector<16xf32>
        %swap3A_378 = vector.shape_cast %select_n3A_373 : vector<16xf32> to vector<1x16xf32>
        tpu.vector_store %arg8[%swap3A_374, %swap3A_375], %swap3A_378 {strides = array<i32>} : memref<400x64xf32, #tpu.memory_space<vmem>>, vector<1x16xf32>,
        %select_n3A_379 = arith.select %eq3A_370, %get3A_31, %get3A_11 : vector<16xf32>
        %swap3A_380 = arith.index_cast %add3A_372 : i32 to index
        %swap3A_381 = arith.constant 16 : index
        %swap3A_382 = tpu.vector_load %arg8[%swap3A_380, %swap3A_381] {strides = array<i32>} : memref<400x64xf32, #tpu.memory_space<vmem>>, vector<1x16xf32>,
        %swap3A_383 = vector.shape_cast %swap3A_382 : vector<1x16xf32> to vector<16xf32>
        %swap3A_384 = vector.shape_cast %select_n3A_379 : vector<16xf32> to vector<1x16xf32>
        tpu.vector_store %arg8[%swap3A_380, %swap3A_381], %swap3A_384 {strides = array<i32>} : memref<400x64xf32, #tpu.memory_space<vmem>>, vector<1x16xf32>,
        %select_n3A_385 = arith.select %eq3A_370, %get3A_36, %get3A_16 : vector<16xf32>
        %swap3A_386 = arith.index_cast %add3A_372 : i32 to index
        %swap3A_387 = arith.constant 32 : index
        %swap3A_388 = tpu.vector_load %arg8[%swap3A_386, %swap3A_387] {strides = array<i32>} : memref<400x64xf32, #tpu.memory_space<vmem>>, vector<1x16xf32>,
        %swap3A_389 = vector.shape_cast %swap3A_388 : vector<1x16xf32> to vector<16xf32>
        %swap3A_390 = vector.shape_cast %select_n3A_385 : vector<16xf32> to vector<1x16xf32>
        tpu.vector_store %arg8[%swap3A_386, %swap3A_387], %swap3A_390 {strides = array<i32>} : memref<400x64xf32, #tpu.memory_space<vmem>>, vector<1x16xf32>,
        %select_n3A_391 = arith.select %eq3A_370, %get3A_41, %get3A_21 : vector<16xf32>
        %swap3A_392 = arith.index_cast %add3A_372 : i32 to index
        %swap3A_393 = arith.constant 48 : index
        %swap3A_394 = tpu.vector_load %arg8[%swap3A_392, %swap3A_393] {strides = array<i32>} : memref<400x64xf32, #tpu.memory_space<vmem>>, vector<1x16xf32>,
        %swap3A_395 = vector.shape_cast %swap3A_394 : vector<1x16xf32> to vector<16xf32>
        %swap3A_396 = vector.shape_cast %select_n3A_391 : vector<16xf32> to vector<1x16xf32>
        tpu.vector_store %arg8[%swap3A_392, %swap3A_393], %swap3A_396 {strides = array<i32>} : memref<400x64xf32, #tpu.memory_space<vmem>>, vector<1x16xf32>,
        %slice3A_397 = vector.extract_strided_slice %get3A_159 {offsets = [8], sizes = [1], strides = [1]} : vector<16xi32> to vector<1xi32>
        %squeeze3A_398 = vector.extract %slice3A_397[0] : i32 from vector<1xi32>
        %eq3A_399 = arith.constant 1 : i32
        %eq3A_400 = arith.cmpi eq, %squeeze3A_398, %eq3A_399 : i32
        %add3A_401 = arith.constant 8 : i32
        %add3A_402 = arith.addi %mul3A_161, %add3A_401 : i32
        %select_n3A_403 = arith.select %eq3A_400, %get3A_26, %get3A_6 : vector<16xf32>
        %swap3A_404 = arith.index_cast %add3A_402 : i32 to index
        %swap3A_405 = arith.constant 0 : index
        %swap3A_406 = tpu.vector_load %arg8[%swap3A_404, %swap3A_405] {strides = array<i32>} : memref<400x64xf32, #tpu.memory_space<vmem>>, vector<1x16xf32>,
        %swap3A_407 = vector.shape_cast %swap3A_406 : vector<1x16xf32> to vector<16xf32>
        %swap3A_408 = vector.shape_cast %select_n3A_403 : vector<16xf32> to vector<1x16xf32>
        tpu.vector_store %arg8[%swap3A_404, %swap3A_405], %swap3A_408 {strides = array<i32>} : memref<400x64xf32, #tpu.memory_space<vmem>>, vector<1x16xf32>,
        %select_n3A_409 = arith.select %eq3A_400, %get3A_31, %get3A_11 : vector<16xf32>
        %swap3A_410 = arith.index_cast %add3A_402 : i32 to index
        %swap3A_411 = arith.constant 16 : index
        %swap3A_412 = tpu.vector_load %arg8[%swap3A_410, %swap3A_411] {strides = array<i32>} : memref<400x64xf32, #tpu.memory_space<vmem>>, vector<1x16xf32>,
        %swap3A_413 = vector.shape_cast %swap3A_412 : vector<1x16xf32> to vector<16xf32>
        %swap3A_414 = vector.shape_cast %select_n3A_409 : vector<16xf32> to vector<1x16xf32>
        tpu.vector_store %arg8[%swap3A_410, %swap3A_411], %swap3A_414 {strides = array<i32>} : memref<400x64xf32, #tpu.memory_space<vmem>>, vector<1x16xf32>,
        %select_n3A_415 = arith.select %eq3A_400, %get3A_36, %get3A_16 : vector<16xf32>
        %swap3A_416 = arith.index_cast %add3A_402 : i32 to index
        %swap3A_417 = arith.constant 32 : index
        %swap3A_418 = tpu.vector_load %arg8[%swap3A_416, %swap3A_417] {strides = array<i32>} : memref<400x64xf32, #tpu.memory_space<vmem>>, vector<1x16xf32>,
        %swap3A_419 = vector.shape_cast %swap3A_418 : vector<1x16xf32> to vector<16xf32>
        %swap3A_420 = vector.shape_cast %select_n3A_415 : vector<16xf32> to vector<1x16xf32>
        tpu.vector_store %arg8[%swap3A_416, %swap3A_417], %swap3A_420 {strides = array<i32>} : memref<400x64xf32, #tpu.memory_space<vmem>>, vector<1x16xf32>,
        %select_n3A_421 = arith.select %eq3A_400, %get3A_41, %get3A_21 : vector<16xf32>
        %swap3A_422 = arith.index_cast %add3A_402 : i32 to index
        %swap3A_423 = arith.constant 48 : index
        %swap3A_424 = tpu.vector_load %arg8[%swap3A_422, %swap3A_423] {strides = array<i32>} : memref<400x64xf32, #tpu.memory_space<vmem>>, vector<1x16xf32>,
        %swap3A_425 = vector.shape_cast %swap3A_424 : vector<1x16xf32> to vector<16xf32>
        %swap3A_426 = vector.shape_cast %select_n3A_421 : vector<16xf32> to vector<1x16xf32>
        tpu.vector_store %arg8[%swap3A_422, %swap3A_423], %swap3A_426 {strides = array<i32>} : memref<400x64xf32, #tpu.memory_space<vmem>>, vector<1x16xf32>,
        %slice3A_427 = vector.extract_strided_slice %get3A_159 {offsets = [9], sizes = [1], strides = [1]} : vector<16xi32> to vector<1xi32>
        %squeeze3A_428 = vector.extract %slice3A_427[0] : i32 from vector<1xi32>
        %eq3A_429 = arith.constant 1 : i32
        %eq3A_430 = arith.cmpi eq, %squeeze3A_428, %eq3A_429 : i32
        %add3A_431 = arith.constant 9 : i32
        %add3A_432 = arith.addi %mul3A_161, %add3A_431 : i32
        %select_n3A_433 = arith.select %eq3A_430, %get3A_26, %get3A_6 : vector<16xf32>
        %swap3A_434 = arith.index_cast %add3A_432 : i32 to index
        %swap3A_435 = arith.constant 0 : index
        %swap3A_436 = tpu.vector_load %arg8[%swap3A_434, %swap3A_435] {strides = array<i32>} : memref<400x64xf32, #tpu.memory_space<vmem>>, vector<1x16xf32>,
        %swap3A_437 = vector.shape_cast %swap3A_436 : vector<1x16xf32> to vector<16xf32>
        %swap3A_438 = vector.shape_cast %select_n3A_433 : vector<16xf32> to vector<1x16xf32>
        tpu.vector_store %arg8[%swap3A_434, %swap3A_435], %swap3A_438 {strides = array<i32>} : memref<400x64xf32, #tpu.memory_space<vmem>>, vector<1x16xf32>,
        %select_n3A_439 = arith.select %eq3A_430, %get3A_31, %get3A_11 : vector<16xf32>
        %swap3A_440 = arith.index_cast %add3A_432 : i32 to index
        %swap3A_441 = arith.constant 16 : index
        %swap3A_442 = tpu.vector_load %arg8[%swap3A_440, %swap3A_441] {strides = array<i32>} : memref<400x64xf32, #tpu.memory_space<vmem>>, vector<1x16xf32>,
        %swap3A_443 = vector.shape_cast %swap3A_442 : vector<1x16xf32> to vector<16xf32>
        %swap3A_444 = vector.shape_cast %select_n3A_439 : vector<16xf32> to vector<1x16xf32>
        tpu.vector_store %arg8[%swap3A_440, %swap3A_441], %swap3A_444 {strides = array<i32>} : memref<400x64xf32, #tpu.memory_space<vmem>>, vector<1x16xf32>,
        %select_n3A_445 = arith.select %eq3A_430, %get3A_36, %get3A_16 : vector<16xf32>
        %swap3A_446 = arith.index_cast %add3A_432 : i32 to index
        %swap3A_447 = arith.constant 32 : index
        %swap3A_448 = tpu.vector_load %arg8[%swap3A_446, %swap3A_447] {strides = array<i32>} : memref<400x64xf32, #tpu.memory_space<vmem>>, vector<1x16xf32>,
        %swap3A_449 = vector.shape_cast %swap3A_448 : vector<1x16xf32> to vector<16xf32>
        %swap3A_450 = vector.shape_cast %select_n3A_445 : vector<16xf32> to vector<1x16xf32>
        tpu.vector_store %arg8[%swap3A_446, %swap3A_447], %swap3A_450 {strides = array<i32>} : memref<400x64xf32, #tpu.memory_space<vmem>>, vector<1x16xf32>,
        %select_n3A_451 = arith.select %eq3A_430, %get3A_41, %get3A_21 : vector<16xf32>
        %swap3A_452 = arith.index_cast %add3A_432 : i32 to index
        %swap3A_453 = arith.constant 48 : index
        %swap3A_454 = tpu.vector_load %arg8[%swap3A_452, %swap3A_453] {strides = array<i32>} : memref<400x64xf32, #tpu.memory_space<vmem>>, vector<1x16xf32>,
        %swap3A_455 = vector.shape_cast %swap3A_454 : vector<1x16xf32> to vector<16xf32>
        %swap3A_456 = vector.shape_cast %select_n3A_451 : vector<16xf32> to vector<1x16xf32>
        tpu.vector_store %arg8[%swap3A_452, %swap3A_453], %swap3A_456 {strides = array<i32>} : memref<400x64xf32, #tpu.memory_space<vmem>>, vector<1x16xf32>,
        %slice3A_457 = vector.extract_strided_slice %get3A_159 {offsets = [10], sizes = [1], strides = [1]} : vector<16xi32> to vector<1xi32>
        %squeeze3A_458 = vector.extract %slice3A_457[0] : i32 from vector<1xi32>
        %eq3A_459 = arith.constant 1 : i32
        %eq3A_460 = arith.cmpi eq, %squeeze3A_458, %eq3A_459 : i32
        %add3A_461 = arith.constant 10 : i32
        %add3A_462 = arith.addi %mul3A_161, %add3A_461 : i32
        %select_n3A_463 = arith.select %eq3A_460, %get3A_26, %get3A_6 : vector<16xf32>
        %swap3A_464 = arith.index_cast %add3A_462 : i32 to index
        %swap3A_465 = arith.constant 0 : index
        %swap3A_466 = tpu.vector_load %arg8[%swap3A_464, %swap3A_465] {strides = array<i32>} : memref<400x64xf32, #tpu.memory_space<vmem>>, vector<1x16xf32>,
        %swap3A_467 = vector.shape_cast %swap3A_466 : vector<1x16xf32> to vector<16xf32>
        %swap3A_468 = vector.shape_cast %select_n3A_463 : vector<16xf32> to vector<1x16xf32>
        tpu.vector_store %arg8[%swap3A_464, %swap3A_465], %swap3A_468 {strides = array<i32>} : memref<400x64xf32, #tpu.memory_space<vmem>>, vector<1x16xf32>,
        %select_n3A_469 = arith.select %eq3A_460, %get3A_31, %get3A_11 : vector<16xf32>
        %swap3A_470 = arith.index_cast %add3A_462 : i32 to index
        %swap3A_471 = arith.constant 16 : index
        %swap3A_472 = tpu.vector_load %arg8[%swap3A_470, %swap3A_471] {strides = array<i32>} : memref<400x64xf32, #tpu.memory_space<vmem>>, vector<1x16xf32>,
        %swap3A_473 = vector.shape_cast %swap3A_472 : vector<1x16xf32> to vector<16xf32>
        %swap3A_474 = vector.shape_cast %select_n3A_469 : vector<16xf32> to vector<1x16xf32>
        tpu.vector_store %arg8[%swap3A_470, %swap3A_471], %swap3A_474 {strides = array<i32>} : memref<400x64xf32, #tpu.memory_space<vmem>>, vector<1x16xf32>,
        %select_n3A_475 = arith.select %eq3A_460, %get3A_36, %get3A_16 : vector<16xf32>
        %swap3A_476 = arith.index_cast %add3A_462 : i32 to index
        %swap3A_477 = arith.constant 32 : index
        %swap3A_478 = tpu.vector_load %arg8[%swap3A_476, %swap3A_477] {strides = array<i32>} : memref<400x64xf32, #tpu.memory_space<vmem>>, vector<1x16xf32>,
        %swap3A_479 = vector.shape_cast %swap3A_478 : vector<1x16xf32> to vector<16xf32>
        %swap3A_480 = vector.shape_cast %select_n3A_475 : vector<16xf32> to vector<1x16xf32>
        tpu.vector_store %arg8[%swap3A_476, %swap3A_477], %swap3A_480 {strides = array<i32>} : memref<400x64xf32, #tpu.memory_space<vmem>>, vector<1x16xf32>,
        %select_n3A_481 = arith.select %eq3A_460, %get3A_41, %get3A_21 : vector<16xf32>
        %swap3A_482 = arith.index_cast %add3A_462 : i32 to index
        %swap3A_483 = arith.constant 48 : index
        %swap3A_484 = tpu.vector_load %arg8[%swap3A_482, %swap3A_483] {strides = array<i32>} : memref<400x64xf32, #tpu.memory_space<vmem>>, vector<1x16xf32>,
        %swap3A_485 = vector.shape_cast %swap3A_484 : vector<1x16xf32> to vector<16xf32>
        %swap3A_486 = vector.shape_cast %select_n3A_481 : vector<16xf32> to vector<1x16xf32>
        tpu.vector_store %arg8[%swap3A_482, %swap3A_483], %swap3A_486 {strides = array<i32>} : memref<400x64xf32, #tpu.memory_space<vmem>>, vector<1x16xf32>,
        %slice3A_487 = vector.extract_strided_slice %get3A_159 {offsets = [11], sizes = [1], strides = [1]} : vector<16xi32> to vector<1xi32>
        %squeeze3A_488 = vector.extract %slice3A_487[0] : i32 from vector<1xi32>
        %eq3A_489 = arith.constant 1 : i32
        %eq3A_490 = arith.cmpi eq, %squeeze3A_488, %eq3A_489 : i32
        %add3A_491 = arith.constant 11 : i32
        %add3A_492 = arith.addi %mul3A_161, %add3A_491 : i32
        %select_n3A_493 = arith.select %eq3A_490, %get3A_26, %get3A_6 : vector<16xf32>
        %swap3A_494 = arith.index_cast %add3A_492 : i32 to index
        %swap3A_495 = arith.constant 0 : index
        %swap3A_496 = tpu.vector_load %arg8[%swap3A_494, %swap3A_495] {strides = array<i32>} : memref<400x64xf32, #tpu.memory_space<vmem>>, vector<1x16xf32>,
        %swap3A_497 = vector.shape_cast %swap3A_496 : vector<1x16xf32> to vector<16xf32>
        %swap3A_498 = vector.shape_cast %select_n3A_493 : vector<16xf32> to vector<1x16xf32>
        tpu.vector_store %arg8[%swap3A_494, %swap3A_495], %swap3A_498 {strides = array<i32>} : memref<400x64xf32, #tpu.memory_space<vmem>>, vector<1x16xf32>,
        %select_n3A_499 = arith.select %eq3A_490, %get3A_31, %get3A_11 : vector<16xf32>
        %swap3A_500 = arith.index_cast %add3A_492 : i32 to index
        %swap3A_501 = arith.constant 16 : index
        %swap3A_502 = tpu.vector_load %arg8[%swap3A_500, %swap3A_501] {strides = array<i32>} : memref<400x64xf32, #tpu.memory_space<vmem>>, vector<1x16xf32>,
        %swap3A_503 = vector.shape_cast %swap3A_502 : vector<1x16xf32> to vector<16xf32>
        %swap3A_504 = vector.shape_cast %select_n3A_499 : vector<16xf32> to vector<1x16xf32>
        tpu.vector_store %arg8[%swap3A_500, %swap3A_501], %swap3A_504 {strides = array<i32>} : memref<400x64xf32, #tpu.memory_space<vmem>>, vector<1x16xf32>,
        %select_n3A_505 = arith.select %eq3A_490, %get3A_36, %get3A_16 : vector<16xf32>
        %swap3A_506 = arith.index_cast %add3A_492 : i32 to index
        %swap3A_507 = arith.constant 32 : index
        %swap3A_508 = tpu.vector_load %arg8[%swap3A_506, %swap3A_507] {strides = array<i32>} : memref<400x64xf32, #tpu.memory_space<vmem>>, vector<1x16xf32>,
        %swap3A_509 = vector.shape_cast %swap3A_508 : vector<1x16xf32> to vector<16xf32>
        %swap3A_510 = vector.shape_cast %select_n3A_505 : vector<16xf32> to vector<1x16xf32>
        tpu.vector_store %arg8[%swap3A_506, %swap3A_507], %swap3A_510 {strides = array<i32>} : memref<400x64xf32, #tpu.memory_space<vmem>>, vector<1x16xf32>,
        %select_n3A_511 = arith.select %eq3A_490, %get3A_41, %get3A_21 : vector<16xf32>
        %swap3A_512 = arith.index_cast %add3A_492 : i32 to index
        %swap3A_513 = arith.constant 48 : index
        %swap3A_514 = tpu.vector_load %arg8[%swap3A_512, %swap3A_513] {strides = array<i32>} : memref<400x64xf32, #tpu.memory_space<vmem>>, vector<1x16xf32>,
        %swap3A_515 = vector.shape_cast %swap3A_514 : vector<1x16xf32> to vector<16xf32>
        %swap3A_516 = vector.shape_cast %select_n3A_511 : vector<16xf32> to vector<1x16xf32>
        tpu.vector_store %arg8[%swap3A_512, %swap3A_513], %swap3A_516 {strides = array<i32>} : memref<400x64xf32, #tpu.memory_space<vmem>>, vector<1x16xf32>,
        %slice3A_517 = vector.extract_strided_slice %get3A_159 {offsets = [12], sizes = [1], strides = [1]} : vector<16xi32> to vector<1xi32>
        %squeeze3A_518 = vector.extract %slice3A_517[0] : i32 from vector<1xi32>
        %eq3A_519 = arith.constant 1 : i32
        %eq3A_520 = arith.cmpi eq, %squeeze3A_518, %eq3A_519 : i32
        %add3A_521 = arith.constant 12 : i32
        %add3A_522 = arith.addi %mul3A_161, %add3A_521 : i32
        %select_n3A_523 = arith.select %eq3A_520, %get3A_26, %get3A_6 : vector<16xf32>
        %swap3A_524 = arith.index_cast %add3A_522 : i32 to index
        %swap3A_525 = arith.constant 0 : index
        %swap3A_526 = tpu.vector_load %arg8[%swap3A_524, %swap3A_525] {strides = array<i32>} : memref<400x64xf32, #tpu.memory_space<vmem>>, vector<1x16xf32>,
        %swap3A_527 = vector.shape_cast %swap3A_526 : vector<1x16xf32> to vector<16xf32>
        %swap3A_528 = vector.shape_cast %select_n3A_523 : vector<16xf32> to vector<1x16xf32>
        tpu.vector_store %arg8[%swap3A_524, %swap3A_525], %swap3A_528 {strides = array<i32>} : memref<400x64xf32, #tpu.memory_space<vmem>>, vector<1x16xf32>,
        %select_n3A_529 = arith.select %eq3A_520, %get3A_31, %get3A_11 : vector<16xf32>
        %swap3A_530 = arith.index_cast %add3A_522 : i32 to index
        %swap3A_531 = arith.constant 16 : index
        %swap3A_532 = tpu.vector_load %arg8[%swap3A_530, %swap3A_531] {strides = array<i32>} : memref<400x64xf32, #tpu.memory_space<vmem>>, vector<1x16xf32>,
        %swap3A_533 = vector.shape_cast %swap3A_532 : vector<1x16xf32> to vector<16xf32>
        %swap3A_534 = vector.shape_cast %select_n3A_529 : vector<16xf32> to vector<1x16xf32>
        tpu.vector_store %arg8[%swap3A_530, %swap3A_531], %swap3A_534 {strides = array<i32>} : memref<400x64xf32, #tpu.memory_space<vmem>>, vector<1x16xf32>,
        %select_n3A_535 = arith.select %eq3A_520, %get3A_36, %get3A_16 : vector<16xf32>
        %swap3A_536 = arith.index_cast %add3A_522 : i32 to index
        %swap3A_537 = arith.constant 32 : index
        %swap3A_538 = tpu.vector_load %arg8[%swap3A_536, %swap3A_537] {strides = array<i32>} : memref<400x64xf32, #tpu.memory_space<vmem>>, vector<1x16xf32>,
        %swap3A_539 = vector.shape_cast %swap3A_538 : vector<1x16xf32> to vector<16xf32>
        %swap3A_540 = vector.shape_cast %select_n3A_535 : vector<16xf32> to vector<1x16xf32>
        tpu.vector_store %arg8[%swap3A_536, %swap3A_537], %swap3A_540 {strides = array<i32>} : memref<400x64xf32, #tpu.memory_space<vmem>>, vector<1x16xf32>,
        %select_n3A_541 = arith.select %eq3A_520, %get3A_41, %get3A_21 : vector<16xf32>
        %swap3A_542 = arith.index_cast %add3A_522 : i32 to index
        %swap3A_543 = arith.constant 48 : index
        %swap3A_544 = tpu.vector_load %arg8[%swap3A_542, %swap3A_543] {strides = array<i32>} : memref<400x64xf32, #tpu.memory_space<vmem>>, vector<1x16xf32>,
        %swap3A_545 = vector.shape_cast %swap3A_544 : vector<1x16xf32> to vector<16xf32>
        %swap3A_546 = vector.shape_cast %select_n3A_541 : vector<16xf32> to vector<1x16xf32>
        tpu.vector_store %arg8[%swap3A_542, %swap3A_543], %swap3A_546 {strides = array<i32>} : memref<400x64xf32, #tpu.memory_space<vmem>>, vector<1x16xf32>,
        %slice3A_547 = vector.extract_strided_slice %get3A_159 {offsets = [13], sizes = [1], strides = [1]} : vector<16xi32> to vector<1xi32>
        %squeeze3A_548 = vector.extract %slice3A_547[0] : i32 from vector<1xi32>
        %eq3A_549 = arith.constant 1 : i32
        %eq3A_550 = arith.cmpi eq, %squeeze3A_548, %eq3A_549 : i32
        %add3A_551 = arith.constant 13 : i32
        %add3A_552 = arith.addi %mul3A_161, %add3A_551 : i32
        %select_n3A_553 = arith.select %eq3A_550, %get3A_26, %get3A_6 : vector<16xf32>
        %swap3A_554 = arith.index_cast %add3A_552 : i32 to index
        %swap3A_555 = arith.constant 0 : index
        %swap3A_556 = tpu.vector_load %arg8[%swap3A_554, %swap3A_555] {strides = array<i32>} : memref<400x64xf32, #tpu.memory_space<vmem>>, vector<1x16xf32>,
        %swap3A_557 = vector.shape_cast %swap3A_556 : vector<1x16xf32> to vector<16xf32>
        %swap3A_558 = vector.shape_cast %select_n3A_553 : vector<16xf32> to vector<1x16xf32>
        tpu.vector_store %arg8[%swap3A_554, %swap3A_555], %swap3A_558 {strides = array<i32>} : memref<400x64xf32, #tpu.memory_space<vmem>>, vector<1x16xf32>,
        %select_n3A_559 = arith.select %eq3A_550, %get3A_31, %get3A_11 : vector<16xf32>
        %swap3A_560 = arith.index_cast %add3A_552 : i32 to index
        %swap3A_561 = arith.constant 16 : index
        %swap3A_562 = tpu.vector_load %arg8[%swap3A_560, %swap3A_561] {strides = array<i32>} : memref<400x64xf32, #tpu.memory_space<vmem>>, vector<1x16xf32>,
        %swap3A_563 = vector.shape_cast %swap3A_562 : vector<1x16xf32> to vector<16xf32>
        %swap3A_564 = vector.shape_cast %select_n3A_559 : vector<16xf32> to vector<1x16xf32>
        tpu.vector_store %arg8[%swap3A_560, %swap3A_561], %swap3A_564 {strides = array<i32>} : memref<400x64xf32, #tpu.memory_space<vmem>>, vector<1x16xf32>,
        %select_n3A_565 = arith.select %eq3A_550, %get3A_36, %get3A_16 : vector<16xf32>
        %swap3A_566 = arith.index_cast %add3A_552 : i32 to index
        %swap3A_567 = arith.constant 32 : index
        %swap3A_568 = tpu.vector_load %arg8[%swap3A_566, %swap3A_567] {strides = array<i32>} : memref<400x64xf32, #tpu.memory_space<vmem>>, vector<1x16xf32>,
        %swap3A_569 = vector.shape_cast %swap3A_568 : vector<1x16xf32> to vector<16xf32>
        %swap3A_570 = vector.shape_cast %select_n3A_565 : vector<16xf32> to vector<1x16xf32>
        tpu.vector_store %arg8[%swap3A_566, %swap3A_567], %swap3A_570 {strides = array<i32>} : memref<400x64xf32, #tpu.memory_space<vmem>>, vector<1x16xf32>,
        %select_n3A_571 = arith.select %eq3A_550, %get3A_41, %get3A_21 : vector<16xf32>
        %swap3A_572 = arith.index_cast %add3A_552 : i32 to index
        %swap3A_573 = arith.constant 48 : index
        %swap3A_574 = tpu.vector_load %arg8[%swap3A_572, %swap3A_573] {strides = array<i32>} : memref<400x64xf32, #tpu.memory_space<vmem>>, vector<1x16xf32>,
        %swap3A_575 = vector.shape_cast %swap3A_574 : vector<1x16xf32> to vector<16xf32>
        %swap3A_576 = vector.shape_cast %select_n3A_571 : vector<16xf32> to vector<1x16xf32>
        tpu.vector_store %arg8[%swap3A_572, %swap3A_573], %swap3A_576 {strides = array<i32>} : memref<400x64xf32, #tpu.memory_space<vmem>>, vector<1x16xf32>,
        %slice3A_577 = vector.extract_strided_slice %get3A_159 {offsets = [14], sizes = [1], strides = [1]} : vector<16xi32> to vector<1xi32>
        %squeeze3A_578 = vector.extract %slice3A_577[0] : i32 from vector<1xi32>
        %eq3A_579 = arith.constant 1 : i32
        %eq3A_580 = arith.cmpi eq, %squeeze3A_578, %eq3A_579 : i32
        %add3A_581 = arith.constant 14 : i32
        %add3A_582 = arith.addi %mul3A_161, %add3A_581 : i32
        %select_n3A_583 = arith.select %eq3A_580, %get3A_26, %get3A_6 : vector<16xf32>
        %swap3A_584 = arith.index_cast %add3A_582 : i32 to index
        %swap3A_585 = arith.constant 0 : index
        %swap3A_586 = tpu.vector_load %arg8[%swap3A_584, %swap3A_585] {strides = array<i32>} : memref<400x64xf32, #tpu.memory_space<vmem>>, vector<1x16xf32>,
        %swap3A_587 = vector.shape_cast %swap3A_586 : vector<1x16xf32> to vector<16xf32>
        %swap3A_588 = vector.shape_cast %select_n3A_583 : vector<16xf32> to vector<1x16xf32>
        tpu.vector_store %arg8[%swap3A_584, %swap3A_585], %swap3A_588 {strides = array<i32>} : memref<400x64xf32, #tpu.memory_space<vmem>>, vector<1x16xf32>,
        %select_n3A_589 = arith.select %eq3A_580, %get3A_31, %get3A_11 : vector<16xf32>
        %swap3A_590 = arith.index_cast %add3A_582 : i32 to index
        %swap3A_591 = arith.constant 16 : index
        %swap3A_592 = tpu.vector_load %arg8[%swap3A_590, %swap3A_591] {strides = array<i32>} : memref<400x64xf32, #tpu.memory_space<vmem>>, vector<1x16xf32>,
        %swap3A_593 = vector.shape_cast %swap3A_592 : vector<1x16xf32> to vector<16xf32>
        %swap3A_594 = vector.shape_cast %select_n3A_589 : vector<16xf32> to vector<1x16xf32>
        tpu.vector_store %arg8[%swap3A_590, %swap3A_591], %swap3A_594 {strides = array<i32>} : memref<400x64xf32, #tpu.memory_space<vmem>>, vector<1x16xf32>,
        %select_n3A_595 = arith.select %eq3A_580, %get3A_36, %get3A_16 : vector<16xf32>
        %swap3A_596 = arith.index_cast %add3A_582 : i32 to index
        %swap3A_597 = arith.constant 32 : index
        %swap3A_598 = tpu.vector_load %arg8[%swap3A_596, %swap3A_597] {strides = array<i32>} : memref<400x64xf32, #tpu.memory_space<vmem>>, vector<1x16xf32>,
        %swap3A_599 = vector.shape_cast %swap3A_598 : vector<1x16xf32> to vector<16xf32>
        %swap3A_600 = vector.shape_cast %select_n3A_595 : vector<16xf32> to vector<1x16xf32>
        tpu.vector_store %arg8[%swap3A_596, %swap3A_597], %swap3A_600 {strides = array<i32>} : memref<400x64xf32, #tpu.memory_space<vmem>>, vector<1x16xf32>,
        %select_n3A_601 = arith.select %eq3A_580, %get3A_41, %get3A_21 : vector<16xf32>
        %swap3A_602 = arith.index_cast %add3A_582 : i32 to index
        %swap3A_603 = arith.constant 48 : index
        %swap3A_604 = tpu.vector_load %arg8[%swap3A_602, %swap3A_603] {strides = array<i32>} : memref<400x64xf32, #tpu.memory_space<vmem>>, vector<1x16xf32>,
        %swap3A_605 = vector.shape_cast %swap3A_604 : vector<1x16xf32> to vector<16xf32>
        %swap3A_606 = vector.shape_cast %select_n3A_601 : vector<16xf32> to vector<1x16xf32>
        tpu.vector_store %arg8[%swap3A_602, %swap3A_603], %swap3A_606 {strides = array<i32>} : memref<400x64xf32, #tpu.memory_space<vmem>>, vector<1x16xf32>,
        %slice3A_607 = vector.extract_strided_slice %get3A_159 {offsets = [15], sizes = [1], strides = [1]} : vector<16xi32> to vector<1xi32>
        %squeeze3A_608 = vector.extract %slice3A_607[0] : i32 from vector<1xi32>
        %eq3A_609 = arith.constant 1 : i32
        %eq3A_610 = arith.cmpi eq, %squeeze3A_608, %eq3A_609 : i32
        %add3A_611 = arith.constant 15 : i32
        %add3A_612 = arith.addi %mul3A_161, %add3A_611 : i32
        %select_n3A_613 = arith.select %eq3A_610, %get3A_26, %get3A_6 : vector<16xf32>
        %swap3A_614 = arith.index_cast %add3A_612 : i32 to index
        %swap3A_615 = arith.constant 0 : index
        %swap3A_616 = tpu.vector_load %arg8[%swap3A_614, %swap3A_615] {strides = array<i32>} : memref<400x64xf32, #tpu.memory_space<vmem>>, vector<1x16xf32>,
        %swap3A_617 = vector.shape_cast %swap3A_616 : vector<1x16xf32> to vector<16xf32>
        %swap3A_618 = vector.shape_cast %select_n3A_613 : vector<16xf32> to vector<1x16xf32>
        tpu.vector_store %arg8[%swap3A_614, %swap3A_615], %swap3A_618 {strides = array<i32>} : memref<400x64xf32, #tpu.memory_space<vmem>>, vector<1x16xf32>,
        %select_n3A_619 = arith.select %eq3A_610, %get3A_31, %get3A_11 : vector<16xf32>
        %swap3A_620 = arith.index_cast %add3A_612 : i32 to index
        %swap3A_621 = arith.constant 16 : index
        %swap3A_622 = tpu.vector_load %arg8[%swap3A_620, %swap3A_621] {strides = array<i32>} : memref<400x64xf32, #tpu.memory_space<vmem>>, vector<1x16xf32>,
        %swap3A_623 = vector.shape_cast %swap3A_622 : vector<1x16xf32> to vector<16xf32>
        %swap3A_624 = vector.shape_cast %select_n3A_619 : vector<16xf32> to vector<1x16xf32>
        tpu.vector_store %arg8[%swap3A_620, %swap3A_621], %swap3A_624 {strides = array<i32>} : memref<400x64xf32, #tpu.memory_space<vmem>>, vector<1x16xf32>,
        %select_n3A_625 = arith.select %eq3A_610, %get3A_36, %get3A_16 : vector<16xf32>
        %swap3A_626 = arith.index_cast %add3A_612 : i32 to index
        %swap3A_627 = arith.constant 32 : index
        %swap3A_628 = tpu.vector_load %arg8[%swap3A_626, %swap3A_627] {strides = array<i32>} : memref<400x64xf32, #tpu.memory_space<vmem>>, vector<1x16xf32>,
        %swap3A_629 = vector.shape_cast %swap3A_628 : vector<1x16xf32> to vector<16xf32>
        %swap3A_630 = vector.shape_cast %select_n3A_625 : vector<16xf32> to vector<1x16xf32>
        tpu.vector_store %arg8[%swap3A_626, %swap3A_627], %swap3A_630 {strides = array<i32>} : memref<400x64xf32, #tpu.memory_space<vmem>>, vector<1x16xf32>,
        %select_n3A_631 = arith.select %eq3A_610, %get3A_41, %get3A_21 : vector<16xf32>
        %swap3A_632 = arith.index_cast %add3A_612 : i32 to index
        %swap3A_633 = arith.constant 48 : index
        %swap3A_634 = tpu.vector_load %arg8[%swap3A_632, %swap3A_633] {strides = array<i32>} : memref<400x64xf32, #tpu.memory_space<vmem>>, vector<1x16xf32>,
        %swap3A_635 = vector.shape_cast %swap3A_634 : vector<1x16xf32> to vector<16xf32>
        %swap3A_636 = vector.shape_cast %select_n3A_631 : vector<16xf32> to vector<1x16xf32>
        tpu.vector_store %arg8[%swap3A_632, %swap3A_633], %swap3A_636 {strides = array<i32>} : memref<400x64xf32, #tpu.memory_space<vmem>>, vector<1x16xf32>,
      }
      %scan3A_144 = arith.constant 25 : i32
      %mul3A_145 = arith.constant 400 : i32
      %mul3A_146 = arith.muli %add3A_126, %mul3A_145 : i32
      %add3A_147 = arith.addi %mul3A_2, %mul3A_146 : i32
      %dma_start3A_148 = tpu.memref_reshape %arg4 : memref<16384x200x64xf32, #tpu.memory_space<hbm>> -> memref<3276800x64xf32, #tpu.memory_space<hbm>>
      %dma_start3A_149 = arith.constant 0 : i32
      %dma_start3A_150 = tpu.memref_slice %dma_start3A_148[%add3A_147, %dma_start3A_149] : memref<3276800x64xf32, #tpu.memory_space<hbm>> -> memref<400x64xf32, #tpu.memory_space<hbm>>
      %dma_start3A_151 = tpu.memref_reshape %arg4 : memref<16384x200x64xf32, #tpu.memory_space<hbm>> -> memref<3276800x64xf32, #tpu.memory_space<hbm>>
      %dma_start3A_152 = arith.constant 0 : i32
      %dma_start3A_153 = tpu.memref_slice %dma_start3A_151[%add3A_147, %dma_start3A_152] : memref<3276800x64xf32, #tpu.memory_space<hbm>> -> memref<400x64xf32, #tpu.memory_space<hbm>>
      tpu.enqueue_dma source(%arg8 : memref<400x64xf32, #tpu.memory_space<vmem>>) target(%dma_start3A_153 : memref<400x64xf32, #tpu.memory_space<hbm>>) target_semaphore(%arg10 : memref<!tpu.dma_semaphore, #tpu.memory_space<semaphore_mem>>)
    }
    %scan3A_77 = arith.constant 127 : i32
    %add3A_78 = arith.constant 0 : i32
    %add3A_79 = arith.addi %mul3A_2, %add3A_78 : i32
    %dma_wait3A = tpu.memref_reshape %arg4 : memref<16384x200x64xf32, #tpu.memory_space<hbm>> -> memref<3276800x64xf32, #tpu.memory_space<hbm>>
    %dma_wait3A_80 = arith.constant 0 : i32
    %dma_wait3A_81 = tpu.memref_slice %dma_wait3A[%add3A_79, %dma_wait3A_80] : memref<3276800x64xf32, #tpu.memory_space<hbm>> -> memref<400x64xf32, #tpu.memory_space<hbm>>
    %dma_wait3A_82 = tpu.memref_reshape %arg4 : memref<16384x200x64xf32, #tpu.memory_space<hbm>> -> memref<3276800x64xf32, #tpu.memory_space<hbm>>
    %dma_wait3A_83 = arith.constant 0 : i32
    %dma_wait3A_84 = tpu.memref_slice %dma_wait3A_82[%add3A_79, %dma_wait3A_83] : memref<3276800x64xf32, #tpu.memory_space<hbm>> -> memref<400x64xf32, #tpu.memory_space<hbm>>
    tpu.wait_dma2 semaphore(%arg9 : memref<!tpu.dma_semaphore, #tpu.memory_space<semaphore_mem>>) src(%arg7 : memref<400x64xf32, #tpu.memory_space<vmem>>) dst(%dma_wait3A_84 : memref<400x64xf32, #tpu.memory_space<hbm>>)
    %add3A_85 = arith.constant 0 : i32
    %add3A_86 = arith.addi %mul3A_2, %add3A_85 : i32
    %dma_wait3A_87 = tpu.memref_reshape %arg4 : memref<16384x200x64xf32, #tpu.memory_space<hbm>> -> memref<3276800x64xf32, #tpu.memory_space<hbm>>
    %dma_wait3A_88 = arith.constant 0 : i32
    %dma_wait3A_89 = tpu.memref_slice %dma_wait3A_87[%add3A_86, %dma_wait3A_88] : memref<3276800x64xf32, #tpu.memory_space<hbm>> -> memref<400x64xf32, #tpu.memory_space<hbm>>
    %dma_wait3A_90 = tpu.memref_reshape %arg4 : memref<16384x200x64xf32, #tpu.memory_space<hbm>> -> memref<3276800x64xf32, #tpu.memory_space<hbm>>
    %dma_wait3A_91 = arith.constant 0 : i32
    %dma_wait3A_92 = tpu.memref_slice %dma_wait3A_90[%add3A_86, %dma_wait3A_91] : memref<3276800x64xf32, #tpu.memory_space<hbm>> -> memref<400x64xf32, #tpu.memory_space<hbm>>
    tpu.wait_dma2 semaphore(%arg10 : memref<!tpu.dma_semaphore, #tpu.memory_space<semaphore_mem>>) src(%arg8 : memref<400x64xf32, #tpu.memory_space<vmem>>) dst(%dma_wait3A_92 : memref<400x64xf32, #tpu.memory_space<hbm>>)
    return
  }
}

</mosaic_0001>

<sc_bundles>
// kernel: kernel.3.cloned.1.call-start
scs
__scs_entry_jumppad:
0x0: {  	(pc) =	sbr.rel $0x88, $3  }
0x1: {  	(tag) =	ssettag $0x0;
	lr =	simm.s32 $0x1  }
0x2: {  	[smem:$0x3F9F] =	sst lr;
	_ =	strace $0xD0000000  }
0x3: {  	_ = 	snop  }
0x4: {  	_ = 	snop  }
0x5: {  	_ = 	snop  }
0x6: {  	_ = 	snop  }
0x7: {  	_ = 	snop  }
__scs_overlays_trampoline_lowered:
0x8: {  	[smem:$0x3FAE] =	sst s0  }
0x9: {  	[smem:$0x3FAF] =	sst s1  }
0xa: {  	[smem:$0x3FB0] =	sst s2  }
0xb: {  	[smem:$0x3FB1] =	sst s3  }
0xc: {  	[smem:$0x3FB2] =	sst s4  }
0xd: {  	[smem:$0x3FB3] =	sst s5  }
0xe: {  	[smem:$0x3FB4] =	sst s6  }
0xf: {  	[smem:$0x3FB5] =	sst s7  }
0x10: {  	[smem:$0x3FB6] =	sst s8  }
0x11: {  	[smem:$0x3FB7] =	sst s9;
	s0 =	simm.s32 @!p0 $0x0  }
0x12: {  	s1 =	sld [smem:$0x3F9D];
	s0 =	simm.s32 @p0 $0x1  }
0x13: {  	[smem:$0x3FB8] =	sst s0;
	s0 =	simm.s32 @!p1 $0x0  }
0x14: {  	s2 =	sld [smem:$0x3F9C];
	s0 =	simm.s32 @p1 $0x1  }
0x15: {  	[smem:$0x3FB9] =	sst s0;
	s0 =	simm.s32 @!p2 $0x0  }
0x16: {  	s3 =	sld [smem:$0x3FDB];
	s0 =	simm.s32 @p2 $0x1  }
0x17: {  	s4 =	simm.s32 $0x1BF5;
	[smem:$0x3FBB] =	sst s0  }
0x18: {  	s0 =	sld [smem:$0x3F9E];
	_ =	swait.ge [sflag:s4], $0x0  }
0x19: {  	s7 =	sld [smem:$0x3F9F]  }
0x1a: {  	s8 =	sadd.s32 $0xFFFFE003, lr  }
0x1b: {  	s9 =	sadd.s32 $0xFFFFFEF7, lr;
	s5 =	simm.s32 $0xFFFFFFFF;
	p2 =	slt.u32 s8, $0xFFFFF086  }
0x1c: {  	p1 =	slt.u32 s9, $0xF7A;
	s5 =	simm.s32 @!p2 $0x0  }
0x1d: {  	s5 =	simm.s32 @p1 $0x1;
	p0 =	seq.s32 s7, s2  }
0x1e: {  	s7 =	smul.u32 @!p0 $0xF7A, s2;
	p2 =	seq.s32 @!p0 s5, $0x0  }
0x1f: {  	s9 =	smul.u32 $0xF7A, s1;
	s8 =	simm.s32 @!p0 $0x1BF5;
	p2 =	por !p2, p0  }
0x20: {  	[sflag:s8] =	ssyncset.s32 @!p0 $0xFFFFF086;
	s6 =	sadd.s32 @!p0 s3, s7;
	s7 =	simm.s32 @!p0 $0x108  }
0x21: {  	s3 =	sadd.s32 s3, s9;
	s6 =	sadd.s32 @!p0 $0x88, s6;
	s7 =	simm.s32 @p2 $0x1082  }
0x22: {  	[simem:s7], [sflag:s8] =	dma.local @!p0 [hbm:s6], $0xF7A  }
0x23: {  	s9 =	sor.u32 $0xD0000000, s2;
	s6 =	simm.s32 $0x108;
	_ =	swait.ge @!p0 [sflag:s8], $0x0  }
0x24: {  	s3 =	sadd.s32 $0x88, s3;
	s6 =	simm.s32 @!p1 $0x1082;
	[sflag:s4] =	ssyncset.s32 $0xFFFFF086  }
0x25: {  	[simem:s6], [sflag:s4] =	dma.local [hbm:s3], $0xF7A  }
0x26: {  	[smem:$0x3F9F] =	sst s1;
	(tag) =	ssettag s2;
	_ =	strace s9  }
0x27: {  	s1 =	sld [smem:$0x3FAF]  }
0x28: {  	s2 =	sld [smem:$0x3FB0]  }
0x29: {  	s4 =	sld [smem:$0x3FB2]  }
0x2a: {  	p0 =	seq.s32 s5, $0x0;
	s5 =	sld [smem:$0x3FB3]  }
0x2b: {  	s6 =	sld [smem:$0x3FB4]  }
0x2c: {  	s7 =	sld [smem:$0x3FB5]  }
0x2d: {  	s3 =	simm.s32 $0x108;
	s8 =	sld [smem:$0x3FB6]  }
0x2e: {  	s3 =	simm.s32 @!p0 $0x1082;
	s9 =	sld [smem:$0x3FB7]  }
0x2f: {  	lr =	sadd.s32 s0, s3;
	s0 =	sld [smem:$0x3FAE]  }
0x30: {  	s3 =	sld [smem:$0x3FB1]  }
0x31: {  	[smem:$0x3FBA] =	sst s10  }
0x32: {  	s10 =	sld [smem:$0x3FB8];
	_ =	sdelay $0x3  }
0x33: {  	p0 =	seq.s32 s10, $0x1;
	s10 =	sld [smem:$0x3FBA];
	_ =	sdelay $0x3  }
0x34: {  	[smem:$0x3FBA] =	sst s10  }
0x35: {  	s10 =	sld [smem:$0x3FB9];
	_ =	sdelay $0x3  }
0x36: {  	p1 =	seq.s32 s10, $0x1;
	s10 =	sld [smem:$0x3FBA];
	_ =	sdelay $0x3  }
0x37: {  	[smem:$0x3FBA] =	sst s10  }
0x38: {  	s10 =	sld [smem:$0x3FBB]  }
0x39: {  	_ = 	snop;
	(pc) =	sbr.ind lr, $3  }
0x3a: {  	_ = 	snop  }
0x3b: {  	_ = 	snop  }
0x3c: {  	p2 =	seq.s32 s10, $0x1;
	s10 =	sld [smem:$0x3FBA]  }
0x3d: {  	_ =	shalt  }
0x3e: {  	_ =	shalt  }
0x3f: {  	_ =	shalt  }
0x40: {  	_ =	shalt  }
0x41: {  	_ =	shalt  }
0x42: {  	_ =	shalt  }
0x43: {  	_ =	shalt  }
0x44: {  	_ =	shalt  }
0x45: {  	_ =	shalt  }
0x46: {  	_ =	shalt  }
0x47: {  	_ =	shalt  }
0x48: {  	_ =	shalt  }
0x49: {  	_ =	shalt  }
0x4a: {  	_ =	shalt  }
0x4b: {  	_ =	shalt  }
0x4c: {  	_ =	shalt  }
0x4d: {  	_ =	shalt  }
0x4e: {  	_ =	shalt  }
0x4f: {  	_ =	shalt  }
0x50: {  	_ =	shalt  }
0x51: {  	_ =	shalt  }
0x52: {  	_ =	shalt  }
0x53: {  	_ =	shalt  }
0x54: {  	_ =	shalt  }
0x55: {  	_ =	shalt  }
0x56: {  	_ =	shalt  }
0x57: {  	_ =	shalt  }
0x58: {  	_ =	shalt  }
0x59: {  	_ =	shalt  }
0x5a: {  	_ =	shalt  }
0x5b: {  	_ =	shalt  }
0x5c: {  	_ =	shalt  }
0x5d: {  	_ =	shalt  }
0x5e: {  	_ =	shalt  }
0x5f: {  	_ =	shalt  }
0x60: {  	_ =	shalt  }
0x61: {  	_ =	shalt  }
0x62: {  	_ =	shalt  }
0x63: {  	_ =	shalt  }
0x64: {  	_ =	shalt  }
0x65: {  	_ =	shalt  }
0x66: {  	_ =	shalt  }
0x67: {  	_ =	shalt  }
0x68: {  	_ =	shalt  }
0x69: {  	_ =	shalt  }
0x6a: {  	_ =	shalt  }
0x6b: {  	_ =	shalt  }
0x6c: {  	_ =	shalt  }
0x6d: {  	_ =	shalt  }
0x6e: {  	_ =	shalt  }
0x6f: {  	_ =	shalt  }
0x70: {  	_ =	shalt  }
0x71: {  	_ =	shalt  }
0x72: {  	_ =	shalt  }
0x73: {  	_ =	shalt  }
0x74: {  	_ =	shalt  }
0x75: {  	_ =	shalt  }
0x76: {  	_ =	shalt  }
0x77: {  	_ =	shalt  }
0x78: {  	_ =	shalt  }
0x79: {  	_ =	shalt  }
0x7a: {  	_ =	shalt  }
0x7b: {  	_ =	shalt  }
0x7c: {  	_ =	shalt  }
0x7d: {  	_ =	shalt  }
0x7e: {  	_ =	shalt  }
0x7f: {  	_ =	shalt  }
0x80: {  	_ =	shalt  }
0x81: {  	_ =	shalt  }
0x82: {  	_ =	shalt  }
0x83: {  	_ =	shalt  }
0x84: {  	_ =	shalt  }
0x85: {  	_ =	shalt  }
0x86: {  	_ =	shalt  }
0x87: {  	_ =	shalt  }
.Lfunc_end0:
.L_simem_size_0:
called_computation_lowered:
.L_overlay_start_0:
0x88: {  	s2 =	sld [smem:$0x3FD9]  }
0x89: {  	s3 =	sld [smem:$0x3FFE];
	_ =	sdelay $0x1  }
0x8a: {  	s1 =	srdreg.scid  }
0x8b: {  	s0 =	sand.u32 $0x1, s1  }
0x8c: {  	s17 =	sshll.u32 s0, $0xA;
	s2 =	sadd.s32 s3, s2  }
0x8d: {  	s2 =	sadd.s32 s2, s17  }
0x8e: {  	[smem:$0x3FC6] =	sst s2  }
0x8f: {  	_ = 	snop  }
0x90: {  	s2 =	sld [smem:$0x3FC8]  }
0x91: {  	s18 =	sld [smem:$0x3FD0];
	(tm) =	ssettm $0x1  }
0x92: {  	s4 =	sld [smem:$0x3FFB];
	_ =	sdelay $0x3  }
0x93: {  	_ =	strace s4  }
0x94: {  	s4 =	sld [smem:$0x3FFC];
	_ =	sdelay $0x3  }
0x95: {  	_ =	strace s4  }
0x96: {  	s4 =	sld [smem:$0x3FFD];
	_ =	sdelay $0x3  }
0x97: {  	_ =	strace s4  }
0x98: {  	_ =	strace $0x8FFFFFFF  }
0x99: {  	s19 =	sld [smem:$0x3FDB];
	_ =	sdelay $0x1  }
0x9a: {  	s5 =	simm.s32 $_scs_section_size  }
0x9b: {  	s6 =	simm.s32 $_size__tile_overlayer_lowered;
	s7 =	simm.s32 $_tile_overlayer_lowered  }
0x9c: {  	s22 =	simm.s32 $0x1BFF;
	s21 =	sshll.u32 s7, $0x1;
	s4 =	sadd.s32 s5, s19  }
0x9d: {  	s8 =	simm.s32 $0x0;
	s20 =	sshll.u32 s6, $0x1;
	s6 =	sadd.s32 s21, s4  }
0x9e: {  	[timem:s8], [sflag:s22] =	dma.local [hbm:s6], s20  }
0x9f: {  	_ =	swait.ge [sflag:s22], s20  }
0xa0: {  	s5 =	ssub.s32 $0x0, s20;
	[sflag:s22] =	ssyncset.done $0x0  }
0xa1: {  	[sflag:s22] =	ssyncadd.s32 s5;
	_ =	sdelay $0x1  }
0xa2: {  	s23 =	simm.s32 $0x1B8B  }
0xa3: {  	_ =	swait.ge [sflag:s23], $0x1  }
0xa4: {  	[sflag:s23] =	ssyncset.done $0x0  }
0xa5: {  	s25 =	simm.s32 $0x1B8E;
	s24 =	sld [smem:$0x3FFE];
	[sflag:s23] =	ssyncadd.s32 $0xFFFFFFFF  }
0xa6: {  	s26 =	simm.s32 $execute0_lowered;
	[smem:$0x3FD2] =	sst s25  }
0xa7: {  	s6 =	sshll.u32 s26, $0x1;
	_ =	strace $0x80000046;
	[dreg:$0x1] =	wrdreg $0xFFFFFFFF  }
0xa8: {  	s28 =	simm.s32 $_size_execute0_lowered;
	s4 =	sadd.s32 s4, s6;
	[dreg:$0x0] =	wrdreg $0x0  }
0xa9: {  	s6 =	sshll.u32 s28, $0x1;
	[dreg:$0x2] =	wrdreg s4  }
0xaa: {  	[dreg:$0x3] =	wrdreg s6  }
0xab: {  	[dreg:$0x4] =	wrdreg $0xC0  }
0xac: {  	_ =	task [dreg:s8], $0x5FFFF  }
0xad: {  	[dreg:$0x1] =	wrdreg $0xFFFFFFFF  }
0xae: {  	[dreg:$0x0] =	wrdreg $0x60  }
0xaf: {  	[dreg:$0x2] =	wrdreg s18  }
0xb0: {  	[dreg:$0x3] =	wrdreg s2  }
0xb1: {  	[dreg:$0x4] =	wrdreg s24  }
0xb2: {  	[dreg:$0x5] =	wrdreg $0x9  }
0xb3: {  	_ =	task.clear_ibuf [dreg:s8], $0x6FFFF;
	_ =	strace $0x90000046  }
0xb4: {  	s29 =	simm.s32 $0x9;
	_ =	strace $0x80000048  }
0xb5: {  	_ =	swait.ge [sflag:s29], $0x1  }
0xb6: {  	[sflag:s29] =	ssyncadd.s32 $0xFFFFFFFF  }
0xb7: {  	_ =	strace $0x90000048  }
0xb8: {  	_ =	sfence  }
0xb9: {  	s30 =	sld [smem:$0x0];
	_ =	sdelay $0x2  }
0xba: {  	s31 =	sshll.u32 s1, $0xD;
	s1 =	sshrl.u32 s1, $0x2  }
0xbb: {  	s3 =	sand.u32 $0x4000, s31;
	s1 =	sadd.s32 s1, s30  }
0xbc: {  	s0 =	sor.u32 s3, s0;
	s1 =	sshll.u32 s1, $0x11  }
0xbd: {  	s0 =	sor.u32 s1, s0  }
0xbe: {  	s0 =	sadd.s32 $0x8F2B, s0  }
0xbf: {  	[sflag:s0] =	ssyncadd.remote.s32 $0x1  }
0xc0: {  	_ =	sfence.sel $0xFFFF  }
0xc1: {  	[dreg:$0x0] =	wrdreg $0xFFFFFFFF;
	(pc) =	sbr.abs _section_cstart, $3  }
0xc2: {  	[dreg:$0x1] =	wrdreg $0xFFFFFFFF  }
0xc3: {  	_ =	task.clear_ibuf [dreg:s8], $0x2FFFF;
	_ =	strace $0x9FFFFFFF  }
0xc4: {  	(tm) =	ssettm $0x7FFFFFFF  }
0xc5: {  	_ =	shalt  }
tec
execute0_lowered:
.L_overlay_start_1:
0x0: {  	(tag) =	ssettag $0x1  }
0x1: {  	s1 =	rddreg [dreg:$0x0]  }
0x2: {  	s3 =	rddreg [dreg:$0x1]  }
0x3: {  	s2 =	srdreg.scid;
	s0 =	stileid.u32  }
0x4: {  	s6 =	rddreg [dreg:$0x2];
	s4 =	simm.s32 $0x0;
	s13 =	simm.s32 $0x3  }
0x5: {  	s14 =	simm.s32 $0x100;
	s15 =	simm.s32 $0x300;
	s16 =	simm.s32 $0xCB00  }
0x6: {  	s17 =	simm.s32 $0x1;
	s5 =	sand.u32 $0x1, s2;
	s7 =	sshll.u32 s0, $0x1  }
0x7: {  	s18 =	simm.s32 $0x2;
	s19 =	simm.s32 $0x0;
	s7 =	sor.u32 s5, s7  }
0x8: {  	s2 =	rddreg [dreg:$0x3];
	s8 =	ssub.s32 $0x2, s5;
	s5 =	smul.u32 $0x19000, s7  }
0x9: {  	[smem:$0x7FF] =	sst s4;
	s9 =	sshrl.u32 s8, $0x1;
	s11 =	smul.u32 $0x190000, s7  }
0xa: {  	s6 =	sadd.s32 $0x400, s6;
	_ =	strace $0x80000047;
	s12 =	ssub.s32 s8, s9  }
0xb: {  	s10 =	sshrl.u32 s5, $0x3;
	s7 =	sor.u32 $0x190, s5;
	s9 =	sadd.s32 s6, s11  }
0xc: {  	s12 =	smax.u32 s12, $0x1;
	s30 =	sshrl.u32 s7, $0x3;
	s31 =	sshll.u32 s7, $0x4  }
0xd: {  	s8 =	sadd.s32 s1, s10;
	s10 =	sadd.s32 s1, s30;
	s11 =	sadd.s32 s6, s31  }
.LBB2_1:
0xe: {  	[tilespmem:s4], [sflag:$0x3] =	stream.linear.gather [hbm4b:s3+s4], $0x100, $0x38;
	[tilespmem:$0x19300] =	vst v63  }
0xf: {  	_ =	swait.ge [sflag:s13], $0x100  }
0x10: {  	[sflag:s13] =	ssyncset.done $0x0  }
0x11: {  	[sflag:s13] =	ssyncadd.s32 $0xFFFFFF00  }
0x12: {  	v0 =	vld [tilespmem:$0x0]  }
0x13: {  	v1 =	vld [tilespmem:$0x10]  }
0x14: {  	v2 =	vld [tilespmem:$0x20]  }
0x15: {  	v3 =	vld [tilespmem:$0x30]  }
0x16: {  	v4 =	vld [tilespmem:$0x80]  }
0x17: {  	v5 =	vld [tilespmem:$0x90]  }
0x18: {  	v6 =	vld [tilespmem:$0xA0]  }
0x19: {  	v7 =	vld [tilespmem:$0xB0];
	[tilespmem:s14], [sflag:$0x3] =	stream.linear.gather [hbm4b:s8+s4], $0x190, $0x38  }
0x1a: {  	_ =	swait.ge [sflag:s13], $0x190  }
0x1b: {  	[sflag:s13] =	ssyncset.done $0x0  }
0x1c: {  	s20 =	simm.s32 $0x0;
	[sflag:s13] =	ssyncadd.s32 $0xFFFFFE70  }
0x1d: {  	v8 =	vld [tilespmem:s20+$0x100];
	_ =	sdelay $0x4  }
0x1e: {  	(v2sf) =	vpush v8, $0x0;
	_ =	sdelay $0x3  }
0x1f: {  	(v2sf) =	vpush v8, $0x1;
	_ =	sdelay $0x3  }
0x20: {  	(v2sf) =	vpush v8, $0x2;
	_ =	sdelay $0x3  }
0x21: {  	(v2sf) =	vpush v8, $0x3;
	_ =	sdelay $0x2  }
0x22: {  	s25 =	spop (v2sf)  }
0x23: {  	(v2sf) =	vpush v8, $0x4;
	p0 =	seq.s32 s25, $0x1  }
0x24: {  	s20 =	simm.s32 $0x700;
	v9 =	vpsel p0, v4, v0  }
0x25: {  	v10 =	vpsel p0, v5, v1;
	[tilespmem:s20+$0xFFFFFC00] =	vst v9  }
0x26: {  	s21 =	spop (v2sf);
	v13 =	vpsel p0, v6, v2;
	[tilespmem:s20+$0xFFFFFC10] =	vst v10  }
0x27: {  	(v2sf) =	vpush v8, $0x5;
	p1 =	seq.s32 s21, $0x1;
	v14 =	vpsel p0, v7, v3;
	[tilespmem:s20+$0xFFFFFC20] =	vst v13  }
0x28: {  	v15 =	vpsel p1, v4, v0;
	[tilespmem:s20+$0xFFFFFC30] =	vst v14  }
0x29: {  	v16 =	vpsel p1, v5, v1;
	[tilespmem:s20+$0xFFFFFC80] =	vst v15  }
0x2a: {  	s26 =	spop (v2sf);
	v17 =	vpsel p1, v6, v2;
	[tilespmem:s20+$0xFFFFFC90] =	vst v16  }
0x2b: {  	(v2sf) =	vpush v8, $0x6;
	p3 =	seq.s32 s26, $0x1;
	v18 =	vpsel p1, v7, v3;
	[tilespmem:s20+$0xFFFFFCA0] =	vst v17  }
0x2c: {  	v19 =	vpsel p3, v4, v0;
	[tilespmem:s20+$0xFFFFFCB0] =	vst v18  }
0x2d: {  	v20 =	vpsel p3, v5, v1;
	[tilespmem:s20+$0xFFFFFD00] =	vst v19  }
0x2e: {  	s28 =	spop (v2sf);
	v21 =	vpsel p3, v6, v2;
	[tilespmem:s20+$0xFFFFFD10] =	vst v20  }
0x2f: {  	(v2sf) =	vpush v8, $0x7;
	p4 =	seq.s32 s28, $0x1;
	v22 =	vpsel p3, v7, v3;
	[tilespmem:s20+$0xFFFFFD20] =	vst v21  }
0x30: {  	v23 =	vpsel p4, v4, v0;
	[tilespmem:s20+$0xFFFFFD30] =	vst v22  }
0x31: {  	v24 =	vpsel p4, v5, v1;
	[tilespmem:s20+$0xFFFFFD80] =	vst v23  }
0x32: {  	v25 =	vpsel p4, v6, v2;
	[tilespmem:s20+$0xFFFFFD90] =	vst v24;
	s29 =	spop (v2sf)  }
0x33: {  	v26 =	vpsel p4, v7, v3;
	[tilespmem:s20+$0xFFFFFDA0] =	vst v25;
	(v2sf) =	vpush v8, $0x8;
	p5 =	seq.s32 s29, $0x1  }
0x34: {  	[tilespmem:s20+$0xFFFFFDB0] =	vst v26;
	v27 =	vpsel p5, v4, v0  }
0x35: {  	v28 =	vpsel p5, v5, v1;
	[tilespmem:s20+$0xFFFFFE00] =	vst v27  }
0x36: {  	s30 =	spop (v2sf);
	v29 =	vpsel p5, v6, v2;
	[tilespmem:s20+$0xFFFFFE10] =	vst v28  }
0x37: {  	(v2sf) =	vpush v8, $0x9;
	p6 =	seq.s32 s30, $0x1;
	v30 =	vpsel p5, v7, v3;
	[tilespmem:s20+$0xFFFFFE20] =	vst v29  }
0x38: {  	v31 =	vpsel p6, v4, v0;
	[tilespmem:s20+$0xFFFFFE30] =	vst v30  }
0x39: {  	v32 =	vpsel p6, v5, v1;
	[tilespmem:s20+$0xFFFFFE80] =	vst v31  }
0x3a: {  	s31 =	spop (v2sf);
	v33 =	vpsel p6, v6, v2;
	[tilespmem:s20+$0xFFFFFE90] =	vst v32  }
0x3b: {  	(v2sf) =	vpush v8, $0xA;
	p2 =	seq.s32 s31, $0x1;
	v34 =	vpsel p6, v7, v3;
	[tilespmem:s20+$0xFFFFFEA0] =	vst v33  }
0x3c: {  	v35 =	vpsel p2, v4, v0;
	[tilespmem:s20+$0xFFFFFEB0] =	vst v34  }
0x3d: {  	v36 =	vpsel p2, v5, v1;
	[tilespmem:s20+$0xFFFFFF00] =	vst v35  }
0x3e: {  	s22 =	spop (v2sf);
	(v2sf) =	vpush v8, $0xB;
	v37 =	vpsel p2, v6, v2;
	[tilespmem:s20+$0xFFFFFF10] =	vst v36  }
0x3f: {  	p3 =	seq.s32 s22, $0x1;
	v38 =	vpsel p2, v7, v3;
	[tilespmem:s20+$0xFFFFFF20] =	vst v37  }
0x40: {  	v39 =	vpsel p3, v4, v0;
	[tilespmem:s20+$0xFFFFFF30] =	vst v38  }
0x41: {  	v40 =	vpsel p3, v5, v1;
	[tilespmem:s20+$0xFFFFFF80] =	vst v39  }
0x42: {  	v41 =	vpsel p3, v6, v2;
	[tilespmem:s20+$0xFFFFFF90] =	vst v40;
	s23 =	spop (v2sf)  }
0x43: {  	v42 =	vpsel p3, v7, v3;
	[tilespmem:s20+$0xFFFFFFA0] =	vst v41;
	(v2sf) =	vpush v8, $0xC;
	p4 =	seq.s32 s23, $0x1  }
0x44: {  	[tilespmem:s20+$0xFFFFFFB0] =	vst v42;
	v43 =	vpsel p4, v4, v0  }
0x45: {  	v44 =	vpsel p4, v5, v1;
	[tilespmem:s20+$0x0] =	vst v43  }
0x46: {  	s24 =	spop (v2sf);
	v45 =	vpsel p4, v6, v2;
	[tilespmem:s20+$0x10] =	vst v44  }
0x47: {  	(v2sf) =	vpush v8, $0xD;
	p5 =	seq.s32 s24, $0x1;
	v46 =	vpsel p4, v7, v3;
	[tilespmem:s20+$0x20] =	vst v45  }
0x48: {  	v47 =	vpsel p5, v4, v0;
	[tilespmem:s20+$0x30] =	vst v46  }
0x49: {  	v48 =	vpsel p5, v5, v1;
	[tilespmem:s20+$0x80] =	vst v47  }
0x4a: {  	s25 =	spop (v2sf);
	(v2sf) =	vpush v8, $0xE;
	v49 =	vpsel p5, v6, v2;
	[tilespmem:s20+$0x90] =	vst v48  }
0x4b: {  	p6 =	seq.s32 s25, $0x1;
	v50 =	vpsel p5, v7, v3;
	[tilespmem:s20+$0xA0] =	vst v49  }
0x4c: {  	v51 =	vpsel p6, v4, v0;
	[tilespmem:s20+$0xB0] =	vst v50  }
0x4d: {  	s26 =	spop (v2sf);
	(v2sf) =	vpush v8, $0xF;
	v52 =	vpsel p6, v5, v1;
	[tilespmem:s20+$0x100] =	vst v51  }
0x4e: {  	v53 =	vpsel p6, v6, v2;
	[tilespmem:s20+$0x110] =	vst v52  }
0x4f: {  	p2 =	seq.s32 s26, $0x1;
	v8 =	vpsel p6, v7, v3;
	[tilespmem:s20+$0x120] =	vst v53  }
0x50: {  	v54 =	vpsel p2, v4, v0;
	[tilespmem:s20+$0x130] =	vst v8  }
0x51: {  	v8 =	vpsel p2, v5, v1;
	[tilespmem:s20+$0x180] =	vst v54  }
0x52: {  	v55 =	vpsel p2, v6, v2;
	[tilespmem:s20+$0x190] =	vst v8;
	s28 =	spop (v2sf)  }
0x53: {  	v8 =	vpsel p2, v7, v3;
	[tilespmem:s20+$0x1A0] =	vst v55;
	p3 =	seq.s32 s28, $0x1  }
0x54: {  	[tilespmem:s20+$0x1B0] =	vst v8;
	v56 =	vpsel p3, v4, v0  }
0x55: {  	v8 =	vpsel p3, v5, v1;
	[tilespmem:s20+$0x200] =	vst v56  }
0x56: {  	s29 =	spop (v2sf);
	v57 =	vpsel p3, v6, v2;
	[tilespmem:s20+$0x210] =	vst v8  }
0x57: {  	p4 =	seq.s32 s29, $0x1;
	v8 =	vpsel p3, v7, v3;
	[tilespmem:s20+$0x220] =	vst v57  }
0x58: {  	v58 =	vpsel p4, v4, v0;
	[tilespmem:s20+$0x230] =	vst v8  }
0x59: {  	s30 =	spop (v2sf);
	v59 =	vpsel p4, v6, v2;
	[tilespmem:s20+$0x280] =	vst v58  }
0x5a: {  	p5 =	seq.s32 s30, $0x1;
	v8 =	vpsel p4, v5, v1;
	[tilespmem:s20+$0x2A0] =	vst v59  }
0x5b: {  	v60 =	vpsel p5, v4, v0;
	[tilespmem:s20+$0x290] =	vst v8  }
0x5c: {  	s31 =	spop (v2sf);
	v61 =	vpsel p5, v6, v2;
	[tilespmem:s20+$0x300] =	vst v60  }
0x5d: {  	p6 =	seq.s32 s31, $0x1;
	v8 =	vpsel p4, v7, v3;
	[tilespmem:s20+$0x320] =	vst v61  }
0x5e: {  	v62 =	vpsel p6, v4, v0;
	[tilespmem:s20+$0x2B0] =	vst v8  }
0x5f: {  	v63 =	vpsel p6, v6, v2;
	[tilespmem:s20+$0x380] =	vst v62  }
0x60: {  	v8 =	vpsel p5, v5, v1;
	[tilespmem:s20+$0x3A0] =	vst v63  }
0x61: {  	[tilespmem:s20+$0x310] =	vst v8;
	v8 =	vpsel p5, v7, v3  }
0x62: {  	[tilespmem:s20+$0x330] =	vst v8;
	v8 =	vpsel p6, v5, v1  }
0x63: {  	[tilespmem:s20+$0x390] =	vst v8;
	v8 =	vpsel p6, v7, v3  }
0x64: {  	s21 =	simm.s32 $0x80;
	s22 =	simm.s32 $0x10;
	[tilespmem:s20+$0x3B0] =	vst v8  }
.LBB2_2:
0x65: {  	p0 =	sne.s32 s21, $0x600;
	v8 =	vld [tilespmem:s22+$0x100];
	_ =	sdelay $0x4  }
0x66: {  	(v2sf) =	vpush v8, $0x0  }
0x67: {  	(v2sf) =	vpush v8, $0x1  }
0x68: {  	(v2sf) =	vpush v8, $0x2  }
0x69: {  	(v2sf) =	vpush v8, $0x3  }
0x6a: {  	(v2sf) =	vpush v8, $0x4  }
0x6b: {  	(v2sf) =	vpush v8, $0x5  }
0x6c: {  	(v2sf) =	vpush v8, $0x6  }
0x6d: {  	(v2sf) =	vpush v8, $0x7  }
0x6e: {  	(v2sf) =	vpush v8, $0x8  }
0x6f: {  	(v2sf) =	vpush v8, $0x9  }
0x70: {  	(v2sf) =	vpush v8, $0xA  }
0x71: {  	(v2sf) =	vpush v8, $0xB  }
0x72: {  	(v2sf) =	vpush v8, $0xC  }
0x73: {  	(v2sf) =	vpush v8, $0xD  }
0x74: {  	(v2sf) =	vpush v8, $0xE  }
0x75: {  	s22 =	spop (v2sf);
	(v2sf) =	vpush v8, $0xF  }
0x76: {  	p1 =	seq.s32 s22, $0x1;
	s22 =	spop (v2sf)  }
0x77: {  	s20 =	sadd.s32 $0x800, s20;
	v8 =	vpsel p1, v4, v0;
	v9 =	vpsel p1, v5, v1;
	v10 =	vpsel p1, v6, v2;
	p2 =	seq.s32 s22, $0x1;
	s22 =	spop (v2sf)  }
0x78: {  	[tilespmem:s20+$0xFFFFFC00] =	vst v8;
	v8 =	vpsel p1, v7, v3;
	v11 =	vpsel p2, v4, v0;
	v12 =	vpsel p2, v5, v1;
	p1 =	seq.s32 s22, $0x1;
	s22 =	spop (v2sf)  }
0x79: {  	v13 =	vpsel p2, v7, v3;
	[tilespmem:s20+$0xFFFFFC10] =	vst v9;
	v9 =	vpsel p2, v6, v2;
	v14 =	vpsel p1, v4, v0;
	p2 =	seq.s32 s22, $0x1;
	s22 =	spop (v2sf)  }
0x7a: {  	v15 =	vpsel p1, v6, v2;
	v16 =	vpsel p1, v7, v3;
	[tilespmem:s20+$0xFFFFFC20] =	vst v10;
	v10 =	vpsel p1, v5, v1;
	p3 =	seq.s32 s22, $0x1;
	s22 =	spop (v2sf)  }
0x7b: {  	v17 =	vpsel p2, v5, v1;
	v18 =	vpsel p2, v6, v2;
	[tilespmem:s20+$0xFFFFFC30] =	vst v8;
	v8 =	vpsel p2, v4, v0;
	p1 =	seq.s32 s22, $0x1;
	s22 =	spop (v2sf)  }
0x7c: {  	v19 =	vpsel p3, v4, v0;
	v20 =	vpsel p3, v5, v1;
	[tilespmem:s20+$0xFFFFFC80] =	vst v11;
	v11 =	vpsel p2, v7, v3;
	p2 =	seq.s32 s22, $0x1;
	s22 =	spop (v2sf)  }
0x7d: {  	v21 =	vpsel p3, v7, v3;
	v22 =	vpsel p1, v4, v0;
	[tilespmem:s20+$0xFFFFFC90] =	vst v12;
	v12 =	vpsel p3, v6, v2;
	p3 =	seq.s32 s22, $0x1;
	s22 =	spop (v2sf)  }
0x7e: {  	v23 =	vpsel p1, v6, v2;
	v24 =	vpsel p1, v7, v3;
	[tilespmem:s20+$0xFFFFFCA0] =	vst v9;
	v9 =	vpsel p1, v5, v1;
	p1 =	seq.s32 s22, $0x1;
	s22 =	spop (v2sf)  }
0x7f: {  	v25 =	vpsel p2, v5, v1;
	v26 =	vpsel p2, v6, v2;
	[tilespmem:s20+$0xFFFFFCB0] =	vst v13;
	v13 =	vpsel p2, v4, v0;
	p5 =	seq.s32 s22, $0x1;
	s22 =	spop (v2sf)  }
0x80: {  	v27 =	vpsel p3, v4, v0;
	v28 =	vpsel p3, v5, v1;
	[tilespmem:s20+$0xFFFFFD00] =	vst v14;
	v14 =	vpsel p2, v7, v3;
	p2 =	seq.s32 s22, $0x1;
	s22 =	spop (v2sf)  }
0x81: {  	v29 =	vpsel p3, v7, v3;
	v30 =	vpsel p1, v4, v0;
	[tilespmem:s20+$0xFFFFFD10] =	vst v10;
	v10 =	vpsel p3, v6, v2;
	p3 =	seq.s32 s22, $0x1;
	s22 =	spop (v2sf)  }
0x82: {  	v31 =	vpsel p1, v6, v2;
	v32 =	vpsel p1, v7, v3;
	[tilespmem:s20+$0xFFFFFD20] =	vst v15;
	v15 =	vpsel p1, v5, v1;
	p1 =	seq.s32 s22, $0x1;
	s22 =	spop (v2sf)  }
0x83: {  	v33 =	vpsel p5, v5, v1;
	v34 =	vpsel p5, v6, v2;
	[tilespmem:s20+$0xFFFFFD30] =	vst v16;
	v16 =	vpsel p5, v4, v0;
	p4 =	seq.s32 s22, $0x1;
	s22 =	spop (v2sf)  }
0x84: {  	v35 =	vpsel p2, v4, v0;
	v36 =	vpsel p2, v5, v1;
	[tilespmem:s20+$0xFFFFFD80] =	vst v8;
	v8 =	vpsel p5, v7, v3;
	p5 =	seq.s32 s22, $0x1;
	s22 =	spop (v2sf)  }
0x85: {  	v37 =	vpsel p2, v7, v3;
	v38 =	vpsel p3, v4, v0;
	[tilespmem:s20+$0xFFFFFD90] =	vst v17;
	v17 =	vpsel p2, v6, v2;
	p2 =	seq.s32 s22, $0x1  }
0x86: {  	v39 =	vpsel p3, v6, v2;
	v40 =	vpsel p3, v7, v3;
	[tilespmem:s20+$0xFFFFFDA0] =	vst v18;
	v18 =	vpsel p3, v5, v1  }
0x87: {  	v41 =	vpsel p1, v5, v1;
	v42 =	vpsel p1, v6, v2;
	[tilespmem:s20+$0xFFFFFDB0] =	vst v11;
	v11 =	vpsel p1, v4, v0  }
0x88: {  	v43 =	vpsel p4, v4, v0;
	v44 =	vpsel p4, v5, v1;
	[tilespmem:s20+$0xFFFFFE00] =	vst v19;
	v19 =	vpsel p1, v7, v3  }
0x89: {  	v45 =	vpsel p4, v7, v3;
	v46 =	vpsel p5, v4, v0;
	[tilespmem:s20+$0xFFFFFE10] =	vst v20;
	v20 =	vpsel p4, v6, v2  }
0x8a: {  	v47 =	vpsel p5, v6, v2;
	v48 =	vpsel p5, v7, v3;
	[tilespmem:s20+$0xFFFFFE20] =	vst v12;
	v12 =	vpsel p5, v5, v1  }
0x8b: {  	v49 =	vpsel p2, v5, v1;
	v50 =	vpsel p2, v6, v2;
	[tilespmem:s20+$0xFFFFFE30] =	vst v21;
	v21 =	vpsel p2, v4, v0  }
0x8c: {  	[tilespmem:s20+$0xFFFFFE80] =	vst v22;
	v22 =	vpsel p2, v7, v3  }
0x8d: {  	[tilespmem:s20+$0xFFFFFE90] =	vst v9  }
0x8e: {  	[tilespmem:s20+$0xFFFFFEA0] =	vst v23  }
0x8f: {  	[tilespmem:s20+$0xFFFFFEB0] =	vst v24  }
0x90: {  	[tilespmem:s20+$0xFFFFFF00] =	vst v13  }
0x91: {  	[tilespmem:s20+$0xFFFFFF10] =	vst v25  }
0x92: {  	[tilespmem:s20+$0xFFFFFF20] =	vst v26  }
0x93: {  	[tilespmem:s20+$0xFFFFFF30] =	vst v14  }
0x94: {  	[tilespmem:s20+$0xFFFFFF80] =	vst v27  }
0x95: {  	[tilespmem:s20+$0xFFFFFF90] =	vst v28  }
0x96: {  	[tilespmem:s20+$0xFFFFFFA0] =	vst v10  }
0x97: {  	[tilespmem:s20+$0xFFFFFFB0] =	vst v29  }
0x98: {  	[tilespmem:s20+$0x0] =	vst v30  }
0x99: {  	[tilespmem:s20+$0x10] =	vst v15  }
0x9a: {  	[tilespmem:s20+$0x20] =	vst v31  }
0x9b: {  	[tilespmem:s20+$0x30] =	vst v32  }
0x9c: {  	[tilespmem:s20+$0x80] =	vst v16  }
0x9d: {  	[tilespmem:s20+$0x90] =	vst v33  }
0x9e: {  	[tilespmem:s20+$0xA0] =	vst v34  }
0x9f: {  	[tilespmem:s20+$0xB0] =	vst v8  }
0xa0: {  	[tilespmem:s20+$0x100] =	vst v35  }
0xa1: {  	[tilespmem:s20+$0x110] =	vst v36  }
0xa2: {  	[tilespmem:s20+$0x120] =	vst v17  }
0xa3: {  	[tilespmem:s20+$0x130] =	vst v37  }
0xa4: {  	[tilespmem:s20+$0x180] =	vst v38  }
0xa5: {  	[tilespmem:s20+$0x190] =	vst v18  }
0xa6: {  	[tilespmem:s20+$0x1A0] =	vst v39  }
0xa7: {  	[tilespmem:s20+$0x1B0] =	vst v40  }
0xa8: {  	[tilespmem:s20+$0x200] =	vst v11  }
0xa9: {  	[tilespmem:s20+$0x210] =	vst v41  }
0xaa: {  	[tilespmem:s20+$0x220] =	vst v42  }
0xab: {  	[tilespmem:s20+$0x230] =	vst v19  }
0xac: {  	[tilespmem:s20+$0x280] =	vst v43  }
0xad: {  	[tilespmem:s20+$0x290] =	vst v44  }
0xae: {  	[tilespmem:s20+$0x2A0] =	vst v20  }
0xaf: {  	[tilespmem:s20+$0x2B0] =	vst v45  }
0xb0: {  	[tilespmem:s20+$0x300] =	vst v46  }
0xb1: {  	[tilespmem:s20+$0x310] =	vst v12  }
0xb2: {  	[tilespmem:s20+$0x320] =	vst v47  }
.Ltmp0:
0xb3: {  	[tilespmem:s20+$0x330] =	vst v48;
	(pc) =	sbr.rel @p0 .LBB2_2-.Ltmp0, $4  }
0xb4: {  	[tilespmem:s20+$0x380] =	vst v21  }
0xb5: {  	[tilespmem:s20+$0x390] =	vst v49  }
0xb6: {  	[tilespmem:s20+$0x3A0] =	vst v50  }
0xb7: {  	s22 =	sshra.s32 s21, $0x2;
	s21 =	sadd.s32 $0x40, s21;
	[tilespmem:s20+$0x3B0] =	vst v22  }
0xb8: {  	v8 =	vld [tilespmem:s22+$0x100];
	_ =	sdelay $0x4  }
0xb9: {  	(v2sf) =	vpush v8, $0x0;
	_ =	sdelay $0x3  }
0xba: {  	(v2sf) =	vpush v8, $0x1;
	_ =	sdelay $0x3  }
0xbb: {  	(v2sf) =	vpush v8, $0x2;
	_ =	sdelay $0x3  }
0xbc: {  	(v2sf) =	vpush v8, $0x3;
	_ =	sdelay $0x2  }
0xbd: {  	s21 =	spop (v2sf)  }
0xbe: {  	(v2sf) =	vpush v8, $0x4;
	p0 =	seq.s32 s21, $0x1  }
0xbf: {  	s20 =	sadd.s32 $0x800, s20;
	v9 =	vpsel p0, v4, v0  }
0xc0: {  	v10 =	vpsel p0, v5, v1;
	[tilespmem:s20+$0xFFFFFC00] =	vst v9  }
0xc1: {  	s25 =	spop (v2sf);
	v12 =	vpsel p0, v6, v2;
	[tilespmem:s20+$0xFFFFFC10] =	vst v10  }
0xc2: {  	(v2sf) =	vpush v8, $0x5;
	p1 =	seq.s32 s25, $0x1;
	v13 =	vpsel p0, v7, v3;
	[tilespmem:s20+$0xFFFFFC20] =	vst v12  }
0xc3: {  	v14 =	vpsel p1, v4, v0;
	[tilespmem:s20+$0xFFFFFC30] =	vst v13  }
0xc4: {  	v15 =	vpsel p1, v5, v1;
	[tilespmem:s20+$0xFFFFFC80] =	vst v14  }
0xc5: {  	s26 =	spop (v2sf);
	v16 =	vpsel p1, v6, v2;
	[tilespmem:s20+$0xFFFFFC90] =	vst v15  }
0xc6: {  	(v2sf) =	vpush v8, $0x6;
	p3 =	seq.s32 s26, $0x1;
	v17 =	vpsel p1, v7, v3;
	[tilespmem:s20+$0xFFFFFCA0] =	vst v16  }
0xc7: {  	v18 =	vpsel p3, v4, v0;
	[tilespmem:s20+$0xFFFFFCB0] =	vst v17  }
0xc8: {  	v19 =	vpsel p3, v5, v1;
	[tilespmem:s20+$0xFFFFFD00] =	vst v18  }
0xc9: {  	s28 =	spop (v2sf);
	v20 =	vpsel p3, v6, v2;
	[tilespmem:s20+$0xFFFFFD10] =	vst v19  }
0xca: {  	(v2sf) =	vpush v8, $0x7;
	p4 =	seq.s32 s28, $0x1;
	v21 =	vpsel p3, v7, v3;
	[tilespmem:s20+$0xFFFFFD20] =	vst v20  }
0xcb: {  	v22 =	vpsel p4, v4, v0;
	[tilespmem:s20+$0xFFFFFD30] =	vst v21  }
0xcc: {  	v23 =	vpsel p4, v5, v1;
	[tilespmem:s20+$0xFFFFFD80] =	vst v22  }
0xcd: {  	v24 =	vpsel p4, v6, v2;
	[tilespmem:s20+$0xFFFFFD90] =	vst v23;
	s29 =	spop (v2sf)  }
0xce: {  	v25 =	vpsel p4, v7, v3;
	[tilespmem:s20+$0xFFFFFDA0] =	vst v24;
	(v2sf) =	vpush v8, $0x8;
	p5 =	seq.s32 s29, $0x1  }
0xcf: {  	[tilespmem:s20+$0xFFFFFDB0] =	vst v25;
	v26 =	vpsel p5, v4, v0  }
0xd0: {  	v27 =	vpsel p5, v5, v1;
	[tilespmem:s20+$0xFFFFFE00] =	vst v26  }
0xd1: {  	s30 =	spop (v2sf);
	v28 =	vpsel p5, v6, v2;
	[tilespmem:s20+$0xFFFFFE10] =	vst v27  }
0xd2: {  	(v2sf) =	vpush v8, $0x9;
	p6 =	seq.s32 s30, $0x1;
	v29 =	vpsel p5, v7, v3;
	[tilespmem:s20+$0xFFFFFE20] =	vst v28  }
0xd3: {  	v30 =	vpsel p6, v4, v0;
	[tilespmem:s20+$0xFFFFFE30] =	vst v29  }
0xd4: {  	v31 =	vpsel p6, v5, v1;
	[tilespmem:s20+$0xFFFFFE80] =	vst v30  }
0xd5: {  	s31 =	spop (v2sf);
	v32 =	vpsel p6, v6, v2;
	[tilespmem:s20+$0xFFFFFE90] =	vst v31  }
0xd6: {  	(v2sf) =	vpush v8, $0xA;
	p2 =	seq.s32 s31, $0x1;
	v33 =	vpsel p6, v7, v3;
	[tilespmem:s20+$0xFFFFFEA0] =	vst v32  }
0xd7: {  	v34 =	vpsel p2, v4, v0;
	[tilespmem:s20+$0xFFFFFEB0] =	vst v33  }
0xd8: {  	v35 =	vpsel p2, v5, v1;
	[tilespmem:s20+$0xFFFFFF00] =	vst v34  }
0xd9: {  	s22 =	spop (v2sf);
	(v2sf) =	vpush v8, $0xB;
	v36 =	vpsel p2, v6, v2;
	[tilespmem:s20+$0xFFFFFF10] =	vst v35  }
0xda: {  	p3 =	seq.s32 s22, $0x1;
	v37 =	vpsel p2, v7, v3;
	[tilespmem:s20+$0xFFFFFF20] =	vst v36  }
0xdb: {  	v38 =	vpsel p3, v4, v0;
	[tilespmem:s20+$0xFFFFFF30] =	vst v37  }
0xdc: {  	v39 =	vpsel p3, v5, v1;
	[tilespmem:s20+$0xFFFFFF80] =	vst v38  }
0xdd: {  	v40 =	vpsel p3, v6, v2;
	[tilespmem:s20+$0xFFFFFF90] =	vst v39;
	s23 =	spop (v2sf)  }
0xde: {  	v41 =	vpsel p3, v7, v3;
	[tilespmem:s20+$0xFFFFFFA0] =	vst v40;
	(v2sf) =	vpush v8, $0xC;
	p4 =	seq.s32 s23, $0x1  }
0xdf: {  	[tilespmem:s20+$0xFFFFFFB0] =	vst v41;
	v42 =	vpsel p4, v4, v0  }
0xe0: {  	v43 =	vpsel p4, v5, v1;
	[tilespmem:s20+$0x0] =	vst v42  }
0xe1: {  	s24 =	spop (v2sf);
	v44 =	vpsel p4, v6, v2;
	[tilespmem:s20+$0x10] =	vst v43  }
0xe2: {  	(v2sf) =	vpush v8, $0xD;
	p5 =	seq.s32 s24, $0x1;
	v45 =	vpsel p4, v7, v3;
	[tilespmem:s20+$0x20] =	vst v44  }
0xe3: {  	v46 =	vpsel p5, v4, v0;
	[tilespmem:s20+$0x30] =	vst v45  }
0xe4: {  	v47 =	vpsel p5, v5, v1;
	[tilespmem:s20+$0x80] =	vst v46  }
0xe5: {  	s25 =	spop (v2sf);
	(v2sf) =	vpush v8, $0xE;
	v48 =	vpsel p5, v6, v2;
	[tilespmem:s20+$0x90] =	vst v47  }
0xe6: {  	p6 =	seq.s32 s25, $0x1;
	v49 =	vpsel p5, v7, v3;
	[tilespmem:s20+$0xA0] =	vst v48  }
0xe7: {  	v50 =	vpsel p6, v4, v0;
	[tilespmem:s20+$0xB0] =	vst v49  }
0xe8: {  	s26 =	spop (v2sf);
	(v2sf) =	vpush v8, $0xF;
	v51 =	vpsel p6, v5, v1;
	[tilespmem:s20+$0x100] =	vst v50  }
0xe9: {  	v52 =	vpsel p6, v6, v2;
	[tilespmem:s20+$0x110] =	vst v51  }
0xea: {  	p2 =	seq.s32 s26, $0x1;
	v8 =	vpsel p6, v7, v3;
	[tilespmem:s20+$0x120] =	vst v52  }
0xeb: {  	v53 =	vpsel p2, v4, v0;
	[tilespmem:s20+$0x130] =	vst v8  }
0xec: {  	v8 =	vpsel p2, v5, v1;
	[tilespmem:s20+$0x180] =	vst v53  }
0xed: {  	v54 =	vpsel p2, v6, v2;
	[tilespmem:s20+$0x190] =	vst v8;
	s28 =	spop (v2sf)  }
0xee: {  	v8 =	vpsel p2, v7, v3;
	[tilespmem:s20+$0x1A0] =	vst v54;
	p3 =	seq.s32 s28, $0x1  }
0xef: {  	[tilespmem:s20+$0x1B0] =	vst v8;
	v55 =	vpsel p3, v4, v0  }
0xf0: {  	v8 =	vpsel p3, v5, v1;
	[tilespmem:s20+$0x200] =	vst v55  }
0xf1: {  	s29 =	spop (v2sf);
	v56 =	vpsel p3, v6, v2;
	[tilespmem:s20+$0x210] =	vst v8  }
0xf2: {  	p4 =	seq.s32 s29, $0x1;
	v8 =	vpsel p3, v7, v3;
	[tilespmem:s20+$0x220] =	vst v56  }
0xf3: {  	v57 =	vpsel p4, v4, v0;
	[tilespmem:s20+$0x230] =	vst v8  }
0xf4: {  	s30 =	spop (v2sf);
	v58 =	vpsel p4, v6, v2;
	[tilespmem:s20+$0x280] =	vst v57  }
0xf5: {  	p5 =	seq.s32 s30, $0x1;
	v8 =	vpsel p4, v5, v1;
	[tilespmem:s20+$0x2A0] =	vst v58  }
0xf6: {  	v59 =	vpsel p5, v4, v0;
	[tilespmem:s20+$0x290] =	vst v8  }
0xf7: {  	s31 =	spop (v2sf);
	v60 =	vpsel p5, v6, v2;
	[tilespmem:s20+$0x300] =	vst v59  }
0xf8: {  	p6 =	seq.s32 s31, $0x1;
	v8 =	vpsel p4, v7, v3;
	[tilespmem:s20+$0x320] =	vst v60  }
0xf9: {  	v61 =	vpsel p6, v4, v0;
	[tilespmem:s20+$0x2B0] =	vst v8  }
0xfa: {  	v62 =	vpsel p6, v6, v2;
	[tilespmem:s20+$0x380] =	vst v61  }
0xfb: {  	v8 =	vpsel p5, v5, v1;
	[tilespmem:s20+$0x3A0] =	vst v62  }
0xfc: {  	[tilespmem:s20+$0x310] =	vst v8;
	v8 =	vpsel p5, v7, v3  }
0xfd: {  	[tilespmem:s20+$0x330] =	vst v8;
	v8 =	vpsel p6, v5, v1  }
0xfe: {  	[tilespmem:s20+$0x390] =	vst v8;
	v8 =	vpsel p6, v7, v3  }
0xff: {  	s22 =	simm.s32 $0x0;
	[tilespmem:s20+$0x3B0] =	vst v8  }
0x100: {  	[hbm4b:s9+s22] =	stream.linear.scatter [tilespmem:s15], [sflag:$0x1], $0xC800, $0x38;
	[tilespmem:$0x19300] =	vst v63  }
0x101: {  	_ = 	snop  }
0x102: {  	[tilespmem:s14], [sflag:$0x3] =	stream.linear.gather [hbm4b:s10+s22], $0x190, $0x38;
	[tilespmem:$0x19300] =	vst v63  }
0x103: {  	_ =	swait.ge [sflag:s13], $0x190  }
0x104: {  	[sflag:s13] =	ssyncset.done $0x0  }
0x105: {  	s23 =	simm.s32 $0x0;
	[sflag:s13] =	ssyncadd.s32 $0xFFFFFE70  }
0x106: {  	v8 =	vld [tilespmem:s23+$0x100];
	_ =	sdelay $0x4  }
0x107: {  	(v2sf) =	vpush v8, $0x0;
	_ =	sdelay $0x3  }
0x108: {  	(v2sf) =	vpush v8, $0x1;
	_ =	sdelay $0x3  }
0x109: {  	(v2sf) =	vpush v8, $0x2;
	_ =	sdelay $0x3  }
0x10a: {  	(v2sf) =	vpush v8, $0x3;
	_ =	sdelay $0x2  }
0x10b: {  	s24 =	spop (v2sf)  }
0x10c: {  	(v2sf) =	vpush v8, $0x4;
	p1 =	seq.s32 s24, $0x1  }
0x10d: {  	s20 =	simm.s32 $0xCF00;
	v63 =	vpsel p1, v4, v0  }
0x10e: {  	v12 =	vpsel p1, v5, v1;
	[tilespmem:s20+$0xFFFFFC00] =	vst v63  }
0x10f: {  	s25 =	spop (v2sf);
	v13 =	vpsel p1, v6, v2;
	[tilespmem:s20+$0xFFFFFC10] =	vst v12  }
0x110: {  	(v2sf) =	vpush v8, $0x5;
	p2 =	seq.s32 s25, $0x1;
	v14 =	vpsel p1, v7, v3;
	[tilespmem:s20+$0xFFFFFC20] =	vst v13  }
0x111: {  	v15 =	vpsel p2, v4, v0;
	[tilespmem:s20+$0xFFFFFC30] =	vst v14  }
0x112: {  	v16 =	vpsel p2, v5, v1;
	[tilespmem:s20+$0xFFFFFC80] =	vst v15  }
0x113: {  	s26 =	spop (v2sf);
	v17 =	vpsel p2, v6, v2;
	[tilespmem:s20+$0xFFFFFC90] =	vst v16  }
0x114: {  	(v2sf) =	vpush v8, $0x6;
	p3 =	seq.s32 s26, $0x1;
	v18 =	vpsel p2, v7, v3;
	[tilespmem:s20+$0xFFFFFCA0] =	vst v17  }
0x115: {  	v19 =	vpsel p3, v4, v0;
	[tilespmem:s20+$0xFFFFFCB0] =	vst v18  }
0x116: {  	v20 =	vpsel p3, v5, v1;
	[tilespmem:s20+$0xFFFFFD00] =	vst v19  }
0x117: {  	s28 =	spop (v2sf);
	v21 =	vpsel p3, v6, v2;
	[tilespmem:s20+$0xFFFFFD10] =	vst v20  }
0x118: {  	(v2sf) =	vpush v8, $0x7;
	p4 =	seq.s32 s28, $0x1;
	v22 =	vpsel p3, v7, v3;
	[tilespmem:s20+$0xFFFFFD20] =	vst v21  }
0x119: {  	v23 =	vpsel p4, v4, v0;
	[tilespmem:s20+$0xFFFFFD30] =	vst v22  }
0x11a: {  	v24 =	vpsel p4, v5, v1;
	[tilespmem:s20+$0xFFFFFD80] =	vst v23  }
0x11b: {  	v25 =	vpsel p4, v6, v2;
	[tilespmem:s20+$0xFFFFFD90] =	vst v24;
	s29 =	spop (v2sf)  }
0x11c: {  	v26 =	vpsel p4, v7, v3;
	[tilespmem:s20+$0xFFFFFDA0] =	vst v25;
	(v2sf) =	vpush v8, $0x8;
	p5 =	seq.s32 s29, $0x1  }
0x11d: {  	[tilespmem:s20+$0xFFFFFDB0] =	vst v26;
	v27 =	vpsel p5, v4, v0  }
0x11e: {  	v28 =	vpsel p5, v5, v1;
	[tilespmem:s20+$0xFFFFFE00] =	vst v27  }
0x11f: {  	s30 =	spop (v2sf);
	v29 =	vpsel p5, v6, v2;
	[tilespmem:s20+$0xFFFFFE10] =	vst v28  }
0x120: {  	(v2sf) =	vpush v8, $0x9;
	p6 =	seq.s32 s30, $0x1;
	v30 =	vpsel p5, v7, v3;
	[tilespmem:s20+$0xFFFFFE20] =	vst v29  }
0x121: {  	v31 =	vpsel p6, v4, v0;
	[tilespmem:s20+$0xFFFFFE30] =	vst v30  }
0x122: {  	v32 =	vpsel p6, v5, v1;
	[tilespmem:s20+$0xFFFFFE80] =	vst v31  }
0x123: {  	s31 =	spop (v2sf);
	v33 =	vpsel p6, v6, v2;
	[tilespmem:s20+$0xFFFFFE90] =	vst v32  }
0x124: {  	(v2sf) =	vpush v8, $0xA;
	p2 =	seq.s32 s31, $0x1;
	v34 =	vpsel p6, v7, v3;
	[tilespmem:s20+$0xFFFFFEA0] =	vst v33  }
0x125: {  	v35 =	vpsel p2, v4, v0;
	[tilespmem:s20+$0xFFFFFEB0] =	vst v34  }
0x126: {  	v36 =	vpsel p2, v5, v1;
	[tilespmem:s20+$0xFFFFFF00] =	vst v35  }
0x127: {  	s22 =	spop (v2sf);
	(v2sf) =	vpush v8, $0xB;
	v37 =	vpsel p2, v6, v2;
	[tilespmem:s20+$0xFFFFFF10] =	vst v36  }
0x128: {  	p3 =	seq.s32 s22, $0x1;
	v38 =	vpsel p2, v7, v3;
	[tilespmem:s20+$0xFFFFFF20] =	vst v37  }
0x129: {  	v39 =	vpsel p3, v4, v0;
	[tilespmem:s20+$0xFFFFFF30] =	vst v38  }
0x12a: {  	v40 =	vpsel p3, v5, v1;
	[tilespmem:s20+$0xFFFFFF80] =	vst v39  }
0x12b: {  	v41 =	vpsel p3, v6, v2;
	[tilespmem:s20+$0xFFFFFF90] =	vst v40;
	s23 =	spop (v2sf)  }
0x12c: {  	v42 =	vpsel p3, v7, v3;
	[tilespmem:s20+$0xFFFFFFA0] =	vst v41;
	(v2sf) =	vpush v8, $0xC;
	p4 =	seq.s32 s23, $0x1  }
0x12d: {  	[tilespmem:s20+$0xFFFFFFB0] =	vst v42;
	v43 =	vpsel p4, v4, v0  }
0x12e: {  	v44 =	vpsel p4, v5, v1;
	[tilespmem:s20+$0x0] =	vst v43  }
0x12f: {  	s24 =	spop (v2sf);
	v45 =	vpsel p4, v6, v2;
	[tilespmem:s20+$0x10] =	vst v44  }
0x130: {  	(v2sf) =	vpush v8, $0xD;
	p5 =	seq.s32 s24, $0x1;
	v46 =	vpsel p4, v7, v3;
	[tilespmem:s20+$0x20] =	vst v45  }
0x131: {  	v47 =	vpsel p5, v4, v0;
	[tilespmem:s20+$0x30] =	vst v46  }
0x132: {  	v48 =	vpsel p5, v5, v1;
	[tilespmem:s20+$0x80] =	vst v47  }
0x133: {  	s25 =	spop (v2sf);
	(v2sf) =	vpush v8, $0xE;
	v49 =	vpsel p5, v6, v2;
	[tilespmem:s20+$0x90] =	vst v48  }
0x134: {  	p6 =	seq.s32 s25, $0x1;
	v50 =	vpsel p5, v7, v3;
	[tilespmem:s20+$0xA0] =	vst v49  }
0x135: {  	v51 =	vpsel p6, v4, v0;
	[tilespmem:s20+$0xB0] =	vst v50  }
0x136: {  	s26 =	spop (v2sf);
	(v2sf) =	vpush v8, $0xF;
	v52 =	vpsel p6, v5, v1;
	[tilespmem:s20+$0x100] =	vst v51  }
0x137: {  	v53 =	vpsel p6, v6, v2;
	[tilespmem:s20+$0x110] =	vst v52  }
0x138: {  	p2 =	seq.s32 s26, $0x1;
	v8 =	vpsel p6, v7, v3;
	[tilespmem:s20+$0x120] =	vst v53  }
0x139: {  	v54 =	vpsel p2, v4, v0;
	[tilespmem:s20+$0x130] =	vst v8  }
0x13a: {  	v8 =	vpsel p2, v5, v1;
	[tilespmem:s20+$0x180] =	vst v54  }
0x13b: {  	v55 =	vpsel p2, v6, v2;
	[tilespmem:s20+$0x190] =	vst v8;
	s28 =	spop (v2sf)  }
0x13c: {  	v8 =	vpsel p2, v7, v3;
	[tilespmem:s20+$0x1A0] =	vst v55;
	p3 =	seq.s32 s28, $0x1  }
0x13d: {  	[tilespmem:s20+$0x1B0] =	vst v8;
	v56 =	vpsel p3, v4, v0  }
0x13e: {  	v8 =	vpsel p3, v5, v1;
	[tilespmem:s20+$0x200] =	vst v56  }
0x13f: {  	s29 =	spop (v2sf);
	v57 =	vpsel p3, v6, v2;
	[tilespmem:s20+$0x210] =	vst v8  }
0x140: {  	p4 =	seq.s32 s29, $0x1;
	v8 =	vpsel p3, v7, v3;
	[tilespmem:s20+$0x220] =	vst v57  }
0x141: {  	v58 =	vpsel p4, v4, v0;
	[tilespmem:s20+$0x230] =	vst v8  }
0x142: {  	s30 =	spop (v2sf);
	v59 =	vpsel p4, v6, v2;
	[tilespmem:s20+$0x280] =	vst v58  }
0x143: {  	p5 =	seq.s32 s30, $0x1;
	v8 =	vpsel p4, v5, v1;
	[tilespmem:s20+$0x2A0] =	vst v59  }
0x144: {  	v60 =	vpsel p5, v4, v0;
	[tilespmem:s20+$0x290] =	vst v8  }
0x145: {  	s31 =	spop (v2sf);
	v61 =	vpsel p5, v6, v2;
	[tilespmem:s20+$0x300] =	vst v60  }
0x146: {  	p6 =	seq.s32 s31, $0x1;
	v8 =	vpsel p4, v7, v3;
	[tilespmem:s20+$0x320] =	vst v61  }
0x147: {  	v62 =	vpsel p6, v4, v0;
	[tilespmem:s20+$0x2B0] =	vst v8  }
0x148: {  	v63 =	vpsel p6, v6, v2;
	[tilespmem:s20+$0x380] =	vst v62  }
0x149: {  	v8 =	vpsel p5, v5, v1;
	[tilespmem:s20+$0x3A0] =	vst v63  }
0x14a: {  	[tilespmem:s20+$0x310] =	vst v8;
	v8 =	vpsel p5, v7, v3  }
0x14b: {  	[tilespmem:s20+$0x330] =	vst v8;
	v8 =	vpsel p6, v5, v1  }
0x14c: {  	[tilespmem:s20+$0x390] =	vst v8;
	v8 =	vpsel p6, v7, v3  }
0x14d: {  	s21 =	simm.s32 $0x80;
	s22 =	simm.s32 $0x10;
	[tilespmem:s20+$0x3B0] =	vst v8  }
.LBB2_4:
0x14e: {  	p0 =	sne.s32 s21, $0x600;
	v8 =	vld [tilespmem:s22+$0x100];
	_ =	sdelay $0x4  }
0x14f: {  	(v2sf) =	vpush v8, $0x0  }
0x150: {  	(v2sf) =	vpush v8, $0x1  }
0x151: {  	(v2sf) =	vpush v8, $0x2  }
0x152: {  	(v2sf) =	vpush v8, $0x3  }
0x153: {  	(v2sf) =	vpush v8, $0x4  }
0x154: {  	(v2sf) =	vpush v8, $0x5  }
0x155: {  	(v2sf) =	vpush v8, $0x6  }
0x156: {  	(v2sf) =	vpush v8, $0x7  }
0x157: {  	(v2sf) =	vpush v8, $0x8  }
0x158: {  	(v2sf) =	vpush v8, $0x9  }
0x159: {  	(v2sf) =	vpush v8, $0xA  }
0x15a: {  	(v2sf) =	vpush v8, $0xB  }
0x15b: {  	(v2sf) =	vpush v8, $0xC  }
0x15c: {  	(v2sf) =	vpush v8, $0xD  }
0x15d: {  	(v2sf) =	vpush v8, $0xE  }
0x15e: {  	s22 =	spop (v2sf);
	(v2sf) =	vpush v8, $0xF  }
0x15f: {  	p1 =	seq.s32 s22, $0x1;
	s22 =	spop (v2sf)  }
0x160: {  	s20 =	sadd.s32 $0x800, s20;
	v8 =	vpsel p1, v4, v0;
	v9 =	vpsel p1, v5, v1;
	v10 =	vpsel p1, v6, v2;
	p2 =	seq.s32 s22, $0x1;
	s22 =	spop (v2sf)  }
0x161: {  	[tilespmem:s20+$0xFFFFFC00] =	vst v8;
	v8 =	vpsel p1, v7, v3;
	v11 =	vpsel p2, v4, v0;
	v12 =	vpsel p2, v5, v1;
	p1 =	seq.s32 s22, $0x1;
	s22 =	spop (v2sf)  }
0x162: {  	v13 =	vpsel p2, v7, v3;
	[tilespmem:s20+$0xFFFFFC10] =	vst v9;
	v9 =	vpsel p2, v6, v2;
	v14 =	vpsel p1, v4, v0;
	p2 =	seq.s32 s22, $0x1;
	s22 =	spop (v2sf)  }
0x163: {  	v15 =	vpsel p1, v6, v2;
	v16 =	vpsel p1, v7, v3;
	[tilespmem:s20+$0xFFFFFC20] =	vst v10;
	v10 =	vpsel p1, v5, v1;
	p3 =	seq.s32 s22, $0x1;
	s22 =	spop (v2sf)  }
0x164: {  	v17 =	vpsel p2, v5, v1;
	v18 =	vpsel p2, v6, v2;
	[tilespmem:s20+$0xFFFFFC30] =	vst v8;
	v8 =	vpsel p2, v4, v0;
	p1 =	seq.s32 s22, $0x1;
	s22 =	spop (v2sf)  }
0x165: {  	v19 =	vpsel p3, v4, v0;
	v20 =	vpsel p3, v5, v1;
	[tilespmem:s20+$0xFFFFFC80] =	vst v11;
	v11 =	vpsel p2, v7, v3;
	p2 =	seq.s32 s22, $0x1;
	s22 =	spop (v2sf)  }
0x166: {  	v21 =	vpsel p3, v7, v3;
	v22 =	vpsel p1, v4, v0;
	[tilespmem:s20+$0xFFFFFC90] =	vst v12;
	v12 =	vpsel p3, v6, v2;
	p3 =	seq.s32 s22, $0x1;
	s22 =	spop (v2sf)  }
0x167: {  	v23 =	vpsel p1, v6, v2;
	v24 =	vpsel p1, v7, v3;
	[tilespmem:s20+$0xFFFFFCA0] =	vst v9;
	v9 =	vpsel p1, v5, v1;
	p1 =	seq.s32 s22, $0x1;
	s22 =	spop (v2sf)  }
0x168: {  	v25 =	vpsel p2, v5, v1;
	v26 =	vpsel p2, v6, v2;
	[tilespmem:s20+$0xFFFFFCB0] =	vst v13;
	v13 =	vpsel p2, v4, v0;
	p5 =	seq.s32 s22, $0x1;
	s22 =	spop (v2sf)  }
0x169: {  	v27 =	vpsel p3, v4, v0;
	v28 =	vpsel p3, v5, v1;
	[tilespmem:s20+$0xFFFFFD00] =	vst v14;
	v14 =	vpsel p2, v7, v3;
	p2 =	seq.s32 s22, $0x1;
	s22 =	spop (v2sf)  }
0x16a: {  	v29 =	vpsel p3, v7, v3;
	v30 =	vpsel p1, v4, v0;
	[tilespmem:s20+$0xFFFFFD10] =	vst v10;
	v10 =	vpsel p3, v6, v2;
	p3 =	seq.s32 s22, $0x1;
	s22 =	spop (v2sf)  }
0x16b: {  	v31 =	vpsel p1, v6, v2;
	v32 =	vpsel p1, v7, v3;
	[tilespmem:s20+$0xFFFFFD20] =	vst v15;
	v15 =	vpsel p1, v5, v1;
	p1 =	seq.s32 s22, $0x1;
	s22 =	spop (v2sf)  }
0x16c: {  	v33 =	vpsel p5, v5, v1;
	v34 =	vpsel p5, v6, v2;
	[tilespmem:s20+$0xFFFFFD30] =	vst v16;
	v16 =	vpsel p5, v4, v0;
	p4 =	seq.s32 s22, $0x1;
	s22 =	spop (v2sf)  }
0x16d: {  	v35 =	vpsel p2, v4, v0;
	v36 =	vpsel p2, v5, v1;
	[tilespmem:s20+$0xFFFFFD80] =	vst v8;
	v8 =	vpsel p5, v7, v3;
	p5 =	seq.s32 s22, $0x1;
	s22 =	spop (v2sf)  }
0x16e: {  	v37 =	vpsel p2, v7, v3;
	v38 =	vpsel p3, v4, v0;
	[tilespmem:s20+$0xFFFFFD90] =	vst v17;
	v17 =	vpsel p2, v6, v2;
	p2 =	seq.s32 s22, $0x1  }
0x16f: {  	v39 =	vpsel p3, v6, v2;
	v40 =	vpsel p3, v7, v3;
	[tilespmem:s20+$0xFFFFFDA0] =	vst v18;
	v18 =	vpsel p3, v5, v1  }
0x170: {  	v41 =	vpsel p1, v5, v1;
	v42 =	vpsel p1, v6, v2;
	[tilespmem:s20+$0xFFFFFDB0] =	vst v11;
	v11 =	vpsel p1, v4, v0  }
0x171: {  	v43 =	vpsel p4, v4, v0;
	v44 =	vpsel p4, v5, v1;
	[tilespmem:s20+$0xFFFFFE00] =	vst v19;
	v19 =	vpsel p1, v7, v3  }
0x172: {  	v45 =	vpsel p4, v7, v3;
	v46 =	vpsel p5, v4, v0;
	[tilespmem:s20+$0xFFFFFE10] =	vst v20;
	v20 =	vpsel p4, v6, v2  }
0x173: {  	v47 =	vpsel p5, v6, v2;
	v48 =	vpsel p5, v7, v3;
	[tilespmem:s20+$0xFFFFFE20] =	vst v12;
	v12 =	vpsel p5, v5, v1  }
0x174: {  	v49 =	vpsel p2, v5, v1;
	v50 =	vpsel p2, v6, v2;
	[tilespmem:s20+$0xFFFFFE30] =	vst v21;
	v21 =	vpsel p2, v4, v0  }
0x175: {  	[tilespmem:s20+$0xFFFFFE80] =	vst v22;
	v22 =	vpsel p2, v7, v3  }
0x176: {  	[tilespmem:s20+$0xFFFFFE90] =	vst v9  }
0x177: {  	[tilespmem:s20+$0xFFFFFEA0] =	vst v23  }
0x178: {  	[tilespmem:s20+$0xFFFFFEB0] =	vst v24  }
0x179: {  	[tilespmem:s20+$0xFFFFFF00] =	vst v13  }
0x17a: {  	[tilespmem:s20+$0xFFFFFF10] =	vst v25  }
0x17b: {  	[tilespmem:s20+$0xFFFFFF20] =	vst v26  }
0x17c: {  	[tilespmem:s20+$0xFFFFFF30] =	vst v14  }
0x17d: {  	[tilespmem:s20+$0xFFFFFF80] =	vst v27  }
0x17e: {  	[tilespmem:s20+$0xFFFFFF90] =	vst v28  }
0x17f: {  	[tilespmem:s20+$0xFFFFFFA0] =	vst v10  }
0x180: {  	[tilespmem:s20+$0xFFFFFFB0] =	vst v29  }
0x181: {  	[tilespmem:s20+$0x0] =	vst v30  }
0x182: {  	[tilespmem:s20+$0x10] =	vst v15  }
0x183: {  	[tilespmem:s20+$0x20] =	vst v31  }
0x184: {  	[tilespmem:s20+$0x30] =	vst v32  }
0x185: {  	[tilespmem:s20+$0x80] =	vst v16  }
0x186: {  	[tilespmem:s20+$0x90] =	vst v33  }
0x187: {  	[tilespmem:s20+$0xA0] =	vst v34  }
0x188: {  	[tilespmem:s20+$0xB0] =	vst v8  }
0x189: {  	[tilespmem:s20+$0x100] =	vst v35  }
0x18a: {  	[tilespmem:s20+$0x110] =	vst v36  }
0x18b: {  	[tilespmem:s20+$0x120] =	vst v17  }
0x18c: {  	[tilespmem:s20+$0x130] =	vst v37  }
0x18d: {  	[tilespmem:s20+$0x180] =	vst v38  }
0x18e: {  	[tilespmem:s20+$0x190] =	vst v18  }
0x18f: {  	[tilespmem:s20+$0x1A0] =	vst v39  }
0x190: {  	[tilespmem:s20+$0x1B0] =	vst v40  }
0x191: {  	[tilespmem:s20+$0x200] =	vst v11  }
0x192: {  	[tilespmem:s20+$0x210] =	vst v41  }
0x193: {  	[tilespmem:s20+$0x220] =	vst v42  }
0x194: {  	[tilespmem:s20+$0x230] =	vst v19  }
0x195: {  	[tilespmem:s20+$0x280] =	vst v43  }
0x196: {  	[tilespmem:s20+$0x290] =	vst v44  }
0x197: {  	[tilespmem:s20+$0x2A0] =	vst v20  }
0x198: {  	[tilespmem:s20+$0x2B0] =	vst v45  }
0x199: {  	[tilespmem:s20+$0x300] =	vst v46  }
0x19a: {  	[tilespmem:s20+$0x310] =	vst v12  }
0x19b: {  	[tilespmem:s20+$0x320] =	vst v47  }
.Ltmp1:
0x19c: {  	[tilespmem:s20+$0x330] =	vst v48;
	(pc) =	sbr.rel @p0 .LBB2_4-.Ltmp1, $4  }
0x19d: {  	[tilespmem:s20+$0x380] =	vst v21  }
0x19e: {  	[tilespmem:s20+$0x390] =	vst v49  }
0x19f: {  	[tilespmem:s20+$0x3A0] =	vst v50  }
0x1a0: {  	s22 =	sshra.s32 s21, $0x2;
	s21 =	sadd.s32 $0x40, s21;
	[tilespmem:s20+$0x3B0] =	vst v22  }
0x1a1: {  	v8 =	vld [tilespmem:s22+$0x100];
	_ =	sdelay $0x4  }
0x1a2: {  	(v2sf) =	vpush v8, $0x0;
	_ =	sdelay $0x3  }
0x1a3: {  	(v2sf) =	vpush v8, $0x1;
	_ =	sdelay $0x3  }
0x1a4: {  	(v2sf) =	vpush v8, $0x2;
	_ =	sdelay $0x3  }
0x1a5: {  	(v2sf) =	vpush v8, $0x3;
	_ =	sdelay $0x2  }
0x1a6: {  	s21 =	spop (v2sf)  }
0x1a7: {  	(v2sf) =	vpush v8, $0x4;
	p0 =	seq.s32 s21, $0x1  }
0x1a8: {  	s20 =	sadd.s32 $0x800, s20;
	v9 =	vpsel p0, v4, v0  }
0x1a9: {  	v10 =	vpsel p0, v5, v1;
	[tilespmem:s20+$0xFFFFFC00] =	vst v9  }
0x1aa: {  	s25 =	spop (v2sf);
	v13 =	vpsel p0, v6, v2;
	[tilespmem:s20+$0xFFFFFC10] =	vst v10  }
0x1ab: {  	(v2sf) =	vpush v8, $0x5;
	p1 =	seq.s32 s25, $0x1;
	v14 =	vpsel p0, v7, v3;
	[tilespmem:s20+$0xFFFFFC20] =	vst v13  }
0x1ac: {  	v15 =	vpsel p1, v4, v0;
	[tilespmem:s20+$0xFFFFFC30] =	vst v14  }
0x1ad: {  	v16 =	vpsel p1, v5, v1;
	[tilespmem:s20+$0xFFFFFC80] =	vst v15  }
0x1ae: {  	s26 =	spop (v2sf);
	v17 =	vpsel p1, v6, v2;
	[tilespmem:s20+$0xFFFFFC90] =	vst v16  }
0x1af: {  	(v2sf) =	vpush v8, $0x6;
	p3 =	seq.s32 s26, $0x1;
	v18 =	vpsel p1, v7, v3;
	[tilespmem:s20+$0xFFFFFCA0] =	vst v17  }
0x1b0: {  	v19 =	vpsel p3, v4, v0;
	[tilespmem:s20+$0xFFFFFCB0] =	vst v18  }
0x1b1: {  	v20 =	vpsel p3, v5, v1;
	[tilespmem:s20+$0xFFFFFD00] =	vst v19  }
0x1b2: {  	s28 =	spop (v2sf);
	v21 =	vpsel p3, v6, v2;
	[tilespmem:s20+$0xFFFFFD10] =	vst v20  }
0x1b3: {  	(v2sf) =	vpush v8, $0x7;
	p4 =	seq.s32 s28, $0x1;
	v22 =	vpsel p3, v7, v3;
	[tilespmem:s20+$0xFFFFFD20] =	vst v21  }
0x1b4: {  	v23 =	vpsel p4, v4, v0;
	[tilespmem:s20+$0xFFFFFD30] =	vst v22  }
0x1b5: {  	v24 =	vpsel p4, v5, v1;
	[tilespmem:s20+$0xFFFFFD80] =	vst v23  }
0x1b6: {  	v25 =	vpsel p4, v6, v2;
	[tilespmem:s20+$0xFFFFFD90] =	vst v24;
	s29 =	spop (v2sf)  }
0x1b7: {  	v26 =	vpsel p4, v7, v3;
	[tilespmem:s20+$0xFFFFFDA0] =	vst v25;
	(v2sf) =	vpush v8, $0x8;
	p5 =	seq.s32 s29, $0x1  }
0x1b8: {  	[tilespmem:s20+$0xFFFFFDB0] =	vst v26;
	v27 =	vpsel p5, v4, v0  }
0x1b9: {  	v28 =	vpsel p5, v5, v1;
	[tilespmem:s20+$0xFFFFFE00] =	vst v27  }
0x1ba: {  	s30 =	spop (v2sf);
	v29 =	vpsel p5, v6, v2;
	[tilespmem:s20+$0xFFFFFE10] =	vst v28  }
0x1bb: {  	(v2sf) =	vpush v8, $0x9;
	p6 =	seq.s32 s30, $0x1;
	v30 =	vpsel p5, v7, v3;
	[tilespmem:s20+$0xFFFFFE20] =	vst v29  }
0x1bc: {  	v31 =	vpsel p6, v4, v0;
	[tilespmem:s20+$0xFFFFFE30] =	vst v30  }
0x1bd: {  	v32 =	vpsel p6, v5, v1;
	[tilespmem:s20+$0xFFFFFE80] =	vst v31  }
0x1be: {  	s31 =	spop (v2sf);
	v33 =	vpsel p6, v6, v2;
	[tilespmem:s20+$0xFFFFFE90] =	vst v32  }
0x1bf: {  	(v2sf) =	vpush v8, $0xA;
	p2 =	seq.s32 s31, $0x1;
	v34 =	vpsel p6, v7, v3;
	[tilespmem:s20+$0xFFFFFEA0] =	vst v33  }
0x1c0: {  	v35 =	vpsel p2, v4, v0;
	[tilespmem:s20+$0xFFFFFEB0] =	vst v34  }
0x1c1: {  	v36 =	vpsel p2, v5, v1;
	[tilespmem:s20+$0xFFFFFF00] =	vst v35  }
0x1c2: {  	s22 =	spop (v2sf);
	(v2sf) =	vpush v8, $0xB;
	v37 =	vpsel p2, v6, v2;
	[tilespmem:s20+$0xFFFFFF10] =	vst v36  }
0x1c3: {  	p3 =	seq.s32 s22, $0x1;
	v38 =	vpsel p2, v7, v3;
	[tilespmem:s20+$0xFFFFFF20] =	vst v37  }
0x1c4: {  	v39 =	vpsel p3, v4, v0;
	[tilespmem:s20+$0xFFFFFF30] =	vst v38  }
0x1c5: {  	v40 =	vpsel p3, v5, v1;
	[tilespmem:s20+$0xFFFFFF80] =	vst v39  }
0x1c6: {  	v41 =	vpsel p3, v6, v2;
	[tilespmem:s20+$0xFFFFFF90] =	vst v40;
	s23 =	spop (v2sf)  }
0x1c7: {  	v42 =	vpsel p3, v7, v3;
	[tilespmem:s20+$0xFFFFFFA0] =	vst v41;
	(v2sf) =	vpush v8, $0xC;
	p4 =	seq.s32 s23, $0x1  }
0x1c8: {  	[tilespmem:s20+$0xFFFFFFB0] =	vst v42;
	v43 =	vpsel p4, v4, v0  }
0x1c9: {  	v44 =	vpsel p4, v5, v1;
	[tilespmem:s20+$0x0] =	vst v43  }
0x1ca: {  	s24 =	spop (v2sf);
	v45 =	vpsel p4, v6, v2;
	[tilespmem:s20+$0x10] =	vst v44  }
0x1cb: {  	(v2sf) =	vpush v8, $0xD;
	p5 =	seq.s32 s24, $0x1;
	v46 =	vpsel p4, v7, v3;
	[tilespmem:s20+$0x20] =	vst v45  }
0x1cc: {  	v47 =	vpsel p5, v4, v0;
	[tilespmem:s20+$0x30] =	vst v46  }
0x1cd: {  	v48 =	vpsel p5, v5, v1;
	[tilespmem:s20+$0x80] =	vst v47  }
0x1ce: {  	s25 =	spop (v2sf);
	(v2sf) =	vpush v8, $0xE;
	v49 =	vpsel p5, v6, v2;
	[tilespmem:s20+$0x90] =	vst v48  }
0x1cf: {  	p6 =	seq.s32 s25, $0x1;
	v50 =	vpsel p5, v7, v3;
	[tilespmem:s20+$0xA0] =	vst v49  }
0x1d0: {  	v51 =	vpsel p6, v4, v0;
	[tilespmem:s20+$0xB0] =	vst v50  }
0x1d1: {  	s26 =	spop (v2sf);
	(v2sf) =	vpush v8, $0xF;
	v52 =	vpsel p6, v5, v1;
	[tilespmem:s20+$0x100] =	vst v51  }
0x1d2: {  	v53 =	vpsel p6, v6, v2;
	[tilespmem:s20+$0x110] =	vst v52  }
0x1d3: {  	p2 =	seq.s32 s26, $0x1;
	v8 =	vpsel p6, v7, v3;
	[tilespmem:s20+$0x120] =	vst v53  }
0x1d4: {  	v54 =	vpsel p2, v4, v0;
	[tilespmem:s20+$0x130] =	vst v8  }
0x1d5: {  	v8 =	vpsel p2, v5, v1;
	[tilespmem:s20+$0x180] =	vst v54  }
0x1d6: {  	v55 =	vpsel p2, v6, v2;
	[tilespmem:s20+$0x190] =	vst v8;
	s28 =	spop (v2sf)  }
0x1d7: {  	v8 =	vpsel p2, v7, v3;
	[tilespmem:s20+$0x1A0] =	vst v55;
	p3 =	seq.s32 s28, $0x1  }
0x1d8: {  	[tilespmem:s20+$0x1B0] =	vst v8;
	v56 =	vpsel p3, v4, v0  }
0x1d9: {  	v8 =	vpsel p3, v5, v1;
	[tilespmem:s20+$0x200] =	vst v56  }
0x1da: {  	s29 =	spop (v2sf);
	v57 =	vpsel p3, v6, v2;
	[tilespmem:s20+$0x210] =	vst v8  }
0x1db: {  	p4 =	seq.s32 s29, $0x1;
	v8 =	vpsel p3, v7, v3;
	[tilespmem:s20+$0x220] =	vst v57  }
0x1dc: {  	v58 =	vpsel p4, v4, v0;
	[tilespmem:s20+$0x230] =	vst v8  }
0x1dd: {  	s30 =	spop (v2sf);
	v59 =	vpsel p4, v6, v2;
	[tilespmem:s20+$0x280] =	vst v58  }
0x1de: {  	p5 =	seq.s32 s30, $0x1;
	v8 =	vpsel p4, v5, v1;
	[tilespmem:s20+$0x2A0] =	vst v59  }
0x1df: {  	v60 =	vpsel p5, v4, v0;
	[tilespmem:s20+$0x290] =	vst v8  }
0x1e0: {  	s31 =	spop (v2sf);
	v61 =	vpsel p5, v6, v2;
	[tilespmem:s20+$0x300] =	vst v60  }
0x1e1: {  	p6 =	seq.s32 s31, $0x1;
	v8 =	vpsel p4, v7, v3;
	[tilespmem:s20+$0x320] =	vst v61  }
0x1e2: {  	v62 =	vpsel p6, v4, v0;
	[tilespmem:s20+$0x2B0] =	vst v8  }
0x1e3: {  	v63 =	vpsel p6, v6, v2;
	[tilespmem:s20+$0x380] =	vst v62  }
0x1e4: {  	v8 =	vpsel p5, v5, v1;
	[tilespmem:s20+$0x3A0] =	vst v63  }
0x1e5: {  	[tilespmem:s20+$0x310] =	vst v8;
	v8 =	vpsel p5, v7, v3  }
0x1e6: {  	[tilespmem:s20+$0x330] =	vst v8;
	v8 =	vpsel p6, v5, v1  }
0x1e7: {  	[tilespmem:s20+$0x390] =	vst v8;
	v8 =	vpsel p6, v7, v3  }
0x1e8: {  	[tilespmem:s20+$0x3B0] =	vst v8;
	s20 =	simm.s32 $0x1  }
0x1e9: {  	[hbm4b:s11+s4] =	stream.linear.scatter [tilespmem:s16], [sflag:$0x2], $0xC800, $0x38;
	[tilespmem:$0x19300] =	vst v63  }
.LBB2_6:
0x1ea: {  	s21 =	smul.u32 $0x320, s20;
	_ =	sdelay $0x1  }
0x1eb: {  	_ =	swait.ge [sflag:s17], $0xC800;
	s22 =	sadd.s32 s5, s21  }
0x1ec: {  	[sflag:s17] =	ssyncset.done $0x0;
	s23 =	sshrl.u32 s22, $0x3  }
0x1ed: {  	s24 =	simm.s32 $0x0;
	[sflag:s17] =	ssyncadd.s32 $0xFFFF3800;
	s23 =	sadd.s32 s1, s23  }
0x1ee: {  	[tilespmem:s14], [sflag:$0x3] =	stream.linear.gather [hbm4b:s23+s24], $0x190, $0x38;
	[tilespmem:$0x19300] =	vst v63  }
0x1ef: {  	_ =	swait.ge [sflag:s13], $0x190  }
0x1f0: {  	[sflag:s13] =	ssyncset.done $0x0  }
0x1f1: {  	s26 =	simm.s32 $0x0;
	[sflag:s13] =	ssyncadd.s32 $0xFFFFFE70  }
0x1f2: {  	v8 =	vld [tilespmem:s26+$0x100];
	_ =	sdelay $0x4  }
0x1f3: {  	(v2sf) =	vpush v8, $0x0;
	_ =	sdelay $0x3  }
0x1f4: {  	(v2sf) =	vpush v8, $0x1;
	_ =	sdelay $0x3  }
0x1f5: {  	(v2sf) =	vpush v8, $0x2;
	_ =	sdelay $0x3  }
0x1f6: {  	(v2sf) =	vpush v8, $0x3;
	_ =	sdelay $0x2  }
0x1f7: {  	s28 =	spop (v2sf)  }
0x1f8: {  	(v2sf) =	vpush v8, $0x4;
	p0 =	seq.s32 s28, $0x1  }
0x1f9: {  	s23 =	simm.s32 $0x700;
	v9 =	vpsel p0, v4, v0  }
0x1fa: {  	v10 =	vpsel p0, v5, v1;
	[tilespmem:s23+$0xFFFFFC00] =	vst v9  }
0x1fb: {  	s29 =	spop (v2sf);
	v13 =	vpsel p0, v6, v2;
	[tilespmem:s23+$0xFFFFFC10] =	vst v10  }
0x1fc: {  	(v2sf) =	vpush v8, $0x5;
	p1 =	seq.s32 s29, $0x1;
	v14 =	vpsel p0, v7, v3;
	[tilespmem:s23+$0xFFFFFC20] =	vst v13  }
0x1fd: {  	v15 =	vpsel p1, v4, v0;
	[tilespmem:s23+$0xFFFFFC30] =	vst v14  }
0x1fe: {  	v16 =	vpsel p1, v5, v1;
	[tilespmem:s23+$0xFFFFFC80] =	vst v15  }
0x1ff: {  	s30 =	spop (v2sf);
	v17 =	vpsel p1, v6, v2;
	[tilespmem:s23+$0xFFFFFC90] =	vst v16  }
0x200: {  	(v2sf) =	vpush v8, $0x6;
	p3 =	seq.s32 s30, $0x1;
	v18 =	vpsel p1, v7, v3;
	[tilespmem:s23+$0xFFFFFCA0] =	vst v17  }
0x201: {  	v19 =	vpsel p3, v4, v0;
	[tilespmem:s23+$0xFFFFFCB0] =	vst v18  }
0x202: {  	v20 =	vpsel p3, v5, v1;
	[tilespmem:s23+$0xFFFFFD00] =	vst v19  }
0x203: {  	s31 =	spop (v2sf);
	v21 =	vpsel p3, v6, v2;
	[tilespmem:s23+$0xFFFFFD10] =	vst v20  }
0x204: {  	(v2sf) =	vpush v8, $0x7;
	p4 =	seq.s32 s31, $0x1;
	v22 =	vpsel p3, v7, v3;
	[tilespmem:s23+$0xFFFFFD20] =	vst v21  }
0x205: {  	v23 =	vpsel p4, v4, v0;
	[tilespmem:s23+$0xFFFFFD30] =	vst v22  }
0x206: {  	v24 =	vpsel p4, v5, v1;
	[tilespmem:s23+$0xFFFFFD80] =	vst v23  }
0x207: {  	v25 =	vpsel p4, v6, v2;
	[tilespmem:s23+$0xFFFFFD90] =	vst v24;
	s25 =	spop (v2sf)  }
0x208: {  	v26 =	vpsel p4, v7, v3;
	[tilespmem:s23+$0xFFFFFDA0] =	vst v25;
	(v2sf) =	vpush v8, $0x8;
	p5 =	seq.s32 s25, $0x1  }
0x209: {  	[tilespmem:s23+$0xFFFFFDB0] =	vst v26;
	v27 =	vpsel p5, v4, v0  }
0x20a: {  	v28 =	vpsel p5, v5, v1;
	[tilespmem:s23+$0xFFFFFE00] =	vst v27  }
0x20b: {  	s26 =	spop (v2sf);
	v29 =	vpsel p5, v6, v2;
	[tilespmem:s23+$0xFFFFFE10] =	vst v28  }
0x20c: {  	(v2sf) =	vpush v8, $0x9;
	p6 =	seq.s32 s26, $0x1;
	v30 =	vpsel p5, v7, v3;
	[tilespmem:s23+$0xFFFFFE20] =	vst v29  }
0x20d: {  	v31 =	vpsel p6, v4, v0;
	[tilespmem:s23+$0xFFFFFE30] =	vst v30  }
0x20e: {  	v32 =	vpsel p6, v5, v1;
	[tilespmem:s23+$0xFFFFFE80] =	vst v31  }
0x20f: {  	s28 =	spop (v2sf);
	v33 =	vpsel p6, v6, v2;
	[tilespmem:s23+$0xFFFFFE90] =	vst v32  }
0x210: {  	(v2sf) =	vpush v8, $0xA;
	p2 =	seq.s32 s28, $0x1;
	v34 =	vpsel p6, v7, v3;
	[tilespmem:s23+$0xFFFFFEA0] =	vst v33  }
0x211: {  	v35 =	vpsel p2, v4, v0;
	[tilespmem:s23+$0xFFFFFEB0] =	vst v34  }
0x212: {  	v36 =	vpsel p2, v5, v1;
	[tilespmem:s23+$0xFFFFFF00] =	vst v35  }
0x213: {  	s29 =	spop (v2sf);
	(v2sf) =	vpush v8, $0xB;
	v37 =	vpsel p2, v6, v2;
	[tilespmem:s23+$0xFFFFFF10] =	vst v36  }
0x214: {  	p3 =	seq.s32 s29, $0x1;
	v38 =	vpsel p2, v7, v3;
	[tilespmem:s23+$0xFFFFFF20] =	vst v37  }
0x215: {  	v39 =	vpsel p3, v4, v0;
	[tilespmem:s23+$0xFFFFFF30] =	vst v38  }
0x216: {  	v40 =	vpsel p3, v5, v1;
	[tilespmem:s23+$0xFFFFFF80] =	vst v39  }
0x217: {  	v41 =	vpsel p3, v6, v2;
	[tilespmem:s23+$0xFFFFFF90] =	vst v40;
	s30 =	spop (v2sf)  }
0x218: {  	v42 =	vpsel p3, v7, v3;
	[tilespmem:s23+$0xFFFFFFA0] =	vst v41;
	(v2sf) =	vpush v8, $0xC;
	p4 =	seq.s32 s30, $0x1  }
0x219: {  	[tilespmem:s23+$0xFFFFFFB0] =	vst v42;
	v43 =	vpsel p4, v4, v0  }
0x21a: {  	v44 =	vpsel p4, v5, v1;
	[tilespmem:s23+$0x0] =	vst v43  }
0x21b: {  	s31 =	spop (v2sf);
	v45 =	vpsel p4, v6, v2;
	[tilespmem:s23+$0x10] =	vst v44  }
0x21c: {  	(v2sf) =	vpush v8, $0xD;
	p5 =	seq.s32 s31, $0x1;
	v46 =	vpsel p4, v7, v3;
	[tilespmem:s23+$0x20] =	vst v45  }
0x21d: {  	v47 =	vpsel p5, v4, v0;
	[tilespmem:s23+$0x30] =	vst v46  }
0x21e: {  	v48 =	vpsel p5, v5, v1;
	[tilespmem:s23+$0x80] =	vst v47  }
0x21f: {  	s25 =	spop (v2sf);
	(v2sf) =	vpush v8, $0xE;
	v49 =	vpsel p5, v6, v2;
	[tilespmem:s23+$0x90] =	vst v48  }
0x220: {  	p6 =	seq.s32 s25, $0x1;
	v50 =	vpsel p5, v7, v3;
	[tilespmem:s23+$0xA0] =	vst v49  }
0x221: {  	v51 =	vpsel p6, v4, v0;
	[tilespmem:s23+$0xB0] =	vst v50  }
0x222: {  	s26 =	spop (v2sf);
	(v2sf) =	vpush v8, $0xF;
	v52 =	vpsel p6, v5, v1;
	[tilespmem:s23+$0x100] =	vst v51  }
0x223: {  	v53 =	vpsel p6, v6, v2;
	[tilespmem:s23+$0x110] =	vst v52  }
0x224: {  	p2 =	seq.s32 s26, $0x1;
	v8 =	vpsel p6, v7, v3;
	[tilespmem:s23+$0x120] =	vst v53  }
0x225: {  	v54 =	vpsel p2, v4, v0;
	[tilespmem:s23+$0x130] =	vst v8  }
0x226: {  	v8 =	vpsel p2, v5, v1;
	[tilespmem:s23+$0x180] =	vst v54  }
0x227: {  	v55 =	vpsel p2, v6, v2;
	[tilespmem:s23+$0x190] =	vst v8;
	s28 =	spop (v2sf)  }
0x228: {  	v8 =	vpsel p2, v7, v3;
	[tilespmem:s23+$0x1A0] =	vst v55;
	p3 =	seq.s32 s28, $0x1  }
0x229: {  	[tilespmem:s23+$0x1B0] =	vst v8;
	v56 =	vpsel p3, v4, v0  }
0x22a: {  	v8 =	vpsel p3, v5, v1;
	[tilespmem:s23+$0x200] =	vst v56  }
0x22b: {  	s29 =	spop (v2sf);
	v57 =	vpsel p3, v6, v2;
	[tilespmem:s23+$0x210] =	vst v8  }
0x22c: {  	p4 =	seq.s32 s29, $0x1;
	v8 =	vpsel p3, v7, v3;
	[tilespmem:s23+$0x220] =	vst v57  }
0x22d: {  	v58 =	vpsel p4, v4, v0;
	[tilespmem:s23+$0x230] =	vst v8  }
0x22e: {  	s30 =	spop (v2sf);
	v59 =	vpsel p4, v6, v2;
	[tilespmem:s23+$0x280] =	vst v58  }
0x22f: {  	p5 =	seq.s32 s30, $0x1;
	v8 =	vpsel p4, v5, v1;
	[tilespmem:s23+$0x2A0] =	vst v59  }
0x230: {  	v60 =	vpsel p5, v4, v0;
	[tilespmem:s23+$0x290] =	vst v8  }
0x231: {  	s31 =	spop (v2sf);
	v61 =	vpsel p5, v6, v2;
	[tilespmem:s23+$0x300] =	vst v60  }
0x232: {  	p6 =	seq.s32 s31, $0x1;
	v8 =	vpsel p4, v7, v3;
	[tilespmem:s23+$0x320] =	vst v61  }
0x233: {  	v62 =	vpsel p6, v4, v0;
	[tilespmem:s23+$0x2B0] =	vst v8  }
0x234: {  	v63 =	vpsel p6, v6, v2;
	[tilespmem:s23+$0x380] =	vst v62  }
0x235: {  	v8 =	vpsel p5, v5, v1;
	[tilespmem:s23+$0x3A0] =	vst v63  }
0x236: {  	[tilespmem:s23+$0x310] =	vst v8;
	v8 =	vpsel p5, v7, v3  }
0x237: {  	[tilespmem:s23+$0x330] =	vst v8;
	v8 =	vpsel p6, v5, v1  }
0x238: {  	[tilespmem:s23+$0x390] =	vst v8;
	v8 =	vpsel p6, v7, v3  }
0x239: {  	s24 =	simm.s32 $0x80;
	s25 =	simm.s32 $0x10;
	[tilespmem:s23+$0x3B0] =	vst v8  }
.LBB2_7:
0x23a: {  	p0 =	sne.s32 s24, $0x600;
	v8 =	vld [tilespmem:s25+$0x100];
	_ =	sdelay $0x4  }
0x23b: {  	(v2sf) =	vpush v8, $0x0  }
0x23c: {  	(v2sf) =	vpush v8, $0x1  }
0x23d: {  	(v2sf) =	vpush v8, $0x2  }
0x23e: {  	(v2sf) =	vpush v8, $0x3  }
0x23f: {  	(v2sf) =	vpush v8, $0x4  }
0x240: {  	(v2sf) =	vpush v8, $0x5  }
0x241: {  	(v2sf) =	vpush v8, $0x6  }
0x242: {  	(v2sf) =	vpush v8, $0x7  }
0x243: {  	(v2sf) =	vpush v8, $0x8  }
0x244: {  	(v2sf) =	vpush v8, $0x9  }
0x245: {  	(v2sf) =	vpush v8, $0xA  }
0x246: {  	(v2sf) =	vpush v8, $0xB  }
0x247: {  	(v2sf) =	vpush v8, $0xC  }
0x248: {  	(v2sf) =	vpush v8, $0xD  }
0x249: {  	(v2sf) =	vpush v8, $0xE  }
0x24a: {  	s25 =	spop (v2sf);
	(v2sf) =	vpush v8, $0xF  }
0x24b: {  	p1 =	seq.s32 s25, $0x1;
	s25 =	spop (v2sf)  }
0x24c: {  	s23 =	sadd.s32 $0x800, s23;
	v8 =	vpsel p1, v4, v0;
	v9 =	vpsel p1, v5, v1;
	v10 =	vpsel p1, v6, v2;
	p2 =	seq.s32 s25, $0x1;
	s25 =	spop (v2sf)  }
0x24d: {  	[tilespmem:s23+$0xFFFFFC00] =	vst v8;
	v8 =	vpsel p1, v7, v3;
	v11 =	vpsel p2, v4, v0;
	v12 =	vpsel p2, v5, v1;
	p1 =	seq.s32 s25, $0x1;
	s25 =	spop (v2sf)  }
0x24e: {  	v13 =	vpsel p2, v7, v3;
	[tilespmem:s23+$0xFFFFFC10] =	vst v9;
	v9 =	vpsel p2, v6, v2;
	v14 =	vpsel p1, v4, v0;
	p2 =	seq.s32 s25, $0x1;
	s25 =	spop (v2sf)  }
0x24f: {  	v15 =	vpsel p1, v6, v2;
	v16 =	vpsel p1, v7, v3;
	[tilespmem:s23+$0xFFFFFC20] =	vst v10;
	v10 =	vpsel p1, v5, v1;
	p3 =	seq.s32 s25, $0x1;
	s25 =	spop (v2sf)  }
0x250: {  	v17 =	vpsel p2, v5, v1;
	v18 =	vpsel p2, v6, v2;
	[tilespmem:s23+$0xFFFFFC30] =	vst v8;
	v8 =	vpsel p2, v4, v0;
	p1 =	seq.s32 s25, $0x1;
	s25 =	spop (v2sf)  }
0x251: {  	v19 =	vpsel p3, v4, v0;
	v20 =	vpsel p3, v5, v1;
	[tilespmem:s23+$0xFFFFFC80] =	vst v11;
	v11 =	vpsel p2, v7, v3;
	p2 =	seq.s32 s25, $0x1;
	s25 =	spop (v2sf)  }
0x252: {  	v21 =	vpsel p3, v7, v3;
	v22 =	vpsel p1, v4, v0;
	[tilespmem:s23+$0xFFFFFC90] =	vst v12;
	v12 =	vpsel p3, v6, v2;
	p3 =	seq.s32 s25, $0x1;
	s25 =	spop (v2sf)  }
0x253: {  	v23 =	vpsel p1, v6, v2;
	v24 =	vpsel p1, v7, v3;
	[tilespmem:s23+$0xFFFFFCA0] =	vst v9;
	v9 =	vpsel p1, v5, v1;
	p1 =	seq.s32 s25, $0x1;
	s25 =	spop (v2sf)  }
0x254: {  	v25 =	vpsel p2, v5, v1;
	v26 =	vpsel p2, v6, v2;
	[tilespmem:s23+$0xFFFFFCB0] =	vst v13;
	v13 =	vpsel p2, v4, v0;
	p5 =	seq.s32 s25, $0x1;
	s25 =	spop (v2sf)  }
0x255: {  	v27 =	vpsel p3, v4, v0;
	v28 =	vpsel p3, v5, v1;
	[tilespmem:s23+$0xFFFFFD00] =	vst v14;
	v14 =	vpsel p2, v7, v3;
	p2 =	seq.s32 s25, $0x1;
	s25 =	spop (v2sf)  }
0x256: {  	v29 =	vpsel p3, v7, v3;
	v30 =	vpsel p1, v4, v0;
	[tilespmem:s23+$0xFFFFFD10] =	vst v10;
	v10 =	vpsel p3, v6, v2;
	p3 =	seq.s32 s25, $0x1;
	s25 =	spop (v2sf)  }
0x257: {  	v31 =	vpsel p1, v6, v2;
	v32 =	vpsel p1, v7, v3;
	[tilespmem:s23+$0xFFFFFD20] =	vst v15;
	v15 =	vpsel p1, v5, v1;
	p1 =	seq.s32 s25, $0x1;
	s25 =	spop (v2sf)  }
0x258: {  	v33 =	vpsel p5, v5, v1;
	v34 =	vpsel p5, v6, v2;
	[tilespmem:s23+$0xFFFFFD30] =	vst v16;
	v16 =	vpsel p5, v4, v0;
	p4 =	seq.s32 s25, $0x1;
	s25 =	spop (v2sf)  }
0x259: {  	v35 =	vpsel p2, v4, v0;
	v36 =	vpsel p2, v5, v1;
	[tilespmem:s23+$0xFFFFFD80] =	vst v8;
	v8 =	vpsel p5, v7, v3;
	p5 =	seq.s32 s25, $0x1;
	s25 =	spop (v2sf)  }
0x25a: {  	v37 =	vpsel p2, v7, v3;
	v38 =	vpsel p3, v4, v0;
	[tilespmem:s23+$0xFFFFFD90] =	vst v17;
	v17 =	vpsel p2, v6, v2;
	p2 =	seq.s32 s25, $0x1  }
0x25b: {  	v39 =	vpsel p3, v6, v2;
	v40 =	vpsel p3, v7, v3;
	[tilespmem:s23+$0xFFFFFDA0] =	vst v18;
	v18 =	vpsel p3, v5, v1  }
0x25c: {  	v41 =	vpsel p1, v5, v1;
	v42 =	vpsel p1, v6, v2;
	[tilespmem:s23+$0xFFFFFDB0] =	vst v11;
	v11 =	vpsel p1, v4, v0  }
0x25d: {  	v43 =	vpsel p4, v4, v0;
	v44 =	vpsel p4, v5, v1;
	[tilespmem:s23+$0xFFFFFE00] =	vst v19;
	v19 =	vpsel p1, v7, v3  }
0x25e: {  	v45 =	vpsel p4, v7, v3;
	v46 =	vpsel p5, v4, v0;
	[tilespmem:s23+$0xFFFFFE10] =	vst v20;
	v20 =	vpsel p4, v6, v2  }
0x25f: {  	v47 =	vpsel p5, v6, v2;
	v48 =	vpsel p5, v7, v3;
	[tilespmem:s23+$0xFFFFFE20] =	vst v12;
	v12 =	vpsel p5, v5, v1  }
0x260: {  	v49 =	vpsel p2, v5, v1;
	v50 =	vpsel p2, v6, v2;
	[tilespmem:s23+$0xFFFFFE30] =	vst v21;
	v21 =	vpsel p2, v4, v0  }
0x261: {  	[tilespmem:s23+$0xFFFFFE80] =	vst v22;
	v22 =	vpsel p2, v7, v3  }
0x262: {  	[tilespmem:s23+$0xFFFFFE90] =	vst v9  }
0x263: {  	[tilespmem:s23+$0xFFFFFEA0] =	vst v23  }
0x264: {  	[tilespmem:s23+$0xFFFFFEB0] =	vst v24  }
0x265: {  	[tilespmem:s23+$0xFFFFFF00] =	vst v13  }
0x266: {  	[tilespmem:s23+$0xFFFFFF10] =	vst v25  }
0x267: {  	[tilespmem:s23+$0xFFFFFF20] =	vst v26  }
0x268: {  	[tilespmem:s23+$0xFFFFFF30] =	vst v14  }
0x269: {  	[tilespmem:s23+$0xFFFFFF80] =	vst v27  }
0x26a: {  	[tilespmem:s23+$0xFFFFFF90] =	vst v28  }
0x26b: {  	[tilespmem:s23+$0xFFFFFFA0] =	vst v10  }
0x26c: {  	[tilespmem:s23+$0xFFFFFFB0] =	vst v29  }
0x26d: {  	[tilespmem:s23+$0x0] =	vst v30  }
0x26e: {  	[tilespmem:s23+$0x10] =	vst v15  }
0x26f: {  	[tilespmem:s23+$0x20] =	vst v31  }
0x270: {  	[tilespmem:s23+$0x30] =	vst v32  }
0x271: {  	[tilespmem:s23+$0x80] =	vst v16  }
0x272: {  	[tilespmem:s23+$0x90] =	vst v33  }
0x273: {  	[tilespmem:s23+$0xA0] =	vst v34  }
0x274: {  	[tilespmem:s23+$0xB0] =	vst v8  }
0x275: {  	[tilespmem:s23+$0x100] =	vst v35  }
0x276: {  	[tilespmem:s23+$0x110] =	vst v36  }
0x277: {  	[tilespmem:s23+$0x120] =	vst v17  }
0x278: {  	[tilespmem:s23+$0x130] =	vst v37  }
0x279: {  	[tilespmem:s23+$0x180] =	vst v38  }
0x27a: {  	[tilespmem:s23+$0x190] =	vst v18  }
0x27b: {  	[tilespmem:s23+$0x1A0] =	vst v39  }
0x27c: {  	[tilespmem:s23+$0x1B0] =	vst v40  }
0x27d: {  	[tilespmem:s23+$0x200] =	vst v11  }
0x27e: {  	[tilespmem:s23+$0x210] =	vst v41  }
0x27f: {  	[tilespmem:s23+$0x220] =	vst v42  }
0x280: {  	[tilespmem:s23+$0x230] =	vst v19  }
0x281: {  	[tilespmem:s23+$0x280] =	vst v43  }
0x282: {  	[tilespmem:s23+$0x290] =	vst v44  }
0x283: {  	[tilespmem:s23+$0x2A0] =	vst v20  }
0x284: {  	[tilespmem:s23+$0x2B0] =	vst v45  }
0x285: {  	[tilespmem:s23+$0x300] =	vst v46  }
0x286: {  	[tilespmem:s23+$0x310] =	vst v12  }
0x287: {  	[tilespmem:s23+$0x320] =	vst v47  }
.Ltmp2:
0x288: {  	[tilespmem:s23+$0x330] =	vst v48;
	(pc) =	sbr.rel @p0 .LBB2_7-.Ltmp2, $4  }
0x289: {  	[tilespmem:s23+$0x380] =	vst v21  }
0x28a: {  	[tilespmem:s23+$0x390] =	vst v49  }
0x28b: {  	[tilespmem:s23+$0x3A0] =	vst v50  }
0x28c: {  	s25 =	sshra.s32 s24, $0x2;
	s24 =	sadd.s32 $0x40, s24;
	[tilespmem:s23+$0x3B0] =	vst v22  }
0x28d: {  	v8 =	vld [tilespmem:s25+$0x100];
	_ =	sdelay $0x4  }
0x28e: {  	(v2sf) =	vpush v8, $0x0;
	_ =	sdelay $0x3  }
0x28f: {  	(v2sf) =	vpush v8, $0x1;
	_ =	sdelay $0x3  }
0x290: {  	(v2sf) =	vpush v8, $0x2;
	_ =	sdelay $0x3  }
0x291: {  	(v2sf) =	vpush v8, $0x3;
	_ =	sdelay $0x2  }
0x292: {  	s24 =	spop (v2sf)  }
0x293: {  	(v2sf) =	vpush v8, $0x4;
	p0 =	seq.s32 s24, $0x1  }
0x294: {  	s23 =	sadd.s32 $0x800, s23;
	v9 =	vpsel p0, v4, v0  }
0x295: {  	v10 =	vpsel p0, v5, v1;
	[tilespmem:s23+$0xFFFFFC00] =	vst v9  }
0x296: {  	s30 =	spop (v2sf);
	v12 =	vpsel p0, v6, v2;
	[tilespmem:s23+$0xFFFFFC10] =	vst v10  }
0x297: {  	(v2sf) =	vpush v8, $0x5;
	p1 =	seq.s32 s30, $0x1;
	v13 =	vpsel p0, v7, v3;
	[tilespmem:s23+$0xFFFFFC20] =	vst v12  }
0x298: {  	v14 =	vpsel p1, v4, v0;
	[tilespmem:s23+$0xFFFFFC30] =	vst v13  }
0x299: {  	v15 =	vpsel p1, v5, v1;
	[tilespmem:s23+$0xFFFFFC80] =	vst v14  }
0x29a: {  	s31 =	spop (v2sf);
	v16 =	vpsel p1, v6, v2;
	[tilespmem:s23+$0xFFFFFC90] =	vst v15  }
0x29b: {  	(v2sf) =	vpush v8, $0x6;
	p3 =	seq.s32 s31, $0x1;
	v17 =	vpsel p1, v7, v3;
	[tilespmem:s23+$0xFFFFFCA0] =	vst v16  }
0x29c: {  	v18 =	vpsel p3, v4, v0;
	[tilespmem:s23+$0xFFFFFCB0] =	vst v17  }
0x29d: {  	v19 =	vpsel p3, v5, v1;
	[tilespmem:s23+$0xFFFFFD00] =	vst v18  }
0x29e: {  	s25 =	spop (v2sf);
	v20 =	vpsel p3, v6, v2;
	[tilespmem:s23+$0xFFFFFD10] =	vst v19  }
0x29f: {  	(v2sf) =	vpush v8, $0x7;
	p4 =	seq.s32 s25, $0x1;
	v21 =	vpsel p3, v7, v3;
	[tilespmem:s23+$0xFFFFFD20] =	vst v20  }
0x2a0: {  	v22 =	vpsel p4, v4, v0;
	[tilespmem:s23+$0xFFFFFD30] =	vst v21  }
0x2a1: {  	v23 =	vpsel p4, v5, v1;
	[tilespmem:s23+$0xFFFFFD80] =	vst v22  }
0x2a2: {  	v24 =	vpsel p4, v6, v2;
	[tilespmem:s23+$0xFFFFFD90] =	vst v23;
	s26 =	spop (v2sf)  }
0x2a3: {  	v25 =	vpsel p4, v7, v3;
	[tilespmem:s23+$0xFFFFFDA0] =	vst v24;
	(v2sf) =	vpush v8, $0x8;
	p5 =	seq.s32 s26, $0x1  }
0x2a4: {  	[tilespmem:s23+$0xFFFFFDB0] =	vst v25;
	v26 =	vpsel p5, v4, v0  }
0x2a5: {  	v27 =	vpsel p5, v5, v1;
	[tilespmem:s23+$0xFFFFFE00] =	vst v26  }
0x2a6: {  	s28 =	spop (v2sf);
	v28 =	vpsel p5, v6, v2;
	[tilespmem:s23+$0xFFFFFE10] =	vst v27  }
0x2a7: {  	(v2sf) =	vpush v8, $0x9;
	p6 =	seq.s32 s28, $0x1;
	v29 =	vpsel p5, v7, v3;
	[tilespmem:s23+$0xFFFFFE20] =	vst v28  }
0x2a8: {  	v30 =	vpsel p6, v4, v0;
	[tilespmem:s23+$0xFFFFFE30] =	vst v29  }
0x2a9: {  	v31 =	vpsel p6, v5, v1;
	[tilespmem:s23+$0xFFFFFE80] =	vst v30  }
0x2aa: {  	s29 =	spop (v2sf);
	v32 =	vpsel p6, v6, v2;
	[tilespmem:s23+$0xFFFFFE90] =	vst v31  }
0x2ab: {  	(v2sf) =	vpush v8, $0xA;
	p2 =	seq.s32 s29, $0x1;
	v33 =	vpsel p6, v7, v3;
	[tilespmem:s23+$0xFFFFFEA0] =	vst v32  }
0x2ac: {  	v34 =	vpsel p2, v4, v0;
	[tilespmem:s23+$0xFFFFFEB0] =	vst v33  }
0x2ad: {  	v35 =	vpsel p2, v5, v1;
	[tilespmem:s23+$0xFFFFFF00] =	vst v34  }
0x2ae: {  	s30 =	spop (v2sf);
	(v2sf) =	vpush v8, $0xB;
	v36 =	vpsel p2, v6, v2;
	[tilespmem:s23+$0xFFFFFF10] =	vst v35  }
0x2af: {  	p3 =	seq.s32 s30, $0x1;
	v37 =	vpsel p2, v7, v3;
	[tilespmem:s23+$0xFFFFFF20] =	vst v36  }
0x2b0: {  	v38 =	vpsel p3, v4, v0;
	[tilespmem:s23+$0xFFFFFF30] =	vst v37  }
0x2b1: {  	v39 =	vpsel p3, v5, v1;
	[tilespmem:s23+$0xFFFFFF80] =	vst v38  }
0x2b2: {  	v40 =	vpsel p3, v6, v2;
	[tilespmem:s23+$0xFFFFFF90] =	vst v39;
	s31 =	spop (v2sf)  }
0x2b3: {  	v41 =	vpsel p3, v7, v3;
	[tilespmem:s23+$0xFFFFFFA0] =	vst v40;
	(v2sf) =	vpush v8, $0xC;
	p4 =	seq.s32 s31, $0x1  }
0x2b4: {  	[tilespmem:s23+$0xFFFFFFB0] =	vst v41;
	v42 =	vpsel p4, v4, v0  }
0x2b5: {  	v43 =	vpsel p4, v5, v1;
	[tilespmem:s23+$0x0] =	vst v42  }
0x2b6: {  	s25 =	spop (v2sf);
	v44 =	vpsel p4, v6, v2;
	[tilespmem:s23+$0x10] =	vst v43  }
0x2b7: {  	(v2sf) =	vpush v8, $0xD;
	p5 =	seq.s32 s25, $0x1;
	v45 =	vpsel p4, v7, v3;
	[tilespmem:s23+$0x20] =	vst v44  }
0x2b8: {  	v46 =	vpsel p5, v4, v0;
	[tilespmem:s23+$0x30] =	vst v45  }
0x2b9: {  	v47 =	vpsel p5, v5, v1;
	[tilespmem:s23+$0x80] =	vst v46  }
0x2ba: {  	s26 =	spop (v2sf);
	(v2sf) =	vpush v8, $0xE;
	v48 =	vpsel p5, v6, v2;
	[tilespmem:s23+$0x90] =	vst v47  }
0x2bb: {  	p6 =	seq.s32 s26, $0x1;
	v49 =	vpsel p5, v7, v3;
	[tilespmem:s23+$0xA0] =	vst v48  }
0x2bc: {  	v50 =	vpsel p6, v4, v0;
	[tilespmem:s23+$0xB0] =	vst v49  }
0x2bd: {  	s28 =	spop (v2sf);
	(v2sf) =	vpush v8, $0xF;
	v51 =	vpsel p6, v5, v1;
	[tilespmem:s23+$0x100] =	vst v50  }
0x2be: {  	v52 =	vpsel p6, v6, v2;
	[tilespmem:s23+$0x110] =	vst v51  }
0x2bf: {  	p2 =	seq.s32 s28, $0x1;
	v8 =	vpsel p6, v7, v3;
	[tilespmem:s23+$0x120] =	vst v52  }
0x2c0: {  	v53 =	vpsel p2, v4, v0;
	[tilespmem:s23+$0x130] =	vst v8  }
0x2c1: {  	v8 =	vpsel p2, v5, v1;
	[tilespmem:s23+$0x180] =	vst v53  }
0x2c2: {  	v54 =	vpsel p2, v6, v2;
	[tilespmem:s23+$0x190] =	vst v8;
	s29 =	spop (v2sf)  }
0x2c3: {  	v8 =	vpsel p2, v7, v3;
	[tilespmem:s23+$0x1A0] =	vst v54;
	p3 =	seq.s32 s29, $0x1  }
0x2c4: {  	[tilespmem:s23+$0x1B0] =	vst v8;
	v55 =	vpsel p3, v4, v0  }
0x2c5: {  	v8 =	vpsel p3, v5, v1;
	[tilespmem:s23+$0x200] =	vst v55  }
0x2c6: {  	s30 =	spop (v2sf);
	v56 =	vpsel p3, v6, v2;
	[tilespmem:s23+$0x210] =	vst v8  }
0x2c7: {  	p4 =	seq.s32 s30, $0x1;
	v8 =	vpsel p3, v7, v3;
	[tilespmem:s23+$0x220] =	vst v56  }
0x2c8: {  	v57 =	vpsel p4, v4, v0;
	[tilespmem:s23+$0x230] =	vst v8  }
0x2c9: {  	s31 =	spop (v2sf);
	v58 =	vpsel p4, v6, v2;
	[tilespmem:s23+$0x280] =	vst v57  }
0x2ca: {  	p5 =	seq.s32 s31, $0x1;
	v8 =	vpsel p4, v5, v1;
	[tilespmem:s23+$0x2A0] =	vst v58  }
0x2cb: {  	v59 =	vpsel p5, v4, v0;
	[tilespmem:s23+$0x290] =	vst v8  }
0x2cc: {  	s25 =	spop (v2sf);
	v60 =	vpsel p5, v6, v2;
	[tilespmem:s23+$0x300] =	vst v59  }
0x2cd: {  	p6 =	seq.s32 s25, $0x1;
	v8 =	vpsel p4, v7, v3;
	[tilespmem:s23+$0x320] =	vst v60  }
0x2ce: {  	v61 =	vpsel p6, v4, v0;
	[tilespmem:s23+$0x2B0] =	vst v8  }
0x2cf: {  	v62 =	vpsel p6, v6, v2;
	[tilespmem:s23+$0x380] =	vst v61  }
0x2d0: {  	v8 =	vpsel p5, v5, v1;
	[tilespmem:s23+$0x3A0] =	vst v62  }
0x2d1: {  	[tilespmem:s23+$0x310] =	vst v8;
	v8 =	vpsel p5, v7, v3  }
0x2d2: {  	[tilespmem:s23+$0x330] =	vst v8;
	v8 =	vpsel p6, v5, v1  }
0x2d3: {  	s22 =	sshll.u32 s22, $0x4;
	[tilespmem:s23+$0x390] =	vst v8;
	v8 =	vpsel p6, v7, v3  }
0x2d4: {  	s22 =	sadd.s32 s6, s22;
	s26 =	simm.s32 $0x0;
	[tilespmem:s23+$0x3B0] =	vst v8  }
0x2d5: {  	[hbm4b:s22+s26] =	stream.linear.scatter [tilespmem:s15], [sflag:$0x1], $0xC800, $0x38;
	[tilespmem:$0x19300] =	vst v63  }
0x2d6: {  	s21 =	sadd.s32 s21, s7;
	_ =	swait.ge [sflag:s18], $0xC800  }
0x2d7: {  	s28 =	sshrl.u32 s21, $0x3;
	[sflag:s18] =	ssyncset.done $0x0  }
0x2d8: {  	s22 =	sadd.s32 s1, s28;
	[sflag:s18] =	ssyncadd.s32 $0xFFFF3800  }
0x2d9: {  	[tilespmem:s14], [sflag:$0x3] =	stream.linear.gather [hbm4b:s22+s26], $0x190, $0x38;
	[tilespmem:$0x19300] =	vst v63  }
0x2da: {  	_ =	swait.ge [sflag:s13], $0x190  }
0x2db: {  	[sflag:s13] =	ssyncset.done $0x0  }
0x2dc: {  	s29 =	simm.s32 $0x0;
	[sflag:s13] =	ssyncadd.s32 $0xFFFFFE70  }
0x2dd: {  	v8 =	vld [tilespmem:s29+$0x100];
	_ =	sdelay $0x4  }
0x2de: {  	(v2sf) =	vpush v8, $0x0;
	_ =	sdelay $0x3  }
0x2df: {  	(v2sf) =	vpush v8, $0x1;
	_ =	sdelay $0x3  }
0x2e0: {  	(v2sf) =	vpush v8, $0x2;
	_ =	sdelay $0x3  }
0x2e1: {  	(v2sf) =	vpush v8, $0x3;
	_ =	sdelay $0x2  }
0x2e2: {  	s30 =	spop (v2sf)  }
0x2e3: {  	(v2sf) =	vpush v8, $0x4;
	p1 =	seq.s32 s30, $0x1  }
0x2e4: {  	s22 =	simm.s32 $0xCF00;
	v63 =	vpsel p1, v4, v0  }
0x2e5: {  	v12 =	vpsel p1, v5, v1;
	[tilespmem:s22+$0xFFFFFC00] =	vst v63  }
0x2e6: {  	s31 =	spop (v2sf);
	v13 =	vpsel p1, v6, v2;
	[tilespmem:s22+$0xFFFFFC10] =	vst v12  }
0x2e7: {  	(v2sf) =	vpush v8, $0x5;
	p2 =	seq.s32 s31, $0x1;
	v14 =	vpsel p1, v7, v3;
	[tilespmem:s22+$0xFFFFFC20] =	vst v13  }
0x2e8: {  	v15 =	vpsel p2, v4, v0;
	[tilespmem:s22+$0xFFFFFC30] =	vst v14  }
0x2e9: {  	v16 =	vpsel p2, v5, v1;
	[tilespmem:s22+$0xFFFFFC80] =	vst v15  }
0x2ea: {  	s24 =	spop (v2sf);
	v17 =	vpsel p2, v6, v2;
	[tilespmem:s22+$0xFFFFFC90] =	vst v16  }
0x2eb: {  	(v2sf) =	vpush v8, $0x6;
	p3 =	seq.s32 s24, $0x1;
	v18 =	vpsel p2, v7, v3;
	[tilespmem:s22+$0xFFFFFCA0] =	vst v17  }
0x2ec: {  	v19 =	vpsel p3, v4, v0;
	[tilespmem:s22+$0xFFFFFCB0] =	vst v18  }
0x2ed: {  	v20 =	vpsel p3, v5, v1;
	[tilespmem:s22+$0xFFFFFD00] =	vst v19  }
0x2ee: {  	s25 =	spop (v2sf);
	v21 =	vpsel p3, v6, v2;
	[tilespmem:s22+$0xFFFFFD10] =	vst v20  }
0x2ef: {  	(v2sf) =	vpush v8, $0x7;
	p4 =	seq.s32 s25, $0x1;
	v22 =	vpsel p3, v7, v3;
	[tilespmem:s22+$0xFFFFFD20] =	vst v21  }
0x2f0: {  	v23 =	vpsel p4, v4, v0;
	[tilespmem:s22+$0xFFFFFD30] =	vst v22  }
0x2f1: {  	v24 =	vpsel p4, v5, v1;
	[tilespmem:s22+$0xFFFFFD80] =	vst v23  }
0x2f2: {  	v25 =	vpsel p4, v6, v2;
	[tilespmem:s22+$0xFFFFFD90] =	vst v24;
	s26 =	spop (v2sf)  }
0x2f3: {  	v26 =	vpsel p4, v7, v3;
	[tilespmem:s22+$0xFFFFFDA0] =	vst v25;
	(v2sf) =	vpush v8, $0x8;
	p5 =	seq.s32 s26, $0x1  }
0x2f4: {  	[tilespmem:s22+$0xFFFFFDB0] =	vst v26;
	v27 =	vpsel p5, v4, v0  }
0x2f5: {  	v28 =	vpsel p5, v5, v1;
	[tilespmem:s22+$0xFFFFFE00] =	vst v27  }
0x2f6: {  	s28 =	spop (v2sf);
	v29 =	vpsel p5, v6, v2;
	[tilespmem:s22+$0xFFFFFE10] =	vst v28  }
0x2f7: {  	(v2sf) =	vpush v8, $0x9;
	p6 =	seq.s32 s28, $0x1;
	v30 =	vpsel p5, v7, v3;
	[tilespmem:s22+$0xFFFFFE20] =	vst v29  }
0x2f8: {  	v31 =	vpsel p6, v4, v0;
	[tilespmem:s22+$0xFFFFFE30] =	vst v30  }
0x2f9: {  	v32 =	vpsel p6, v5, v1;
	[tilespmem:s22+$0xFFFFFE80] =	vst v31  }
0x2fa: {  	s29 =	spop (v2sf);
	v33 =	vpsel p6, v6, v2;
	[tilespmem:s22+$0xFFFFFE90] =	vst v32  }
0x2fb: {  	(v2sf) =	vpush v8, $0xA;
	p2 =	seq.s32 s29, $0x1;
	v34 =	vpsel p6, v7, v3;
	[tilespmem:s22+$0xFFFFFEA0] =	vst v33  }
0x2fc: {  	v35 =	vpsel p2, v4, v0;
	[tilespmem:s22+$0xFFFFFEB0] =	vst v34  }
0x2fd: {  	v36 =	vpsel p2, v5, v1;
	[tilespmem:s22+$0xFFFFFF00] =	vst v35  }
0x2fe: {  	s30 =	spop (v2sf);
	(v2sf) =	vpush v8, $0xB;
	v37 =	vpsel p2, v6, v2;
	[tilespmem:s22+$0xFFFFFF10] =	vst v36  }
0x2ff: {  	p3 =	seq.s32 s30, $0x1;
	v38 =	vpsel p2, v7, v3;
	[tilespmem:s22+$0xFFFFFF20] =	vst v37  }
0x300: {  	v39 =	vpsel p3, v4, v0;
	[tilespmem:s22+$0xFFFFFF30] =	vst v38  }
0x301: {  	v40 =	vpsel p3, v5, v1;
	[tilespmem:s22+$0xFFFFFF80] =	vst v39  }
0x302: {  	v41 =	vpsel p3, v6, v2;
	[tilespmem:s22+$0xFFFFFF90] =	vst v40;
	s31 =	spop (v2sf)  }
0x303: {  	v42 =	vpsel p3, v7, v3;
	[tilespmem:s22+$0xFFFFFFA0] =	vst v41;
	(v2sf) =	vpush v8, $0xC;
	p4 =	seq.s32 s31, $0x1  }
0x304: {  	[tilespmem:s22+$0xFFFFFFB0] =	vst v42;
	v43 =	vpsel p4, v4, v0  }
0x305: {  	v44 =	vpsel p4, v5, v1;
	[tilespmem:s22+$0x0] =	vst v43  }
0x306: {  	s24 =	spop (v2sf);
	v45 =	vpsel p4, v6, v2;
	[tilespmem:s22+$0x10] =	vst v44  }
0x307: {  	(v2sf) =	vpush v8, $0xD;
	p5 =	seq.s32 s24, $0x1;
	v46 =	vpsel p4, v7, v3;
	[tilespmem:s22+$0x20] =	vst v45  }
0x308: {  	v47 =	vpsel p5, v4, v0;
	[tilespmem:s22+$0x30] =	vst v46  }
0x309: {  	v48 =	vpsel p5, v5, v1;
	[tilespmem:s22+$0x80] =	vst v47  }
0x30a: {  	s25 =	spop (v2sf);
	(v2sf) =	vpush v8, $0xE;
	v49 =	vpsel p5, v6, v2;
	[tilespmem:s22+$0x90] =	vst v48  }
0x30b: {  	p6 =	seq.s32 s25, $0x1;
	v50 =	vpsel p5, v7, v3;
	[tilespmem:s22+$0xA0] =	vst v49  }
0x30c: {  	v51 =	vpsel p6, v4, v0;
	[tilespmem:s22+$0xB0] =	vst v50  }
0x30d: {  	s26 =	spop (v2sf);
	(v2sf) =	vpush v8, $0xF;
	v52 =	vpsel p6, v5, v1;
	[tilespmem:s22+$0x100] =	vst v51  }
0x30e: {  	v53 =	vpsel p6, v6, v2;
	[tilespmem:s22+$0x110] =	vst v52  }
0x30f: {  	p2 =	seq.s32 s26, $0x1;
	v8 =	vpsel p6, v7, v3;
	[tilespmem:s22+$0x120] =	vst v53  }
0x310: {  	v54 =	vpsel p2, v4, v0;
	[tilespmem:s22+$0x130] =	vst v8  }
0x311: {  	v8 =	vpsel p2, v5, v1;
	[tilespmem:s22+$0x180] =	vst v54  }
0x312: {  	v55 =	vpsel p2, v6, v2;
	[tilespmem:s22+$0x190] =	vst v8;
	s28 =	spop (v2sf)  }
0x313: {  	v8 =	vpsel p2, v7, v3;
	[tilespmem:s22+$0x1A0] =	vst v55;
	p3 =	seq.s32 s28, $0x1  }
0x314: {  	[tilespmem:s22+$0x1B0] =	vst v8;
	v56 =	vpsel p3, v4, v0  }
0x315: {  	v8 =	vpsel p3, v5, v1;
	[tilespmem:s22+$0x200] =	vst v56  }
0x316: {  	s29 =	spop (v2sf);
	v57 =	vpsel p3, v6, v2;
	[tilespmem:s22+$0x210] =	vst v8  }
0x317: {  	p4 =	seq.s32 s29, $0x1;
	v8 =	vpsel p3, v7, v3;
	[tilespmem:s22+$0x220] =	vst v57  }
0x318: {  	v58 =	vpsel p4, v4, v0;
	[tilespmem:s22+$0x230] =	vst v8  }
0x319: {  	s30 =	spop (v2sf);
	v59 =	vpsel p4, v6, v2;
	[tilespmem:s22+$0x280] =	vst v58  }
0x31a: {  	p5 =	seq.s32 s30, $0x1;
	v8 =	vpsel p4, v5, v1;
	[tilespmem:s22+$0x2A0] =	vst v59  }
0x31b: {  	v60 =	vpsel p5, v4, v0;
	[tilespmem:s22+$0x290] =	vst v8  }
0x31c: {  	s31 =	spop (v2sf);
	v61 =	vpsel p5, v6, v2;
	[tilespmem:s22+$0x300] =	vst v60  }
0x31d: {  	p6 =	seq.s32 s31, $0x1;
	v8 =	vpsel p4, v7, v3;
	[tilespmem:s22+$0x320] =	vst v61  }
0x31e: {  	v62 =	vpsel p6, v4, v0;
	[tilespmem:s22+$0x2B0] =	vst v8  }
0x31f: {  	v63 =	vpsel p6, v6, v2;
	[tilespmem:s22+$0x380] =	vst v62  }
0x320: {  	v8 =	vpsel p5, v5, v1;
	[tilespmem:s22+$0x3A0] =	vst v63  }
0x321: {  	[tilespmem:s22+$0x310] =	vst v8;
	v8 =	vpsel p5, v7, v3  }
0x322: {  	[tilespmem:s22+$0x330] =	vst v8;
	v8 =	vpsel p6, v5, v1  }
0x323: {  	[tilespmem:s22+$0x390] =	vst v8;
	v8 =	vpsel p6, v7, v3  }
0x324: {  	s23 =	simm.s32 $0x80;
	s24 =	simm.s32 $0x10;
	[tilespmem:s22+$0x3B0] =	vst v8  }
.LBB2_9:
0x325: {  	p0 =	sne.s32 s23, $0x600;
	v8 =	vld [tilespmem:s24+$0x100];
	_ =	sdelay $0x4  }
0x326: {  	(v2sf) =	vpush v8, $0x0  }
0x327: {  	(v2sf) =	vpush v8, $0x1  }
0x328: {  	(v2sf) =	vpush v8, $0x2  }
0x329: {  	(v2sf) =	vpush v8, $0x3  }
0x32a: {  	(v2sf) =	vpush v8, $0x4  }
0x32b: {  	(v2sf) =	vpush v8, $0x5  }
0x32c: {  	(v2sf) =	vpush v8, $0x6  }
0x32d: {  	(v2sf) =	vpush v8, $0x7  }
0x32e: {  	(v2sf) =	vpush v8, $0x8  }
0x32f: {  	(v2sf) =	vpush v8, $0x9  }
0x330: {  	(v2sf) =	vpush v8, $0xA  }
0x331: {  	(v2sf) =	vpush v8, $0xB  }
0x332: {  	(v2sf) =	vpush v8, $0xC  }
0x333: {  	(v2sf) =	vpush v8, $0xD  }
0x334: {  	(v2sf) =	vpush v8, $0xE  }
0x335: {  	s24 =	spop (v2sf);
	(v2sf) =	vpush v8, $0xF  }
0x336: {  	p1 =	seq.s32 s24, $0x1;
	s24 =	spop (v2sf)  }
0x337: {  	s22 =	sadd.s32 $0x800, s22;
	v8 =	vpsel p1, v4, v0;
	v9 =	vpsel p1, v5, v1;
	v10 =	vpsel p1, v6, v2;
	p2 =	seq.s32 s24, $0x1;
	s24 =	spop (v2sf)  }
0x338: {  	[tilespmem:s22+$0xFFFFFC00] =	vst v8;
	v8 =	vpsel p1, v7, v3;
	v11 =	vpsel p2, v4, v0;
	v12 =	vpsel p2, v5, v1;
	p1 =	seq.s32 s24, $0x1;
	s24 =	spop (v2sf)  }
0x339: {  	v13 =	vpsel p2, v7, v3;
	[tilespmem:s22+$0xFFFFFC10] =	vst v9;
	v9 =	vpsel p2, v6, v2;
	v14 =	vpsel p1, v4, v0;
	p2 =	seq.s32 s24, $0x1;
	s24 =	spop (v2sf)  }
0x33a: {  	v15 =	vpsel p1, v6, v2;
	v16 =	vpsel p1, v7, v3;
	[tilespmem:s22+$0xFFFFFC20] =	vst v10;
	v10 =	vpsel p1, v5, v1;
	p3 =	seq.s32 s24, $0x1;
	s24 =	spop (v2sf)  }
0x33b: {  	v17 =	vpsel p2, v5, v1;
	v18 =	vpsel p2, v6, v2;
	[tilespmem:s22+$0xFFFFFC30] =	vst v8;
	v8 =	vpsel p2, v4, v0;
	p1 =	seq.s32 s24, $0x1;
	s24 =	spop (v2sf)  }
0x33c: {  	v19 =	vpsel p3, v4, v0;
	v20 =	vpsel p3, v5, v1;
	[tilespmem:s22+$0xFFFFFC80] =	vst v11;
	v11 =	vpsel p2, v7, v3;
	p2 =	seq.s32 s24, $0x1;
	s24 =	spop (v2sf)  }
0x33d: {  	v21 =	vpsel p3, v7, v3;
	v22 =	vpsel p1, v4, v0;
	[tilespmem:s22+$0xFFFFFC90] =	vst v12;
	v12 =	vpsel p3, v6, v2;
	p3 =	seq.s32 s24, $0x1;
	s24 =	spop (v2sf)  }
0x33e: {  	v23 =	vpsel p1, v6, v2;
	v24 =	vpsel p1, v7, v3;
	[tilespmem:s22+$0xFFFFFCA0] =	vst v9;
	v9 =	vpsel p1, v5, v1;
	p1 =	seq.s32 s24, $0x1;
	s24 =	spop (v2sf)  }
0x33f: {  	v25 =	vpsel p2, v5, v1;
	v26 =	vpsel p2, v6, v2;
	[tilespmem:s22+$0xFFFFFCB0] =	vst v13;
	v13 =	vpsel p2, v4, v0;
	p5 =	seq.s32 s24, $0x1;
	s24 =	spop (v2sf)  }
0x340: {  	v27 =	vpsel p3, v4, v0;
	v28 =	vpsel p3, v5, v1;
	[tilespmem:s22+$0xFFFFFD00] =	vst v14;
	v14 =	vpsel p2, v7, v3;
	p2 =	seq.s32 s24, $0x1;
	s24 =	spop (v2sf)  }
0x341: {  	v29 =	vpsel p3, v7, v3;
	v30 =	vpsel p1, v4, v0;
	[tilespmem:s22+$0xFFFFFD10] =	vst v10;
	v10 =	vpsel p3, v6, v2;
	p3 =	seq.s32 s24, $0x1;
	s24 =	spop (v2sf)  }
0x342: {  	v31 =	vpsel p1, v6, v2;
	v32 =	vpsel p1, v7, v3;
	[tilespmem:s22+$0xFFFFFD20] =	vst v15;
	v15 =	vpsel p1, v5, v1;
	p1 =	seq.s32 s24, $0x1;
	s24 =	spop (v2sf)  }
0x343: {  	v33 =	vpsel p5, v5, v1;
	v34 =	vpsel p5, v6, v2;
	[tilespmem:s22+$0xFFFFFD30] =	vst v16;
	v16 =	vpsel p5, v4, v0;
	p4 =	seq.s32 s24, $0x1;
	s24 =	spop (v2sf)  }
0x344: {  	v35 =	vpsel p2, v4, v0;
	v36 =	vpsel p2, v5, v1;
	[tilespmem:s22+$0xFFFFFD80] =	vst v8;
	v8 =	vpsel p5, v7, v3;
	p5 =	seq.s32 s24, $0x1;
	s24 =	spop (v2sf)  }
0x345: {  	v37 =	vpsel p2, v7, v3;
	v38 =	vpsel p3, v4, v0;
	[tilespmem:s22+$0xFFFFFD90] =	vst v17;
	v17 =	vpsel p2, v6, v2;
	p2 =	seq.s32 s24, $0x1  }
0x346: {  	v39 =	vpsel p3, v6, v2;
	v40 =	vpsel p3, v7, v3;
	[tilespmem:s22+$0xFFFFFDA0] =	vst v18;
	v18 =	vpsel p3, v5, v1  }
0x347: {  	v41 =	vpsel p1, v5, v1;
	v42 =	vpsel p1, v6, v2;
	[tilespmem:s22+$0xFFFFFDB0] =	vst v11;
	v11 =	vpsel p1, v4, v0  }
0x348: {  	v43 =	vpsel p4, v4, v0;
	v44 =	vpsel p4, v5, v1;
	[tilespmem:s22+$0xFFFFFE00] =	vst v19;
	v19 =	vpsel p1, v7, v3  }
0x349: {  	v45 =	vpsel p4, v7, v3;
	v46 =	vpsel p5, v4, v0;
	[tilespmem:s22+$0xFFFFFE10] =	vst v20;
	v20 =	vpsel p4, v6, v2  }
0x34a: {  	v47 =	vpsel p5, v6, v2;
	v48 =	vpsel p5, v7, v3;
	[tilespmem:s22+$0xFFFFFE20] =	vst v12;
	v12 =	vpsel p5, v5, v1  }
0x34b: {  	v49 =	vpsel p2, v5, v1;
	v50 =	vpsel p2, v6, v2;
	[tilespmem:s22+$0xFFFFFE30] =	vst v21;
	v21 =	vpsel p2, v4, v0  }
0x34c: {  	[tilespmem:s22+$0xFFFFFE80] =	vst v22;
	v22 =	vpsel p2, v7, v3  }
0x34d: {  	[tilespmem:s22+$0xFFFFFE90] =	vst v9  }
0x34e: {  	[tilespmem:s22+$0xFFFFFEA0] =	vst v23  }
0x34f: {  	[tilespmem:s22+$0xFFFFFEB0] =	vst v24  }
0x350: {  	[tilespmem:s22+$0xFFFFFF00] =	vst v13  }
0x351: {  	[tilespmem:s22+$0xFFFFFF10] =	vst v25  }
0x352: {  	[tilespmem:s22+$0xFFFFFF20] =	vst v26  }
0x353: {  	[tilespmem:s22+$0xFFFFFF30] =	vst v14  }
0x354: {  	[tilespmem:s22+$0xFFFFFF80] =	vst v27  }
0x355: {  	[tilespmem:s22+$0xFFFFFF90] =	vst v28  }
0x356: {  	[tilespmem:s22+$0xFFFFFFA0] =	vst v10  }
0x357: {  	[tilespmem:s22+$0xFFFFFFB0] =	vst v29  }
0x358: {  	[tilespmem:s22+$0x0] =	vst v30  }
0x359: {  	[tilespmem:s22+$0x10] =	vst v15  }
0x35a: {  	[tilespmem:s22+$0x20] =	vst v31  }
0x35b: {  	[tilespmem:s22+$0x30] =	vst v32  }
0x35c: {  	[tilespmem:s22+$0x80] =	vst v16  }
0x35d: {  	[tilespmem:s22+$0x90] =	vst v33  }
0x35e: {  	[tilespmem:s22+$0xA0] =	vst v34  }
0x35f: {  	[tilespmem:s22+$0xB0] =	vst v8  }
0x360: {  	[tilespmem:s22+$0x100] =	vst v35  }
0x361: {  	[tilespmem:s22+$0x110] =	vst v36  }
0x362: {  	[tilespmem:s22+$0x120] =	vst v17  }
0x363: {  	[tilespmem:s22+$0x130] =	vst v37  }
0x364: {  	[tilespmem:s22+$0x180] =	vst v38  }
0x365: {  	[tilespmem:s22+$0x190] =	vst v18  }
0x366: {  	[tilespmem:s22+$0x1A0] =	vst v39  }
0x367: {  	[tilespmem:s22+$0x1B0] =	vst v40  }
0x368: {  	[tilespmem:s22+$0x200] =	vst v11  }
0x369: {  	[tilespmem:s22+$0x210] =	vst v41  }
0x36a: {  	[tilespmem:s22+$0x220] =	vst v42  }
0x36b: {  	[tilespmem:s22+$0x230] =	vst v19  }
0x36c: {  	[tilespmem:s22+$0x280] =	vst v43  }
0x36d: {  	[tilespmem:s22+$0x290] =	vst v44  }
0x36e: {  	[tilespmem:s22+$0x2A0] =	vst v20  }
0x36f: {  	[tilespmem:s22+$0x2B0] =	vst v45  }
0x370: {  	[tilespmem:s22+$0x300] =	vst v46  }
0x371: {  	[tilespmem:s22+$0x310] =	vst v12  }
0x372: {  	[tilespmem:s22+$0x320] =	vst v47  }
.Ltmp3:
0x373: {  	[tilespmem:s22+$0x330] =	vst v48;
	(pc) =	sbr.rel @p0 .LBB2_9-.Ltmp3, $4  }
0x374: {  	[tilespmem:s22+$0x380] =	vst v21  }
0x375: {  	[tilespmem:s22+$0x390] =	vst v49  }
0x376: {  	[tilespmem:s22+$0x3A0] =	vst v50  }
0x377: {  	s24 =	sshra.s32 s23, $0x2;
	s23 =	sadd.s32 $0x40, s23;
	[tilespmem:s22+$0x3B0] =	vst v22  }
0x378: {  	v8 =	vld [tilespmem:s24+$0x100];
	_ =	sdelay $0x4  }
0x379: {  	(v2sf) =	vpush v8, $0x0;
	_ =	sdelay $0x3  }
0x37a: {  	(v2sf) =	vpush v8, $0x1;
	_ =	sdelay $0x3  }
0x37b: {  	(v2sf) =	vpush v8, $0x2;
	_ =	sdelay $0x3  }
0x37c: {  	(v2sf) =	vpush v8, $0x3;
	_ =	sdelay $0x2  }
0x37d: {  	s23 =	spop (v2sf)  }
0x37e: {  	(v2sf) =	vpush v8, $0x4;
	p0 =	seq.s32 s23, $0x1  }
0x37f: {  	s22 =	sadd.s32 $0x800, s22;
	v9 =	vpsel p0, v4, v0  }
0x380: {  	v10 =	vpsel p0, v5, v1;
	[tilespmem:s22+$0xFFFFFC00] =	vst v9  }
0x381: {  	s31 =	spop (v2sf);
	v13 =	vpsel p0, v6, v2;
	[tilespmem:s22+$0xFFFFFC10] =	vst v10  }
0x382: {  	(v2sf) =	vpush v8, $0x5;
	p1 =	seq.s32 s31, $0x1;
	v14 =	vpsel p0, v7, v3;
	[tilespmem:s22+$0xFFFFFC20] =	vst v13  }
0x383: {  	v15 =	vpsel p1, v4, v0;
	[tilespmem:s22+$0xFFFFFC30] =	vst v14  }
0x384: {  	v16 =	vpsel p1, v5, v1;
	[tilespmem:s22+$0xFFFFFC80] =	vst v15  }
0x385: {  	s24 =	spop (v2sf);
	v17 =	vpsel p1, v6, v2;
	[tilespmem:s22+$0xFFFFFC90] =	vst v16  }
0x386: {  	(v2sf) =	vpush v8, $0x6;
	p3 =	seq.s32 s24, $0x1;
	v18 =	vpsel p1, v7, v3;
	[tilespmem:s22+$0xFFFFFCA0] =	vst v17  }
0x387: {  	v19 =	vpsel p3, v4, v0;
	[tilespmem:s22+$0xFFFFFCB0] =	vst v18  }
0x388: {  	v20 =	vpsel p3, v5, v1;
	[tilespmem:s22+$0xFFFFFD00] =	vst v19  }
0x389: {  	s25 =	spop (v2sf);
	v21 =	vpsel p3, v6, v2;
	[tilespmem:s22+$0xFFFFFD10] =	vst v20  }
0x38a: {  	(v2sf) =	vpush v8, $0x7;
	p4 =	seq.s32 s25, $0x1;
	v22 =	vpsel p3, v7, v3;
	[tilespmem:s22+$0xFFFFFD20] =	vst v21  }
0x38b: {  	v23 =	vpsel p4, v4, v0;
	[tilespmem:s22+$0xFFFFFD30] =	vst v22  }
0x38c: {  	v24 =	vpsel p4, v5, v1;
	[tilespmem:s22+$0xFFFFFD80] =	vst v23  }
0x38d: {  	v25 =	vpsel p4, v6, v2;
	[tilespmem:s22+$0xFFFFFD90] =	vst v24;
	s26 =	spop (v2sf)  }
0x38e: {  	v26 =	vpsel p4, v7, v3;
	[tilespmem:s22+$0xFFFFFDA0] =	vst v25;
	(v2sf) =	vpush v8, $0x8;
	p5 =	seq.s32 s26, $0x1  }
0x38f: {  	[tilespmem:s22+$0xFFFFFDB0] =	vst v26;
	v27 =	vpsel p5, v4, v0  }
0x390: {  	v28 =	vpsel p5, v5, v1;
	[tilespmem:s22+$0xFFFFFE00] =	vst v27  }
0x391: {  	s28 =	spop (v2sf);
	v29 =	vpsel p5, v6, v2;
	[tilespmem:s22+$0xFFFFFE10] =	vst v28  }
0x392: {  	(v2sf) =	vpush v8, $0x9;
	p6 =	seq.s32 s28, $0x1;
	v30 =	vpsel p5, v7, v3;
	[tilespmem:s22+$0xFFFFFE20] =	vst v29  }
0x393: {  	v31 =	vpsel p6, v4, v0;
	[tilespmem:s22+$0xFFFFFE30] =	vst v30  }
0x394: {  	v32 =	vpsel p6, v5, v1;
	[tilespmem:s22+$0xFFFFFE80] =	vst v31  }
0x395: {  	s29 =	spop (v2sf);
	v33 =	vpsel p6, v6, v2;
	[tilespmem:s22+$0xFFFFFE90] =	vst v32  }
0x396: {  	(v2sf) =	vpush v8, $0xA;
	p2 =	seq.s32 s29, $0x1;
	v34 =	vpsel p6, v7, v3;
	[tilespmem:s22+$0xFFFFFEA0] =	vst v33  }
0x397: {  	v35 =	vpsel p2, v4, v0;
	[tilespmem:s22+$0xFFFFFEB0] =	vst v34  }
0x398: {  	v36 =	vpsel p2, v5, v1;
	[tilespmem:s22+$0xFFFFFF00] =	vst v35  }
0x399: {  	s30 =	spop (v2sf);
	(v2sf) =	vpush v8, $0xB;
	v37 =	vpsel p2, v6, v2;
	[tilespmem:s22+$0xFFFFFF10] =	vst v36  }
0x39a: {  	p3 =	seq.s32 s30, $0x1;
	v38 =	vpsel p2, v7, v3;
	[tilespmem:s22+$0xFFFFFF20] =	vst v37  }
0x39b: {  	v39 =	vpsel p3, v4, v0;
	[tilespmem:s22+$0xFFFFFF30] =	vst v38  }
0x39c: {  	v40 =	vpsel p3, v5, v1;
	[tilespmem:s22+$0xFFFFFF80] =	vst v39  }
0x39d: {  	v41 =	vpsel p3, v6, v2;
	[tilespmem:s22+$0xFFFFFF90] =	vst v40;
	s31 =	spop (v2sf)  }
0x39e: {  	v42 =	vpsel p3, v7, v3;
	[tilespmem:s22+$0xFFFFFFA0] =	vst v41;
	(v2sf) =	vpush v8, $0xC;
	p4 =	seq.s32 s31, $0x1  }
0x39f: {  	[tilespmem:s22+$0xFFFFFFB0] =	vst v42;
	v43 =	vpsel p4, v4, v0  }
0x3a0: {  	v44 =	vpsel p4, v5, v1;
	[tilespmem:s22+$0x0] =	vst v43  }
0x3a1: {  	s24 =	spop (v2sf);
	v45 =	vpsel p4, v6, v2;
	[tilespmem:s22+$0x10] =	vst v44  }
0x3a2: {  	(v2sf) =	vpush v8, $0xD;
	p5 =	seq.s32 s24, $0x1;
	v46 =	vpsel p4, v7, v3;
	[tilespmem:s22+$0x20] =	vst v45  }
0x3a3: {  	v47 =	vpsel p5, v4, v0;
	[tilespmem:s22+$0x30] =	vst v46  }
0x3a4: {  	v48 =	vpsel p5, v5, v1;
	[tilespmem:s22+$0x80] =	vst v47  }
0x3a5: {  	s25 =	spop (v2sf);
	(v2sf) =	vpush v8, $0xE;
	v49 =	vpsel p5, v6, v2;
	[tilespmem:s22+$0x90] =	vst v48  }
0x3a6: {  	p6 =	seq.s32 s25, $0x1;
	v50 =	vpsel p5, v7, v3;
	[tilespmem:s22+$0xA0] =	vst v49  }
0x3a7: {  	v51 =	vpsel p6, v4, v0;
	[tilespmem:s22+$0xB0] =	vst v50  }
0x3a8: {  	s26 =	spop (v2sf);
	(v2sf) =	vpush v8, $0xF;
	v52 =	vpsel p6, v5, v1;
	[tilespmem:s22+$0x100] =	vst v51  }
0x3a9: {  	v53 =	vpsel p6, v6, v2;
	[tilespmem:s22+$0x110] =	vst v52  }
0x3aa: {  	p2 =	seq.s32 s26, $0x1;
	v8 =	vpsel p6, v7, v3;
	[tilespmem:s22+$0x120] =	vst v53  }
0x3ab: {  	v54 =	vpsel p2, v4, v0;
	[tilespmem:s22+$0x130] =	vst v8  }
0x3ac: {  	v8 =	vpsel p2, v5, v1;
	[tilespmem:s22+$0x180] =	vst v54  }
0x3ad: {  	v55 =	vpsel p2, v6, v2;
	[tilespmem:s22+$0x190] =	vst v8;
	s28 =	spop (v2sf)  }
0x3ae: {  	v8 =	vpsel p2, v7, v3;
	[tilespmem:s22+$0x1A0] =	vst v55;
	p3 =	seq.s32 s28, $0x1  }
0x3af: {  	[tilespmem:s22+$0x1B0] =	vst v8;
	v56 =	vpsel p3, v4, v0  }
0x3b0: {  	v8 =	vpsel p3, v5, v1;
	[tilespmem:s22+$0x200] =	vst v56  }
0x3b1: {  	s29 =	spop (v2sf);
	v57 =	vpsel p3, v6, v2;
	[tilespmem:s22+$0x210] =	vst v8  }
0x3b2: {  	p4 =	seq.s32 s29, $0x1;
	v8 =	vpsel p3, v7, v3;
	[tilespmem:s22+$0x220] =	vst v57  }
0x3b3: {  	v58 =	vpsel p4, v4, v0;
	[tilespmem:s22+$0x230] =	vst v8  }
0x3b4: {  	s30 =	spop (v2sf);
	v59 =	vpsel p4, v6, v2;
	[tilespmem:s22+$0x280] =	vst v58  }
0x3b5: {  	p5 =	seq.s32 s30, $0x1;
	v8 =	vpsel p4, v5, v1;
	[tilespmem:s22+$0x2A0] =	vst v59  }
0x3b6: {  	v60 =	vpsel p5, v4, v0;
	[tilespmem:s22+$0x290] =	vst v8  }
0x3b7: {  	s31 =	spop (v2sf);
	v61 =	vpsel p5, v6, v2;
	[tilespmem:s22+$0x300] =	vst v60  }
0x3b8: {  	p6 =	seq.s32 s31, $0x1;
	v8 =	vpsel p4, v7, v3;
	[tilespmem:s22+$0x320] =	vst v61  }
0x3b9: {  	v62 =	vpsel p6, v4, v0;
	[tilespmem:s22+$0x2B0] =	vst v8  }
0x3ba: {  	s20 =	sadd.s32 $0x1, s20;
	v63 =	vpsel p6, v6, v2;
	[tilespmem:s22+$0x380] =	vst v62  }
0x3bb: {  	p0 =	sne.s32 s20, $0x80;
	v8 =	vpsel p5, v5, v1;
	[tilespmem:s22+$0x3A0] =	vst v63  }
.Ltmp4:
0x3bc: {  	[tilespmem:s22+$0x310] =	vst v8;
	v8 =	vpsel p5, v7, v3;
	(pc) =	sbr.rel @p0 .LBB2_6-.Ltmp4, $4  }
0x3bd: {  	[tilespmem:s22+$0x330] =	vst v8;
	v8 =	vpsel p6, v5, v1  }
0x3be: {  	s21 =	sshll.u32 s21, $0x4;
	[tilespmem:s22+$0x390] =	vst v8;
	v8 =	vpsel p6, v7, v3  }
0x3bf: {  	s21 =	sadd.s32 s6, s21;
	[tilespmem:s22+$0x3B0] =	vst v8  }
0x3c0: {  	[hbm4b:s21+s4] =	stream.linear.scatter [tilespmem:s16], [sflag:$0x2], $0xC800, $0x38;
	[tilespmem:$0x19300] =	vst v63  }
0x3c1: {  	s19 =	sadd.s32 $0x1, s19  }
0x3c2: {  	_ =	swait.ge [sflag:s17], $0xC800;
	p0 =	sne.s32 s19, s12  }
.Ltmp5:
0x3c3: {  	[sflag:s17] =	ssyncset.done $0x0;
	(pc) =	sbr.rel @p0 .LBB2_1-.Ltmp5, $4  }
0x3c4: {  	[sflag:s17] =	ssyncadd.s32 $0xFFFF3800  }
0x3c5: {  	_ =	swait.ge [sflag:s18], $0xC800  }
0x3c6: {  	[sflag:s18] =	ssyncset.done $0x0  }
0x3c7: {  	[sflag:s18] =	ssyncadd.s32 $0xFFFF3800  }
0x3c8: {  	_ =	sfence.sel $0x180000  }
0x3c9: {  	[bflag:$0x0] =	sbarrier.arrive $0xFFFF  }
0x3ca: {  	p0 =	sne.s32 s0, $0x0;
	_ =	strace $0x90000047  }
0x3cb: {  	s0 =	sadd.s32 @!p0 $0x100000, s2;
	[bflag:$0x2] =	sbarrier.arrive $0xFFFF  }
0x3cc: {  	[sflag:s0] =	ssyncadd.tile.s32 @!p0 $0x1;
	_ =	shalt  }
.Lfunc_end2:
_tile_overlayer_lowered:
.L_overlay_start_2:
0x3cd: {  	(tag) =	ssettag $0x2  }
0x3ce: {  	s0 =	rddreg [dreg:$0x0];
	s2 =	stileid.u32  }
0x3cf: {  	s1 =	rddreg [dreg:$0x1];
	p0 =	sne.s32 s2, $0x0  }
0x3d0: {  	s3 =	rddreg [dreg:$0x2];
	[bflag:$0x3] =	sbarrier.arrive $0xFFFF;
	s2 =	simm.s32 @!p0 $0x1C03  }
0x3d1: {  	[timem:s3], [sflag:s2] =	dma.local @!p0 [hbm:s0], s1  }
0x3d2: {  	s0 =	simm.s32 @!p0 $0x3  }
0x3d3: {  	_ =	swait.ge @!p0 [sflag:s0], s1  }
0x3d4: {  	s1 =	ssub.s32 @!p0 $0x0, s1;
	[sflag:s0] =	ssyncset.done @!p0 $0x0  }
0x3d5: {  	[sflag:s0] =	ssyncadd.s32 @!p0 s1  }
0x3d6: {  	[bflag:$0x3] =	sbarrier.arrive $0xFFFF  }
0x3d7: {  	_ =	shalt  }

</sc_bundles>
